<compile_context>
chip_gen: v7x
topology: tpu7x:2x2x1
jax: 0.10.2.dev20260603
libtpu: 0.0.44.dev20260713+nightly
codegen_flags: <defaults>
</compile_context>

<pallas_src>
import functools

import jax
import jax.numpy as jnp
from jax import lax
from jax.experimental import pallas as pl
from jax.experimental.pallas import tpu as pltpu
from jax.experimental.pallas import tpu_sc as plsc

N = 10000
E = 160000
IN_DIM = 256
HID = 512
NPAD = 10240
ROWS = 1024
GRID = NPAD // ROWS

NSUB = 16
EPAD = 163840
EPW32 = EPAD // 32
EB = 128
EBLK = EPAD // NSUB // EB
HBLK = EBLK // 2
RPT = NPAD // NSUB
SW = 128



def _deg_body(edges, out, ebuf_s, ebuf_d, hist_s, hist_d):
    c = lax.axis_index("c")
    s = lax.axis_index("s")
    w = c * NSUB + s
    pltpu.sync_copy(edges.at[0, w], ebuf_s)
    pltpu.sync_copy(edges.at[1, w], ebuf_d)
    zeros = jnp.zeros((16,), jnp.float32)

    def zero_body(i, _):
        hist_s[pl.ds(i * 16, 16)] = zeros
        hist_d[pl.ds(i * 16, 16)] = zeros
        return 0

    lax.fori_loop(0, NPAD // 16, zero_body, 0)
    ones = jnp.ones((16,), jnp.float32)

    def body(i, _):
        si = ebuf_s[pl.ds(i * 16, 16)]
        plsc.addupdate_scatter(hist_s, [si], ones)
        di = ebuf_d[pl.ds(i * 16, 16)]
        plsc.addupdate_scatter(hist_d, [di], ones)
        return 0

    lax.fori_loop(0, EPW32 // 16, body, 0)
    pltpu.sync_copy(hist_s, out.at[0, w])
    pltpu.sync_copy(hist_d, out.at[1, w])


def _sc_degrees(edges32):
    return pl.kernel(
        _deg_body,
        out_type=jax.ShapeDtypeStruct((2, 32, NPAD), jnp.float32),
        mesh=plsc.VectorSubcoreMesh(core_axis_name="c", subcore_axis_name="s"),
        compiler_params=pltpu.CompilerParams(needs_layout_passes=False),
        scratch_types=[
            pltpu.VMEM((EPW32,), jnp.int32),
            pltpu.VMEM((EPW32,), jnp.int32),
            pltpu.VMEM((NPAD,), jnp.float32),
            pltpu.VMEM((NPAD,), jnp.float32),
        ],
    )(edges32)


def _prop_body(nc, *refs):
    xcs = refs[:nc]
    (edges, zrows, out, isrc, idst, rows0, rows1,
     acc, gsem0, gsem1, ssem0, ssem1) = refs[nc:]
    """acc[dst] += x[src], one 128-col feature chunk per pass.

    Core c owns chunks with chunk % 2 == c.  Gathers are indirect-stream
    reads of 512-byte rows from HBM; scatter-adds stream into the Spmem
    accumulator.  A two-deep ping-pong overlaps gather j+1 with
    scatter-add j.
    """
    c = lax.axis_index("c")
    s = lax.axis_index("s")
    rowb = (rows0, rows1)
    gsem = (gsem0, gsem1)
    ssem = (ssem0, ssem1)
    npair = HBLK // 2

    for chunk in range(nc):
        @pl.when(c == (chunk % 2))
        def _():
            xhbm = xcs[chunk]
            pltpu.sync_copy(zrows, acc.at[pl.ds(s * RPT, RPT)])
            plsc.subcore_barrier()

            def gather(j, b):
                pltpu.async_copy(xhbm.at[isrc.at[j]], rowb[b], gsem[b])

            def scat(j, b):
                pltpu.async_copy(rowb[b], acc.at[idst.at[j]], ssem[b],
                                 add=True)

            def wait_g(b):
                pltpu.make_async_copy(zrows.at[pl.ds(0, EB)], rowb[b],
                                      gsem[b]).wait()

            def wait_s(b):
                pltpu.make_async_copy(rowb[b], acc.at[pl.ds(0, EB)],
                                      ssem[b]).wait()

            for half in range(2):
                pltpu.sync_copy(edges.at[0, s, pl.ds(half * HBLK, HBLK)],
                                isrc)
                pltpu.sync_copy(edges.at[1, s, pl.ds(half * HBLK, HBLK)],
                                idst)
                gather(0, 0)

                def pair(p, _):
                    j0 = 2 * p

                    @pl.when(p >= 1)
                    def _():
                        wait_s(1)

                    gather(j0 + 1, 1)
                    wait_g(0)
                    scat(j0, 0)

                    @pl.when(p < npair - 1)
                    def _():
                        wait_s(0)
                        gather(j0 + 2, 0)

                    wait_g(1)
                    scat(j0 + 1, 1)
                    return 0

                lax.fori_loop(0, npair, pair, 0)
                wait_s(0)
                wait_s(1)

            plsc.subcore_barrier()
            pltpu.sync_copy(acc.at[pl.ds(s * RPT, RPT)],
                            out.at[chunk, pl.ds(s * RPT, RPT)])
            plsc.subcore_barrier()


def _sc_prop(x_chunks, edges16, zrows):
    nc = len(x_chunks)
    return pl.kernel(
        functools.partial(_prop_body, nc),
        out_type=jax.ShapeDtypeStruct((nc, NPAD, 128), jnp.float32),
        mesh=plsc.VectorSubcoreMesh(core_axis_name="c", subcore_axis_name="s"),
        compiler_params=pltpu.CompilerParams(needs_layout_passes=False),
        scratch_types=[
            pltpu.VMEM((HBLK, EB), jnp.int32),
            pltpu.VMEM((HBLK, EB), jnp.int32),
            pltpu.VMEM((EB, 128), jnp.float32),
            pltpu.VMEM((EB, 128), jnp.float32),
            pltpu.VMEM_SHARED((NPAD, 128), jnp.float32),
            pltpu.SemaphoreType.DMA,
            pltpu.SemaphoreType.DMA,
            pltpu.SemaphoreType.DMA,
            pltpu.SemaphoreType.DMA,
        ],
    )(*x_chunks, edges16, zrows)



def _prep_body(parts_ref, h_ref, ns_ref, nd_ref, x0_ref):
    d_src = jnp.sum(parts_ref[0], axis=1, keepdims=True)
    d_dst = jnp.sum(parts_ref[1], axis=1, keepdims=True)
    ns = lax.rsqrt(jnp.where(d_src > 0, d_src, 1.0))
    nd = lax.rsqrt(jnp.where(d_dst > 0, d_dst, 1.0))
    ns_ref[...] = ns
    nd_ref[...] = nd
    y = h_ref[...] * ns
    for cjx in range(IN_DIM // SW):
        x0_ref[cjx] = y[:, cjx * SW:(cjx + 1) * SW]


def _tc_prep(parts_t, h_pad):
    return pl.pallas_call(
        _prep_body,
        grid=(GRID,),
        in_specs=[
            pl.BlockSpec((2, ROWS, 32), lambda i: (0, i, 0)),
            pl.BlockSpec((ROWS, IN_DIM), lambda i: (i, 0)),
        ],
        out_specs=[
            pl.BlockSpec((ROWS, 1), lambda i: (i, 0)),
            pl.BlockSpec((ROWS, 1), lambda i: (i, 0)),
            pl.BlockSpec((IN_DIM // SW, ROWS, SW), lambda i: (0, i, 0)),
        ],
        out_shape=[
            jax.ShapeDtypeStruct((NPAD, 1), jnp.float32),
            jax.ShapeDtypeStruct((NPAD, 1), jnp.float32),
            jax.ShapeDtypeStruct((IN_DIM // SW, NPAD, SW), jnp.float32),
        ],
    )(parts_t, h_pad)


def _conv_body(nc, nout, p_ref, nd_ref, ns_ref, w_ref, b_ref, o_ref):
    agg = jnp.concatenate([p_ref[cj] for cj in range(nc)], axis=1)
    y = jnp.dot((agg * nd_ref[...]).astype(jnp.bfloat16),
                w_ref[...].astype(jnp.bfloat16),
                preferred_element_type=jnp.float32) + b_ref[...]
    y = jnp.maximum(y, 0.0) * ns_ref[...]
    for cj in range(nout):
        o_ref[cj] = y[:, cj * SW:(cj + 1) * SW]


def _conv_layer(p_chunks, nd, ns, W, b):
    nc = p_chunks.shape[0]
    d = nc * SW
    h = W.shape[1]
    nout = h // SW
    return pl.pallas_call(
        functools.partial(_conv_body, nc, nout),
        grid=(GRID,),
        in_specs=[
            pl.BlockSpec((nc, ROWS, SW), lambda i: (0, i, 0)),
            pl.BlockSpec((ROWS, 1), lambda i: (i, 0)),
            pl.BlockSpec((ROWS, 1), lambda i: (i, 0)),
            pl.BlockSpec((d, h), lambda i: (0, 0)),
            pl.BlockSpec((1, h), lambda i: (0, 0)),
        ],
        out_specs=pl.BlockSpec((nout, ROWS, SW), lambda i: (0, i, 0)),
        out_shape=jax.ShapeDtypeStruct((nout, NPAD, SW), jnp.float32),
    )(p_chunks, nd, ns, W, b)


def _pool_head_body(p_ref, nd_ref, w_ref, b_ref, lw1_ref, lb1_ref, lw2_ref,
                    lb2_ref, cw_ref, cb_ref, o_ref, hs_ref):
    nc = p_ref.shape[0]
    agg = jnp.concatenate([p_ref[cj] for cj in range(nc)], axis=1)
    y = jnp.dot((agg * nd_ref[...]).astype(jnp.bfloat16),
                w_ref[...].astype(jnp.bfloat16),
                preferred_element_type=jnp.float32) + b_ref[...]
    y = jnp.maximum(y, 0.0)
    i = pl.program_id(0)
    rows = jax.lax.broadcasted_iota(jnp.int32, (ROWS, 1), 0) + i * ROWS
    y = jnp.where(rows < N, y, 0.0)
    s = jnp.sum(y, axis=0, keepdims=True)

    @pl.when(i == 0)
    def _():
        hs_ref[...] = s

    @pl.when(i != 0)
    def _():
        hs_ref[...] += s

    @pl.when(i == GRID - 1)
    def _():
        hg = hs_ref[...] * (1.0 / N)
        yy = jnp.maximum(jnp.dot(hg, lw1_ref[...],
                                 preferred_element_type=jnp.float32)
                         + lb1_ref[...], 0.0)
        yy = jnp.maximum(jnp.dot(yy, lw2_ref[...],
                                 preferred_element_type=jnp.float32)
                         + lb2_ref[...], 0.0)
        z = jnp.dot(yy, cw_ref[...], preferred_element_type=jnp.float32) \
            + cb_ref[...]
        o_ref[...] = jax.nn.sigmoid(z)


def _pool_head(p_chunks, nd, W, b, LW1, Lb1, LW2, Lb2, CW, Cb):
    nc = p_chunks.shape[0]
    d = nc * SW
    h = W.shape[1]
    nclass = CW.shape[1]
    return pl.pallas_call(
        _pool_head_body,
        grid=(GRID,),
        in_specs=[
            pl.BlockSpec((nc, ROWS, SW), lambda i: (0, i, 0)),
            pl.BlockSpec((ROWS, 1), lambda i: (i, 0)),
            pl.BlockSpec((d, h), lambda i: (0, 0)),
            pl.BlockSpec((1, h), lambda i: (0, 0)),
            pl.BlockSpec((h, h), lambda i: (0, 0)),
            pl.BlockSpec((1, h), lambda i: (0, 0)),
            pl.BlockSpec((h, 10), lambda i: (0, 0)),
            pl.BlockSpec((1, 10), lambda i: (0, 0)),
            pl.BlockSpec((10, nclass), lambda i: (0, 0)),
            pl.BlockSpec((1, nclass), lambda i: (0, 0)),
        ],
        out_specs=pl.BlockSpec((1, nclass), lambda i: (0, 0)),
        out_shape=jax.ShapeDtypeStruct((1, nclass), jnp.float32),
        scratch_shapes=[pltpu.VMEM((1, h), jnp.float32)],
    )(p_chunks, nd, W, b, LW1, Lb1, LW2, Lb2, CW, Cb)



def kernel(h, edge_index, W1, b1, W2, b2, LW1, Lb1, LW2, Lb2, CW, Cb):
    edges_pad = jnp.pad(edge_index, ((0, 0), (0, EPAD - E)),
                        constant_values=N)
    edges32 = edges_pad.reshape(2, 32, EPW32)
    edges16 = edges_pad.reshape(2, NSUB, EBLK, EB)
    h_pad = jnp.pad(h, ((0, NPAD - N), (0, 0)))
    zrows = jnp.zeros((RPT, SW), jnp.float32)

    deg_parts = _sc_degrees(edges32)
    parts_t = deg_parts.transpose(0, 2, 1)
    ns_col, nd_col, x0s = _tc_prep(parts_t, h_pad)
    p1 = _sc_prop([x0s[0], x0s[1]], edges16, zrows)
    x1s = _conv_layer(p1, nd_col, ns_col, W1, b1.reshape(1, HID))
    p2 = _sc_prop([x1s[0], x1s[1], x1s[2], x1s[3]], edges16, zrows)
    return _pool_head(p2, nd_col, W2, b2.reshape(1, HID),
                      LW1, Lb1.reshape(1, HID), LW2, Lb2.reshape(1, 10),
                      CW, Cb.reshape(1, CW.shape[1]))

# --- scband reference (transcript-rebuilt; emitter-appended) ---
"""Pipeline reference for scband-classifier-14139032339142 (READ-ONLY COPY).

The authoritative reference and input builder live on the scoring server;
editing this copy changes nothing except your own understanding.
"""

import jax, jax.numpy as jnp
import numpy as np

N = 10000
E = 160000
IN_DIM = 256
HID = 512
NC = 5


def setup_inputs(seed: int = 0) -> dict:
    key = jax.random.key(seed)
    ks = jax.random.split(key, 13)
    h = jax.random.normal(ks[0], (N, IN_DIM), dtype=jnp.float32)
    edge_index = jax.random.randint(ks[1], (2, E), 0, N, dtype=jnp.int32)
    def glorot(k, shape):
        fan_in = shape[0]
        return jax.random.normal(k, shape, dtype=jnp.float32) * (1.0 / np.sqrt(fan_in))
    W1 = glorot(ks[2], (IN_DIM, HID)); b1 = jnp.zeros((HID,), jnp.float32)
    W2 = glorot(ks[3], (HID, HID)); b2 = jnp.zeros((HID,), jnp.float32)
    LW1 = glorot(ks[4], (HID, HID)); Lb1 = jnp.zeros((HID,), jnp.float32)
    LW2 = glorot(ks[5], (HID, 10)); Lb2 = jnp.zeros((10,), jnp.float32)
    CW = glorot(ks[6], (10, NC)); Cb = jnp.zeros((NC,), jnp.float32)
    return {"h": h, "edge_index": edge_index, "W1": W1, "b1": b1, "W2": W2, "b2": b2,
            "LW1": LW1, "Lb1": Lb1, "LW2": LW2, "Lb2": Lb2, "CW": CW, "Cb": Cb}


def reference(h, edge_index, W1, b1, W2, b2, LW1, Lb1, LW2, Lb2, CW, Cb):
    src = edge_index[0]
    dst = edge_index[1]
    ones = jnp.ones((E,), jnp.float32)
    deg_out = jax.ops.segment_sum(ones, src, num_segments=N)
    deg_in = jax.ops.segment_sum(ones, dst, num_segments=N)
    norm_src = jnp.where(deg_out > 0, deg_out, 1.0) ** -0.5
    norm_dst = jnp.where(deg_in > 0, deg_in, 1.0) ** -0.5

    def graph_conv(x, W, b):
        # DGL GraphConv with norm='both': D_dst^{-1/2} A D_src^{-1/2} x W + b
        x = x * norm_src[:, None]
        msgs = jnp.take(x, src, axis=0)
        agg = jax.ops.segment_sum(msgs, dst, num_segments=N)
        agg = agg * norm_dst[:, None]
        return agg @ W + b

    x = jax.nn.relu(graph_conv(h, W1, b1))
    x = jax.nn.relu(graph_conv(x, W2, b2))
    # dgl.mean_nodes over a single (non-batched) graph -> [1, HID]
    hg = jnp.mean(x, axis=0, keepdims=True)
    y = jax.nn.relu(hg @ LW1 + Lb1)
    y = jax.nn.relu(y @ LW2 + Lb2)
    out = jax.nn.sigmoid(y @ CW + Cb)
    return out

if __name__ == "__main__":
    import jax
    _d = setup_inputs()
    print(jax.jit(kernel)(*tuple(_d.values())))

</pallas_src>

<mosaic_0001>
#map = affine_map<(d0, d1) -> (0, 0, 0)>
module attributes {stable_mosaic.version = 14 : i64} {
  func.func @_deg_body(%arg0: i32, %arg1: i32, %arg2: memref<2x32x5120xi32, #tpu.memory_space<hbm>>, %arg3: memref<2x32x10240xf32, #tpu.memory_space<hbm>>, %arg4: memref<5120xi32, #tpu.memory_space<vmem>>, %arg5: memref<5120xi32, #tpu.memory_space<vmem>>, %arg6: memref<10240xf32, #tpu.memory_space<vmem>>, %arg7: memref<10240xf32, #tpu.memory_space<vmem>>) attributes {dimension_semantics = [#tpu.dimension_semantics<core_parallel>, #tpu.dimension_semantics<subcore_parallel>], iteration_bounds = array<i64: 2, 16>, scalar_prefetch = 0 : i64, scratch_operands = 4 : i64, tpu.core_type = #tpu.core_type<sc_vector_subcore>, window_params = [{transform_indices = #map}, {transform_indices = #map}]} {
    %mul3A = arith.constant 16 : i32
    %mul3A_0 = arith.muli %arg0, %mul3A : i32
    %add3A = arith.addi %mul3A_0, %arg1 : i32
    %run_scoped3A = arith.constant 0 : i32
    "tpu.region"() ({
      %run_scoped3A_20 = tpu.sem_alloc : memref<!tpu.dma_semaphore, #tpu.memory_space<semaphore_mem>>
      %dma_start3A = arith.constant 0 : i32
      %dma_start3A_21 = tpu.memref_slice %arg2[%run_scoped3A, %add3A, %dma_start3A] : memref<2x32x5120xi32, #tpu.memory_space<hbm>> -> memref<1x1x5120xi32, #tpu.memory_space<hbm>>
      %dma_start3A_22 = tpu.memref_squeeze %dma_start3A_21 : memref<1x1x5120xi32, #tpu.memory_space<hbm>> -> memref<5120xi32, #tpu.memory_space<hbm>>
      %dma_start3A_23 = arith.constant 0 : i32
      %dma_start3A_24 = tpu.memref_slice %arg2[%run_scoped3A, %add3A, %dma_start3A_23] : memref<2x32x5120xi32, #tpu.memory_space<hbm>> -> memref<1x1x5120xi32, #tpu.memory_space<hbm>>
      %dma_start3A_25 = tpu.memref_squeeze %dma_start3A_24 : memref<1x1x5120xi32, #tpu.memory_space<hbm>> -> memref<5120xi32, #tpu.memory_space<hbm>>
      tpu.enqueue_dma source(%dma_start3A_25 : memref<5120xi32, #tpu.memory_space<hbm>>) target(%arg4 : memref<5120xi32, #tpu.memory_space<vmem>>) target_semaphore(%run_scoped3A_20 : memref<!tpu.dma_semaphore, #tpu.memory_space<semaphore_mem>>)
      %dma_wait3A = arith.constant 0 : i32
      %dma_wait3A_26 = tpu.memref_slice %arg2[%run_scoped3A, %add3A, %dma_wait3A] : memref<2x32x5120xi32, #tpu.memory_space<hbm>> -> memref<1x1x5120xi32, #tpu.memory_space<hbm>>
      %dma_wait3A_27 = tpu.memref_squeeze %dma_wait3A_26 : memref<1x1x5120xi32, #tpu.memory_space<hbm>> -> memref<5120xi32, #tpu.memory_space<hbm>>
      %dma_wait3A_28 = arith.constant 0 : i32
      %dma_wait3A_29 = tpu.memref_slice %arg2[%run_scoped3A, %add3A, %dma_wait3A_28] : memref<2x32x5120xi32, #tpu.memory_space<hbm>> -> memref<1x1x5120xi32, #tpu.memory_space<hbm>>
      %dma_wait3A_30 = tpu.memref_squeeze %dma_wait3A_29 : memref<1x1x5120xi32, #tpu.memory_space<hbm>> -> memref<5120xi32, #tpu.memory_space<hbm>>
      tpu.wait_dma2 semaphore(%run_scoped3A_20 : memref<!tpu.dma_semaphore, #tpu.memory_space<semaphore_mem>>) src(%dma_wait3A_30 : memref<5120xi32, #tpu.memory_space<hbm>>) dst(%arg4 : memref<5120xi32, #tpu.memory_space<vmem>>)
      tpu.yield
    }) : () -> ()
    %run_scoped3A_1 = arith.constant 1 : i32
    "tpu.region"() ({
      %run_scoped3A_20 = tpu.sem_alloc : memref<!tpu.dma_semaphore, #tpu.memory_space<semaphore_mem>>
      %dma_start3A = arith.constant 0 : i32
      %dma_start3A_21 = tpu.memref_slice %arg2[%run_scoped3A_1, %add3A, %dma_start3A] : memref<2x32x5120xi32, #tpu.memory_space<hbm>> -> memref<1x1x5120xi32, #tpu.memory_space<hbm>>
      %dma_start3A_22 = tpu.memref_squeeze %dma_start3A_21 : memref<1x1x5120xi32, #tpu.memory_space<hbm>> -> memref<5120xi32, #tpu.memory_space<hbm>>
      %dma_start3A_23 = arith.constant 0 : i32
      %dma_start3A_24 = tpu.memref_slice %arg2[%run_scoped3A_1, %add3A, %dma_start3A_23] : memref<2x32x5120xi32, #tpu.memory_space<hbm>> -> memref<1x1x5120xi32, #tpu.memory_space<hbm>>
      %dma_start3A_25 = tpu.memref_squeeze %dma_start3A_24 : memref<1x1x5120xi32, #tpu.memory_space<hbm>> -> memref<5120xi32, #tpu.memory_space<hbm>>
      tpu.enqueue_dma source(%dma_start3A_25 : memref<5120xi32, #tpu.memory_space<hbm>>) target(%arg5 : memref<5120xi32, #tpu.memory_space<vmem>>) target_semaphore(%run_scoped3A_20 : memref<!tpu.dma_semaphore, #tpu.memory_space<semaphore_mem>>)
      %dma_wait3A = arith.constant 0 : i32
      %dma_wait3A_26 = tpu.memref_slice %arg2[%run_scoped3A_1, %add3A, %dma_wait3A] : memref<2x32x5120xi32, #tpu.memory_space<hbm>> -> memref<1x1x5120xi32, #tpu.memory_space<hbm>>
      %dma_wait3A_27 = tpu.memref_squeeze %dma_wait3A_26 : memref<1x1x5120xi32, #tpu.memory_space<hbm>> -> memref<5120xi32, #tpu.memory_space<hbm>>
      %dma_wait3A_28 = arith.constant 0 : i32
      %dma_wait3A_29 = tpu.memref_slice %arg2[%run_scoped3A_1, %add3A, %dma_wait3A_28] : memref<2x32x5120xi32, #tpu.memory_space<hbm>> -> memref<1x1x5120xi32, #tpu.memory_space<hbm>>
      %dma_wait3A_30 = tpu.memref_squeeze %dma_wait3A_29 : memref<1x1x5120xi32, #tpu.memory_space<hbm>> -> memref<5120xi32, #tpu.memory_space<hbm>>
      tpu.wait_dma2 semaphore(%run_scoped3A_20 : memref<!tpu.dma_semaphore, #tpu.memory_space<semaphore_mem>>) src(%dma_wait3A_30 : memref<5120xi32, #tpu.memory_space<hbm>>) dst(%arg5 : memref<5120xi32, #tpu.memory_space<vmem>>)
      tpu.yield
    }) : () -> ()
    %broadcast_in_dim3A = arith.constant 0.000000e+00 : f32
    %broadcast_in_dim3A_2 = vector.broadcast %broadcast_in_dim3A : f32 to vector<16xf32>
    %scan3A = arith.constant 0 : i32
    %scan3A_3 = arith.constant 0 : i32
    %scan3A_4 = arith.constant 640 : i32
    %scan3A_5 = arith.addi %scan3A_3, %scan3A_4 : i32
    %scan3A_6 = arith.constant 1 : i32
    %scan3A_7 = scf.for %scan3A_20 = %scan3A_3 to %scan3A_5 step %scan3A_6 iter_args(%scan3A_21 = %scan3A) -> (i32)  : i32 {
      %mul3A_22 = arith.constant 16 : i32
      %mul3A_23 = arith.muli %scan3A_20, %mul3A_22 : i32
      %swap3A = arith.index_cast %mul3A_23 : i32 to index
      %swap3A_24 = tpu.vector_load %arg6[%swap3A] {strides = array<i32>} : memref<10240xf32, #tpu.memory_space<vmem>>, vector<16xf32>,
      tpu.vector_store %arg6[%swap3A], %broadcast_in_dim3A_2 {strides = array<i32>} : memref<10240xf32, #tpu.memory_space<vmem>>, vector<16xf32>,
      %mul3A_25 = arith.constant 16 : i32
      %mul3A_26 = arith.muli %scan3A_20, %mul3A_25 : i32
      %swap3A_27 = arith.index_cast %mul3A_26 : i32 to index
      %swap3A_28 = tpu.vector_load %arg7[%swap3A_27] {strides = array<i32>} : memref<10240xf32, #tpu.memory_space<vmem>>, vector<16xf32>,
      tpu.vector_store %arg7[%swap3A_27], %broadcast_in_dim3A_2 {strides = array<i32>} : memref<10240xf32, #tpu.memory_space<vmem>>, vector<16xf32>,
      %scan3A_29 = arith.constant 0 : i32
      scf.yield %scan3A_29 : i32
    }
    %scan3A_8 = arith.constant 640 : i32
    %broadcast_in_dim3A_9 = arith.constant 1.000000e+00 : f32
    %broadcast_in_dim3A_10 = vector.broadcast %broadcast_in_dim3A_9 : f32 to vector<16xf32>
    %scan3A_11 = arith.constant 0 : i32
    %scan3A_12 = arith.constant 0 : i32
    %scan3A_13 = arith.constant 320 : i32
    %scan3A_14 = arith.addi %scan3A_12, %scan3A_13 : i32
    %scan3A_15 = arith.constant 1 : i32
    %scan3A_16 = scf.for %scan3A_20 = %scan3A_12 to %scan3A_14 step %scan3A_15 iter_args(%scan3A_21 = %scan3A_11) -> (i32)  : i32 {
      %mul3A_22 = arith.constant 16 : i32
      %mul3A_23 = arith.muli %scan3A_20, %mul3A_22 : i32
      %get3A = arith.index_cast %mul3A_23 : i32 to index
      %get3A_24 = tpu.vector_load %arg4[%get3A] {strides = array<i32>} : memref<5120xi32, #tpu.memory_space<vmem>>, vector<16xi32>,
      tpu.vector_store_idx %arg6[%get3A_24], %broadcast_in_dim3A_10 {add = true} : memref<10240xf32, #tpu.memory_space<vmem>>[vector<16xi32>], vector<16xf32>,
      %mul3A_25 = arith.constant 16 : i32
      %mul3A_26 = arith.muli %scan3A_20, %mul3A_25 : i32
      %get3A_27 = arith.index_cast %mul3A_26 : i32 to index
      %get3A_28 = tpu.vector_load %arg5[%get3A_27] {strides = array<i32>} : memref<5120xi32, #tpu.memory_space<vmem>>, vector<16xi32>,
      tpu.vector_store_idx %arg7[%get3A_28], %broadcast_in_dim3A_10 {add = true} : memref<10240xf32, #tpu.memory_space<vmem>>[vector<16xi32>], vector<16xf32>,
      %scan3A_29 = arith.constant 0 : i32
      scf.yield %scan3A_29 : i32
    }
    %scan3A_17 = arith.constant 320 : i32
    %run_scoped3A_18 = arith.constant 0 : i32
    "tpu.region"() ({
      %run_scoped3A_20 = tpu.sem_alloc : memref<!tpu.dma_semaphore, #tpu.memory_space<semaphore_mem>>
      %dma_start3A = arith.constant 0 : i32
      %dma_start3A_21 = tpu.memref_slice %arg3[%run_scoped3A_18, %add3A, %dma_start3A] : memref<2x32x10240xf32, #tpu.memory_space<hbm>> -> memref<1x1x10240xf32, #tpu.memory_space<hbm>>
      %dma_start3A_22 = tpu.memref_squeeze %dma_start3A_21 : memref<1x1x10240xf32, #tpu.memory_space<hbm>> -> memref<10240xf32, #tpu.memory_space<hbm>>
      %dma_start3A_23 = arith.constant 0 : i32
      %dma_start3A_24 = tpu.memref_slice %arg3[%run_scoped3A_18, %add3A, %dma_start3A_23] : memref<2x32x10240xf32, #tpu.memory_space<hbm>> -> memref<1x1x10240xf32, #tpu.memory_space<hbm>>
      %dma_start3A_25 = tpu.memref_squeeze %dma_start3A_24 : memref<1x1x10240xf32, #tpu.memory_space<hbm>> -> memref<10240xf32, #tpu.memory_space<hbm>>
      tpu.enqueue_dma source(%arg6 : memref<10240xf32, #tpu.memory_space<vmem>>) target(%dma_start3A_25 : memref<10240xf32, #tpu.memory_space<hbm>>) target_semaphore(%run_scoped3A_20 : memref<!tpu.dma_semaphore, #tpu.memory_space<semaphore_mem>>)
      %dma_wait3A = arith.constant 0 : i32
      %dma_wait3A_26 = tpu.memref_slice %arg3[%run_scoped3A_18, %add3A, %dma_wait3A] : memref<2x32x10240xf32, #tpu.memory_space<hbm>> -> memref<1x1x10240xf32, #tpu.memory_space<hbm>>
      %dma_wait3A_27 = tpu.memref_squeeze %dma_wait3A_26 : memref<1x1x10240xf32, #tpu.memory_space<hbm>> -> memref<10240xf32, #tpu.memory_space<hbm>>
      %dma_wait3A_28 = arith.constant 0 : i32
      %dma_wait3A_29 = tpu.memref_slice %arg3[%run_scoped3A_18, %add3A, %dma_wait3A_28] : memref<2x32x10240xf32, #tpu.memory_space<hbm>> -> memref<1x1x10240xf32, #tpu.memory_space<hbm>>
      %dma_wait3A_30 = tpu.memref_squeeze %dma_wait3A_29 : memref<1x1x10240xf32, #tpu.memory_space<hbm>> -> memref<10240xf32, #tpu.memory_space<hbm>>
      tpu.wait_dma2 semaphore(%run_scoped3A_20 : memref<!tpu.dma_semaphore, #tpu.memory_space<semaphore_mem>>) src(%arg6 : memref<10240xf32, #tpu.memory_space<vmem>>) dst(%dma_wait3A_30 : memref<10240xf32, #tpu.memory_space<hbm>>)
      tpu.yield
    }) : () -> ()
    %run_scoped3A_19 = arith.constant 1 : i32
    "tpu.region"() ({
      %run_scoped3A_20 = tpu.sem_alloc : memref<!tpu.dma_semaphore, #tpu.memory_space<semaphore_mem>>
      %dma_start3A = arith.constant 0 : i32
      %dma_start3A_21 = tpu.memref_slice %arg3[%run_scoped3A_19, %add3A, %dma_start3A] : memref<2x32x10240xf32, #tpu.memory_space<hbm>> -> memref<1x1x10240xf32, #tpu.memory_space<hbm>>
      %dma_start3A_22 = tpu.memref_squeeze %dma_start3A_21 : memref<1x1x10240xf32, #tpu.memory_space<hbm>> -> memref<10240xf32, #tpu.memory_space<hbm>>
      %dma_start3A_23 = arith.constant 0 : i32
      %dma_start3A_24 = tpu.memref_slice %arg3[%run_scoped3A_19, %add3A, %dma_start3A_23] : memref<2x32x10240xf32, #tpu.memory_space<hbm>> -> memref<1x1x10240xf32, #tpu.memory_space<hbm>>
      %dma_start3A_25 = tpu.memref_squeeze %dma_start3A_24 : memref<1x1x10240xf32, #tpu.memory_space<hbm>> -> memref<10240xf32, #tpu.memory_space<hbm>>
      tpu.enqueue_dma source(%arg7 : memref<10240xf32, #tpu.memory_space<vmem>>) target(%dma_start3A_25 : memref<10240xf32, #tpu.memory_space<hbm>>) target_semaphore(%run_scoped3A_20 : memref<!tpu.dma_semaphore, #tpu.memory_space<semaphore_mem>>)
      %dma_wait3A = arith.constant 0 : i32
      %dma_wait3A_26 = tpu.memref_slice %arg3[%run_scoped3A_19, %add3A, %dma_wait3A] : memref<2x32x10240xf32, #tpu.memory_space<hbm>> -> memref<1x1x10240xf32, #tpu.memory_space<hbm>>
      %dma_wait3A_27 = tpu.memref_squeeze %dma_wait3A_26 : memref<1x1x10240xf32, #tpu.memory_space<hbm>> -> memref<10240xf32, #tpu.memory_space<hbm>>
      %dma_wait3A_28 = arith.constant 0 : i32
      %dma_wait3A_29 = tpu.memref_slice %arg3[%run_scoped3A_19, %add3A, %dma_wait3A_28] : memref<2x32x10240xf32, #tpu.memory_space<hbm>> -> memref<1x1x10240xf32, #tpu.memory_space<hbm>>
      %dma_wait3A_30 = tpu.memref_squeeze %dma_wait3A_29 : memref<1x1x10240xf32, #tpu.memory_space<hbm>> -> memref<10240xf32, #tpu.memory_space<hbm>>
      tpu.wait_dma2 semaphore(%run_scoped3A_20 : memref<!tpu.dma_semaphore, #tpu.memory_space<semaphore_mem>>) src(%arg7 : memref<10240xf32, #tpu.memory_space<vmem>>) dst(%dma_wait3A_30 : memref<10240xf32, #tpu.memory_space<hbm>>)
      tpu.yield
    }) : () -> ()
    return
  }
}

#map = affine_map<(d0, d1) -> (0, 0)>
#map1 = affine_map<(d0, d1) -> (0, 0, 0, 0)>
#map2 = affine_map<(d0, d1) -> (0, 0, 0)>
module attributes {stable_mosaic.version = 14 : i64} {
  func.func @_prop_body(%arg0: i32, %arg1: i32, %arg2: memref<10240x128xf32, #tpu.memory_space<hbm>>, %arg3: memref<10240x128xf32, #tpu.memory_space<hbm>>, %arg4: memref<2x16x80x128xi32, #tpu.memory_space<hbm>>, %arg5: memref<640x128xf32, #tpu.memory_space<hbm>>, %arg6: memref<2x10240x128xf32, #tpu.memory_space<hbm>>, %arg7: memref<40x128xi32, #tpu.memory_space<vmem>>, %arg8: memref<40x128xi32, #tpu.memory_space<vmem>>, %arg9: memref<128x128xf32, #tpu.memory_space<vmem>>, %arg10: memref<128x128xf32, #tpu.memory_space<vmem>>, %arg11: memref<10240x128xf32, #tpu.memory_space<vmem_shared>>, %arg12: memref<!tpu.dma_semaphore, #tpu.memory_space<semaphore_mem>>, %arg13: memref<!tpu.dma_semaphore, #tpu.memory_space<semaphore_mem>>, %arg14: memref<!tpu.dma_semaphore, #tpu.memory_space<semaphore_mem>>, %arg15: memref<!tpu.dma_semaphore, #tpu.memory_space<semaphore_mem>>) attributes {dimension_semantics = [#tpu.dimension_semantics<core_parallel>, #tpu.dimension_semantics<subcore_parallel>], iteration_bounds = array<i64: 2, 16>, scalar_prefetch = 0 : i64, scratch_operands = 9 : i64, tpu.core_type = #tpu.core_type<sc_vector_subcore>, window_params = [{transform_indices = #map}, {transform_indices = #map}, {transform_indices = #map1}, {transform_indices = #map}, {transform_indices = #map2}]} {
    %eq3A = arith.constant 0 : i32
    %eq3A_0 = arith.cmpi eq, %arg0, %eq3A : i32
    %convert_element_type3A = arith.extui %eq3A_0 : i1 to i32
    %cond3A = arith.constant 0 : i32
    %cond3A_1 = arith.cmpi ne, %convert_element_type3A, %cond3A : i32
    scf.if %cond3A_1 {
      %mul3A = arith.constant 640 : i32
      %mul3A_7 = arith.muli %arg1, %mul3A : i32
      "tpu.region"() ({
        %run_scoped3A_67 = tpu.sem_alloc : memref<!tpu.dma_semaphore, #tpu.memory_space<semaphore_mem>>
        %dma_start3A_68 = arith.constant 0 : i32
        %dma_start3A_69 = tpu.memref_slice %arg11[%mul3A_7, %dma_start3A_68] : memref<10240x128xf32, #tpu.memory_space<vmem_shared>> -> memref<640x128xf32, #tpu.memory_space<vmem_shared>>
        tpu.enqueue_dma source(%arg5 : memref<640x128xf32, #tpu.memory_space<hbm>>) target(%dma_start3A_69 : memref<640x128xf32, #tpu.memory_space<vmem_shared>>) target_semaphore(%run_scoped3A_67 : memref<!tpu.dma_semaphore, #tpu.memory_space<semaphore_mem>>)
        %dma_wait3A_70 = arith.constant 0 : i32
        %dma_wait3A_71 = tpu.memref_slice %arg11[%mul3A_7, %dma_wait3A_70] : memref<10240x128xf32, #tpu.memory_space<vmem_shared>> -> memref<640x128xf32, #tpu.memory_space<vmem_shared>>
        tpu.wait_dma2 semaphore(%run_scoped3A_67 : memref<!tpu.dma_semaphore, #tpu.memory_space<semaphore_mem>>) src(%arg5 : memref<640x128xf32, #tpu.memory_space<hbm>>) dst(%dma_wait3A_71 : memref<640x128xf32, #tpu.memory_space<vmem_shared>>)
        tpu.yield
      }) : () -> ()
      %barrier3A = arith.constant 0 : index
      tpu.barrier barrier_id(%barrier3A)
      %run_scoped3A = arith.constant 0 : i32
      "tpu.region"() ({
        %run_scoped3A_67 = tpu.sem_alloc : memref<!tpu.dma_semaphore, #tpu.memory_space<semaphore_mem>>
        %dma_start3A_68 = arith.constant 0 : i32
        %dma_start3A_69 = arith.constant 0 : i32
        %dma_start3A_70 = tpu.memref_slice %arg4[%run_scoped3A, %arg1, %dma_start3A_68, %dma_start3A_69] : memref<2x16x80x128xi32, #tpu.memory_space<hbm>> -> memref<1x1x40x128xi32, #tpu.memory_space<hbm>>
        %dma_start3A_71 = tpu.memref_squeeze %dma_start3A_70 : memref<1x1x40x128xi32, #tpu.memory_space<hbm>> -> memref<40x128xi32, #tpu.memory_space<hbm>>
        %dma_start3A_72 = arith.constant 0 : i32
        %dma_start3A_73 = arith.constant 0 : i32
        %dma_start3A_74 = tpu.memref_slice %arg4[%run_scoped3A, %arg1, %dma_start3A_72, %dma_start3A_73] : memref<2x16x80x128xi32, #tpu.memory_space<hbm>> -> memref<1x1x40x128xi32, #tpu.memory_space<hbm>>
        %dma_start3A_75 = tpu.memref_squeeze %dma_start3A_74 : memref<1x1x40x128xi32, #tpu.memory_space<hbm>> -> memref<40x128xi32, #tpu.memory_space<hbm>>
        tpu.enqueue_dma source(%dma_start3A_75 : memref<40x128xi32, #tpu.memory_space<hbm>>) target(%arg7 : memref<40x128xi32, #tpu.memory_space<vmem>>) target_semaphore(%run_scoped3A_67 : memref<!tpu.dma_semaphore, #tpu.memory_space<semaphore_mem>>)
        %dma_wait3A_76 = arith.constant 0 : i32
        %dma_wait3A_77 = arith.constant 0 : i32
        %dma_wait3A_78 = tpu.memref_slice %arg4[%run_scoped3A, %arg1, %dma_wait3A_76, %dma_wait3A_77] : memref<2x16x80x128xi32, #tpu.memory_space<hbm>> -> memref<1x1x40x128xi32, #tpu.memory_space<hbm>>
        %dma_wait3A_79 = tpu.memref_squeeze %dma_wait3A_78 : memref<1x1x40x128xi32, #tpu.memory_space<hbm>> -> memref<40x128xi32, #tpu.memory_space<hbm>>
        %dma_wait3A_80 = arith.constant 0 : i32
        %dma_wait3A_81 = arith.constant 0 : i32
        %dma_wait3A_82 = tpu.memref_slice %arg4[%run_scoped3A, %arg1, %dma_wait3A_80, %dma_wait3A_81] : memref<2x16x80x128xi32, #tpu.memory_space<hbm>> -> memref<1x1x40x128xi32, #tpu.memory_space<hbm>>
        %dma_wait3A_83 = tpu.memref_squeeze %dma_wait3A_82 : memref<1x1x40x128xi32, #tpu.memory_space<hbm>> -> memref<40x128xi32, #tpu.memory_space<hbm>>
        tpu.wait_dma2 semaphore(%run_scoped3A_67 : memref<!tpu.dma_semaphore, #tpu.memory_space<semaphore_mem>>) src(%dma_wait3A_83 : memref<40x128xi32, #tpu.memory_space<hbm>>) dst(%arg7 : memref<40x128xi32, #tpu.memory_space<vmem>>)
        tpu.yield
      }) : () -> ()
      %run_scoped3A_8 = arith.constant 1 : i32
      "tpu.region"() ({
        %run_scoped3A_67 = tpu.sem_alloc : memref<!tpu.dma_semaphore, #tpu.memory_space<semaphore_mem>>
        %dma_start3A_68 = arith.constant 0 : i32
        %dma_start3A_69 = arith.constant 0 : i32
        %dma_start3A_70 = tpu.memref_slice %arg4[%run_scoped3A_8, %arg1, %dma_start3A_68, %dma_start3A_69] : memref<2x16x80x128xi32, #tpu.memory_space<hbm>> -> memref<1x1x40x128xi32, #tpu.memory_space<hbm>>
        %dma_start3A_71 = tpu.memref_squeeze %dma_start3A_70 : memref<1x1x40x128xi32, #tpu.memory_space<hbm>> -> memref<40x128xi32, #tpu.memory_space<hbm>>
        %dma_start3A_72 = arith.constant 0 : i32
        %dma_start3A_73 = arith.constant 0 : i32
        %dma_start3A_74 = tpu.memref_slice %arg4[%run_scoped3A_8, %arg1, %dma_start3A_72, %dma_start3A_73] : memref<2x16x80x128xi32, #tpu.memory_space<hbm>> -> memref<1x1x40x128xi32, #tpu.memory_space<hbm>>
        %dma_start3A_75 = tpu.memref_squeeze %dma_start3A_74 : memref<1x1x40x128xi32, #tpu.memory_space<hbm>> -> memref<40x128xi32, #tpu.memory_space<hbm>>
        tpu.enqueue_dma source(%dma_start3A_75 : memref<40x128xi32, #tpu.memory_space<hbm>>) target(%arg8 : memref<40x128xi32, #tpu.memory_space<vmem>>) target_semaphore(%run_scoped3A_67 : memref<!tpu.dma_semaphore, #tpu.memory_space<semaphore_mem>>)
        %dma_wait3A_76 = arith.constant 0 : i32
        %dma_wait3A_77 = arith.constant 0 : i32
        %dma_wait3A_78 = tpu.memref_slice %arg4[%run_scoped3A_8, %arg1, %dma_wait3A_76, %dma_wait3A_77] : memref<2x16x80x128xi32, #tpu.memory_space<hbm>> -> memref<1x1x40x128xi32, #tpu.memory_space<hbm>>
        %dma_wait3A_79 = tpu.memref_squeeze %dma_wait3A_78 : memref<1x1x40x128xi32, #tpu.memory_space<hbm>> -> memref<40x128xi32, #tpu.memory_space<hbm>>
        %dma_wait3A_80 = arith.constant 0 : i32
        %dma_wait3A_81 = arith.constant 0 : i32
        %dma_wait3A_82 = tpu.memref_slice %arg4[%run_scoped3A_8, %arg1, %dma_wait3A_80, %dma_wait3A_81] : memref<2x16x80x128xi32, #tpu.memory_space<hbm>> -> memref<1x1x40x128xi32, #tpu.memory_space<hbm>>
        %dma_wait3A_83 = tpu.memref_squeeze %dma_wait3A_82 : memref<1x1x40x128xi32, #tpu.memory_space<hbm>> -> memref<40x128xi32, #tpu.memory_space<hbm>>
        tpu.wait_dma2 semaphore(%run_scoped3A_67 : memref<!tpu.dma_semaphore, #tpu.memory_space<semaphore_mem>>) src(%dma_wait3A_83 : memref<40x128xi32, #tpu.memory_space<hbm>>) dst(%arg8 : memref<40x128xi32, #tpu.memory_space<vmem>>)
        tpu.yield
      }) : () -> ()
      %dma_start3A = arith.constant 0 : i32
      %dma_start3A_9 = arith.constant 0 : i32
      %dma_start3A_10 = tpu.memref_slice %arg7[%dma_start3A, %dma_start3A_9] : memref<40x128xi32, #tpu.memory_space<vmem>> -> memref<1x128xi32, #tpu.memory_space<vmem>>
      %dma_start3A_11 = tpu.memref_squeeze %dma_start3A_10 : memref<1x128xi32, #tpu.memory_space<vmem>> -> memref<128xi32, #tpu.memory_space<vmem>>
      %dma_start3A_12 = arith.constant 0 : i32
      %dma_start3A_13 = arith.constant 0 : i32
      %dma_start3A_14 = tpu.memref_slice %arg2[%dma_start3A_12, %dma_start3A_13] : memref<10240x128xf32, #tpu.memory_space<hbm>> -> memref<10240x128xf32, #tpu.memory_space<hbm>>
      tpu.enqueue_indirect_dma source(%dma_start3A_14 : memref<10240x128xf32, #tpu.memory_space<hbm>>) target(%arg9 : memref<128x128xf32, #tpu.memory_space<vmem>>) offsets(%dma_start3A_11 : memref<128xi32, #tpu.memory_space<vmem>>) semaphore(%arg12 : memref<!tpu.dma_semaphore, #tpu.memory_space<semaphore_mem>>)
      %scan3A = arith.constant 0 : i32
      %scan3A_15 = arith.constant 0 : i32
      %scan3A_16 = arith.constant 20 : i32
      %scan3A_17 = arith.addi %scan3A_15, %scan3A_16 : i32
      %scan3A_18 = arith.constant 1 : i32
      %scan3A_19 = scf.for %scan3A_67 = %scan3A_15 to %scan3A_17 step %scan3A_18 iter_args(%scan3A_68 = %scan3A) -> (i32)  : i32 {
        %mul3A_69 = arith.constant 2 : i32
        %mul3A_70 = arith.muli %mul3A_69, %scan3A_67 : i32
        %ge3A = arith.constant 1 : i32
        %ge3A_71 = arith.cmpi sge, %scan3A_67, %ge3A : i32
        %convert_element_type3A_72 = arith.extui %ge3A_71 : i1 to i32
        %cond3A_73 = arith.constant 0 : i32
        %cond3A_74 = arith.cmpi ne, %convert_element_type3A_72, %cond3A_73 : i32
        scf.if %cond3A_74 {
          %dma_wait3A_113 = arith.constant 0 : i32
          %dma_wait3A_114 = arith.constant 0 : i32
          %dma_wait3A_115 = tpu.memref_slice %arg11[%dma_wait3A_113, %dma_wait3A_114] : memref<10240x128xf32, #tpu.memory_space<vmem_shared>> -> memref<128x128xf32, #tpu.memory_space<vmem_shared>>
          %dma_wait3A_116 = arith.constant 0 : i32
          %dma_wait3A_117 = arith.constant 0 : i32
          %dma_wait3A_118 = tpu.memref_slice %arg11[%dma_wait3A_116, %dma_wait3A_117] : memref<10240x128xf32, #tpu.memory_space<vmem_shared>> -> memref<128x128xf32, #tpu.memory_space<vmem_shared>>
          tpu.wait_dma2 semaphore(%arg15 : memref<!tpu.dma_semaphore, #tpu.memory_space<semaphore_mem>>) src(%arg10 : memref<128x128xf32, #tpu.memory_space<vmem>>) dst(%dma_wait3A_118 : memref<128x128xf32, #tpu.memory_space<vmem_shared>>)
        } else {
        }
        %add3A = arith.constant 1 : i32
        %add3A_75 = arith.addi %mul3A_70, %add3A : i32
        %dma_start3A_76 = arith.constant 0 : i32
        %dma_start3A_77 = tpu.memref_slice %arg7[%add3A_75, %dma_start3A_76] : memref<40x128xi32, #tpu.memory_space<vmem>> -> memref<1x128xi32, #tpu.memory_space<vmem>>
        %dma_start3A_78 = tpu.memref_squeeze %dma_start3A_77 : memref<1x128xi32, #tpu.memory_space<vmem>> -> memref<128xi32, #tpu.memory_space<vmem>>
        %dma_start3A_79 = arith.constant 0 : i32
        %dma_start3A_80 = arith.constant 0 : i32
        %dma_start3A_81 = tpu.memref_slice %arg2[%dma_start3A_79, %dma_start3A_80] : memref<10240x128xf32, #tpu.memory_space<hbm>> -> memref<10240x128xf32, #tpu.memory_space<hbm>>
        tpu.enqueue_indirect_dma source(%dma_start3A_81 : memref<10240x128xf32, #tpu.memory_space<hbm>>) target(%arg10 : memref<128x128xf32, #tpu.memory_space<vmem>>) offsets(%dma_start3A_78 : memref<128xi32, #tpu.memory_space<vmem>>) semaphore(%arg13 : memref<!tpu.dma_semaphore, #tpu.memory_space<semaphore_mem>>)
        %dma_wait3A_82 = arith.constant 0 : i32
        %dma_wait3A_83 = arith.constant 0 : i32
        %dma_wait3A_84 = tpu.memref_slice %arg5[%dma_wait3A_82, %dma_wait3A_83] : memref<640x128xf32, #tpu.memory_space<hbm>> -> memref<128x128xf32, #tpu.memory_space<hbm>>
        %dma_wait3A_85 = arith.constant 0 : i32
        %dma_wait3A_86 = arith.constant 0 : i32
        %dma_wait3A_87 = tpu.memref_slice %arg5[%dma_wait3A_85, %dma_wait3A_86] : memref<640x128xf32, #tpu.memory_space<hbm>> -> memref<128x128xf32, #tpu.memory_space<hbm>>
        tpu.wait_dma2 semaphore(%arg12 : memref<!tpu.dma_semaphore, #tpu.memory_space<semaphore_mem>>) src(%dma_wait3A_87 : memref<128x128xf32, #tpu.memory_space<hbm>>) dst(%arg9 : memref<128x128xf32, #tpu.memory_space<vmem>>)
        %dma_start3A_88 = arith.constant 0 : i32
        %dma_start3A_89 = tpu.memref_slice %arg8[%mul3A_70, %dma_start3A_88] : memref<40x128xi32, #tpu.memory_space<vmem>> -> memref<1x128xi32, #tpu.memory_space<vmem>>
        %dma_start3A_90 = tpu.memref_squeeze %dma_start3A_89 : memref<1x128xi32, #tpu.memory_space<vmem>> -> memref<128xi32, #tpu.memory_space<vmem>>
        %dma_start3A_91 = arith.constant 0 : i32
        %dma_start3A_92 = arith.constant 0 : i32
        %dma_start3A_93 = tpu.memref_slice %arg11[%dma_start3A_91, %dma_start3A_92] : memref<10240x128xf32, #tpu.memory_space<vmem_shared>> -> memref<10240x128xf32, #tpu.memory_space<vmem_shared>>
        tpu.enqueue_indirect_dma source(%arg9 : memref<128x128xf32, #tpu.memory_space<vmem>>) target(%dma_start3A_93 : memref<10240x128xf32, #tpu.memory_space<vmem_shared>>) offsets(%dma_start3A_90 : memref<128xi32, #tpu.memory_space<vmem>>) semaphore(%arg14 : memref<!tpu.dma_semaphore, #tpu.memory_space<semaphore_mem>>) {add = true}
        %lt3A = arith.constant 19 : i32
        %lt3A_94 = arith.cmpi slt, %scan3A_67, %lt3A : i32
        %convert_element_type3A_95 = arith.extui %lt3A_94 : i1 to i32
        %cond3A_96 = arith.constant 0 : i32
        %cond3A_97 = arith.cmpi ne, %convert_element_type3A_95, %cond3A_96 : i32
        scf.if %cond3A_97 {
          %dma_wait3A_113 = arith.constant 0 : i32
          %dma_wait3A_114 = arith.constant 0 : i32
          %dma_wait3A_115 = tpu.memref_slice %arg11[%dma_wait3A_113, %dma_wait3A_114] : memref<10240x128xf32, #tpu.memory_space<vmem_shared>> -> memref<128x128xf32, #tpu.memory_space<vmem_shared>>
          %dma_wait3A_116 = arith.constant 0 : i32
          %dma_wait3A_117 = arith.constant 0 : i32
          %dma_wait3A_118 = tpu.memref_slice %arg11[%dma_wait3A_116, %dma_wait3A_117] : memref<10240x128xf32, #tpu.memory_space<vmem_shared>> -> memref<128x128xf32, #tpu.memory_space<vmem_shared>>
          tpu.wait_dma2 semaphore(%arg14 : memref<!tpu.dma_semaphore, #tpu.memory_space<semaphore_mem>>) src(%arg9 : memref<128x128xf32, #tpu.memory_space<vmem>>) dst(%dma_wait3A_118 : memref<128x128xf32, #tpu.memory_space<vmem_shared>>)
          %add3A_119 = arith.constant 2 : i32
          %add3A_120 = arith.addi %mul3A_70, %add3A_119 : i32
          %dma_start3A_121 = arith.constant 0 : i32
          %dma_start3A_122 = tpu.memref_slice %arg7[%add3A_120, %dma_start3A_121] : memref<40x128xi32, #tpu.memory_space<vmem>> -> memref<1x128xi32, #tpu.memory_space<vmem>>
          %dma_start3A_123 = tpu.memref_squeeze %dma_start3A_122 : memref<1x128xi32, #tpu.memory_space<vmem>> -> memref<128xi32, #tpu.memory_space<vmem>>
          %dma_start3A_124 = arith.constant 0 : i32
          %dma_start3A_125 = arith.constant 0 : i32
          %dma_start3A_126 = tpu.memref_slice %arg2[%dma_start3A_124, %dma_start3A_125] : memref<10240x128xf32, #tpu.memory_space<hbm>> -> memref<10240x128xf32, #tpu.memory_space<hbm>>
          tpu.enqueue_indirect_dma source(%dma_start3A_126 : memref<10240x128xf32, #tpu.memory_space<hbm>>) target(%arg9 : memref<128x128xf32, #tpu.memory_space<vmem>>) offsets(%dma_start3A_123 : memref<128xi32, #tpu.memory_space<vmem>>) semaphore(%arg12 : memref<!tpu.dma_semaphore, #tpu.memory_space<semaphore_mem>>)
        } else {
        }
        %dma_wait3A_98 = arith.constant 0 : i32
        %dma_wait3A_99 = arith.constant 0 : i32
        %dma_wait3A_100 = tpu.memref_slice %arg5[%dma_wait3A_98, %dma_wait3A_99] : memref<640x128xf32, #tpu.memory_space<hbm>> -> memref<128x128xf32, #tpu.memory_space<hbm>>
        %dma_wait3A_101 = arith.constant 0 : i32
        %dma_wait3A_102 = arith.constant 0 : i32
        %dma_wait3A_103 = tpu.memref_slice %arg5[%dma_wait3A_101, %dma_wait3A_102] : memref<640x128xf32, #tpu.memory_space<hbm>> -> memref<128x128xf32, #tpu.memory_space<hbm>>
        tpu.wait_dma2 semaphore(%arg13 : memref<!tpu.dma_semaphore, #tpu.memory_space<semaphore_mem>>) src(%dma_wait3A_103 : memref<128x128xf32, #tpu.memory_space<hbm>>) dst(%arg10 : memref<128x128xf32, #tpu.memory_space<vmem>>)
        %add3A_104 = arith.constant 1 : i32
        %add3A_105 = arith.addi %mul3A_70, %add3A_104 : i32
        %dma_start3A_106 = arith.constant 0 : i32
        %dma_start3A_107 = tpu.memref_slice %arg8[%add3A_105, %dma_start3A_106] : memref<40x128xi32, #tpu.memory_space<vmem>> -> memref<1x128xi32, #tpu.memory_space<vmem>>
        %dma_start3A_108 = tpu.memref_squeeze %dma_start3A_107 : memref<1x128xi32, #tpu.memory_space<vmem>> -> memref<128xi32, #tpu.memory_space<vmem>>
        %dma_start3A_109 = arith.constant 0 : i32
        %dma_start3A_110 = arith.constant 0 : i32
        %dma_start3A_111 = tpu.memref_slice %arg11[%dma_start3A_109, %dma_start3A_110] : memref<10240x128xf32, #tpu.memory_space<vmem_shared>> -> memref<10240x128xf32, #tpu.memory_space<vmem_shared>>
        tpu.enqueue_indirect_dma source(%arg10 : memref<128x128xf32, #tpu.memory_space<vmem>>) target(%dma_start3A_111 : memref<10240x128xf32, #tpu.memory_space<vmem_shared>>) offsets(%dma_start3A_108 : memref<128xi32, #tpu.memory_space<vmem>>) semaphore(%arg15 : memref<!tpu.dma_semaphore, #tpu.memory_space<semaphore_mem>>) {add = true}
        %scan3A_112 = arith.constant 0 : i32
        scf.yield %scan3A_112 : i32
      }
      %scan3A_20 = arith.constant 20 : i32
      %dma_wait3A = arith.constant 0 : i32
      %dma_wait3A_21 = arith.constant 0 : i32
      %dma_wait3A_22 = tpu.memref_slice %arg11[%dma_wait3A, %dma_wait3A_21] : memref<10240x128xf32, #tpu.memory_space<vmem_shared>> -> memref<128x128xf32, #tpu.memory_space<vmem_shared>>
      %dma_wait3A_23 = arith.constant 0 : i32
      %dma_wait3A_24 = arith.constant 0 : i32
      %dma_wait3A_25 = tpu.memref_slice %arg11[%dma_wait3A_23, %dma_wait3A_24] : memref<10240x128xf32, #tpu.memory_space<vmem_shared>> -> memref<128x128xf32, #tpu.memory_space<vmem_shared>>
      tpu.wait_dma2 semaphore(%arg14 : memref<!tpu.dma_semaphore, #tpu.memory_space<semaphore_mem>>) src(%arg9 : memref<128x128xf32, #tpu.memory_space<vmem>>) dst(%dma_wait3A_25 : memref<128x128xf32, #tpu.memory_space<vmem_shared>>)
      %dma_wait3A_26 = arith.constant 0 : i32
      %dma_wait3A_27 = arith.constant 0 : i32
      %dma_wait3A_28 = tpu.memref_slice %arg11[%dma_wait3A_26, %dma_wait3A_27] : memref<10240x128xf32, #tpu.memory_space<vmem_shared>> -> memref<128x128xf32, #tpu.memory_space<vmem_shared>>
      %dma_wait3A_29 = arith.constant 0 : i32
      %dma_wait3A_30 = arith.constant 0 : i32
      %dma_wait3A_31 = tpu.memref_slice %arg11[%dma_wait3A_29, %dma_wait3A_30] : memref<10240x128xf32, #tpu.memory_space<vmem_shared>> -> memref<128x128xf32, #tpu.memory_space<vmem_shared>>
      tpu.wait_dma2 semaphore(%arg15 : memref<!tpu.dma_semaphore, #tpu.memory_space<semaphore_mem>>) src(%arg10 : memref<128x128xf32, #tpu.memory_space<vmem>>) dst(%dma_wait3A_31 : memref<128x128xf32, #tpu.memory_space<vmem_shared>>)
      %run_scoped3A_32 = arith.constant 0 : i32
      "tpu.region"() ({
        %run_scoped3A_67 = tpu.sem_alloc : memref<!tpu.dma_semaphore, #tpu.memory_space<semaphore_mem>>
        %dma_start3A_68 = arith.constant 40 : i32
        %dma_start3A_69 = arith.constant 0 : i32
        %dma_start3A_70 = tpu.memref_slice %arg4[%run_scoped3A_32, %arg1, %dma_start3A_68, %dma_start3A_69] : memref<2x16x80x128xi32, #tpu.memory_space<hbm>> -> memref<1x1x40x128xi32, #tpu.memory_space<hbm>>
        %dma_start3A_71 = tpu.memref_squeeze %dma_start3A_70 : memref<1x1x40x128xi32, #tpu.memory_space<hbm>> -> memref<40x128xi32, #tpu.memory_space<hbm>>
        %dma_start3A_72 = arith.constant 40 : i32
        %dma_start3A_73 = arith.constant 0 : i32
        %dma_start3A_74 = tpu.memref_slice %arg4[%run_scoped3A_32, %arg1, %dma_start3A_72, %dma_start3A_73] : memref<2x16x80x128xi32, #tpu.memory_space<hbm>> -> memref<1x1x40x128xi32, #tpu.memory_space<hbm>>
        %dma_start3A_75 = tpu.memref_squeeze %dma_start3A_74 : memref<1x1x40x128xi32, #tpu.memory_space<hbm>> -> memref<40x128xi32, #tpu.memory_space<hbm>>
        tpu.enqueue_dma source(%dma_start3A_75 : memref<40x128xi32, #tpu.memory_space<hbm>>) target(%arg7 : memref<40x128xi32, #tpu.memory_space<vmem>>) target_semaphore(%run_scoped3A_67 : memref<!tpu.dma_semaphore, #tpu.memory_space<semaphore_mem>>)
        %dma_wait3A_76 = arith.constant 40 : i32
        %dma_wait3A_77 = arith.constant 0 : i32
        %dma_wait3A_78 = tpu.memref_slice %arg4[%run_scoped3A_32, %arg1, %dma_wait3A_76, %dma_wait3A_77] : memref<2x16x80x128xi32, #tpu.memory_space<hbm>> -> memref<1x1x40x128xi32, #tpu.memory_space<hbm>>
        %dma_wait3A_79 = tpu.memref_squeeze %dma_wait3A_78 : memref<1x1x40x128xi32, #tpu.memory_space<hbm>> -> memref<40x128xi32, #tpu.memory_space<hbm>>
        %dma_wait3A_80 = arith.constant 40 : i32
        %dma_wait3A_81 = arith.constant 0 : i32
        %dma_wait3A_82 = tpu.memref_slice %arg4[%run_scoped3A_32, %arg1, %dma_wait3A_80, %dma_wait3A_81] : memref<2x16x80x128xi32, #tpu.memory_space<hbm>> -> memref<1x1x40x128xi32, #tpu.memory_space<hbm>>
        %dma_wait3A_83 = tpu.memref_squeeze %dma_wait3A_82 : memref<1x1x40x128xi32, #tpu.memory_space<hbm>> -> memref<40x128xi32, #tpu.memory_space<hbm>>
        tpu.wait_dma2 semaphore(%run_scoped3A_67 : memref<!tpu.dma_semaphore, #tpu.memory_space<semaphore_mem>>) src(%dma_wait3A_83 : memref<40x128xi32, #tpu.memory_space<hbm>>) dst(%arg7 : memref<40x128xi32, #tpu.memory_space<vmem>>)
        tpu.yield
      }) : () -> ()
      %run_scoped3A_33 = arith.constant 1 : i32
      "tpu.region"() ({
        %run_scoped3A_67 = tpu.sem_alloc : memref<!tpu.dma_semaphore, #tpu.memory_space<semaphore_mem>>
        %dma_start3A_68 = arith.constant 40 : i32
        %dma_start3A_69 = arith.constant 0 : i32
        %dma_start3A_70 = tpu.memref_slice %arg4[%run_scoped3A_33, %arg1, %dma_start3A_68, %dma_start3A_69] : memref<2x16x80x128xi32, #tpu.memory_space<hbm>> -> memref<1x1x40x128xi32, #tpu.memory_space<hbm>>
        %dma_start3A_71 = tpu.memref_squeeze %dma_start3A_70 : memref<1x1x40x128xi32, #tpu.memory_space<hbm>> -> memref<40x128xi32, #tpu.memory_space<hbm>>
        %dma_start3A_72 = arith.constant 40 : i32
        %dma_start3A_73 = arith.constant 0 : i32
        %dma_start3A_74 = tpu.memref_slice %arg4[%run_scoped3A_33, %arg1, %dma_start3A_72, %dma_start3A_73] : memref<2x16x80x128xi32, #tpu.memory_space<hbm>> -> memref<1x1x40x128xi32, #tpu.memory_space<hbm>>
        %dma_start3A_75 = tpu.memref_squeeze %dma_start3A_74 : memref<1x1x40x128xi32, #tpu.memory_space<hbm>> -> memref<40x128xi32, #tpu.memory_space<hbm>>
        tpu.enqueue_dma source(%dma_start3A_75 : memref<40x128xi32, #tpu.memory_space<hbm>>) target(%arg8 : memref<40x128xi32, #tpu.memory_space<vmem>>) target_semaphore(%run_scoped3A_67 : memref<!tpu.dma_semaphore, #tpu.memory_space<semaphore_mem>>)
        %dma_wait3A_76 = arith.constant 40 : i32
        %dma_wait3A_77 = arith.constant 0 : i32
        %dma_wait3A_78 = tpu.memref_slice %arg4[%run_scoped3A_33, %arg1, %dma_wait3A_76, %dma_wait3A_77] : memref<2x16x80x128xi32, #tpu.memory_space<hbm>> -> memref<1x1x40x128xi32, #tpu.memory_space<hbm>>
        %dma_wait3A_79 = tpu.memref_squeeze %dma_wait3A_78 : memref<1x1x40x128xi32, #tpu.memory_space<hbm>> -> memref<40x128xi32, #tpu.memory_space<hbm>>
        %dma_wait3A_80 = arith.constant 40 : i32
        %dma_wait3A_81 = arith.constant 0 : i32
        %dma_wait3A_82 = tpu.memref_slice %arg4[%run_scoped3A_33, %arg1, %dma_wait3A_80, %dma_wait3A_81] : memref<2x16x80x128xi32, #tpu.memory_space<hbm>> -> memref<1x1x40x128xi32, #tpu.memory_space<hbm>>
        %dma_wait3A_83 = tpu.memref_squeeze %dma_wait3A_82 : memref<1x1x40x128xi32, #tpu.memory_space<hbm>> -> memref<40x128xi32, #tpu.memory_space<hbm>>
        tpu.wait_dma2 semaphore(%run_scoped3A_67 : memref<!tpu.dma_semaphore, #tpu.memory_space<semaphore_mem>>) src(%dma_wait3A_83 : memref<40x128xi32, #tpu.memory_space<hbm>>) dst(%arg8 : memref<40x128xi32, #tpu.memory_space<vmem>>)
        tpu.yield
      }) : () -> ()
      %dma_start3A_34 = arith.constant 0 : i32
      %dma_start3A_35 = arith.constant 0 : i32
      %dma_start3A_36 = tpu.memref_slice %arg7[%dma_start3A_34, %dma_start3A_35] : memref<40x128xi32, #tpu.memory_space<vmem>> -> memref<1x128xi32, #tpu.memory_space<vmem>>
      %dma_start3A_37 = tpu.memref_squeeze %dma_start3A_36 : memref<1x128xi32, #tpu.memory_space<vmem>> -> memref<128xi32, #tpu.memory_space<vmem>>
      %dma_start3A_38 = arith.constant 0 : i32
      %dma_start3A_39 = arith.constant 0 : i32
      %dma_start3A_40 = tpu.memref_slice %arg2[%dma_start3A_38, %dma_start3A_39] : memref<10240x128xf32, #tpu.memory_space<hbm>> -> memref<10240x128xf32, #tpu.memory_space<hbm>>
      tpu.enqueue_indirect_dma source(%dma_start3A_40 : memref<10240x128xf32, #tpu.memory_space<hbm>>) target(%arg9 : memref<128x128xf32, #tpu.memory_space<vmem>>) offsets(%dma_start3A_37 : memref<128xi32, #tpu.memory_space<vmem>>) semaphore(%arg12 : memref<!tpu.dma_semaphore, #tpu.memory_space<semaphore_mem>>)
      %scan3A_41 = arith.constant 0 : i32
      %scan3A_42 = arith.constant 0 : i32
      %scan3A_43 = arith.constant 20 : i32
      %scan3A_44 = arith.addi %scan3A_42, %scan3A_43 : i32
      %scan3A_45 = arith.constant 1 : i32
      %scan3A_46 = scf.for %scan3A_67 = %scan3A_42 to %scan3A_44 step %scan3A_45 iter_args(%scan3A_68 = %scan3A_41) -> (i32)  : i32 {
        %mul3A_69 = arith.constant 2 : i32
        %mul3A_70 = arith.muli %mul3A_69, %scan3A_67 : i32
        %ge3A = arith.constant 1 : i32
        %ge3A_71 = arith.cmpi sge, %scan3A_67, %ge3A : i32
        %convert_element_type3A_72 = arith.extui %ge3A_71 : i1 to i32
        %cond3A_73 = arith.constant 0 : i32
        %cond3A_74 = arith.cmpi ne, %convert_element_type3A_72, %cond3A_73 : i32
        scf.if %cond3A_74 {
          %dma_wait3A_113 = arith.constant 0 : i32
          %dma_wait3A_114 = arith.constant 0 : i32
          %dma_wait3A_115 = tpu.memref_slice %arg11[%dma_wait3A_113, %dma_wait3A_114] : memref<10240x128xf32, #tpu.memory_space<vmem_shared>> -> memref<128x128xf32, #tpu.memory_space<vmem_shared>>
          %dma_wait3A_116 = arith.constant 0 : i32
          %dma_wait3A_117 = arith.constant 0 : i32
          %dma_wait3A_118 = tpu.memref_slice %arg11[%dma_wait3A_116, %dma_wait3A_117] : memref<10240x128xf32, #tpu.memory_space<vmem_shared>> -> memref<128x128xf32, #tpu.memory_space<vmem_shared>>
          tpu.wait_dma2 semaphore(%arg15 : memref<!tpu.dma_semaphore, #tpu.memory_space<semaphore_mem>>) src(%arg10 : memref<128x128xf32, #tpu.memory_space<vmem>>) dst(%dma_wait3A_118 : memref<128x128xf32, #tpu.memory_space<vmem_shared>>)
        } else {
        }
        %add3A = arith.constant 1 : i32
        %add3A_75 = arith.addi %mul3A_70, %add3A : i32
        %dma_start3A_76 = arith.constant 0 : i32
        %dma_start3A_77 = tpu.memref_slice %arg7[%add3A_75, %dma_start3A_76] : memref<40x128xi32, #tpu.memory_space<vmem>> -> memref<1x128xi32, #tpu.memory_space<vmem>>
        %dma_start3A_78 = tpu.memref_squeeze %dma_start3A_77 : memref<1x128xi32, #tpu.memory_space<vmem>> -> memref<128xi32, #tpu.memory_space<vmem>>
        %dma_start3A_79 = arith.constant 0 : i32
        %dma_start3A_80 = arith.constant 0 : i32
        %dma_start3A_81 = tpu.memref_slice %arg2[%dma_start3A_79, %dma_start3A_80] : memref<10240x128xf32, #tpu.memory_space<hbm>> -> memref<10240x128xf32, #tpu.memory_space<hbm>>
        tpu.enqueue_indirect_dma source(%dma_start3A_81 : memref<10240x128xf32, #tpu.memory_space<hbm>>) target(%arg10 : memref<128x128xf32, #tpu.memory_space<vmem>>) offsets(%dma_start3A_78 : memref<128xi32, #tpu.memory_space<vmem>>) semaphore(%arg13 : memref<!tpu.dma_semaphore, #tpu.memory_space<semaphore_mem>>)
        %dma_wait3A_82 = arith.constant 0 : i32
        %dma_wait3A_83 = arith.constant 0 : i32
        %dma_wait3A_84 = tpu.memref_slice %arg5[%dma_wait3A_82, %dma_wait3A_83] : memref<640x128xf32, #tpu.memory_space<hbm>> -> memref<128x128xf32, #tpu.memory_space<hbm>>
        %dma_wait3A_85 = arith.constant 0 : i32
        %dma_wait3A_86 = arith.constant 0 : i32
        %dma_wait3A_87 = tpu.memref_slice %arg5[%dma_wait3A_85, %dma_wait3A_86] : memref<640x128xf32, #tpu.memory_space<hbm>> -> memref<128x128xf32, #tpu.memory_space<hbm>>
        tpu.wait_dma2 semaphore(%arg12 : memref<!tpu.dma_semaphore, #tpu.memory_space<semaphore_mem>>) src(%dma_wait3A_87 : memref<128x128xf32, #tpu.memory_space<hbm>>) dst(%arg9 : memref<128x128xf32, #tpu.memory_space<vmem>>)
        %dma_start3A_88 = arith.constant 0 : i32
        %dma_start3A_89 = tpu.memref_slice %arg8[%mul3A_70, %dma_start3A_88] : memref<40x128xi32, #tpu.memory_space<vmem>> -> memref<1x128xi32, #tpu.memory_space<vmem>>
        %dma_start3A_90 = tpu.memref_squeeze %dma_start3A_89 : memref<1x128xi32, #tpu.memory_space<vmem>> -> memref<128xi32, #tpu.memory_space<vmem>>
        %dma_start3A_91 = arith.constant 0 : i32
        %dma_start3A_92 = arith.constant 0 : i32
        %dma_start3A_93 = tpu.memref_slice %arg11[%dma_start3A_91, %dma_start3A_92] : memref<10240x128xf32, #tpu.memory_space<vmem_shared>> -> memref<10240x128xf32, #tpu.memory_space<vmem_shared>>
        tpu.enqueue_indirect_dma source(%arg9 : memref<128x128xf32, #tpu.memory_space<vmem>>) target(%dma_start3A_93 : memref<10240x128xf32, #tpu.memory_space<vmem_shared>>) offsets(%dma_start3A_90 : memref<128xi32, #tpu.memory_space<vmem>>) semaphore(%arg14 : memref<!tpu.dma_semaphore, #tpu.memory_space<semaphore_mem>>) {add = true}
        %lt3A = arith.constant 19 : i32
        %lt3A_94 = arith.cmpi slt, %scan3A_67, %lt3A : i32
        %convert_element_type3A_95 = arith.extui %lt3A_94 : i1 to i32
        %cond3A_96 = arith.constant 0 : i32
        %cond3A_97 = arith.cmpi ne, %convert_element_type3A_95, %cond3A_96 : i32
        scf.if %cond3A_97 {
          %dma_wait3A_113 = arith.constant 0 : i32
          %dma_wait3A_114 = arith.constant 0 : i32
          %dma_wait3A_115 = tpu.memref_slice %arg11[%dma_wait3A_113, %dma_wait3A_114] : memref<10240x128xf32, #tpu.memory_space<vmem_shared>> -> memref<128x128xf32, #tpu.memory_space<vmem_shared>>
          %dma_wait3A_116 = arith.constant 0 : i32
          %dma_wait3A_117 = arith.constant 0 : i32
          %dma_wait3A_118 = tpu.memref_slice %arg11[%dma_wait3A_116, %dma_wait3A_117] : memref<10240x128xf32, #tpu.memory_space<vmem_shared>> -> memref<128x128xf32, #tpu.memory_space<vmem_shared>>
          tpu.wait_dma2 semaphore(%arg14 : memref<!tpu.dma_semaphore, #tpu.memory_space<semaphore_mem>>) src(%arg9 : memref<128x128xf32, #tpu.memory_space<vmem>>) dst(%dma_wait3A_118 : memref<128x128xf32, #tpu.memory_space<vmem_shared>>)
          %add3A_119 = arith.constant 2 : i32
          %add3A_120 = arith.addi %mul3A_70, %add3A_119 : i32
          %dma_start3A_121 = arith.constant 0 : i32
          %dma_start3A_122 = tpu.memref_slice %arg7[%add3A_120, %dma_start3A_121] : memref<40x128xi32, #tpu.memory_space<vmem>> -> memref<1x128xi32, #tpu.memory_space<vmem>>
          %dma_start3A_123 = tpu.memref_squeeze %dma_start3A_122 : memref<1x128xi32, #tpu.memory_space<vmem>> -> memref<128xi32, #tpu.memory_space<vmem>>
          %dma_start3A_124 = arith.constant 0 : i32
          %dma_start3A_125 = arith.constant 0 : i32
          %dma_start3A_126 = tpu.memref_slice %arg2[%dma_start3A_124, %dma_start3A_125] : memref<10240x128xf32, #tpu.memory_space<hbm>> -> memref<10240x128xf32, #tpu.memory_space<hbm>>
          tpu.enqueue_indirect_dma source(%dma_start3A_126 : memref<10240x128xf32, #tpu.memory_space<hbm>>) target(%arg9 : memref<128x128xf32, #tpu.memory_space<vmem>>) offsets(%dma_start3A_123 : memref<128xi32, #tpu.memory_space<vmem>>) semaphore(%arg12 : memref<!tpu.dma_semaphore, #tpu.memory_space<semaphore_mem>>)
        } else {
        }
        %dma_wait3A_98 = arith.constant 0 : i32
        %dma_wait3A_99 = arith.constant 0 : i32
        %dma_wait3A_100 = tpu.memref_slice %arg5[%dma_wait3A_98, %dma_wait3A_99] : memref<640x128xf32, #tpu.memory_space<hbm>> -> memref<128x128xf32, #tpu.memory_space<hbm>>
        %dma_wait3A_101 = arith.constant 0 : i32
        %dma_wait3A_102 = arith.constant 0 : i32
        %dma_wait3A_103 = tpu.memref_slice %arg5[%dma_wait3A_101, %dma_wait3A_102] : memref<640x128xf32, #tpu.memory_space<hbm>> -> memref<128x128xf32, #tpu.memory_space<hbm>>
        tpu.wait_dma2 semaphore(%arg13 : memref<!tpu.dma_semaphore, #tpu.memory_space<semaphore_mem>>) src(%dma_wait3A_103 : memref<128x128xf32, #tpu.memory_space<hbm>>) dst(%arg10 : memref<128x128xf32, #tpu.memory_space<vmem>>)
        %add3A_104 = arith.constant 1 : i32
        %add3A_105 = arith.addi %mul3A_70, %add3A_104 : i32
        %dma_start3A_106 = arith.constant 0 : i32
        %dma_start3A_107 = tpu.memref_slice %arg8[%add3A_105, %dma_start3A_106] : memref<40x128xi32, #tpu.memory_space<vmem>> -> memref<1x128xi32, #tpu.memory_space<vmem>>
        %dma_start3A_108 = tpu.memref_squeeze %dma_start3A_107 : memref<1x128xi32, #tpu.memory_space<vmem>> -> memref<128xi32, #tpu.memory_space<vmem>>
        %dma_start3A_109 = arith.constant 0 : i32
        %dma_start3A_110 = arith.constant 0 : i32
        %dma_start3A_111 = tpu.memref_slice %arg11[%dma_start3A_109, %dma_start3A_110] : memref<10240x128xf32, #tpu.memory_space<vmem_shared>> -> memref<10240x128xf32, #tpu.memory_space<vmem_shared>>
        tpu.enqueue_indirect_dma source(%arg10 : memref<128x128xf32, #tpu.memory_space<vmem>>) target(%dma_start3A_111 : memref<10240x128xf32, #tpu.memory_space<vmem_shared>>) offsets(%dma_start3A_108 : memref<128xi32, #tpu.memory_space<vmem>>) semaphore(%arg15 : memref<!tpu.dma_semaphore, #tpu.memory_space<semaphore_mem>>) {add = true}
        %scan3A_112 = arith.constant 0 : i32
        scf.yield %scan3A_112 : i32
      }
      %scan3A_47 = arith.constant 20 : i32
      %dma_wait3A_48 = arith.constant 0 : i32
      %dma_wait3A_49 = arith.constant 0 : i32
      %dma_wait3A_50 = tpu.memref_slice %arg11[%dma_wait3A_48, %dma_wait3A_49] : memref<10240x128xf32, #tpu.memory_space<vmem_shared>> -> memref<128x128xf32, #tpu.memory_space<vmem_shared>>
      %dma_wait3A_51 = arith.constant 0 : i32
      %dma_wait3A_52 = arith.constant 0 : i32
      %dma_wait3A_53 = tpu.memref_slice %arg11[%dma_wait3A_51, %dma_wait3A_52] : memref<10240x128xf32, #tpu.memory_space<vmem_shared>> -> memref<128x128xf32, #tpu.memory_space<vmem_shared>>
      tpu.wait_dma2 semaphore(%arg14 : memref<!tpu.dma_semaphore, #tpu.memory_space<semaphore_mem>>) src(%arg9 : memref<128x128xf32, #tpu.memory_space<vmem>>) dst(%dma_wait3A_53 : memref<128x128xf32, #tpu.memory_space<vmem_shared>>)
      %dma_wait3A_54 = arith.constant 0 : i32
      %dma_wait3A_55 = arith.constant 0 : i32
      %dma_wait3A_56 = tpu.memref_slice %arg11[%dma_wait3A_54, %dma_wait3A_55] : memref<10240x128xf32, #tpu.memory_space<vmem_shared>> -> memref<128x128xf32, #tpu.memory_space<vmem_shared>>
      %dma_wait3A_57 = arith.constant 0 : i32
      %dma_wait3A_58 = arith.constant 0 : i32
      %dma_wait3A_59 = tpu.memref_slice %arg11[%dma_wait3A_57, %dma_wait3A_58] : memref<10240x128xf32, #tpu.memory_space<vmem_shared>> -> memref<128x128xf32, #tpu.memory_space<vmem_shared>>
      tpu.wait_dma2 semaphore(%arg15 : memref<!tpu.dma_semaphore, #tpu.memory_space<semaphore_mem>>) src(%arg10 : memref<128x128xf32, #tpu.memory_space<vmem>>) dst(%dma_wait3A_59 : memref<128x128xf32, #tpu.memory_space<vmem_shared>>)
      %barrier3A_60 = arith.constant 0 : index
      tpu.barrier barrier_id(%barrier3A_60)
      %mul3A_61 = arith.constant 640 : i32
      %mul3A_62 = arith.muli %arg1, %mul3A_61 : i32
      %mul3A_63 = arith.constant 640 : i32
      %mul3A_64 = arith.muli %arg1, %mul3A_63 : i32
      %run_scoped3A_65 = arith.constant 0 : i32
      "tpu.region"() ({
        %run_scoped3A_67 = tpu.sem_alloc : memref<!tpu.dma_semaphore, #tpu.memory_space<semaphore_mem>>
        %dma_start3A_68 = arith.constant 0 : i32
        %dma_start3A_69 = tpu.memref_slice %arg6[%run_scoped3A_65, %mul3A_64, %dma_start3A_68] : memref<2x10240x128xf32, #tpu.memory_space<hbm>> -> memref<1x640x128xf32, #tpu.memory_space<hbm>>
        %dma_start3A_70 = tpu.memref_squeeze %dma_start3A_69 : memref<1x640x128xf32, #tpu.memory_space<hbm>> -> memref<640x128xf32, #tpu.memory_space<hbm>>
        %dma_start3A_71 = arith.constant 0 : i32
        %dma_start3A_72 = tpu.memref_slice %arg11[%mul3A_62, %dma_start3A_71] : memref<10240x128xf32, #tpu.memory_space<vmem_shared>> -> memref<640x128xf32, #tpu.memory_space<vmem_shared>>
        tpu.enqueue_dma source(%dma_start3A_72 : memref<640x128xf32, #tpu.memory_space<vmem_shared>>) target(%dma_start3A_70 : memref<640x128xf32, #tpu.memory_space<hbm>>) target_semaphore(%run_scoped3A_67 : memref<!tpu.dma_semaphore, #tpu.memory_space<semaphore_mem>>)
        %dma_wait3A_73 = arith.constant 0 : i32
        %dma_wait3A_74 = tpu.memref_slice %arg6[%run_scoped3A_65, %mul3A_64, %dma_wait3A_73] : memref<2x10240x128xf32, #tpu.memory_space<hbm>> -> memref<1x640x128xf32, #tpu.memory_space<hbm>>
        %dma_wait3A_75 = tpu.memref_squeeze %dma_wait3A_74 : memref<1x640x128xf32, #tpu.memory_space<hbm>> -> memref<640x128xf32, #tpu.memory_space<hbm>>
        %dma_wait3A_76 = arith.constant 0 : i32
        %dma_wait3A_77 = tpu.memref_slice %arg11[%mul3A_62, %dma_wait3A_76] : memref<10240x128xf32, #tpu.memory_space<vmem_shared>> -> memref<640x128xf32, #tpu.memory_space<vmem_shared>>
        tpu.wait_dma2 semaphore(%run_scoped3A_67 : memref<!tpu.dma_semaphore, #tpu.memory_space<semaphore_mem>>) src(%dma_wait3A_77 : memref<640x128xf32, #tpu.memory_space<vmem_shared>>) dst(%dma_wait3A_75 : memref<640x128xf32, #tpu.memory_space<hbm>>)
        tpu.yield
      }) : () -> ()
      %barrier3A_66 = arith.constant 0 : index
      tpu.barrier barrier_id(%barrier3A_66)
    } else {
    }
    %eq3A_2 = arith.constant 1 : i32
    %eq3A_3 = arith.cmpi eq, %arg0, %eq3A_2 : i32
    %convert_element_type3A_4 = arith.extui %eq3A_3 : i1 to i32
    %cond3A_5 = arith.constant 0 : i32
    %cond3A_6 = arith.cmpi ne, %convert_element_type3A_4, %cond3A_5 : i32
    scf.if %cond3A_6 {
      %mul3A = arith.constant 640 : i32
      %mul3A_7 = arith.muli %arg1, %mul3A : i32
      "tpu.region"() ({
        %run_scoped3A_67 = tpu.sem_alloc : memref<!tpu.dma_semaphore, #tpu.memory_space<semaphore_mem>>
        %dma_start3A_68 = arith.constant 0 : i32
        %dma_start3A_69 = tpu.memref_slice %arg11[%mul3A_7, %dma_start3A_68] : memref<10240x128xf32, #tpu.memory_space<vmem_shared>> -> memref<640x128xf32, #tpu.memory_space<vmem_shared>>
        tpu.enqueue_dma source(%arg5 : memref<640x128xf32, #tpu.memory_space<hbm>>) target(%dma_start3A_69 : memref<640x128xf32, #tpu.memory_space<vmem_shared>>) target_semaphore(%run_scoped3A_67 : memref<!tpu.dma_semaphore, #tpu.memory_space<semaphore_mem>>)
        %dma_wait3A_70 = arith.constant 0 : i32
        %dma_wait3A_71 = tpu.memref_slice %arg11[%mul3A_7, %dma_wait3A_70] : memref<10240x128xf32, #tpu.memory_space<vmem_shared>> -> memref<640x128xf32, #tpu.memory_space<vmem_shared>>
        tpu.wait_dma2 semaphore(%run_scoped3A_67 : memref<!tpu.dma_semaphore, #tpu.memory_space<semaphore_mem>>) src(%arg5 : memref<640x128xf32, #tpu.memory_space<hbm>>) dst(%dma_wait3A_71 : memref<640x128xf32, #tpu.memory_space<vmem_shared>>)
        tpu.yield
      }) : () -> ()
      %barrier3A = arith.constant 0 : index
      tpu.barrier barrier_id(%barrier3A)
      %run_scoped3A = arith.constant 0 : i32
      "tpu.region"() ({
        %run_scoped3A_67 = tpu.sem_alloc : memref<!tpu.dma_semaphore, #tpu.memory_space<semaphore_mem>>
        %dma_start3A_68 = arith.constant 0 : i32
        %dma_start3A_69 = arith.constant 0 : i32
        %dma_start3A_70 = tpu.memref_slice %arg4[%run_scoped3A, %arg1, %dma_start3A_68, %dma_start3A_69] : memref<2x16x80x128xi32, #tpu.memory_space<hbm>> -> memref<1x1x40x128xi32, #tpu.memory_space<hbm>>
        %dma_start3A_71 = tpu.memref_squeeze %dma_start3A_70 : memref<1x1x40x128xi32, #tpu.memory_space<hbm>> -> memref<40x128xi32, #tpu.memory_space<hbm>>
        %dma_start3A_72 = arith.constant 0 : i32
        %dma_start3A_73 = arith.constant 0 : i32
        %dma_start3A_74 = tpu.memref_slice %arg4[%run_scoped3A, %arg1, %dma_start3A_72, %dma_start3A_73] : memref<2x16x80x128xi32, #tpu.memory_space<hbm>> -> memref<1x1x40x128xi32, #tpu.memory_space<hbm>>
        %dma_start3A_75 = tpu.memref_squeeze %dma_start3A_74 : memref<1x1x40x128xi32, #tpu.memory_space<hbm>> -> memref<40x128xi32, #tpu.memory_space<hbm>>
        tpu.enqueue_dma source(%dma_start3A_75 : memref<40x128xi32, #tpu.memory_space<hbm>>) target(%arg7 : memref<40x128xi32, #tpu.memory_space<vmem>>) target_semaphore(%run_scoped3A_67 : memref<!tpu.dma_semaphore, #tpu.memory_space<semaphore_mem>>)
        %dma_wait3A_76 = arith.constant 0 : i32
        %dma_wait3A_77 = arith.constant 0 : i32
        %dma_wait3A_78 = tpu.memref_slice %arg4[%run_scoped3A, %arg1, %dma_wait3A_76, %dma_wait3A_77] : memref<2x16x80x128xi32, #tpu.memory_space<hbm>> -> memref<1x1x40x128xi32, #tpu.memory_space<hbm>>
        %dma_wait3A_79 = tpu.memref_squeeze %dma_wait3A_78 : memref<1x1x40x128xi32, #tpu.memory_space<hbm>> -> memref<40x128xi32, #tpu.memory_space<hbm>>
        %dma_wait3A_80 = arith.constant 0 : i32
        %dma_wait3A_81 = arith.constant 0 : i32
        %dma_wait3A_82 = tpu.memref_slice %arg4[%run_scoped3A, %arg1, %dma_wait3A_80, %dma_wait3A_81] : memref<2x16x80x128xi32, #tpu.memory_space<hbm>> -> memref<1x1x40x128xi32, #tpu.memory_space<hbm>>
        %dma_wait3A_83 = tpu.memref_squeeze %dma_wait3A_82 : memref<1x1x40x128xi32, #tpu.memory_space<hbm>> -> memref<40x128xi32, #tpu.memory_space<hbm>>
        tpu.wait_dma2 semaphore(%run_scoped3A_67 : memref<!tpu.dma_semaphore, #tpu.memory_space<semaphore_mem>>) src(%dma_wait3A_83 : memref<40x128xi32, #tpu.memory_space<hbm>>) dst(%arg7 : memref<40x128xi32, #tpu.memory_space<vmem>>)
        tpu.yield
      }) : () -> ()
      %run_scoped3A_8 = arith.constant 1 : i32
      "tpu.region"() ({
        %run_scoped3A_67 = tpu.sem_alloc : memref<!tpu.dma_semaphore, #tpu.memory_space<semaphore_mem>>
        %dma_start3A_68 = arith.constant 0 : i32
        %dma_start3A_69 = arith.constant 0 : i32
        %dma_start3A_70 = tpu.memref_slice %arg4[%run_scoped3A_8, %arg1, %dma_start3A_68, %dma_start3A_69] : memref<2x16x80x128xi32, #tpu.memory_space<hbm>> -> memref<1x1x40x128xi32, #tpu.memory_space<hbm>>
        %dma_start3A_71 = tpu.memref_squeeze %dma_start3A_70 : memref<1x1x40x128xi32, #tpu.memory_space<hbm>> -> memref<40x128xi32, #tpu.memory_space<hbm>>
        %dma_start3A_72 = arith.constant 0 : i32
        %dma_start3A_73 = arith.constant 0 : i32
        %dma_start3A_74 = tpu.memref_slice %arg4[%run_scoped3A_8, %arg1, %dma_start3A_72, %dma_start3A_73] : memref<2x16x80x128xi32, #tpu.memory_space<hbm>> -> memref<1x1x40x128xi32, #tpu.memory_space<hbm>>
        %dma_start3A_75 = tpu.memref_squeeze %dma_start3A_74 : memref<1x1x40x128xi32, #tpu.memory_space<hbm>> -> memref<40x128xi32, #tpu.memory_space<hbm>>
        tpu.enqueue_dma source(%dma_start3A_75 : memref<40x128xi32, #tpu.memory_space<hbm>>) target(%arg8 : memref<40x128xi32, #tpu.memory_space<vmem>>) target_semaphore(%run_scoped3A_67 : memref<!tpu.dma_semaphore, #tpu.memory_space<semaphore_mem>>)
        %dma_wait3A_76 = arith.constant 0 : i32
        %dma_wait3A_77 = arith.constant 0 : i32
        %dma_wait3A_78 = tpu.memref_slice %arg4[%run_scoped3A_8, %arg1, %dma_wait3A_76, %dma_wait3A_77] : memref<2x16x80x128xi32, #tpu.memory_space<hbm>> -> memref<1x1x40x128xi32, #tpu.memory_space<hbm>>
        %dma_wait3A_79 = tpu.memref_squeeze %dma_wait3A_78 : memref<1x1x40x128xi32, #tpu.memory_space<hbm>> -> memref<40x128xi32, #tpu.memory_space<hbm>>
        %dma_wait3A_80 = arith.constant 0 : i32
        %dma_wait3A_81 = arith.constant 0 : i32
        %dma_wait3A_82 = tpu.memref_slice %arg4[%run_scoped3A_8, %arg1, %dma_wait3A_80, %dma_wait3A_81] : memref<2x16x80x128xi32, #tpu.memory_space<hbm>> -> memref<1x1x40x128xi32, #tpu.memory_space<hbm>>
        %dma_wait3A_83 = tpu.memref_squeeze %dma_wait3A_82 : memref<1x1x40x128xi32, #tpu.memory_space<hbm>> -> memref<40x128xi32, #tpu.memory_space<hbm>>
        tpu.wait_dma2 semaphore(%run_scoped3A_67 : memref<!tpu.dma_semaphore, #tpu.memory_space<semaphore_mem>>) src(%dma_wait3A_83 : memref<40x128xi32, #tpu.memory_space<hbm>>) dst(%arg8 : memref<40x128xi32, #tpu.memory_space<vmem>>)
        tpu.yield
      }) : () -> ()
      %dma_start3A = arith.constant 0 : i32
      %dma_start3A_9 = arith.constant 0 : i32
      %dma_start3A_10 = tpu.memref_slice %arg7[%dma_start3A, %dma_start3A_9] : memref<40x128xi32, #tpu.memory_space<vmem>> -> memref<1x128xi32, #tpu.memory_space<vmem>>
      %dma_start3A_11 = tpu.memref_squeeze %dma_start3A_10 : memref<1x128xi32, #tpu.memory_space<vmem>> -> memref<128xi32, #tpu.memory_space<vmem>>
      %dma_start3A_12 = arith.constant 0 : i32
      %dma_start3A_13 = arith.constant 0 : i32
      %dma_start3A_14 = tpu.memref_slice %arg3[%dma_start3A_12, %dma_start3A_13] : memref<10240x128xf32, #tpu.memory_space<hbm>> -> memref<10240x128xf32, #tpu.memory_space<hbm>>
      tpu.enqueue_indirect_dma source(%dma_start3A_14 : memref<10240x128xf32, #tpu.memory_space<hbm>>) target(%arg9 : memref<128x128xf32, #tpu.memory_space<vmem>>) offsets(%dma_start3A_11 : memref<128xi32, #tpu.memory_space<vmem>>) semaphore(%arg12 : memref<!tpu.dma_semaphore, #tpu.memory_space<semaphore_mem>>)
      %scan3A = arith.constant 0 : i32
      %scan3A_15 = arith.constant 0 : i32
      %scan3A_16 = arith.constant 20 : i32
      %scan3A_17 = arith.addi %scan3A_15, %scan3A_16 : i32
      %scan3A_18 = arith.constant 1 : i32
      %scan3A_19 = scf.for %scan3A_67 = %scan3A_15 to %scan3A_17 step %scan3A_18 iter_args(%scan3A_68 = %scan3A) -> (i32)  : i32 {
        %mul3A_69 = arith.constant 2 : i32
        %mul3A_70 = arith.muli %mul3A_69, %scan3A_67 : i32
        %ge3A = arith.constant 1 : i32
        %ge3A_71 = arith.cmpi sge, %scan3A_67, %ge3A : i32
        %convert_element_type3A_72 = arith.extui %ge3A_71 : i1 to i32
        %cond3A_73 = arith.constant 0 : i32
        %cond3A_74 = arith.cmpi ne, %convert_element_type3A_72, %cond3A_73 : i32
        scf.if %cond3A_74 {
          %dma_wait3A_113 = arith.constant 0 : i32
          %dma_wait3A_114 = arith.constant 0 : i32
          %dma_wait3A_115 = tpu.memref_slice %arg11[%dma_wait3A_113, %dma_wait3A_114] : memref<10240x128xf32, #tpu.memory_space<vmem_shared>> -> memref<128x128xf32, #tpu.memory_space<vmem_shared>>
          %dma_wait3A_116 = arith.constant 0 : i32
          %dma_wait3A_117 = arith.constant 0 : i32
          %dma_wait3A_118 = tpu.memref_slice %arg11[%dma_wait3A_116, %dma_wait3A_117] : memref<10240x128xf32, #tpu.memory_space<vmem_shared>> -> memref<128x128xf32, #tpu.memory_space<vmem_shared>>
          tpu.wait_dma2 semaphore(%arg15 : memref<!tpu.dma_semaphore, #tpu.memory_space<semaphore_mem>>) src(%arg10 : memref<128x128xf32, #tpu.memory_space<vmem>>) dst(%dma_wait3A_118 : memref<128x128xf32, #tpu.memory_space<vmem_shared>>)
        } else {
        }
        %add3A = arith.constant 1 : i32
        %add3A_75 = arith.addi %mul3A_70, %add3A : i32
        %dma_start3A_76 = arith.constant 0 : i32
        %dma_start3A_77 = tpu.memref_slice %arg7[%add3A_75, %dma_start3A_76] : memref<40x128xi32, #tpu.memory_space<vmem>> -> memref<1x128xi32, #tpu.memory_space<vmem>>
        %dma_start3A_78 = tpu.memref_squeeze %dma_start3A_77 : memref<1x128xi32, #tpu.memory_space<vmem>> -> memref<128xi32, #tpu.memory_space<vmem>>
        %dma_start3A_79 = arith.constant 0 : i32
        %dma_start3A_80 = arith.constant 0 : i32
        %dma_start3A_81 = tpu.memref_slice %arg3[%dma_start3A_79, %dma_start3A_80] : memref<10240x128xf32, #tpu.memory_space<hbm>> -> memref<10240x128xf32, #tpu.memory_space<hbm>>
        tpu.enqueue_indirect_dma source(%dma_start3A_81 : memref<10240x128xf32, #tpu.memory_space<hbm>>) target(%arg10 : memref<128x128xf32, #tpu.memory_space<vmem>>) offsets(%dma_start3A_78 : memref<128xi32, #tpu.memory_space<vmem>>) semaphore(%arg13 : memref<!tpu.dma_semaphore, #tpu.memory_space<semaphore_mem>>)
        %dma_wait3A_82 = arith.constant 0 : i32
        %dma_wait3A_83 = arith.constant 0 : i32
        %dma_wait3A_84 = tpu.memref_slice %arg5[%dma_wait3A_82, %dma_wait3A_83] : memref<640x128xf32, #tpu.memory_space<hbm>> -> memref<128x128xf32, #tpu.memory_space<hbm>>
        %dma_wait3A_85 = arith.constant 0 : i32
        %dma_wait3A_86 = arith.constant 0 : i32
        %dma_wait3A_87 = tpu.memref_slice %arg5[%dma_wait3A_85, %dma_wait3A_86] : memref<640x128xf32, #tpu.memory_space<hbm>> -> memref<128x128xf32, #tpu.memory_space<hbm>>
        tpu.wait_dma2 semaphore(%arg12 : memref<!tpu.dma_semaphore, #tpu.memory_space<semaphore_mem>>) src(%dma_wait3A_87 : memref<128x128xf32, #tpu.memory_space<hbm>>) dst(%arg9 : memref<128x128xf32, #tpu.memory_space<vmem>>)
        %dma_start3A_88 = arith.constant 0 : i32
        %dma_start3A_89 = tpu.memref_slice %arg8[%mul3A_70, %dma_start3A_88] : memref<40x128xi32, #tpu.memory_space<vmem>> -> memref<1x128xi32, #tpu.memory_space<vmem>>
        %dma_start3A_90 = tpu.memref_squeeze %dma_start3A_89 : memref<1x128xi32, #tpu.memory_space<vmem>> -> memref<128xi32, #tpu.memory_space<vmem>>
        %dma_start3A_91 = arith.constant 0 : i32
        %dma_start3A_92 = arith.constant 0 : i32
        %dma_start3A_93 = tpu.memref_slice %arg11[%dma_start3A_91, %dma_start3A_92] : memref<10240x128xf32, #tpu.memory_space<vmem_shared>> -> memref<10240x128xf32, #tpu.memory_space<vmem_shared>>
        tpu.enqueue_indirect_dma source(%arg9 : memref<128x128xf32, #tpu.memory_space<vmem>>) target(%dma_start3A_93 : memref<10240x128xf32, #tpu.memory_space<vmem_shared>>) offsets(%dma_start3A_90 : memref<128xi32, #tpu.memory_space<vmem>>) semaphore(%arg14 : memref<!tpu.dma_semaphore, #tpu.memory_space<semaphore_mem>>) {add = true}
        %lt3A = arith.constant 19 : i32
        %lt3A_94 = arith.cmpi slt, %scan3A_67, %lt3A : i32
        %convert_element_type3A_95 = arith.extui %lt3A_94 : i1 to i32
        %cond3A_96 = arith.constant 0 : i32
        %cond3A_97 = arith.cmpi ne, %convert_element_type3A_95, %cond3A_96 : i32
        scf.if %cond3A_97 {
          %dma_wait3A_113 = arith.constant 0 : i32
          %dma_wait3A_114 = arith.constant 0 : i32
          %dma_wait3A_115 = tpu.memref_slice %arg11[%dma_wait3A_113, %dma_wait3A_114] : memref<10240x128xf32, #tpu.memory_space<vmem_shared>> -> memref<128x128xf32, #tpu.memory_space<vmem_shared>>
          %dma_wait3A_116 = arith.constant 0 : i32
          %dma_wait3A_117 = arith.constant 0 : i32
          %dma_wait3A_118 = tpu.memref_slice %arg11[%dma_wait3A_116, %dma_wait3A_117] : memref<10240x128xf32, #tpu.memory_space<vmem_shared>> -> memref<128x128xf32, #tpu.memory_space<vmem_shared>>
          tpu.wait_dma2 semaphore(%arg14 : memref<!tpu.dma_semaphore, #tpu.memory_space<semaphore_mem>>) src(%arg9 : memref<128x128xf32, #tpu.memory_space<vmem>>) dst(%dma_wait3A_118 : memref<128x128xf32, #tpu.memory_space<vmem_shared>>)
          %add3A_119 = arith.constant 2 : i32
          %add3A_120 = arith.addi %mul3A_70, %add3A_119 : i32
          %dma_start3A_121 = arith.constant 0 : i32
          %dma_start3A_122 = tpu.memref_slice %arg7[%add3A_120, %dma_start3A_121] : memref<40x128xi32, #tpu.memory_space<vmem>> -> memref<1x128xi32, #tpu.memory_space<vmem>>
          %dma_start3A_123 = tpu.memref_squeeze %dma_start3A_122 : memref<1x128xi32, #tpu.memory_space<vmem>> -> memref<128xi32, #tpu.memory_space<vmem>>
          %dma_start3A_124 = arith.constant 0 : i32
          %dma_start3A_125 = arith.constant 0 : i32
          %dma_start3A_126 = tpu.memref_slice %arg3[%dma_start3A_124, %dma_start3A_125] : memref<10240x128xf32, #tpu.memory_space<hbm>> -> memref<10240x128xf32, #tpu.memory_space<hbm>>
          tpu.enqueue_indirect_dma source(%dma_start3A_126 : memref<10240x128xf32, #tpu.memory_space<hbm>>) target(%arg9 : memref<128x128xf32, #tpu.memory_space<vmem>>) offsets(%dma_start3A_123 : memref<128xi32, #tpu.memory_space<vmem>>) semaphore(%arg12 : memref<!tpu.dma_semaphore, #tpu.memory_space<semaphore_mem>>)
        } else {
        }
        %dma_wait3A_98 = arith.constant 0 : i32
        %dma_wait3A_99 = arith.constant 0 : i32
        %dma_wait3A_100 = tpu.memref_slice %arg5[%dma_wait3A_98, %dma_wait3A_99] : memref<640x128xf32, #tpu.memory_space<hbm>> -> memref<128x128xf32, #tpu.memory_space<hbm>>
        %dma_wait3A_101 = arith.constant 0 : i32
        %dma_wait3A_102 = arith.constant 0 : i32
        %dma_wait3A_103 = tpu.memref_slice %arg5[%dma_wait3A_101, %dma_wait3A_102] : memref<640x128xf32, #tpu.memory_space<hbm>> -> memref<128x128xf32, #tpu.memory_space<hbm>>
        tpu.wait_dma2 semaphore(%arg13 : memref<!tpu.dma_semaphore, #tpu.memory_space<semaphore_mem>>) src(%dma_wait3A_103 : memref<128x128xf32, #tpu.memory_space<hbm>>) dst(%arg10 : memref<128x128xf32, #tpu.memory_space<vmem>>)
        %add3A_104 = arith.constant 1 : i32
        %add3A_105 = arith.addi %mul3A_70, %add3A_104 : i32
        %dma_start3A_106 = arith.constant 0 : i32
        %dma_start3A_107 = tpu.memref_slice %arg8[%add3A_105, %dma_start3A_106] : memref<40x128xi32, #tpu.memory_space<vmem>> -> memref<1x128xi32, #tpu.memory_space<vmem>>
        %dma_start3A_108 = tpu.memref_squeeze %dma_start3A_107 : memref<1x128xi32, #tpu.memory_space<vmem>> -> memref<128xi32, #tpu.memory_space<vmem>>
        %dma_start3A_109 = arith.constant 0 : i32
        %dma_start3A_110 = arith.constant 0 : i32
        %dma_start3A_111 = tpu.memref_slice %arg11[%dma_start3A_109, %dma_start3A_110] : memref<10240x128xf32, #tpu.memory_space<vmem_shared>> -> memref<10240x128xf32, #tpu.memory_space<vmem_shared>>
        tpu.enqueue_indirect_dma source(%arg10 : memref<128x128xf32, #tpu.memory_space<vmem>>) target(%dma_start3A_111 : memref<10240x128xf32, #tpu.memory_space<vmem_shared>>) offsets(%dma_start3A_108 : memref<128xi32, #tpu.memory_space<vmem>>) semaphore(%arg15 : memref<!tpu.dma_semaphore, #tpu.memory_space<semaphore_mem>>) {add = true}
        %scan3A_112 = arith.constant 0 : i32
        scf.yield %scan3A_112 : i32
      }
      %scan3A_20 = arith.constant 20 : i32
      %dma_wait3A = arith.constant 0 : i32
      %dma_wait3A_21 = arith.constant 0 : i32
      %dma_wait3A_22 = tpu.memref_slice %arg11[%dma_wait3A, %dma_wait3A_21] : memref<10240x128xf32, #tpu.memory_space<vmem_shared>> -> memref<128x128xf32, #tpu.memory_space<vmem_shared>>
      %dma_wait3A_23 = arith.constant 0 : i32
      %dma_wait3A_24 = arith.constant 0 : i32
      %dma_wait3A_25 = tpu.memref_slice %arg11[%dma_wait3A_23, %dma_wait3A_24] : memref<10240x128xf32, #tpu.memory_space<vmem_shared>> -> memref<128x128xf32, #tpu.memory_space<vmem_shared>>
      tpu.wait_dma2 semaphore(%arg14 : memref<!tpu.dma_semaphore, #tpu.memory_space<semaphore_mem>>) src(%arg9 : memref<128x128xf32, #tpu.memory_space<vmem>>) dst(%dma_wait3A_25 : memref<128x128xf32, #tpu.memory_space<vmem_shared>>)
      %dma_wait3A_26 = arith.constant 0 : i32
      %dma_wait3A_27 = arith.constant 0 : i32
      %dma_wait3A_28 = tpu.memref_slice %arg11[%dma_wait3A_26, %dma_wait3A_27] : memref<10240x128xf32, #tpu.memory_space<vmem_shared>> -> memref<128x128xf32, #tpu.memory_space<vmem_shared>>
      %dma_wait3A_29 = arith.constant 0 : i32
      %dma_wait3A_30 = arith.constant 0 : i32
      %dma_wait3A_31 = tpu.memref_slice %arg11[%dma_wait3A_29, %dma_wait3A_30] : memref<10240x128xf32, #tpu.memory_space<vmem_shared>> -> memref<128x128xf32, #tpu.memory_space<vmem_shared>>
      tpu.wait_dma2 semaphore(%arg15 : memref<!tpu.dma_semaphore, #tpu.memory_space<semaphore_mem>>) src(%arg10 : memref<128x128xf32, #tpu.memory_space<vmem>>) dst(%dma_wait3A_31 : memref<128x128xf32, #tpu.memory_space<vmem_shared>>)
      %run_scoped3A_32 = arith.constant 0 : i32
      "tpu.region"() ({
        %run_scoped3A_67 = tpu.sem_alloc : memref<!tpu.dma_semaphore, #tpu.memory_space<semaphore_mem>>
        %dma_start3A_68 = arith.constant 40 : i32
        %dma_start3A_69 = arith.constant 0 : i32
        %dma_start3A_70 = tpu.memref_slice %arg4[%run_scoped3A_32, %arg1, %dma_start3A_68, %dma_start3A_69] : memref<2x16x80x128xi32, #tpu.memory_space<hbm>> -> memref<1x1x40x128xi32, #tpu.memory_space<hbm>>
        %dma_start3A_71 = tpu.memref_squeeze %dma_start3A_70 : memref<1x1x40x128xi32, #tpu.memory_space<hbm>> -> memref<40x128xi32, #tpu.memory_space<hbm>>
        %dma_start3A_72 = arith.constant 40 : i32
        %dma_start3A_73 = arith.constant 0 : i32
        %dma_start3A_74 = tpu.memref_slice %arg4[%run_scoped3A_32, %arg1, %dma_start3A_72, %dma_start3A_73] : memref<2x16x80x128xi32, #tpu.memory_space<hbm>> -> memref<1x1x40x128xi32, #tpu.memory_space<hbm>>
        %dma_start3A_75 = tpu.memref_squeeze %dma_start3A_74 : memref<1x1x40x128xi32, #tpu.memory_space<hbm>> -> memref<40x128xi32, #tpu.memory_space<hbm>>
        tpu.enqueue_dma source(%dma_start3A_75 : memref<40x128xi32, #tpu.memory_space<hbm>>) target(%arg7 : memref<40x128xi32, #tpu.memory_space<vmem>>) target_semaphore(%run_scoped3A_67 : memref<!tpu.dma_semaphore, #tpu.memory_space<semaphore_mem>>)
        %dma_wait3A_76 = arith.constant 40 : i32
        %dma_wait3A_77 = arith.constant 0 : i32
        %dma_wait3A_78 = tpu.memref_slice %arg4[%run_scoped3A_32, %arg1, %dma_wait3A_76, %dma_wait3A_77] : memref<2x16x80x128xi32, #tpu.memory_space<hbm>> -> memref<1x1x40x128xi32, #tpu.memory_space<hbm>>
        %dma_wait3A_79 = tpu.memref_squeeze %dma_wait3A_78 : memref<1x1x40x128xi32, #tpu.memory_space<hbm>> -> memref<40x128xi32, #tpu.memory_space<hbm>>
        %dma_wait3A_80 = arith.constant 40 : i32
        %dma_wait3A_81 = arith.constant 0 : i32
        %dma_wait3A_82 = tpu.memref_slice %arg4[%run_scoped3A_32, %arg1, %dma_wait3A_80, %dma_wait3A_81] : memref<2x16x80x128xi32, #tpu.memory_space<hbm>> -> memref<1x1x40x128xi32, #tpu.memory_space<hbm>>
        %dma_wait3A_83 = tpu.memref_squeeze %dma_wait3A_82 : memref<1x1x40x128xi32, #tpu.memory_space<hbm>> -> memref<40x128xi32, #tpu.memory_space<hbm>>
        tpu.wait_dma2 semaphore(%run_scoped3A_67 : memref<!tpu.dma_semaphore, #tpu.memory_space<semaphore_mem>>) src(%dma_wait3A_83 : memref<40x128xi32, #tpu.memory_space<hbm>>) dst(%arg7 : memref<40x128xi32, #tpu.memory_space<vmem>>)
        tpu.yield
      }) : () -> ()
      %run_scoped3A_33 = arith.constant 1 : i32
      "tpu.region"() ({
        %run_scoped3A_67 = tpu.sem_alloc : memref<!tpu.dma_semaphore, #tpu.memory_space<semaphore_mem>>
        %dma_start3A_68 = arith.constant 40 : i32
        %dma_start3A_69 = arith.constant 0 : i32
        %dma_start3A_70 = tpu.memref_slice %arg4[%run_scoped3A_33, %arg1, %dma_start3A_68, %dma_start3A_69] : memref<2x16x80x128xi32, #tpu.memory_space<hbm>> -> memref<1x1x40x128xi32, #tpu.memory_space<hbm>>
        %dma_start3A_71 = tpu.memref_squeeze %dma_start3A_70 : memref<1x1x40x128xi32, #tpu.memory_space<hbm>> -> memref<40x128xi32, #tpu.memory_space<hbm>>
        %dma_start3A_72 = arith.constant 40 : i32
        %dma_start3A_73 = arith.constant 0 : i32
        %dma_start3A_74 = tpu.memref_slice %arg4[%run_scoped3A_33, %arg1, %dma_start3A_72, %dma_start3A_73] : memref<2x16x80x128xi32, #tpu.memory_space<hbm>> -> memref<1x1x40x128xi32, #tpu.memory_space<hbm>>
        %dma_start3A_75 = tpu.memref_squeeze %dma_start3A_74 : memref<1x1x40x128xi32, #tpu.memory_space<hbm>> -> memref<40x128xi32, #tpu.memory_space<hbm>>
        tpu.enqueue_dma source(%dma_start3A_75 : memref<40x128xi32, #tpu.memory_space<hbm>>) target(%arg8 : memref<40x128xi32, #tpu.memory_space<vmem>>) target_semaphore(%run_scoped3A_67 : memref<!tpu.dma_semaphore, #tpu.memory_space<semaphore_mem>>)
        %dma_wait3A_76 = arith.constant 40 : i32
        %dma_wait3A_77 = arith.constant 0 : i32
        %dma_wait3A_78 = tpu.memref_slice %arg4[%run_scoped3A_33, %arg1, %dma_wait3A_76, %dma_wait3A_77] : memref<2x16x80x128xi32, #tpu.memory_space<hbm>> -> memref<1x1x40x128xi32, #tpu.memory_space<hbm>>
        %dma_wait3A_79 = tpu.memref_squeeze %dma_wait3A_78 : memref<1x1x40x128xi32, #tpu.memory_space<hbm>> -> memref<40x128xi32, #tpu.memory_space<hbm>>
        %dma_wait3A_80 = arith.constant 40 : i32
        %dma_wait3A_81 = arith.constant 0 : i32
        %dma_wait3A_82 = tpu.memref_slice %arg4[%run_scoped3A_33, %arg1, %dma_wait3A_80, %dma_wait3A_81] : memref<2x16x80x128xi32, #tpu.memory_space<hbm>> -> memref<1x1x40x128xi32, #tpu.memory_space<hbm>>
        %dma_wait3A_83 = tpu.memref_squeeze %dma_wait3A_82 : memref<1x1x40x128xi32, #tpu.memory_space<hbm>> -> memref<40x128xi32, #tpu.memory_space<hbm>>
        tpu.wait_dma2 semaphore(%run_scoped3A_67 : memref<!tpu.dma_semaphore, #tpu.memory_space<semaphore_mem>>) src(%dma_wait3A_83 : memref<40x128xi32, #tpu.memory_space<hbm>>) dst(%arg8 : memref<40x128xi32, #tpu.memory_space<vmem>>)
        tpu.yield
      }) : () -> ()
      %dma_start3A_34 = arith.constant 0 : i32
      %dma_start3A_35 = arith.constant 0 : i32
      %dma_start3A_36 = tpu.memref_slice %arg7[%dma_start3A_34, %dma_start3A_35] : memref<40x128xi32, #tpu.memory_space<vmem>> -> memref<1x128xi32, #tpu.memory_space<vmem>>
      %dma_start3A_37 = tpu.memref_squeeze %dma_start3A_36 : memref<1x128xi32, #tpu.memory_space<vmem>> -> memref<128xi32, #tpu.memory_space<vmem>>
      %dma_start3A_38 = arith.constant 0 : i32
      %dma_start3A_39 = arith.constant 0 : i32
      %dma_start3A_40 = tpu.memref_slice %arg3[%dma_start3A_38, %dma_start3A_39] : memref<10240x128xf32, #tpu.memory_space<hbm>> -> memref<10240x128xf32, #tpu.memory_space<hbm>>
      tpu.enqueue_indirect_dma source(%dma_start3A_40 : memref<10240x128xf32, #tpu.memory_space<hbm>>) target(%arg9 : memref<128x128xf32, #tpu.memory_space<vmem>>) offsets(%dma_start3A_37 : memref<128xi32, #tpu.memory_space<vmem>>) semaphore(%arg12 : memref<!tpu.dma_semaphore, #tpu.memory_space<semaphore_mem>>)
      %scan3A_41 = arith.constant 0 : i32
      %scan3A_42 = arith.constant 0 : i32
      %scan3A_43 = arith.constant 20 : i32
      %scan3A_44 = arith.addi %scan3A_42, %scan3A_43 : i32
      %scan3A_45 = arith.constant 1 : i32
      %scan3A_46 = scf.for %scan3A_67 = %scan3A_42 to %scan3A_44 step %scan3A_45 iter_args(%scan3A_68 = %scan3A_41) -> (i32)  : i32 {
        %mul3A_69 = arith.constant 2 : i32
        %mul3A_70 = arith.muli %mul3A_69, %scan3A_67 : i32
        %ge3A = arith.constant 1 : i32
        %ge3A_71 = arith.cmpi sge, %scan3A_67, %ge3A : i32
        %convert_element_type3A_72 = arith.extui %ge3A_71 : i1 to i32
        %cond3A_73 = arith.constant 0 : i32
        %cond3A_74 = arith.cmpi ne, %convert_element_type3A_72, %cond3A_73 : i32
        scf.if %cond3A_74 {
          %dma_wait3A_113 = arith.constant 0 : i32
          %dma_wait3A_114 = arith.constant 0 : i32
          %dma_wait3A_115 = tpu.memref_slice %arg11[%dma_wait3A_113, %dma_wait3A_114] : memref<10240x128xf32, #tpu.memory_space<vmem_shared>> -> memref<128x128xf32, #tpu.memory_space<vmem_shared>>
          %dma_wait3A_116 = arith.constant 0 : i32
          %dma_wait3A_117 = arith.constant 0 : i32
          %dma_wait3A_118 = tpu.memref_slice %arg11[%dma_wait3A_116, %dma_wait3A_117] : memref<10240x128xf32, #tpu.memory_space<vmem_shared>> -> memref<128x128xf32, #tpu.memory_space<vmem_shared>>
          tpu.wait_dma2 semaphore(%arg15 : memref<!tpu.dma_semaphore, #tpu.memory_space<semaphore_mem>>) src(%arg10 : memref<128x128xf32, #tpu.memory_space<vmem>>) dst(%dma_wait3A_118 : memref<128x128xf32, #tpu.memory_space<vmem_shared>>)
        } else {
        }
        %add3A = arith.constant 1 : i32
        %add3A_75 = arith.addi %mul3A_70, %add3A : i32
        %dma_start3A_76 = arith.constant 0 : i32
        %dma_start3A_77 = tpu.memref_slice %arg7[%add3A_75, %dma_start3A_76] : memref<40x128xi32, #tpu.memory_space<vmem>> -> memref<1x128xi32, #tpu.memory_space<vmem>>
        %dma_start3A_78 = tpu.memref_squeeze %dma_start3A_77 : memref<1x128xi32, #tpu.memory_space<vmem>> -> memref<128xi32, #tpu.memory_space<vmem>>
        %dma_start3A_79 = arith.constant 0 : i32
        %dma_start3A_80 = arith.constant 0 : i32
        %dma_start3A_81 = tpu.memref_slice %arg3[%dma_start3A_79, %dma_start3A_80] : memref<10240x128xf32, #tpu.memory_space<hbm>> -> memref<10240x128xf32, #tpu.memory_space<hbm>>
        tpu.enqueue_indirect_dma source(%dma_start3A_81 : memref<10240x128xf32, #tpu.memory_space<hbm>>) target(%arg10 : memref<128x128xf32, #tpu.memory_space<vmem>>) offsets(%dma_start3A_78 : memref<128xi32, #tpu.memory_space<vmem>>) semaphore(%arg13 : memref<!tpu.dma_semaphore, #tpu.memory_space<semaphore_mem>>)
        %dma_wait3A_82 = arith.constant 0 : i32
        %dma_wait3A_83 = arith.constant 0 : i32
        %dma_wait3A_84 = tpu.memref_slice %arg5[%dma_wait3A_82, %dma_wait3A_83] : memref<640x128xf32, #tpu.memory_space<hbm>> -> memref<128x128xf32, #tpu.memory_space<hbm>>
        %dma_wait3A_85 = arith.constant 0 : i32
        %dma_wait3A_86 = arith.constant 0 : i32
        %dma_wait3A_87 = tpu.memref_slice %arg5[%dma_wait3A_85, %dma_wait3A_86] : memref<640x128xf32, #tpu.memory_space<hbm>> -> memref<128x128xf32, #tpu.memory_space<hbm>>
        tpu.wait_dma2 semaphore(%arg12 : memref<!tpu.dma_semaphore, #tpu.memory_space<semaphore_mem>>) src(%dma_wait3A_87 : memref<128x128xf32, #tpu.memory_space<hbm>>) dst(%arg9 : memref<128x128xf32, #tpu.memory_space<vmem>>)
        %dma_start3A_88 = arith.constant 0 : i32
        %dma_start3A_89 = tpu.memref_slice %arg8[%mul3A_70, %dma_start3A_88] : memref<40x128xi32, #tpu.memory_space<vmem>> -> memref<1x128xi32, #tpu.memory_space<vmem>>
        %dma_start3A_90 = tpu.memref_squeeze %dma_start3A_89 : memref<1x128xi32, #tpu.memory_space<vmem>> -> memref<128xi32, #tpu.memory_space<vmem>>
        %dma_start3A_91 = arith.constant 0 : i32
        %dma_start3A_92 = arith.constant 0 : i32
        %dma_start3A_93 = tpu.memref_slice %arg11[%dma_start3A_91, %dma_start3A_92] : memref<10240x128xf32, #tpu.memory_space<vmem_shared>> -> memref<10240x128xf32, #tpu.memory_space<vmem_shared>>
        tpu.enqueue_indirect_dma source(%arg9 : memref<128x128xf32, #tpu.memory_space<vmem>>) target(%dma_start3A_93 : memref<10240x128xf32, #tpu.memory_space<vmem_shared>>) offsets(%dma_start3A_90 : memref<128xi32, #tpu.memory_space<vmem>>) semaphore(%arg14 : memref<!tpu.dma_semaphore, #tpu.memory_space<semaphore_mem>>) {add = true}
        %lt3A = arith.constant 19 : i32
        %lt3A_94 = arith.cmpi slt, %scan3A_67, %lt3A : i32
        %convert_element_type3A_95 = arith.extui %lt3A_94 : i1 to i32
        %cond3A_96 = arith.constant 0 : i32
        %cond3A_97 = arith.cmpi ne, %convert_element_type3A_95, %cond3A_96 : i32
        scf.if %cond3A_97 {
          %dma_wait3A_113 = arith.constant 0 : i32
          %dma_wait3A_114 = arith.constant 0 : i32
          %dma_wait3A_115 = tpu.memref_slice %arg11[%dma_wait3A_113, %dma_wait3A_114] : memref<10240x128xf32, #tpu.memory_space<vmem_shared>> -> memref<128x128xf32, #tpu.memory_space<vmem_shared>>
          %dma_wait3A_116 = arith.constant 0 : i32
          %dma_wait3A_117 = arith.constant 0 : i32
          %dma_wait3A_118 = tpu.memref_slice %arg11[%dma_wait3A_116, %dma_wait3A_117] : memref<10240x128xf32, #tpu.memory_space<vmem_shared>> -> memref<128x128xf32, #tpu.memory_space<vmem_shared>>
          tpu.wait_dma2 semaphore(%arg14 : memref<!tpu.dma_semaphore, #tpu.memory_space<semaphore_mem>>) src(%arg9 : memref<128x128xf32, #tpu.memory_space<vmem>>) dst(%dma_wait3A_118 : memref<128x128xf32, #tpu.memory_space<vmem_shared>>)
          %add3A_119 = arith.constant 2 : i32
          %add3A_120 = arith.addi %mul3A_70, %add3A_119 : i32
          %dma_start3A_121 = arith.constant 0 : i32
          %dma_start3A_122 = tpu.memref_slice %arg7[%add3A_120, %dma_start3A_121] : memref<40x128xi32, #tpu.memory_space<vmem>> -> memref<1x128xi32, #tpu.memory_space<vmem>>
          %dma_start3A_123 = tpu.memref_squeeze %dma_start3A_122 : memref<1x128xi32, #tpu.memory_space<vmem>> -> memref<128xi32, #tpu.memory_space<vmem>>
          %dma_start3A_124 = arith.constant 0 : i32
          %dma_start3A_125 = arith.constant 0 : i32
          %dma_start3A_126 = tpu.memref_slice %arg3[%dma_start3A_124, %dma_start3A_125] : memref<10240x128xf32, #tpu.memory_space<hbm>> -> memref<10240x128xf32, #tpu.memory_space<hbm>>
          tpu.enqueue_indirect_dma source(%dma_start3A_126 : memref<10240x128xf32, #tpu.memory_space<hbm>>) target(%arg9 : memref<128x128xf32, #tpu.memory_space<vmem>>) offsets(%dma_start3A_123 : memref<128xi32, #tpu.memory_space<vmem>>) semaphore(%arg12 : memref<!tpu.dma_semaphore, #tpu.memory_space<semaphore_mem>>)
        } else {
        }
        %dma_wait3A_98 = arith.constant 0 : i32
        %dma_wait3A_99 = arith.constant 0 : i32
        %dma_wait3A_100 = tpu.memref_slice %arg5[%dma_wait3A_98, %dma_wait3A_99] : memref<640x128xf32, #tpu.memory_space<hbm>> -> memref<128x128xf32, #tpu.memory_space<hbm>>
        %dma_wait3A_101 = arith.constant 0 : i32
        %dma_wait3A_102 = arith.constant 0 : i32
        %dma_wait3A_103 = tpu.memref_slice %arg5[%dma_wait3A_101, %dma_wait3A_102] : memref<640x128xf32, #tpu.memory_space<hbm>> -> memref<128x128xf32, #tpu.memory_space<hbm>>
        tpu.wait_dma2 semaphore(%arg13 : memref<!tpu.dma_semaphore, #tpu.memory_space<semaphore_mem>>) src(%dma_wait3A_103 : memref<128x128xf32, #tpu.memory_space<hbm>>) dst(%arg10 : memref<128x128xf32, #tpu.memory_space<vmem>>)
        %add3A_104 = arith.constant 1 : i32
        %add3A_105 = arith.addi %mul3A_70, %add3A_104 : i32
        %dma_start3A_106 = arith.constant 0 : i32
        %dma_start3A_107 = tpu.memref_slice %arg8[%add3A_105, %dma_start3A_106] : memref<40x128xi32, #tpu.memory_space<vmem>> -> memref<1x128xi32, #tpu.memory_space<vmem>>
        %dma_start3A_108 = tpu.memref_squeeze %dma_start3A_107 : memref<1x128xi32, #tpu.memory_space<vmem>> -> memref<128xi32, #tpu.memory_space<vmem>>
        %dma_start3A_109 = arith.constant 0 : i32
        %dma_start3A_110 = arith.constant 0 : i32
        %dma_start3A_111 = tpu.memref_slice %arg11[%dma_start3A_109, %dma_start3A_110] : memref<10240x128xf32, #tpu.memory_space<vmem_shared>> -> memref<10240x128xf32, #tpu.memory_space<vmem_shared>>
        tpu.enqueue_indirect_dma source(%arg10 : memref<128x128xf32, #tpu.memory_space<vmem>>) target(%dma_start3A_111 : memref<10240x128xf32, #tpu.memory_space<vmem_shared>>) offsets(%dma_start3A_108 : memref<128xi32, #tpu.memory_space<vmem>>) semaphore(%arg15 : memref<!tpu.dma_semaphore, #tpu.memory_space<semaphore_mem>>) {add = true}
        %scan3A_112 = arith.constant 0 : i32
        scf.yield %scan3A_112 : i32
      }
      %scan3A_47 = arith.constant 20 : i32
      %dma_wait3A_48 = arith.constant 0 : i32
      %dma_wait3A_49 = arith.constant 0 : i32
      %dma_wait3A_50 = tpu.memref_slice %arg11[%dma_wait3A_48, %dma_wait3A_49] : memref<10240x128xf32, #tpu.memory_space<vmem_shared>> -> memref<128x128xf32, #tpu.memory_space<vmem_shared>>
      %dma_wait3A_51 = arith.constant 0 : i32
      %dma_wait3A_52 = arith.constant 0 : i32
      %dma_wait3A_53 = tpu.memref_slice %arg11[%dma_wait3A_51, %dma_wait3A_52] : memref<10240x128xf32, #tpu.memory_space<vmem_shared>> -> memref<128x128xf32, #tpu.memory_space<vmem_shared>>
      tpu.wait_dma2 semaphore(%arg14 : memref<!tpu.dma_semaphore, #tpu.memory_space<semaphore_mem>>) src(%arg9 : memref<128x128xf32, #tpu.memory_space<vmem>>) dst(%dma_wait3A_53 : memref<128x128xf32, #tpu.memory_space<vmem_shared>>)
      %dma_wait3A_54 = arith.constant 0 : i32
      %dma_wait3A_55 = arith.constant 0 : i32
      %dma_wait3A_56 = tpu.memref_slice %arg11[%dma_wait3A_54, %dma_wait3A_55] : memref<10240x128xf32, #tpu.memory_space<vmem_shared>> -> memref<128x128xf32, #tpu.memory_space<vmem_shared>>
      %dma_wait3A_57 = arith.constant 0 : i32
      %dma_wait3A_58 = arith.constant 0 : i32
      %dma_wait3A_59 = tpu.memref_slice %arg11[%dma_wait3A_57, %dma_wait3A_58] : memref<10240x128xf32, #tpu.memory_space<vmem_shared>> -> memref<128x128xf32, #tpu.memory_space<vmem_shared>>
      tpu.wait_dma2 semaphore(%arg15 : memref<!tpu.dma_semaphore, #tpu.memory_space<semaphore_mem>>) src(%arg10 : memref<128x128xf32, #tpu.memory_space<vmem>>) dst(%dma_wait3A_59 : memref<128x128xf32, #tpu.memory_space<vmem_shared>>)
      %barrier3A_60 = arith.constant 0 : index
      tpu.barrier barrier_id(%barrier3A_60)
      %mul3A_61 = arith.constant 640 : i32
      %mul3A_62 = arith.muli %arg1, %mul3A_61 : i32
      %mul3A_63 = arith.constant 640 : i32
      %mul3A_64 = arith.muli %arg1, %mul3A_63 : i32
      %run_scoped3A_65 = arith.constant 1 : i32
      "tpu.region"() ({
        %run_scoped3A_67 = tpu.sem_alloc : memref<!tpu.dma_semaphore, #tpu.memory_space<semaphore_mem>>
        %dma_start3A_68 = arith.constant 0 : i32
        %dma_start3A_69 = tpu.memref_slice %arg6[%run_scoped3A_65, %mul3A_64, %dma_start3A_68] : memref<2x10240x128xf32, #tpu.memory_space<hbm>> -> memref<1x640x128xf32, #tpu.memory_space<hbm>>
        %dma_start3A_70 = tpu.memref_squeeze %dma_start3A_69 : memref<1x640x128xf32, #tpu.memory_space<hbm>> -> memref<640x128xf32, #tpu.memory_space<hbm>>
        %dma_start3A_71 = arith.constant 0 : i32
        %dma_start3A_72 = tpu.memref_slice %arg11[%mul3A_62, %dma_start3A_71] : memref<10240x128xf32, #tpu.memory_space<vmem_shared>> -> memref<640x128xf32, #tpu.memory_space<vmem_shared>>
        tpu.enqueue_dma source(%dma_start3A_72 : memref<640x128xf32, #tpu.memory_space<vmem_shared>>) target(%dma_start3A_70 : memref<640x128xf32, #tpu.memory_space<hbm>>) target_semaphore(%run_scoped3A_67 : memref<!tpu.dma_semaphore, #tpu.memory_space<semaphore_mem>>)
        %dma_wait3A_73 = arith.constant 0 : i32
        %dma_wait3A_74 = tpu.memref_slice %arg6[%run_scoped3A_65, %mul3A_64, %dma_wait3A_73] : memref<2x10240x128xf32, #tpu.memory_space<hbm>> -> memref<1x640x128xf32, #tpu.memory_space<hbm>>
        %dma_wait3A_75 = tpu.memref_squeeze %dma_wait3A_74 : memref<1x640x128xf32, #tpu.memory_space<hbm>> -> memref<640x128xf32, #tpu.memory_space<hbm>>
        %dma_wait3A_76 = arith.constant 0 : i32
        %dma_wait3A_77 = tpu.memref_slice %arg11[%mul3A_62, %dma_wait3A_76] : memref<10240x128xf32, #tpu.memory_space<vmem_shared>> -> memref<640x128xf32, #tpu.memory_space<vmem_shared>>
        tpu.wait_dma2 semaphore(%run_scoped3A_67 : memref<!tpu.dma_semaphore, #tpu.memory_space<semaphore_mem>>) src(%dma_wait3A_77 : memref<640x128xf32, #tpu.memory_space<vmem_shared>>) dst(%dma_wait3A_75 : memref<640x128xf32, #tpu.memory_space<hbm>>)
        tpu.yield
      }) : () -> ()
      %barrier3A_66 = arith.constant 0 : index
      tpu.barrier barrier_id(%barrier3A_66)
    } else {
    }
    return
  }
}

#map = affine_map<(d0, d1) -> (0, 0)>
#map1 = affine_map<(d0, d1) -> (0, 0, 0, 0)>
#map2 = affine_map<(d0, d1) -> (0, 0, 0)>
module attributes {stable_mosaic.version = 14 : i64} {
  func.func @_prop_body(%arg0: i32, %arg1: i32, %arg2: memref<10240x128xf32, #tpu.memory_space<hbm>>, %arg3: memref<10240x128xf32, #tpu.memory_space<hbm>>, %arg4: memref<10240x128xf32, #tpu.memory_space<hbm>>, %arg5: memref<10240x128xf32, #tpu.memory_space<hbm>>, %arg6: memref<2x16x80x128xi32, #tpu.memory_space<hbm>>, %arg7: memref<640x128xf32, #tpu.memory_space<hbm>>, %arg8: memref<4x10240x128xf32, #tpu.memory_space<hbm>>, %arg9: memref<40x128xi32, #tpu.memory_space<vmem>>, %arg10: memref<40x128xi32, #tpu.memory_space<vmem>>, %arg11: memref<128x128xf32, #tpu.memory_space<vmem>>, %arg12: memref<128x128xf32, #tpu.memory_space<vmem>>, %arg13: memref<10240x128xf32, #tpu.memory_space<vmem_shared>>, %arg14: memref<!tpu.dma_semaphore, #tpu.memory_space<semaphore_mem>>, %arg15: memref<!tpu.dma_semaphore, #tpu.memory_space<semaphore_mem>>, %arg16: memref<!tpu.dma_semaphore, #tpu.memory_space<semaphore_mem>>, %arg17: memref<!tpu.dma_semaphore, #tpu.memory_space<semaphore_mem>>) attributes {dimension_semantics = [#tpu.dimension_semantics<core_parallel>, #tpu.dimension_semantics<subcore_parallel>], iteration_bounds = array<i64: 2, 16>, scalar_prefetch = 0 : i64, scratch_operands = 9 : i64, tpu.core_type = #tpu.core_type<sc_vector_subcore>, window_params = [{transform_indices = #map}, {transform_indices = #map}, {transform_indices = #map}, {transform_indices = #map}, {transform_indices = #map1}, {transform_indices = #map}, {transform_indices = #map2}]} {
    %eq3A = arith.constant 0 : i32
    %eq3A_0 = arith.cmpi eq, %arg0, %eq3A : i32
    %convert_element_type3A = arith.extui %eq3A_0 : i1 to i32
    %cond3A = arith.constant 0 : i32
    %cond3A_1 = arith.cmpi ne, %convert_element_type3A, %cond3A : i32
    scf.if %cond3A_1 {
      %mul3A = arith.constant 640 : i32
      %mul3A_17 = arith.muli %arg1, %mul3A : i32
      "tpu.region"() ({
        %run_scoped3A_77 = tpu.sem_alloc : memref<!tpu.dma_semaphore, #tpu.memory_space<semaphore_mem>>
        %dma_start3A_78 = arith.constant 0 : i32
        %dma_start3A_79 = tpu.memref_slice %arg13[%mul3A_17, %dma_start3A_78] : memref<10240x128xf32, #tpu.memory_space<vmem_shared>> -> memref<640x128xf32, #tpu.memory_space<vmem_shared>>
        tpu.enqueue_dma source(%arg7 : memref<640x128xf32, #tpu.memory_space<hbm>>) target(%dma_start3A_79 : memref<640x128xf32, #tpu.memory_space<vmem_shared>>) target_semaphore(%run_scoped3A_77 : memref<!tpu.dma_semaphore, #tpu.memory_space<semaphore_mem>>)
        %dma_wait3A_80 = arith.constant 0 : i32
        %dma_wait3A_81 = tpu.memref_slice %arg13[%mul3A_17, %dma_wait3A_80] : memref<10240x128xf32, #tpu.memory_space<vmem_shared>> -> memref<640x128xf32, #tpu.memory_space<vmem_shared>>
        tpu.wait_dma2 semaphore(%run_scoped3A_77 : memref<!tpu.dma_semaphore, #tpu.memory_space<semaphore_mem>>) src(%arg7 : memref<640x128xf32, #tpu.memory_space<hbm>>) dst(%dma_wait3A_81 : memref<640x128xf32, #tpu.memory_space<vmem_shared>>)
        tpu.yield
      }) : () -> ()
      %barrier3A = arith.constant 0 : index
      tpu.barrier barrier_id(%barrier3A)
      %run_scoped3A = arith.constant 0 : i32
      "tpu.region"() ({
        %run_scoped3A_77 = tpu.sem_alloc : memref<!tpu.dma_semaphore, #tpu.memory_space<semaphore_mem>>
        %dma_start3A_78 = arith.constant 0 : i32
        %dma_start3A_79 = arith.constant 0 : i32
        %dma_start3A_80 = tpu.memref_slice %arg6[%run_scoped3A, %arg1, %dma_start3A_78, %dma_start3A_79] : memref<2x16x80x128xi32, #tpu.memory_space<hbm>> -> memref<1x1x40x128xi32, #tpu.memory_space<hbm>>
        %dma_start3A_81 = tpu.memref_squeeze %dma_start3A_80 : memref<1x1x40x128xi32, #tpu.memory_space<hbm>> -> memref<40x128xi32, #tpu.memory_space<hbm>>
        %dma_start3A_82 = arith.constant 0 : i32
        %dma_start3A_83 = arith.constant 0 : i32
        %dma_start3A_84 = tpu.memref_slice %arg6[%run_scoped3A, %arg1, %dma_start3A_82, %dma_start3A_83] : memref<2x16x80x128xi32, #tpu.memory_space<hbm>> -> memref<1x1x40x128xi32, #tpu.memory_space<hbm>>
        %dma_start3A_85 = tpu.memref_squeeze %dma_start3A_84 : memref<1x1x40x128xi32, #tpu.memory_space<hbm>> -> memref<40x128xi32, #tpu.memory_space<hbm>>
        tpu.enqueue_dma source(%dma_start3A_85 : memref<40x128xi32, #tpu.memory_space<hbm>>) target(%arg9 : memref<40x128xi32, #tpu.memory_space<vmem>>) target_semaphore(%run_scoped3A_77 : memref<!tpu.dma_semaphore, #tpu.memory_space<semaphore_mem>>)
        %dma_wait3A_86 = arith.constant 0 : i32
        %dma_wait3A_87 = arith.constant 0 : i32
        %dma_wait3A_88 = tpu.memref_slice %arg6[%run_scoped3A, %arg1, %dma_wait3A_86, %dma_wait3A_87] : memref<2x16x80x128xi32, #tpu.memory_space<hbm>> -> memref<1x1x40x128xi32, #tpu.memory_space<hbm>>
        %dma_wait3A_89 = tpu.memref_squeeze %dma_wait3A_88 : memref<1x1x40x128xi32, #tpu.memory_space<hbm>> -> memref<40x128xi32, #tpu.memory_space<hbm>>
        %dma_wait3A_90 = arith.constant 0 : i32
        %dma_wait3A_91 = arith.constant 0 : i32
        %dma_wait3A_92 = tpu.memref_slice %arg6[%run_scoped3A, %arg1, %dma_wait3A_90, %dma_wait3A_91] : memref<2x16x80x128xi32, #tpu.memory_space<hbm>> -> memref<1x1x40x128xi32, #tpu.memory_space<hbm>>
        %dma_wait3A_93 = tpu.memref_squeeze %dma_wait3A_92 : memref<1x1x40x128xi32, #tpu.memory_space<hbm>> -> memref<40x128xi32, #tpu.memory_space<hbm>>
        tpu.wait_dma2 semaphore(%run_scoped3A_77 : memref<!tpu.dma_semaphore, #tpu.memory_space<semaphore_mem>>) src(%dma_wait3A_93 : memref<40x128xi32, #tpu.memory_space<hbm>>) dst(%arg9 : memref<40x128xi32, #tpu.memory_space<vmem>>)
        tpu.yield
      }) : () -> ()
      %run_scoped3A_18 = arith.constant 1 : i32
      "tpu.region"() ({
        %run_scoped3A_77 = tpu.sem_alloc : memref<!tpu.dma_semaphore, #tpu.memory_space<semaphore_mem>>
        %dma_start3A_78 = arith.constant 0 : i32
        %dma_start3A_79 = arith.constant 0 : i32
        %dma_start3A_80 = tpu.memref_slice %arg6[%run_scoped3A_18, %arg1, %dma_start3A_78, %dma_start3A_79] : memref<2x16x80x128xi32, #tpu.memory_space<hbm>> -> memref<1x1x40x128xi32, #tpu.memory_space<hbm>>
        %dma_start3A_81 = tpu.memref_squeeze %dma_start3A_80 : memref<1x1x40x128xi32, #tpu.memory_space<hbm>> -> memref<40x128xi32, #tpu.memory_space<hbm>>
        %dma_start3A_82 = arith.constant 0 : i32
        %dma_start3A_83 = arith.constant 0 : i32
        %dma_start3A_84 = tpu.memref_slice %arg6[%run_scoped3A_18, %arg1, %dma_start3A_82, %dma_start3A_83] : memref<2x16x80x128xi32, #tpu.memory_space<hbm>> -> memref<1x1x40x128xi32, #tpu.memory_space<hbm>>
        %dma_start3A_85 = tpu.memref_squeeze %dma_start3A_84 : memref<1x1x40x128xi32, #tpu.memory_space<hbm>> -> memref<40x128xi32, #tpu.memory_space<hbm>>
        tpu.enqueue_dma source(%dma_start3A_85 : memref<40x128xi32, #tpu.memory_space<hbm>>) target(%arg10 : memref<40x128xi32, #tpu.memory_space<vmem>>) target_semaphore(%run_scoped3A_77 : memref<!tpu.dma_semaphore, #tpu.memory_space<semaphore_mem>>)
        %dma_wait3A_86 = arith.constant 0 : i32
        %dma_wait3A_87 = arith.constant 0 : i32
        %dma_wait3A_88 = tpu.memref_slice %arg6[%run_scoped3A_18, %arg1, %dma_wait3A_86, %dma_wait3A_87] : memref<2x16x80x128xi32, #tpu.memory_space<hbm>> -> memref<1x1x40x128xi32, #tpu.memory_space<hbm>>
        %dma_wait3A_89 = tpu.memref_squeeze %dma_wait3A_88 : memref<1x1x40x128xi32, #tpu.memory_space<hbm>> -> memref<40x128xi32, #tpu.memory_space<hbm>>
        %dma_wait3A_90 = arith.constant 0 : i32
        %dma_wait3A_91 = arith.constant 0 : i32
        %dma_wait3A_92 = tpu.memref_slice %arg6[%run_scoped3A_18, %arg1, %dma_wait3A_90, %dma_wait3A_91] : memref<2x16x80x128xi32, #tpu.memory_space<hbm>> -> memref<1x1x40x128xi32, #tpu.memory_space<hbm>>
        %dma_wait3A_93 = tpu.memref_squeeze %dma_wait3A_92 : memref<1x1x40x128xi32, #tpu.memory_space<hbm>> -> memref<40x128xi32, #tpu.memory_space<hbm>>
        tpu.wait_dma2 semaphore(%run_scoped3A_77 : memref<!tpu.dma_semaphore, #tpu.memory_space<semaphore_mem>>) src(%dma_wait3A_93 : memref<40x128xi32, #tpu.memory_space<hbm>>) dst(%arg10 : memref<40x128xi32, #tpu.memory_space<vmem>>)
        tpu.yield
      }) : () -> ()
      %dma_start3A = arith.constant 0 : i32
      %dma_start3A_19 = arith.constant 0 : i32
      %dma_start3A_20 = tpu.memref_slice %arg9[%dma_start3A, %dma_start3A_19] : memref<40x128xi32, #tpu.memory_space<vmem>> -> memref<1x128xi32, #tpu.memory_space<vmem>>
      %dma_start3A_21 = tpu.memref_squeeze %dma_start3A_20 : memref<1x128xi32, #tpu.memory_space<vmem>> -> memref<128xi32, #tpu.memory_space<vmem>>
      %dma_start3A_22 = arith.constant 0 : i32
      %dma_start3A_23 = arith.constant 0 : i32
      %dma_start3A_24 = tpu.memref_slice %arg2[%dma_start3A_22, %dma_start3A_23] : memref<10240x128xf32, #tpu.memory_space<hbm>> -> memref<10240x128xf32, #tpu.memory_space<hbm>>
      tpu.enqueue_indirect_dma source(%dma_start3A_24 : memref<10240x128xf32, #tpu.memory_space<hbm>>) target(%arg11 : memref<128x128xf32, #tpu.memory_space<vmem>>) offsets(%dma_start3A_21 : memref<128xi32, #tpu.memory_space<vmem>>) semaphore(%arg14 : memref<!tpu.dma_semaphore, #tpu.memory_space<semaphore_mem>>)
      %scan3A = arith.constant 0 : i32
      %scan3A_25 = arith.constant 0 : i32
      %scan3A_26 = arith.constant 20 : i32
      %scan3A_27 = arith.addi %scan3A_25, %scan3A_26 : i32
      %scan3A_28 = arith.constant 1 : i32
      %scan3A_29 = scf.for %scan3A_77 = %scan3A_25 to %scan3A_27 step %scan3A_28 iter_args(%scan3A_78 = %scan3A) -> (i32)  : i32 {
        %mul3A_79 = arith.constant 2 : i32
        %mul3A_80 = arith.muli %mul3A_79, %scan3A_77 : i32
        %ge3A = arith.constant 1 : i32
        %ge3A_81 = arith.cmpi sge, %scan3A_77, %ge3A : i32
        %convert_element_type3A_82 = arith.extui %ge3A_81 : i1 to i32
        %cond3A_83 = arith.constant 0 : i32
        %cond3A_84 = arith.cmpi ne, %convert_element_type3A_82, %cond3A_83 : i32
        scf.if %cond3A_84 {
          %dma_wait3A_123 = arith.constant 0 : i32
          %dma_wait3A_124 = arith.constant 0 : i32
          %dma_wait3A_125 = tpu.memref_slice %arg13[%dma_wait3A_123, %dma_wait3A_124] : memref<10240x128xf32, #tpu.memory_space<vmem_shared>> -> memref<128x128xf32, #tpu.memory_space<vmem_shared>>
          %dma_wait3A_126 = arith.constant 0 : i32
          %dma_wait3A_127 = arith.constant 0 : i32
          %dma_wait3A_128 = tpu.memref_slice %arg13[%dma_wait3A_126, %dma_wait3A_127] : memref<10240x128xf32, #tpu.memory_space<vmem_shared>> -> memref<128x128xf32, #tpu.memory_space<vmem_shared>>
          tpu.wait_dma2 semaphore(%arg17 : memref<!tpu.dma_semaphore, #tpu.memory_space<semaphore_mem>>) src(%arg12 : memref<128x128xf32, #tpu.memory_space<vmem>>) dst(%dma_wait3A_128 : memref<128x128xf32, #tpu.memory_space<vmem_shared>>)
        } else {
        }
        %add3A = arith.constant 1 : i32
        %add3A_85 = arith.addi %mul3A_80, %add3A : i32
        %dma_start3A_86 = arith.constant 0 : i32
        %dma_start3A_87 = tpu.memref_slice %arg9[%add3A_85, %dma_start3A_86] : memref<40x128xi32, #tpu.memory_space<vmem>> -> memref<1x128xi32, #tpu.memory_space<vmem>>
        %dma_start3A_88 = tpu.memref_squeeze %dma_start3A_87 : memref<1x128xi32, #tpu.memory_space<vmem>> -> memref<128xi32, #tpu.memory_space<vmem>>
        %dma_start3A_89 = arith.constant 0 : i32
        %dma_start3A_90 = arith.constant 0 : i32
        %dma_start3A_91 = tpu.memref_slice %arg2[%dma_start3A_89, %dma_start3A_90] : memref<10240x128xf32, #tpu.memory_space<hbm>> -> memref<10240x128xf32, #tpu.memory_space<hbm>>
        tpu.enqueue_indirect_dma source(%dma_start3A_91 : memref<10240x128xf32, #tpu.memory_space<hbm>>) target(%arg12 : memref<128x128xf32, #tpu.memory_space<vmem>>) offsets(%dma_start3A_88 : memref<128xi32, #tpu.memory_space<vmem>>) semaphore(%arg15 : memref<!tpu.dma_semaphore, #tpu.memory_space<semaphore_mem>>)
        %dma_wait3A_92 = arith.constant 0 : i32
        %dma_wait3A_93 = arith.constant 0 : i32
        %dma_wait3A_94 = tpu.memref_slice %arg7[%dma_wait3A_92, %dma_wait3A_93] : memref<640x128xf32, #tpu.memory_space<hbm>> -> memref<128x128xf32, #tpu.memory_space<hbm>>
        %dma_wait3A_95 = arith.constant 0 : i32
        %dma_wait3A_96 = arith.constant 0 : i32
        %dma_wait3A_97 = tpu.memref_slice %arg7[%dma_wait3A_95, %dma_wait3A_96] : memref<640x128xf32, #tpu.memory_space<hbm>> -> memref<128x128xf32, #tpu.memory_space<hbm>>
        tpu.wait_dma2 semaphore(%arg14 : memref<!tpu.dma_semaphore, #tpu.memory_space<semaphore_mem>>) src(%dma_wait3A_97 : memref<128x128xf32, #tpu.memory_space<hbm>>) dst(%arg11 : memref<128x128xf32, #tpu.memory_space<vmem>>)
        %dma_start3A_98 = arith.constant 0 : i32
        %dma_start3A_99 = tpu.memref_slice %arg10[%mul3A_80, %dma_start3A_98] : memref<40x128xi32, #tpu.memory_space<vmem>> -> memref<1x128xi32, #tpu.memory_space<vmem>>
        %dma_start3A_100 = tpu.memref_squeeze %dma_start3A_99 : memref<1x128xi32, #tpu.memory_space<vmem>> -> memref<128xi32, #tpu.memory_space<vmem>>
        %dma_start3A_101 = arith.constant 0 : i32
        %dma_start3A_102 = arith.constant 0 : i32
        %dma_start3A_103 = tpu.memref_slice %arg13[%dma_start3A_101, %dma_start3A_102] : memref<10240x128xf32, #tpu.memory_space<vmem_shared>> -> memref<10240x128xf32, #tpu.memory_space<vmem_shared>>
        tpu.enqueue_indirect_dma source(%arg11 : memref<128x128xf32, #tpu.memory_space<vmem>>) target(%dma_start3A_103 : memref<10240x128xf32, #tpu.memory_space<vmem_shared>>) offsets(%dma_start3A_100 : memref<128xi32, #tpu.memory_space<vmem>>) semaphore(%arg16 : memref<!tpu.dma_semaphore, #tpu.memory_space<semaphore_mem>>) {add = true}
        %lt3A = arith.constant 19 : i32
        %lt3A_104 = arith.cmpi slt, %scan3A_77, %lt3A : i32
        %convert_element_type3A_105 = arith.extui %lt3A_104 : i1 to i32
        %cond3A_106 = arith.constant 0 : i32
        %cond3A_107 = arith.cmpi ne, %convert_element_type3A_105, %cond3A_106 : i32
        scf.if %cond3A_107 {
          %dma_wait3A_123 = arith.constant 0 : i32
          %dma_wait3A_124 = arith.constant 0 : i32
          %dma_wait3A_125 = tpu.memref_slice %arg13[%dma_wait3A_123, %dma_wait3A_124] : memref<10240x128xf32, #tpu.memory_space<vmem_shared>> -> memref<128x128xf32, #tpu.memory_space<vmem_shared>>
          %dma_wait3A_126 = arith.constant 0 : i32
          %dma_wait3A_127 = arith.constant 0 : i32
          %dma_wait3A_128 = tpu.memref_slice %arg13[%dma_wait3A_126, %dma_wait3A_127] : memref<10240x128xf32, #tpu.memory_space<vmem_shared>> -> memref<128x128xf32, #tpu.memory_space<vmem_shared>>
          tpu.wait_dma2 semaphore(%arg16 : memref<!tpu.dma_semaphore, #tpu.memory_space<semaphore_mem>>) src(%arg11 : memref<128x128xf32, #tpu.memory_space<vmem>>) dst(%dma_wait3A_128 : memref<128x128xf32, #tpu.memory_space<vmem_shared>>)
          %add3A_129 = arith.constant 2 : i32
          %add3A_130 = arith.addi %mul3A_80, %add3A_129 : i32
          %dma_start3A_131 = arith.constant 0 : i32
          %dma_start3A_132 = tpu.memref_slice %arg9[%add3A_130, %dma_start3A_131] : memref<40x128xi32, #tpu.memory_space<vmem>> -> memref<1x128xi32, #tpu.memory_space<vmem>>
          %dma_start3A_133 = tpu.memref_squeeze %dma_start3A_132 : memref<1x128xi32, #tpu.memory_space<vmem>> -> memref<128xi32, #tpu.memory_space<vmem>>
          %dma_start3A_134 = arith.constant 0 : i32
          %dma_start3A_135 = arith.constant 0 : i32
          %dma_start3A_136 = tpu.memref_slice %arg2[%dma_start3A_134, %dma_start3A_135] : memref<10240x128xf32, #tpu.memory_space<hbm>> -> memref<10240x128xf32, #tpu.memory_space<hbm>>
          tpu.enqueue_indirect_dma source(%dma_start3A_136 : memref<10240x128xf32, #tpu.memory_space<hbm>>) target(%arg11 : memref<128x128xf32, #tpu.memory_space<vmem>>) offsets(%dma_start3A_133 : memref<128xi32, #tpu.memory_space<vmem>>) semaphore(%arg14 : memref<!tpu.dma_semaphore, #tpu.memory_space<semaphore_mem>>)
        } else {
        }
        %dma_wait3A_108 = arith.constant 0 : i32
        %dma_wait3A_109 = arith.constant 0 : i32
        %dma_wait3A_110 = tpu.memref_slice %arg7[%dma_wait3A_108, %dma_wait3A_109] : memref<640x128xf32, #tpu.memory_space<hbm>> -> memref<128x128xf32, #tpu.memory_space<hbm>>
        %dma_wait3A_111 = arith.constant 0 : i32
        %dma_wait3A_112 = arith.constant 0 : i32
        %dma_wait3A_113 = tpu.memref_slice %arg7[%dma_wait3A_111, %dma_wait3A_112] : memref<640x128xf32, #tpu.memory_space<hbm>> -> memref<128x128xf32, #tpu.memory_space<hbm>>
        tpu.wait_dma2 semaphore(%arg15 : memref<!tpu.dma_semaphore, #tpu.memory_space<semaphore_mem>>) src(%dma_wait3A_113 : memref<128x128xf32, #tpu.memory_space<hbm>>) dst(%arg12 : memref<128x128xf32, #tpu.memory_space<vmem>>)
        %add3A_114 = arith.constant 1 : i32
        %add3A_115 = arith.addi %mul3A_80, %add3A_114 : i32
        %dma_start3A_116 = arith.constant 0 : i32
        %dma_start3A_117 = tpu.memref_slice %arg10[%add3A_115, %dma_start3A_116] : memref<40x128xi32, #tpu.memory_space<vmem>> -> memref<1x128xi32, #tpu.memory_space<vmem>>
        %dma_start3A_118 = tpu.memref_squeeze %dma_start3A_117 : memref<1x128xi32, #tpu.memory_space<vmem>> -> memref<128xi32, #tpu.memory_space<vmem>>
        %dma_start3A_119 = arith.constant 0 : i32
        %dma_start3A_120 = arith.constant 0 : i32
        %dma_start3A_121 = tpu.memref_slice %arg13[%dma_start3A_119, %dma_start3A_120] : memref<10240x128xf32, #tpu.memory_space<vmem_shared>> -> memref<10240x128xf32, #tpu.memory_space<vmem_shared>>
        tpu.enqueue_indirect_dma source(%arg12 : memref<128x128xf32, #tpu.memory_space<vmem>>) target(%dma_start3A_121 : memref<10240x128xf32, #tpu.memory_space<vmem_shared>>) offsets(%dma_start3A_118 : memref<128xi32, #tpu.memory_space<vmem>>) semaphore(%arg17 : memref<!tpu.dma_semaphore, #tpu.memory_space<semaphore_mem>>) {add = true}
        %scan3A_122 = arith.constant 0 : i32
        scf.yield %scan3A_122 : i32
      }
      %scan3A_30 = arith.constant 20 : i32
      %dma_wait3A = arith.constant 0 : i32
      %dma_wait3A_31 = arith.constant 0 : i32
      %dma_wait3A_32 = tpu.memref_slice %arg13[%dma_wait3A, %dma_wait3A_31] : memref<10240x128xf32, #tpu.memory_space<vmem_shared>> -> memref<128x128xf32, #tpu.memory_space<vmem_shared>>
      %dma_wait3A_33 = arith.constant 0 : i32
      %dma_wait3A_34 = arith.constant 0 : i32
      %dma_wait3A_35 = tpu.memref_slice %arg13[%dma_wait3A_33, %dma_wait3A_34] : memref<10240x128xf32, #tpu.memory_space<vmem_shared>> -> memref<128x128xf32, #tpu.memory_space<vmem_shared>>
      tpu.wait_dma2 semaphore(%arg16 : memref<!tpu.dma_semaphore, #tpu.memory_space<semaphore_mem>>) src(%arg11 : memref<128x128xf32, #tpu.memory_space<vmem>>) dst(%dma_wait3A_35 : memref<128x128xf32, #tpu.memory_space<vmem_shared>>)
      %dma_wait3A_36 = arith.constant 0 : i32
      %dma_wait3A_37 = arith.constant 0 : i32
      %dma_wait3A_38 = tpu.memref_slice %arg13[%dma_wait3A_36, %dma_wait3A_37] : memref<10240x128xf32, #tpu.memory_space<vmem_shared>> -> memref<128x128xf32, #tpu.memory_space<vmem_shared>>
      %dma_wait3A_39 = arith.constant 0 : i32
      %dma_wait3A_40 = arith.constant 0 : i32
      %dma_wait3A_41 = tpu.memref_slice %arg13[%dma_wait3A_39, %dma_wait3A_40] : memref<10240x128xf32, #tpu.memory_space<vmem_shared>> -> memref<128x128xf32, #tpu.memory_space<vmem_shared>>
      tpu.wait_dma2 semaphore(%arg17 : memref<!tpu.dma_semaphore, #tpu.memory_space<semaphore_mem>>) src(%arg12 : memref<128x128xf32, #tpu.memory_space<vmem>>) dst(%dma_wait3A_41 : memref<128x128xf32, #tpu.memory_space<vmem_shared>>)
      %run_scoped3A_42 = arith.constant 0 : i32
      "tpu.region"() ({
        %run_scoped3A_77 = tpu.sem_alloc : memref<!tpu.dma_semaphore, #tpu.memory_space<semaphore_mem>>
        %dma_start3A_78 = arith.constant 40 : i32
        %dma_start3A_79 = arith.constant 0 : i32
        %dma_start3A_80 = tpu.memref_slice %arg6[%run_scoped3A_42, %arg1, %dma_start3A_78, %dma_start3A_79] : memref<2x16x80x128xi32, #tpu.memory_space<hbm>> -> memref<1x1x40x128xi32, #tpu.memory_space<hbm>>
        %dma_start3A_81 = tpu.memref_squeeze %dma_start3A_80 : memref<1x1x40x128xi32, #tpu.memory_space<hbm>> -> memref<40x128xi32, #tpu.memory_space<hbm>>
        %dma_start3A_82 = arith.constant 40 : i32
        %dma_start3A_83 = arith.constant 0 : i32
        %dma_start3A_84 = tpu.memref_slice %arg6[%run_scoped3A_42, %arg1, %dma_start3A_82, %dma_start3A_83] : memref<2x16x80x128xi32, #tpu.memory_space<hbm>> -> memref<1x1x40x128xi32, #tpu.memory_space<hbm>>
        %dma_start3A_85 = tpu.memref_squeeze %dma_start3A_84 : memref<1x1x40x128xi32, #tpu.memory_space<hbm>> -> memref<40x128xi32, #tpu.memory_space<hbm>>
        tpu.enqueue_dma source(%dma_start3A_85 : memref<40x128xi32, #tpu.memory_space<hbm>>) target(%arg9 : memref<40x128xi32, #tpu.memory_space<vmem>>) target_semaphore(%run_scoped3A_77 : memref<!tpu.dma_semaphore, #tpu.memory_space<semaphore_mem>>)
        %dma_wait3A_86 = arith.constant 40 : i32
        %dma_wait3A_87 = arith.constant 0 : i32
        %dma_wait3A_88 = tpu.memref_slice %arg6[%run_scoped3A_42, %arg1, %dma_wait3A_86, %dma_wait3A_87] : memref<2x16x80x128xi32, #tpu.memory_space<hbm>> -> memref<1x1x40x128xi32, #tpu.memory_space<hbm>>
        %dma_wait3A_89 = tpu.memref_squeeze %dma_wait3A_88 : memref<1x1x40x128xi32, #tpu.memory_space<hbm>> -> memref<40x128xi32, #tpu.memory_space<hbm>>
        %dma_wait3A_90 = arith.constant 40 : i32
        %dma_wait3A_91 = arith.constant 0 : i32
        %dma_wait3A_92 = tpu.memref_slice %arg6[%run_scoped3A_42, %arg1, %dma_wait3A_90, %dma_wait3A_91] : memref<2x16x80x128xi32, #tpu.memory_space<hbm>> -> memref<1x1x40x128xi32, #tpu.memory_space<hbm>>
        %dma_wait3A_93 = tpu.memref_squeeze %dma_wait3A_92 : memref<1x1x40x128xi32, #tpu.memory_space<hbm>> -> memref<40x128xi32, #tpu.memory_space<hbm>>
        tpu.wait_dma2 semaphore(%run_scoped3A_77 : memref<!tpu.dma_semaphore, #tpu.memory_space<semaphore_mem>>) src(%dma_wait3A_93 : memref<40x128xi32, #tpu.memory_space<hbm>>) dst(%arg9 : memref<40x128xi32, #tpu.memory_space<vmem>>)
        tpu.yield
      }) : () -> ()
      %run_scoped3A_43 = arith.constant 1 : i32
      "tpu.region"() ({
        %run_scoped3A_77 = tpu.sem_alloc : memref<!tpu.dma_semaphore, #tpu.memory_space<semaphore_mem>>
        %dma_start3A_78 = arith.constant 40 : i32
        %dma_start3A_79 = arith.constant 0 : i32
        %dma_start3A_80 = tpu.memref_slice %arg6[%run_scoped3A_43, %arg1, %dma_start3A_78, %dma_start3A_79] : memref<2x16x80x128xi32, #tpu.memory_space<hbm>> -> memref<1x1x40x128xi32, #tpu.memory_space<hbm>>
        %dma_start3A_81 = tpu.memref_squeeze %dma_start3A_80 : memref<1x1x40x128xi32, #tpu.memory_space<hbm>> -> memref<40x128xi32, #tpu.memory_space<hbm>>
        %dma_start3A_82 = arith.constant 40 : i32
        %dma_start3A_83 = arith.constant 0 : i32
        %dma_start3A_84 = tpu.memref_slice %arg6[%run_scoped3A_43, %arg1, %dma_start3A_82, %dma_start3A_83] : memref<2x16x80x128xi32, #tpu.memory_space<hbm>> -> memref<1x1x40x128xi32, #tpu.memory_space<hbm>>
        %dma_start3A_85 = tpu.memref_squeeze %dma_start3A_84 : memref<1x1x40x128xi32, #tpu.memory_space<hbm>> -> memref<40x128xi32, #tpu.memory_space<hbm>>
        tpu.enqueue_dma source(%dma_start3A_85 : memref<40x128xi32, #tpu.memory_space<hbm>>) target(%arg10 : memref<40x128xi32, #tpu.memory_space<vmem>>) target_semaphore(%run_scoped3A_77 : memref<!tpu.dma_semaphore, #tpu.memory_space<semaphore_mem>>)
        %dma_wait3A_86 = arith.constant 40 : i32
        %dma_wait3A_87 = arith.constant 0 : i32
        %dma_wait3A_88 = tpu.memref_slice %arg6[%run_scoped3A_43, %arg1, %dma_wait3A_86, %dma_wait3A_87] : memref<2x16x80x128xi32, #tpu.memory_space<hbm>> -> memref<1x1x40x128xi32, #tpu.memory_space<hbm>>
        %dma_wait3A_89 = tpu.memref_squeeze %dma_wait3A_88 : memref<1x1x40x128xi32, #tpu.memory_space<hbm>> -> memref<40x128xi32, #tpu.memory_space<hbm>>
        %dma_wait3A_90 = arith.constant 40 : i32
        %dma_wait3A_91 = arith.constant 0 : i32
        %dma_wait3A_92 = tpu.memref_slice %arg6[%run_scoped3A_43, %arg1, %dma_wait3A_90, %dma_wait3A_91] : memref<2x16x80x128xi32, #tpu.memory_space<hbm>> -> memref<1x1x40x128xi32, #tpu.memory_space<hbm>>
        %dma_wait3A_93 = tpu.memref_squeeze %dma_wait3A_92 : memref<1x1x40x128xi32, #tpu.memory_space<hbm>> -> memref<40x128xi32, #tpu.memory_space<hbm>>
        tpu.wait_dma2 semaphore(%run_scoped3A_77 : memref<!tpu.dma_semaphore, #tpu.memory_space<semaphore_mem>>) src(%dma_wait3A_93 : memref<40x128xi32, #tpu.memory_space<hbm>>) dst(%arg10 : memref<40x128xi32, #tpu.memory_space<vmem>>)
        tpu.yield
      }) : () -> ()
      %dma_start3A_44 = arith.constant 0 : i32
      %dma_start3A_45 = arith.constant 0 : i32
      %dma_start3A_46 = tpu.memref_slice %arg9[%dma_start3A_44, %dma_start3A_45] : memref<40x128xi32, #tpu.memory_space<vmem>> -> memref<1x128xi32, #tpu.memory_space<vmem>>
      %dma_start3A_47 = tpu.memref_squeeze %dma_start3A_46 : memref<1x128xi32, #tpu.memory_space<vmem>> -> memref<128xi32, #tpu.memory_space<vmem>>
      %dma_start3A_48 = arith.constant 0 : i32
      %dma_start3A_49 = arith.constant 0 : i32
      %dma_start3A_50 = tpu.memref_slice %arg2[%dma_start3A_48, %dma_start3A_49] : memref<10240x128xf32, #tpu.memory_space<hbm>> -> memref<10240x128xf32, #tpu.memory_space<hbm>>
      tpu.enqueue_indirect_dma source(%dma_start3A_50 : memref<10240x128xf32, #tpu.memory_space<hbm>>) target(%arg11 : memref<128x128xf32, #tpu.memory_space<vmem>>) offsets(%dma_start3A_47 : memref<128xi32, #tpu.memory_space<vmem>>) semaphore(%arg14 : memref<!tpu.dma_semaphore, #tpu.memory_space<semaphore_mem>>)
      %scan3A_51 = arith.constant 0 : i32
      %scan3A_52 = arith.constant 0 : i32
      %scan3A_53 = arith.constant 20 : i32
      %scan3A_54 = arith.addi %scan3A_52, %scan3A_53 : i32
      %scan3A_55 = arith.constant 1 : i32
      %scan3A_56 = scf.for %scan3A_77 = %scan3A_52 to %scan3A_54 step %scan3A_55 iter_args(%scan3A_78 = %scan3A_51) -> (i32)  : i32 {
        %mul3A_79 = arith.constant 2 : i32
        %mul3A_80 = arith.muli %mul3A_79, %scan3A_77 : i32
        %ge3A = arith.constant 1 : i32
        %ge3A_81 = arith.cmpi sge, %scan3A_77, %ge3A : i32
        %convert_element_type3A_82 = arith.extui %ge3A_81 : i1 to i32
        %cond3A_83 = arith.constant 0 : i32
        %cond3A_84 = arith.cmpi ne, %convert_element_type3A_82, %cond3A_83 : i32
        scf.if %cond3A_84 {
          %dma_wait3A_123 = arith.constant 0 : i32
          %dma_wait3A_124 = arith.constant 0 : i32
          %dma_wait3A_125 = tpu.memref_slice %arg13[%dma_wait3A_123, %dma_wait3A_124] : memref<10240x128xf32, #tpu.memory_space<vmem_shared>> -> memref<128x128xf32, #tpu.memory_space<vmem_shared>>
          %dma_wait3A_126 = arith.constant 0 : i32
          %dma_wait3A_127 = arith.constant 0 : i32
          %dma_wait3A_128 = tpu.memref_slice %arg13[%dma_wait3A_126, %dma_wait3A_127] : memref<10240x128xf32, #tpu.memory_space<vmem_shared>> -> memref<128x128xf32, #tpu.memory_space<vmem_shared>>
          tpu.wait_dma2 semaphore(%arg17 : memref<!tpu.dma_semaphore, #tpu.memory_space<semaphore_mem>>) src(%arg12 : memref<128x128xf32, #tpu.memory_space<vmem>>) dst(%dma_wait3A_128 : memref<128x128xf32, #tpu.memory_space<vmem_shared>>)
        } else {
        }
        %add3A = arith.constant 1 : i32
        %add3A_85 = arith.addi %mul3A_80, %add3A : i32
        %dma_start3A_86 = arith.constant 0 : i32
        %dma_start3A_87 = tpu.memref_slice %arg9[%add3A_85, %dma_start3A_86] : memref<40x128xi32, #tpu.memory_space<vmem>> -> memref<1x128xi32, #tpu.memory_space<vmem>>
        %dma_start3A_88 = tpu.memref_squeeze %dma_start3A_87 : memref<1x128xi32, #tpu.memory_space<vmem>> -> memref<128xi32, #tpu.memory_space<vmem>>
        %dma_start3A_89 = arith.constant 0 : i32
        %dma_start3A_90 = arith.constant 0 : i32
        %dma_start3A_91 = tpu.memref_slice %arg2[%dma_start3A_89, %dma_start3A_90] : memref<10240x128xf32, #tpu.memory_space<hbm>> -> memref<10240x128xf32, #tpu.memory_space<hbm>>
        tpu.enqueue_indirect_dma source(%dma_start3A_91 : memref<10240x128xf32, #tpu.memory_space<hbm>>) target(%arg12 : memref<128x128xf32, #tpu.memory_space<vmem>>) offsets(%dma_start3A_88 : memref<128xi32, #tpu.memory_space<vmem>>) semaphore(%arg15 : memref<!tpu.dma_semaphore, #tpu.memory_space<semaphore_mem>>)
        %dma_wait3A_92 = arith.constant 0 : i32
        %dma_wait3A_93 = arith.constant 0 : i32
        %dma_wait3A_94 = tpu.memref_slice %arg7[%dma_wait3A_92, %dma_wait3A_93] : memref<640x128xf32, #tpu.memory_space<hbm>> -> memref<128x128xf32, #tpu.memory_space<hbm>>
        %dma_wait3A_95 = arith.constant 0 : i32
        %dma_wait3A_96 = arith.constant 0 : i32
        %dma_wait3A_97 = tpu.memref_slice %arg7[%dma_wait3A_95, %dma_wait3A_96] : memref<640x128xf32, #tpu.memory_space<hbm>> -> memref<128x128xf32, #tpu.memory_space<hbm>>
        tpu.wait_dma2 semaphore(%arg14 : memref<!tpu.dma_semaphore, #tpu.memory_space<semaphore_mem>>) src(%dma_wait3A_97 : memref<128x128xf32, #tpu.memory_space<hbm>>) dst(%arg11 : memref<128x128xf32, #tpu.memory_space<vmem>>)
        %dma_start3A_98 = arith.constant 0 : i32
        %dma_start3A_99 = tpu.memref_slice %arg10[%mul3A_80, %dma_start3A_98] : memref<40x128xi32, #tpu.memory_space<vmem>> -> memref<1x128xi32, #tpu.memory_space<vmem>>
        %dma_start3A_100 = tpu.memref_squeeze %dma_start3A_99 : memref<1x128xi32, #tpu.memory_space<vmem>> -> memref<128xi32, #tpu.memory_space<vmem>>
        %dma_start3A_101 = arith.constant 0 : i32
        %dma_start3A_102 = arith.constant 0 : i32
        %dma_start3A_103 = tpu.memref_slice %arg13[%dma_start3A_101, %dma_start3A_102] : memref<10240x128xf32, #tpu.memory_space<vmem_shared>> -> memref<10240x128xf32, #tpu.memory_space<vmem_shared>>
        tpu.enqueue_indirect_dma source(%arg11 : memref<128x128xf32, #tpu.memory_space<vmem>>) target(%dma_start3A_103 : memref<10240x128xf32, #tpu.memory_space<vmem_shared>>) offsets(%dma_start3A_100 : memref<128xi32, #tpu.memory_space<vmem>>) semaphore(%arg16 : memref<!tpu.dma_semaphore, #tpu.memory_space<semaphore_mem>>) {add = true}
        %lt3A = arith.constant 19 : i32
        %lt3A_104 = arith.cmpi slt, %scan3A_77, %lt3A : i32
        %convert_element_type3A_105 = arith.extui %lt3A_104 : i1 to i32
        %cond3A_106 = arith.constant 0 : i32
        %cond3A_107 = arith.cmpi ne, %convert_element_type3A_105, %cond3A_106 : i32
        scf.if %cond3A_107 {
          %dma_wait3A_123 = arith.constant 0 : i32
          %dma_wait3A_124 = arith.constant 0 : i32
          %dma_wait3A_125 = tpu.memref_slice %arg13[%dma_wait3A_123, %dma_wait3A_124] : memref<10240x128xf32, #tpu.memory_space<vmem_shared>> -> memref<128x128xf32, #tpu.memory_space<vmem_shared>>
          %dma_wait3A_126 = arith.constant 0 : i32
          %dma_wait3A_127 = arith.constant 0 : i32
          %dma_wait3A_128 = tpu.memref_slice %arg13[%dma_wait3A_126, %dma_wait3A_127] : memref<10240x128xf32, #tpu.memory_space<vmem_shared>> -> memref<128x128xf32, #tpu.memory_space<vmem_shared>>
          tpu.wait_dma2 semaphore(%arg16 : memref<!tpu.dma_semaphore, #tpu.memory_space<semaphore_mem>>) src(%arg11 : memref<128x128xf32, #tpu.memory_space<vmem>>) dst(%dma_wait3A_128 : memref<128x128xf32, #tpu.memory_space<vmem_shared>>)
          %add3A_129 = arith.constant 2 : i32
          %add3A_130 = arith.addi %mul3A_80, %add3A_129 : i32
          %dma_start3A_131 = arith.constant 0 : i32
          %dma_start3A_132 = tpu.memref_slice %arg9[%add3A_130, %dma_start3A_131] : memref<40x128xi32, #tpu.memory_space<vmem>> -> memref<1x128xi32, #tpu.memory_space<vmem>>
          %dma_start3A_133 = tpu.memref_squeeze %dma_start3A_132 : memref<1x128xi32, #tpu.memory_space<vmem>> -> memref<128xi32, #tpu.memory_space<vmem>>
          %dma_start3A_134 = arith.constant 0 : i32
          %dma_start3A_135 = arith.constant 0 : i32
          %dma_start3A_136 = tpu.memref_slice %arg2[%dma_start3A_134, %dma_start3A_135] : memref<10240x128xf32, #tpu.memory_space<hbm>> -> memref<10240x128xf32, #tpu.memory_space<hbm>>
          tpu.enqueue_indirect_dma source(%dma_start3A_136 : memref<10240x128xf32, #tpu.memory_space<hbm>>) target(%arg11 : memref<128x128xf32, #tpu.memory_space<vmem>>) offsets(%dma_start3A_133 : memref<128xi32, #tpu.memory_space<vmem>>) semaphore(%arg14 : memref<!tpu.dma_semaphore, #tpu.memory_space<semaphore_mem>>)
        } else {
        }
        %dma_wait3A_108 = arith.constant 0 : i32
        %dma_wait3A_109 = arith.constant 0 : i32
        %dma_wait3A_110 = tpu.memref_slice %arg7[%dma_wait3A_108, %dma_wait3A_109] : memref<640x128xf32, #tpu.memory_space<hbm>> -> memref<128x128xf32, #tpu.memory_space<hbm>>
        %dma_wait3A_111 = arith.constant 0 : i32
        %dma_wait3A_112 = arith.constant 0 : i32
        %dma_wait3A_113 = tpu.memref_slice %arg7[%dma_wait3A_111, %dma_wait3A_112] : memref<640x128xf32, #tpu.memory_space<hbm>> -> memref<128x128xf32, #tpu.memory_space<hbm>>
        tpu.wait_dma2 semaphore(%arg15 : memref<!tpu.dma_semaphore, #tpu.memory_space<semaphore_mem>>) src(%dma_wait3A_113 : memref<128x128xf32, #tpu.memory_space<hbm>>) dst(%arg12 : memref<128x128xf32, #tpu.memory_space<vmem>>)
        %add3A_114 = arith.constant 1 : i32
        %add3A_115 = arith.addi %mul3A_80, %add3A_114 : i32
        %dma_start3A_116 = arith.constant 0 : i32
        %dma_start3A_117 = tpu.memref_slice %arg10[%add3A_115, %dma_start3A_116] : memref<40x128xi32, #tpu.memory_space<vmem>> -> memref<1x128xi32, #tpu.memory_space<vmem>>
        %dma_start3A_118 = tpu.memref_squeeze %dma_start3A_117 : memref<1x128xi32, #tpu.memory_space<vmem>> -> memref<128xi32, #tpu.memory_space<vmem>>
        %dma_start3A_119 = arith.constant 0 : i32
        %dma_start3A_120 = arith.constant 0 : i32
        %dma_start3A_121 = tpu.memref_slice %arg13[%dma_start3A_119, %dma_start3A_120] : memref<10240x128xf32, #tpu.memory_space<vmem_shared>> -> memref<10240x128xf32, #tpu.memory_space<vmem_shared>>
        tpu.enqueue_indirect_dma source(%arg12 : memref<128x128xf32, #tpu.memory_space<vmem>>) target(%dma_start3A_121 : memref<10240x128xf32, #tpu.memory_space<vmem_shared>>) offsets(%dma_start3A_118 : memref<128xi32, #tpu.memory_space<vmem>>) semaphore(%arg17 : memref<!tpu.dma_semaphore, #tpu.memory_space<semaphore_mem>>) {add = true}
        %scan3A_122 = arith.constant 0 : i32
        scf.yield %scan3A_122 : i32
      }
      %scan3A_57 = arith.constant 20 : i32
      %dma_wait3A_58 = arith.constant 0 : i32
      %dma_wait3A_59 = arith.constant 0 : i32
      %dma_wait3A_60 = tpu.memref_slice %arg13[%dma_wait3A_58, %dma_wait3A_59] : memref<10240x128xf32, #tpu.memory_space<vmem_shared>> -> memref<128x128xf32, #tpu.memory_space<vmem_shared>>
      %dma_wait3A_61 = arith.constant 0 : i32
      %dma_wait3A_62 = arith.constant 0 : i32
      %dma_wait3A_63 = tpu.memref_slice %arg13[%dma_wait3A_61, %dma_wait3A_62] : memref<10240x128xf32, #tpu.memory_space<vmem_shared>> -> memref<128x128xf32, #tpu.memory_space<vmem_shared>>
      tpu.wait_dma2 semaphore(%arg16 : memref<!tpu.dma_semaphore, #tpu.memory_space<semaphore_mem>>) src(%arg11 : memref<128x128xf32, #tpu.memory_space<vmem>>) dst(%dma_wait3A_63 : memref<128x128xf32, #tpu.memory_space<vmem_shared>>)
      %dma_wait3A_64 = arith.constant 0 : i32
      %dma_wait3A_65 = arith.constant 0 : i32
      %dma_wait3A_66 = tpu.memref_slice %arg13[%dma_wait3A_64, %dma_wait3A_65] : memref<10240x128xf32, #tpu.memory_space<vmem_shared>> -> memref<128x128xf32, #tpu.memory_space<vmem_shared>>
      %dma_wait3A_67 = arith.constant 0 : i32
      %dma_wait3A_68 = arith.constant 0 : i32
      %dma_wait3A_69 = tpu.memref_slice %arg13[%dma_wait3A_67, %dma_wait3A_68] : memref<10240x128xf32, #tpu.memory_space<vmem_shared>> -> memref<128x128xf32, #tpu.memory_space<vmem_shared>>
      tpu.wait_dma2 semaphore(%arg17 : memref<!tpu.dma_semaphore, #tpu.memory_space<semaphore_mem>>) src(%arg12 : memref<128x128xf32, #tpu.memory_space<vmem>>) dst(%dma_wait3A_69 : memref<128x128xf32, #tpu.memory_space<vmem_shared>>)
      %barrier3A_70 = arith.constant 0 : index
      tpu.barrier barrier_id(%barrier3A_70)
      %mul3A_71 = arith.constant 640 : i32
      %mul3A_72 = arith.muli %arg1, %mul3A_71 : i32
      %mul3A_73 = arith.constant 640 : i32
      %mul3A_74 = arith.muli %arg1, %mul3A_73 : i32
      %run_scoped3A_75 = arith.constant 0 : i32
      "tpu.region"() ({
        %run_scoped3A_77 = tpu.sem_alloc : memref<!tpu.dma_semaphore, #tpu.memory_space<semaphore_mem>>
        %dma_start3A_78 = arith.constant 0 : i32
        %dma_start3A_79 = tpu.memref_slice %arg8[%run_scoped3A_75, %mul3A_74, %dma_start3A_78] : memref<4x10240x128xf32, #tpu.memory_space<hbm>> -> memref<1x640x128xf32, #tpu.memory_space<hbm>>
        %dma_start3A_80 = tpu.memref_squeeze %dma_start3A_79 : memref<1x640x128xf32, #tpu.memory_space<hbm>> -> memref<640x128xf32, #tpu.memory_space<hbm>>
        %dma_start3A_81 = arith.constant 0 : i32
        %dma_start3A_82 = tpu.memref_slice %arg13[%mul3A_72, %dma_start3A_81] : memref<10240x128xf32, #tpu.memory_space<vmem_shared>> -> memref<640x128xf32, #tpu.memory_space<vmem_shared>>
        tpu.enqueue_dma source(%dma_start3A_82 : memref<640x128xf32, #tpu.memory_space<vmem_shared>>) target(%dma_start3A_80 : memref<640x128xf32, #tpu.memory_space<hbm>>) target_semaphore(%run_scoped3A_77 : memref<!tpu.dma_semaphore, #tpu.memory_space<semaphore_mem>>)
        %dma_wait3A_83 = arith.constant 0 : i32
        %dma_wait3A_84 = tpu.memref_slice %arg8[%run_scoped3A_75, %mul3A_74, %dma_wait3A_83] : memref<4x10240x128xf32, #tpu.memory_space<hbm>> -> memref<1x640x128xf32, #tpu.memory_space<hbm>>
        %dma_wait3A_85 = tpu.memref_squeeze %dma_wait3A_84 : memref<1x640x128xf32, #tpu.memory_space<hbm>> -> memref<640x128xf32, #tpu.memory_space<hbm>>
        %dma_wait3A_86 = arith.constant 0 : i32
        %dma_wait3A_87 = tpu.memref_slice %arg13[%mul3A_72, %dma_wait3A_86] : memref<10240x128xf32, #tpu.memory_space<vmem_shared>> -> memref<640x128xf32, #tpu.memory_space<vmem_shared>>
        tpu.wait_dma2 semaphore(%run_scoped3A_77 : memref<!tpu.dma_semaphore, #tpu.memory_space<semaphore_mem>>) src(%dma_wait3A_87 : memref<640x128xf32, #tpu.memory_space<vmem_shared>>) dst(%dma_wait3A_85 : memref<640x128xf32, #tpu.memory_space<hbm>>)
        tpu.yield
      }) : () -> ()
      %barrier3A_76 = arith.constant 0 : index
      tpu.barrier barrier_id(%barrier3A_76)
    } else {
    }
    %eq3A_2 = arith.constant 1 : i32
    %eq3A_3 = arith.cmpi eq, %arg0, %eq3A_2 : i32
    %convert_element_type3A_4 = arith.extui %eq3A_3 : i1 to i32
    %cond3A_5 = arith.constant 0 : i32
    %cond3A_6 = arith.cmpi ne, %convert_element_type3A_4, %cond3A_5 : i32
    scf.if %cond3A_6 {
      %mul3A = arith.constant 640 : i32
      %mul3A_17 = arith.muli %arg1, %mul3A : i32
      "tpu.region"() ({
        %run_scoped3A_77 = tpu.sem_alloc : memref<!tpu.dma_semaphore, #tpu.memory_space<semaphore_mem>>
        %dma_start3A_78 = arith.constant 0 : i32
        %dma_start3A_79 = tpu.memref_slice %arg13[%mul3A_17, %dma_start3A_78] : memref<10240x128xf32, #tpu.memory_space<vmem_shared>> -> memref<640x128xf32, #tpu.memory_space<vmem_shared>>
        tpu.enqueue_dma source(%arg7 : memref<640x128xf32, #tpu.memory_space<hbm>>) target(%dma_start3A_79 : memref<640x128xf32, #tpu.memory_space<vmem_shared>>) target_semaphore(%run_scoped3A_77 : memref<!tpu.dma_semaphore, #tpu.memory_space<semaphore_mem>>)
        %dma_wait3A_80 = arith.constant 0 : i32
        %dma_wait3A_81 = tpu.memref_slice %arg13[%mul3A_17, %dma_wait3A_80] : memref<10240x128xf32, #tpu.memory_space<vmem_shared>> -> memref<640x128xf32, #tpu.memory_space<vmem_shared>>
        tpu.wait_dma2 semaphore(%run_scoped3A_77 : memref<!tpu.dma_semaphore, #tpu.memory_space<semaphore_mem>>) src(%arg7 : memref<640x128xf32, #tpu.memory_space<hbm>>) dst(%dma_wait3A_81 : memref<640x128xf32, #tpu.memory_space<vmem_shared>>)
        tpu.yield
      }) : () -> ()
      %barrier3A = arith.constant 0 : index
      tpu.barrier barrier_id(%barrier3A)
      %run_scoped3A = arith.constant 0 : i32
      "tpu.region"() ({
        %run_scoped3A_77 = tpu.sem_alloc : memref<!tpu.dma_semaphore, #tpu.memory_space<semaphore_mem>>
        %dma_start3A_78 = arith.constant 0 : i32
        %dma_start3A_79 = arith.constant 0 : i32
        %dma_start3A_80 = tpu.memref_slice %arg6[%run_scoped3A, %arg1, %dma_start3A_78, %dma_start3A_79] : memref<2x16x80x128xi32, #tpu.memory_space<hbm>> -> memref<1x1x40x128xi32, #tpu.memory_space<hbm>>
        %dma_start3A_81 = tpu.memref_squeeze %dma_start3A_80 : memref<1x1x40x128xi32, #tpu.memory_space<hbm>> -> memref<40x128xi32, #tpu.memory_space<hbm>>
        %dma_start3A_82 = arith.constant 0 : i32
        %dma_start3A_83 = arith.constant 0 : i32
        %dma_start3A_84 = tpu.memref_slice %arg6[%run_scoped3A, %arg1, %dma_start3A_82, %dma_start3A_83] : memref<2x16x80x128xi32, #tpu.memory_space<hbm>> -> memref<1x1x40x128xi32, #tpu.memory_space<hbm>>
        %dma_start3A_85 = tpu.memref_squeeze %dma_start3A_84 : memref<1x1x40x128xi32, #tpu.memory_space<hbm>> -> memref<40x128xi32, #tpu.memory_space<hbm>>
        tpu.enqueue_dma source(%dma_start3A_85 : memref<40x128xi32, #tpu.memory_space<hbm>>) target(%arg9 : memref<40x128xi32, #tpu.memory_space<vmem>>) target_semaphore(%run_scoped3A_77 : memref<!tpu.dma_semaphore, #tpu.memory_space<semaphore_mem>>)
        %dma_wait3A_86 = arith.constant 0 : i32
        %dma_wait3A_87 = arith.constant 0 : i32
        %dma_wait3A_88 = tpu.memref_slice %arg6[%run_scoped3A, %arg1, %dma_wait3A_86, %dma_wait3A_87] : memref<2x16x80x128xi32, #tpu.memory_space<hbm>> -> memref<1x1x40x128xi32, #tpu.memory_space<hbm>>
        %dma_wait3A_89 = tpu.memref_squeeze %dma_wait3A_88 : memref<1x1x40x128xi32, #tpu.memory_space<hbm>> -> memref<40x128xi32, #tpu.memory_space<hbm>>
        %dma_wait3A_90 = arith.constant 0 : i32
        %dma_wait3A_91 = arith.constant 0 : i32
        %dma_wait3A_92 = tpu.memref_slice %arg6[%run_scoped3A, %arg1, %dma_wait3A_90, %dma_wait3A_91] : memref<2x16x80x128xi32, #tpu.memory_space<hbm>> -> memref<1x1x40x128xi32, #tpu.memory_space<hbm>>
        %dma_wait3A_93 = tpu.memref_squeeze %dma_wait3A_92 : memref<1x1x40x128xi32, #tpu.memory_space<hbm>> -> memref<40x128xi32, #tpu.memory_space<hbm>>
        tpu.wait_dma2 semaphore(%run_scoped3A_77 : memref<!tpu.dma_semaphore, #tpu.memory_space<semaphore_mem>>) src(%dma_wait3A_93 : memref<40x128xi32, #tpu.memory_space<hbm>>) dst(%arg9 : memref<40x128xi32, #tpu.memory_space<vmem>>)
        tpu.yield
      }) : () -> ()
      %run_scoped3A_18 = arith.constant 1 : i32
      "tpu.region"() ({
        %run_scoped3A_77 = tpu.sem_alloc : memref<!tpu.dma_semaphore, #tpu.memory_space<semaphore_mem>>
        %dma_start3A_78 = arith.constant 0 : i32
        %dma_start3A_79 = arith.constant 0 : i32
        %dma_start3A_80 = tpu.memref_slice %arg6[%run_scoped3A_18, %arg1, %dma_start3A_78, %dma_start3A_79] : memref<2x16x80x128xi32, #tpu.memory_space<hbm>> -> memref<1x1x40x128xi32, #tpu.memory_space<hbm>>
        %dma_start3A_81 = tpu.memref_squeeze %dma_start3A_80 : memref<1x1x40x128xi32, #tpu.memory_space<hbm>> -> memref<40x128xi32, #tpu.memory_space<hbm>>
        %dma_start3A_82 = arith.constant 0 : i32
        %dma_start3A_83 = arith.constant 0 : i32
        %dma_start3A_84 = tpu.memref_slice %arg6[%run_scoped3A_18, %arg1, %dma_start3A_82, %dma_start3A_83] : memref<2x16x80x128xi32, #tpu.memory_space<hbm>> -> memref<1x1x40x128xi32, #tpu.memory_space<hbm>>
        %dma_start3A_85 = tpu.memref_squeeze %dma_start3A_84 : memref<1x1x40x128xi32, #tpu.memory_space<hbm>> -> memref<40x128xi32, #tpu.memory_space<hbm>>
        tpu.enqueue_dma source(%dma_start3A_85 : memref<40x128xi32, #tpu.memory_space<hbm>>) target(%arg10 : memref<40x128xi32, #tpu.memory_space<vmem>>) target_semaphore(%run_scoped3A_77 : memref<!tpu.dma_semaphore, #tpu.memory_space<semaphore_mem>>)
        %dma_wait3A_86 = arith.constant 0 : i32
        %dma_wait3A_87 = arith.constant 0 : i32
        %dma_wait3A_88 = tpu.memref_slice %arg6[%run_scoped3A_18, %arg1, %dma_wait3A_86, %dma_wait3A_87] : memref<2x16x80x128xi32, #tpu.memory_space<hbm>> -> memref<1x1x40x128xi32, #tpu.memory_space<hbm>>
        %dma_wait3A_89 = tpu.memref_squeeze %dma_wait3A_88 : memref<1x1x40x128xi32, #tpu.memory_space<hbm>> -> memref<40x128xi32, #tpu.memory_space<hbm>>
        %dma_wait3A_90 = arith.constant 0 : i32
        %dma_wait3A_91 = arith.constant 0 : i32
        %dma_wait3A_92 = tpu.memref_slice %arg6[%run_scoped3A_18, %arg1, %dma_wait3A_90, %dma_wait3A_91] : memref<2x16x80x128xi32, #tpu.memory_space<hbm>> -> memref<1x1x40x128xi32, #tpu.memory_space<hbm>>
        %dma_wait3A_93 = tpu.memref_squeeze %dma_wait3A_92 : memref<1x1x40x128xi32, #tpu.memory_space<hbm>> -> memref<40x128xi32, #tpu.memory_space<hbm>>
        tpu.wait_dma2 semaphore(%run_scoped3A_77 : memref<!tpu.dma_semaphore, #tpu.memory_space<semaphore_mem>>) src(%dma_wait3A_93 : memref<40x128xi32, #tpu.memory_space<hbm>>) dst(%arg10 : memref<40x128xi32, #tpu.memory_space<vmem>>)
        tpu.yield
      }) : () -> ()
      %dma_start3A = arith.constant 0 : i32
      %dma_start3A_19 = arith.constant 0 : i32
      %dma_start3A_20 = tpu.memref_slice %arg9[%dma_start3A, %dma_start3A_19] : memref<40x128xi32, #tpu.memory_space<vmem>> -> memref<1x128xi32, #tpu.memory_space<vmem>>
      %dma_start3A_21 = tpu.memref_squeeze %dma_start3A_20 : memref<1x128xi32, #tpu.memory_space<vmem>> -> memref<128xi32, #tpu.memory_space<vmem>>
      %dma_start3A_22 = arith.constant 0 : i32
      %dma_start3A_23 = arith.constant 0 : i32
      %dma_start3A_24 = tpu.memref_slice %arg3[%dma_start3A_22, %dma_start3A_23] : memref<10240x128xf32, #tpu.memory_space<hbm>> -> memref<10240x128xf32, #tpu.memory_space<hbm>>
      tpu.enqueue_indirect_dma source(%dma_start3A_24 : memref<10240x128xf32, #tpu.memory_space<hbm>>) target(%arg11 : memref<128x128xf32, #tpu.memory_space<vmem>>) offsets(%dma_start3A_21 : memref<128xi32, #tpu.memory_space<vmem>>) semaphore(%arg14 : memref<!tpu.dma_semaphore, #tpu.memory_space<semaphore_mem>>)
      %scan3A = arith.constant 0 : i32
      %scan3A_25 = arith.constant 0 : i32
      %scan3A_26 = arith.constant 20 : i32
      %scan3A_27 = arith.addi %scan3A_25, %scan3A_26 : i32
      %scan3A_28 = arith.constant 1 : i32
      %scan3A_29 = scf.for %scan3A_77 = %scan3A_25 to %scan3A_27 step %scan3A_28 iter_args(%scan3A_78 = %scan3A) -> (i32)  : i32 {
        %mul3A_79 = arith.constant 2 : i32
        %mul3A_80 = arith.muli %mul3A_79, %scan3A_77 : i32
        %ge3A = arith.constant 1 : i32
        %ge3A_81 = arith.cmpi sge, %scan3A_77, %ge3A : i32
        %convert_element_type3A_82 = arith.extui %ge3A_81 : i1 to i32
        %cond3A_83 = arith.constant 0 : i32
        %cond3A_84 = arith.cmpi ne, %convert_element_type3A_82, %cond3A_83 : i32
        scf.if %cond3A_84 {
          %dma_wait3A_123 = arith.constant 0 : i32
          %dma_wait3A_124 = arith.constant 0 : i32
          %dma_wait3A_125 = tpu.memref_slice %arg13[%dma_wait3A_123, %dma_wait3A_124] : memref<10240x128xf32, #tpu.memory_space<vmem_shared>> -> memref<128x128xf32, #tpu.memory_space<vmem_shared>>
          %dma_wait3A_126 = arith.constant 0 : i32
          %dma_wait3A_127 = arith.constant 0 : i32
          %dma_wait3A_128 = tpu.memref_slice %arg13[%dma_wait3A_126, %dma_wait3A_127] : memref<10240x128xf32, #tpu.memory_space<vmem_shared>> -> memref<128x128xf32, #tpu.memory_space<vmem_shared>>
          tpu.wait_dma2 semaphore(%arg17 : memref<!tpu.dma_semaphore, #tpu.memory_space<semaphore_mem>>) src(%arg12 : memref<128x128xf32, #tpu.memory_space<vmem>>) dst(%dma_wait3A_128 : memref<128x128xf32, #tpu.memory_space<vmem_shared>>)
        } else {
        }
        %add3A = arith.constant 1 : i32
        %add3A_85 = arith.addi %mul3A_80, %add3A : i32
        %dma_start3A_86 = arith.constant 0 : i32
        %dma_start3A_87 = tpu.memref_slice %arg9[%add3A_85, %dma_start3A_86] : memref<40x128xi32, #tpu.memory_space<vmem>> -> memref<1x128xi32, #tpu.memory_space<vmem>>
        %dma_start3A_88 = tpu.memref_squeeze %dma_start3A_87 : memref<1x128xi32, #tpu.memory_space<vmem>> -> memref<128xi32, #tpu.memory_space<vmem>>
        %dma_start3A_89 = arith.constant 0 : i32
        %dma_start3A_90 = arith.constant 0 : i32
        %dma_start3A_91 = tpu.memref_slice %arg3[%dma_start3A_89, %dma_start3A_90] : memref<10240x128xf32, #tpu.memory_space<hbm>> -> memref<10240x128xf32, #tpu.memory_space<hbm>>
        tpu.enqueue_indirect_dma source(%dma_start3A_91 : memref<10240x128xf32, #tpu.memory_space<hbm>>) target(%arg12 : memref<128x128xf32, #tpu.memory_space<vmem>>) offsets(%dma_start3A_88 : memref<128xi32, #tpu.memory_space<vmem>>) semaphore(%arg15 : memref<!tpu.dma_semaphore, #tpu.memory_space<semaphore_mem>>)
        %dma_wait3A_92 = arith.constant 0 : i32
        %dma_wait3A_93 = arith.constant 0 : i32
        %dma_wait3A_94 = tpu.memref_slice %arg7[%dma_wait3A_92, %dma_wait3A_93] : memref<640x128xf32, #tpu.memory_space<hbm>> -> memref<128x128xf32, #tpu.memory_space<hbm>>
        %dma_wait3A_95 = arith.constant 0 : i32
        %dma_wait3A_96 = arith.constant 0 : i32
        %dma_wait3A_97 = tpu.memref_slice %arg7[%dma_wait3A_95, %dma_wait3A_96] : memref<640x128xf32, #tpu.memory_space<hbm>> -> memref<128x128xf32, #tpu.memory_space<hbm>>
        tpu.wait_dma2 semaphore(%arg14 : memref<!tpu.dma_semaphore, #tpu.memory_space<semaphore_mem>>) src(%dma_wait3A_97 : memref<128x128xf32, #tpu.memory_space<hbm>>) dst(%arg11 : memref<128x128xf32, #tpu.memory_space<vmem>>)
        %dma_start3A_98 = arith.constant 0 : i32
        %dma_start3A_99 = tpu.memref_slice %arg10[%mul3A_80, %dma_start3A_98] : memref<40x128xi32, #tpu.memory_space<vmem>> -> memref<1x128xi32, #tpu.memory_space<vmem>>
        %dma_start3A_100 = tpu.memref_squeeze %dma_start3A_99 : memref<1x128xi32, #tpu.memory_space<vmem>> -> memref<128xi32, #tpu.memory_space<vmem>>
        %dma_start3A_101 = arith.constant 0 : i32
        %dma_start3A_102 = arith.constant 0 : i32
        %dma_start3A_103 = tpu.memref_slice %arg13[%dma_start3A_101, %dma_start3A_102] : memref<10240x128xf32, #tpu.memory_space<vmem_shared>> -> memref<10240x128xf32, #tpu.memory_space<vmem_shared>>
        tpu.enqueue_indirect_dma source(%arg11 : memref<128x128xf32, #tpu.memory_space<vmem>>) target(%dma_start3A_103 : memref<10240x128xf32, #tpu.memory_space<vmem_shared>>) offsets(%dma_start3A_100 : memref<128xi32, #tpu.memory_space<vmem>>) semaphore(%arg16 : memref<!tpu.dma_semaphore, #tpu.memory_space<semaphore_mem>>) {add = true}
        %lt3A = arith.constant 19 : i32
        %lt3A_104 = arith.cmpi slt, %scan3A_77, %lt3A : i32
        %convert_element_type3A_105 = arith.extui %lt3A_104 : i1 to i32
        %cond3A_106 = arith.constant 0 : i32
        %cond3A_107 = arith.cmpi ne, %convert_element_type3A_105, %cond3A_106 : i32
        scf.if %cond3A_107 {
          %dma_wait3A_123 = arith.constant 0 : i32
          %dma_wait3A_124 = arith.constant 0 : i32
          %dma_wait3A_125 = tpu.memref_slice %arg13[%dma_wait3A_123, %dma_wait3A_124] : memref<10240x128xf32, #tpu.memory_space<vmem_shared>> -> memref<128x128xf32, #tpu.memory_space<vmem_shared>>
          %dma_wait3A_126 = arith.constant 0 : i32
          %dma_wait3A_127 = arith.constant 0 : i32
          %dma_wait3A_128 = tpu.memref_slice %arg13[%dma_wait3A_126, %dma_wait3A_127] : memref<10240x128xf32, #tpu.memory_space<vmem_shared>> -> memref<128x128xf32, #tpu.memory_space<vmem_shared>>
          tpu.wait_dma2 semaphore(%arg16 : memref<!tpu.dma_semaphore, #tpu.memory_space<semaphore_mem>>) src(%arg11 : memref<128x128xf32, #tpu.memory_space<vmem>>) dst(%dma_wait3A_128 : memref<128x128xf32, #tpu.memory_space<vmem_shared>>)
          %add3A_129 = arith.constant 2 : i32
          %add3A_130 = arith.addi %mul3A_80, %add3A_129 : i32
          %dma_start3A_131 = arith.constant 0 : i32
          %dma_start3A_132 = tpu.memref_slice %arg9[%add3A_130, %dma_start3A_131] : memref<40x128xi32, #tpu.memory_space<vmem>> -> memref<1x128xi32, #tpu.memory_space<vmem>>
          %dma_start3A_133 = tpu.memref_squeeze %dma_start3A_132 : memref<1x128xi32, #tpu.memory_space<vmem>> -> memref<128xi32, #tpu.memory_space<vmem>>
          %dma_start3A_134 = arith.constant 0 : i32
          %dma_start3A_135 = arith.constant 0 : i32
          %dma_start3A_136 = tpu.memref_slice %arg3[%dma_start3A_134, %dma_start3A_135] : memref<10240x128xf32, #tpu.memory_space<hbm>> -> memref<10240x128xf32, #tpu.memory_space<hbm>>
          tpu.enqueue_indirect_dma source(%dma_start3A_136 : memref<10240x128xf32, #tpu.memory_space<hbm>>) target(%arg11 : memref<128x128xf32, #tpu.memory_space<vmem>>) offsets(%dma_start3A_133 : memref<128xi32, #tpu.memory_space<vmem>>) semaphore(%arg14 : memref<!tpu.dma_semaphore, #tpu.memory_space<semaphore_mem>>)
        } else {
        }
        %dma_wait3A_108 = arith.constant 0 : i32
        %dma_wait3A_109 = arith.constant 0 : i32
        %dma_wait3A_110 = tpu.memref_slice %arg7[%dma_wait3A_108, %dma_wait3A_109] : memref<640x128xf32, #tpu.memory_space<hbm>> -> memref<128x128xf32, #tpu.memory_space<hbm>>
        %dma_wait3A_111 = arith.constant 0 : i32
        %dma_wait3A_112 = arith.constant 0 : i32
        %dma_wait3A_113 = tpu.memref_slice %arg7[%dma_wait3A_111, %dma_wait3A_112] : memref<640x128xf32, #tpu.memory_space<hbm>> -> memref<128x128xf32, #tpu.memory_space<hbm>>
        tpu.wait_dma2 semaphore(%arg15 : memref<!tpu.dma_semaphore, #tpu.memory_space<semaphore_mem>>) src(%dma_wait3A_113 : memref<128x128xf32, #tpu.memory_space<hbm>>) dst(%arg12 : memref<128x128xf32, #tpu.memory_space<vmem>>)
        %add3A_114 = arith.constant 1 : i32
        %add3A_115 = arith.addi %mul3A_80, %add3A_114 : i32
        %dma_start3A_116 = arith.constant 0 : i32
        %dma_start3A_117 = tpu.memref_slice %arg10[%add3A_115, %dma_start3A_116] : memref<40x128xi32, #tpu.memory_space<vmem>> -> memref<1x128xi32, #tpu.memory_space<vmem>>
        %dma_start3A_118 = tpu.memref_squeeze %dma_start3A_117 : memref<1x128xi32, #tpu.memory_space<vmem>> -> memref<128xi32, #tpu.memory_space<vmem>>
        %dma_start3A_119 = arith.constant 0 : i32
        %dma_start3A_120 = arith.constant 0 : i32
        %dma_start3A_121 = tpu.memref_slice %arg13[%dma_start3A_119, %dma_start3A_120] : memref<10240x128xf32, #tpu.memory_space<vmem_shared>> -> memref<10240x128xf32, #tpu.memory_space<vmem_shared>>
        tpu.enqueue_indirect_dma source(%arg12 : memref<128x128xf32, #tpu.memory_space<vmem>>) target(%dma_start3A_121 : memref<10240x128xf32, #tpu.memory_space<vmem_shared>>) offsets(%dma_start3A_118 : memref<128xi32, #tpu.memory_space<vmem>>) semaphore(%arg17 : memref<!tpu.dma_semaphore, #tpu.memory_space<semaphore_mem>>) {add = true}
        %scan3A_122 = arith.constant 0 : i32
        scf.yield %scan3A_122 : i32
      }
      %scan3A_30 = arith.constant 20 : i32
      %dma_wait3A = arith.constant 0 : i32
      %dma_wait3A_31 = arith.constant 0 : i32
      %dma_wait3A_32 = tpu.memref_slice %arg13[%dma_wait3A, %dma_wait3A_31] : memref<10240x128xf32, #tpu.memory_space<vmem_shared>> -> memref<128x128xf32, #tpu.memory_space<vmem_shared>>
      %dma_wait3A_33 = arith.constant 0 : i32
      %dma_wait3A_34 = arith.constant 0 : i32
      %dma_wait3A_35 = tpu.memref_slice %arg13[%dma_wait3A_33, %dma_wait3A_34] : memref<10240x128xf32, #tpu.memory_space<vmem_shared>> -> memref<128x128xf32, #tpu.memory_space<vmem_shared>>
      tpu.wait_dma2 semaphore(%arg16 : memref<!tpu.dma_semaphore, #tpu.memory_space<semaphore_mem>>) src(%arg11 : memref<128x128xf32, #tpu.memory_space<vmem>>) dst(%dma_wait3A_35 : memref<128x128xf32, #tpu.memory_space<vmem_shared>>)
      %dma_wait3A_36 = arith.constant 0 : i32
      %dma_wait3A_37 = arith.constant 0 : i32
      %dma_wait3A_38 = tpu.memref_slice %arg13[%dma_wait3A_36, %dma_wait3A_37] : memref<10240x128xf32, #tpu.memory_space<vmem_shared>> -> memref<128x128xf32, #tpu.memory_space<vmem_shared>>
      %dma_wait3A_39 = arith.constant 0 : i32
      %dma_wait3A_40 = arith.constant 0 : i32
      %dma_wait3A_41 = tpu.memref_slice %arg13[%dma_wait3A_39, %dma_wait3A_40] : memref<10240x128xf32, #tpu.memory_space<vmem_shared>> -> memref<128x128xf32, #tpu.memory_space<vmem_shared>>
      tpu.wait_dma2 semaphore(%arg17 : memref<!tpu.dma_semaphore, #tpu.memory_space<semaphore_mem>>) src(%arg12 : memref<128x128xf32, #tpu.memory_space<vmem>>) dst(%dma_wait3A_41 : memref<128x128xf32, #tpu.memory_space<vmem_shared>>)
      %run_scoped3A_42 = arith.constant 0 : i32
      "tpu.region"() ({
        %run_scoped3A_77 = tpu.sem_alloc : memref<!tpu.dma_semaphore, #tpu.memory_space<semaphore_mem>>
        %dma_start3A_78 = arith.constant 40 : i32
        %dma_start3A_79 = arith.constant 0 : i32
        %dma_start3A_80 = tpu.memref_slice %arg6[%run_scoped3A_42, %arg1, %dma_start3A_78, %dma_start3A_79] : memref<2x16x80x128xi32, #tpu.memory_space<hbm>> -> memref<1x1x40x128xi32, #tpu.memory_space<hbm>>
        %dma_start3A_81 = tpu.memref_squeeze %dma_start3A_80 : memref<1x1x40x128xi32, #tpu.memory_space<hbm>> -> memref<40x128xi32, #tpu.memory_space<hbm>>
        %dma_start3A_82 = arith.constant 40 : i32
        %dma_start3A_83 = arith.constant 0 : i32
        %dma_start3A_84 = tpu.memref_slice %arg6[%run_scoped3A_42, %arg1, %dma_start3A_82, %dma_start3A_83] : memref<2x16x80x128xi32, #tpu.memory_space<hbm>> -> memref<1x1x40x128xi32, #tpu.memory_space<hbm>>
        %dma_start3A_85 = tpu.memref_squeeze %dma_start3A_84 : memref<1x1x40x128xi32, #tpu.memory_space<hbm>> -> memref<40x128xi32, #tpu.memory_space<hbm>>
        tpu.enqueue_dma source(%dma_start3A_85 : memref<40x128xi32, #tpu.memory_space<hbm>>) target(%arg9 : memref<40x128xi32, #tpu.memory_space<vmem>>) target_semaphore(%run_scoped3A_77 : memref<!tpu.dma_semaphore, #tpu.memory_space<semaphore_mem>>)
        %dma_wait3A_86 = arith.constant 40 : i32
        %dma_wait3A_87 = arith.constant 0 : i32
        %dma_wait3A_88 = tpu.memref_slice %arg6[%run_scoped3A_42, %arg1, %dma_wait3A_86, %dma_wait3A_87] : memref<2x16x80x128xi32, #tpu.memory_space<hbm>> -> memref<1x1x40x128xi32, #tpu.memory_space<hbm>>
        %dma_wait3A_89 = tpu.memref_squeeze %dma_wait3A_88 : memref<1x1x40x128xi32, #tpu.memory_space<hbm>> -> memref<40x128xi32, #tpu.memory_space<hbm>>
        %dma_wait3A_90 = arith.constant 40 : i32
        %dma_wait3A_91 = arith.constant 0 : i32
        %dma_wait3A_92 = tpu.memref_slice %arg6[%run_scoped3A_42, %arg1, %dma_wait3A_90, %dma_wait3A_91] : memref<2x16x80x128xi32, #tpu.memory_space<hbm>> -> memref<1x1x40x128xi32, #tpu.memory_space<hbm>>
        %dma_wait3A_93 = tpu.memref_squeeze %dma_wait3A_92 : memref<1x1x40x128xi32, #tpu.memory_space<hbm>> -> memref<40x128xi32, #tpu.memory_space<hbm>>
        tpu.wait_dma2 semaphore(%run_scoped3A_77 : memref<!tpu.dma_semaphore, #tpu.memory_space<semaphore_mem>>) src(%dma_wait3A_93 : memref<40x128xi32, #tpu.memory_space<hbm>>) dst(%arg9 : memref<40x128xi32, #tpu.memory_space<vmem>>)
        tpu.yield
      }) : () -> ()
      %run_scoped3A_43 = arith.constant 1 : i32
      "tpu.region"() ({
        %run_scoped3A_77 = tpu.sem_alloc : memref<!tpu.dma_semaphore, #tpu.memory_space<semaphore_mem>>
        %dma_start3A_78 = arith.constant 40 : i32
        %dma_start3A_79 = arith.constant 0 : i32
        %dma_start3A_80 = tpu.memref_slice %arg6[%run_scoped3A_43, %arg1, %dma_start3A_78, %dma_start3A_79] : memref<2x16x80x128xi32, #tpu.memory_space<hbm>> -> memref<1x1x40x128xi32, #tpu.memory_space<hbm>>
        %dma_start3A_81 = tpu.memref_squeeze %dma_start3A_80 : memref<1x1x40x128xi32, #tpu.memory_space<hbm>> -> memref<40x128xi32, #tpu.memory_space<hbm>>
        %dma_start3A_82 = arith.constant 40 : i32
        %dma_start3A_83 = arith.constant 0 : i32
        %dma_start3A_84 = tpu.memref_slice %arg6[%run_scoped3A_43, %arg1, %dma_start3A_82, %dma_start3A_83] : memref<2x16x80x128xi32, #tpu.memory_space<hbm>> -> memref<1x1x40x128xi32, #tpu.memory_space<hbm>>
        %dma_start3A_85 = tpu.memref_squeeze %dma_start3A_84 : memref<1x1x40x128xi32, #tpu.memory_space<hbm>> -> memref<40x128xi32, #tpu.memory_space<hbm>>
        tpu.enqueue_dma source(%dma_start3A_85 : memref<40x128xi32, #tpu.memory_space<hbm>>) target(%arg10 : memref<40x128xi32, #tpu.memory_space<vmem>>) target_semaphore(%run_scoped3A_77 : memref<!tpu.dma_semaphore, #tpu.memory_space<semaphore_mem>>)
        %dma_wait3A_86 = arith.constant 40 : i32
        %dma_wait3A_87 = arith.constant 0 : i32
        %dma_wait3A_88 = tpu.memref_slice %arg6[%run_scoped3A_43, %arg1, %dma_wait3A_86, %dma_wait3A_87] : memref<2x16x80x128xi32, #tpu.memory_space<hbm>> -> memref<1x1x40x128xi32, #tpu.memory_space<hbm>>
        %dma_wait3A_89 = tpu.memref_squeeze %dma_wait3A_88 : memref<1x1x40x128xi32, #tpu.memory_space<hbm>> -> memref<40x128xi32, #tpu.memory_space<hbm>>
        %dma_wait3A_90 = arith.constant 40 : i32
        %dma_wait3A_91 = arith.constant 0 : i32
        %dma_wait3A_92 = tpu.memref_slice %arg6[%run_scoped3A_43, %arg1, %dma_wait3A_90, %dma_wait3A_91] : memref<2x16x80x128xi32, #tpu.memory_space<hbm>> -> memref<1x1x40x128xi32, #tpu.memory_space<hbm>>
        %dma_wait3A_93 = tpu.memref_squeeze %dma_wait3A_92 : memref<1x1x40x128xi32, #tpu.memory_space<hbm>> -> memref<40x128xi32, #tpu.memory_space<hbm>>
        tpu.wait_dma2 semaphore(%run_scoped3A_77 : memref<!tpu.dma_semaphore, #tpu.memory_space<semaphore_mem>>) src(%dma_wait3A_93 : memref<40x128xi32, #tpu.memory_space<hbm>>) dst(%arg10 : memref<40x128xi32, #tpu.memory_space<vmem>>)
        tpu.yield
      }) : () -> ()
      %dma_start3A_44 = arith.constant 0 : i32
      %dma_start3A_45 = arith.constant 0 : i32
      %dma_start3A_46 = tpu.memref_slice %arg9[%dma_start3A_44, %dma_start3A_45] : memref<40x128xi32, #tpu.memory_space<vmem>> -> memref<1x128xi32, #tpu.memory_space<vmem>>
      %dma_start3A_47 = tpu.memref_squeeze %dma_start3A_46 : memref<1x128xi32, #tpu.memory_space<vmem>> -> memref<128xi32, #tpu.memory_space<vmem>>
      %dma_start3A_48 = arith.constant 0 : i32
      %dma_start3A_49 = arith.constant 0 : i32
      %dma_start3A_50 = tpu.memref_slice %arg3[%dma_start3A_48, %dma_start3A_49] : memref<10240x128xf32, #tpu.memory_space<hbm>> -> memref<10240x128xf32, #tpu.memory_space<hbm>>
      tpu.enqueue_indirect_dma source(%dma_start3A_50 : memref<10240x128xf32, #tpu.memory_space<hbm>>) target(%arg11 : memref<128x128xf32, #tpu.memory_space<vmem>>) offsets(%dma_start3A_47 : memref<128xi32, #tpu.memory_space<vmem>>) semaphore(%arg14 : memref<!tpu.dma_semaphore, #tpu.memory_space<semaphore_mem>>)
      %scan3A_51 = arith.constant 0 : i32
      %scan3A_52 = arith.constant 0 : i32
      %scan3A_53 = arith.constant 20 : i32
      %scan3A_54 = arith.addi %scan3A_52, %scan3A_53 : i32
      %scan3A_55 = arith.constant 1 : i32
      %scan3A_56 = scf.for %scan3A_77 = %scan3A_52 to %scan3A_54 step %scan3A_55 iter_args(%scan3A_78 = %scan3A_51) -> (i32)  : i32 {
        %mul3A_79 = arith.constant 2 : i32
        %mul3A_80 = arith.muli %mul3A_79, %scan3A_77 : i32
        %ge3A = arith.constant 1 : i32
        %ge3A_81 = arith.cmpi sge, %scan3A_77, %ge3A : i32
        %convert_element_type3A_82 = arith.extui %ge3A_81 : i1 to i32
        %cond3A_83 = arith.constant 0 : i32
        %cond3A_84 = arith.cmpi ne, %convert_element_type3A_82, %cond3A_83 : i32
        scf.if %cond3A_84 {
          %dma_wait3A_123 = arith.constant 0 : i32
          %dma_wait3A_124 = arith.constant 0 : i32
          %dma_wait3A_125 = tpu.memref_slice %arg13[%dma_wait3A_123, %dma_wait3A_124] : memref<10240x128xf32, #tpu.memory_space<vmem_shared>> -> memref<128x128xf32, #tpu.memory_space<vmem_shared>>
          %dma_wait3A_126 = arith.constant 0 : i32
          %dma_wait3A_127 = arith.constant 0 : i32
          %dma_wait3A_128 = tpu.memref_slice %arg13[%dma_wait3A_126, %dma_wait3A_127] : memref<10240x128xf32, #tpu.memory_space<vmem_shared>> -> memref<128x128xf32, #tpu.memory_space<vmem_shared>>
          tpu.wait_dma2 semaphore(%arg17 : memref<!tpu.dma_semaphore, #tpu.memory_space<semaphore_mem>>) src(%arg12 : memref<128x128xf32, #tpu.memory_space<vmem>>) dst(%dma_wait3A_128 : memref<128x128xf32, #tpu.memory_space<vmem_shared>>)
        } else {
        }
        %add3A = arith.constant 1 : i32
        %add3A_85 = arith.addi %mul3A_80, %add3A : i32
        %dma_start3A_86 = arith.constant 0 : i32
        %dma_start3A_87 = tpu.memref_slice %arg9[%add3A_85, %dma_start3A_86] : memref<40x128xi32, #tpu.memory_space<vmem>> -> memref<1x128xi32, #tpu.memory_space<vmem>>
        %dma_start3A_88 = tpu.memref_squeeze %dma_start3A_87 : memref<1x128xi32, #tpu.memory_space<vmem>> -> memref<128xi32, #tpu.memory_space<vmem>>
        %dma_start3A_89 = arith.constant 0 : i32
        %dma_start3A_90 = arith.constant 0 : i32
        %dma_start3A_91 = tpu.memref_slice %arg3[%dma_start3A_89, %dma_start3A_90] : memref<10240x128xf32, #tpu.memory_space<hbm>> -> memref<10240x128xf32, #tpu.memory_space<hbm>>
        tpu.enqueue_indirect_dma source(%dma_start3A_91 : memref<10240x128xf32, #tpu.memory_space<hbm>>) target(%arg12 : memref<128x128xf32, #tpu.memory_space<vmem>>) offsets(%dma_start3A_88 : memref<128xi32, #tpu.memory_space<vmem>>) semaphore(%arg15 : memref<!tpu.dma_semaphore, #tpu.memory_space<semaphore_mem>>)
        %dma_wait3A_92 = arith.constant 0 : i32
        %dma_wait3A_93 = arith.constant 0 : i32
        %dma_wait3A_94 = tpu.memref_slice %arg7[%dma_wait3A_92, %dma_wait3A_93] : memref<640x128xf32, #tpu.memory_space<hbm>> -> memref<128x128xf32, #tpu.memory_space<hbm>>
        %dma_wait3A_95 = arith.constant 0 : i32
        %dma_wait3A_96 = arith.constant 0 : i32
        %dma_wait3A_97 = tpu.memref_slice %arg7[%dma_wait3A_95, %dma_wait3A_96] : memref<640x128xf32, #tpu.memory_space<hbm>> -> memref<128x128xf32, #tpu.memory_space<hbm>>
        tpu.wait_dma2 semaphore(%arg14 : memref<!tpu.dma_semaphore, #tpu.memory_space<semaphore_mem>>) src(%dma_wait3A_97 : memref<128x128xf32, #tpu.memory_space<hbm>>) dst(%arg11 : memref<128x128xf32, #tpu.memory_space<vmem>>)
        %dma_start3A_98 = arith.constant 0 : i32
        %dma_start3A_99 = tpu.memref_slice %arg10[%mul3A_80, %dma_start3A_98] : memref<40x128xi32, #tpu.memory_space<vmem>> -> memref<1x128xi32, #tpu.memory_space<vmem>>
        %dma_start3A_100 = tpu.memref_squeeze %dma_start3A_99 : memref<1x128xi32, #tpu.memory_space<vmem>> -> memref<128xi32, #tpu.memory_space<vmem>>
        %dma_start3A_101 = arith.constant 0 : i32
        %dma_start3A_102 = arith.constant 0 : i32
        %dma_start3A_103 = tpu.memref_slice %arg13[%dma_start3A_101, %dma_start3A_102] : memref<10240x128xf32, #tpu.memory_space<vmem_shared>> -> memref<10240x128xf32, #tpu.memory_space<vmem_shared>>
        tpu.enqueue_indirect_dma source(%arg11 : memref<128x128xf32, #tpu.memory_space<vmem>>) target(%dma_start3A_103 : memref<10240x128xf32, #tpu.memory_space<vmem_shared>>) offsets(%dma_start3A_100 : memref<128xi32, #tpu.memory_space<vmem>>) semaphore(%arg16 : memref<!tpu.dma_semaphore, #tpu.memory_space<semaphore_mem>>) {add = true}
        %lt3A = arith.constant 19 : i32
        %lt3A_104 = arith.cmpi slt, %scan3A_77, %lt3A : i32
        %convert_element_type3A_105 = arith.extui %lt3A_104 : i1 to i32
        %cond3A_106 = arith.constant 0 : i32
        %cond3A_107 = arith.cmpi ne, %convert_element_type3A_105, %cond3A_106 : i32
        scf.if %cond3A_107 {
          %dma_wait3A_123 = arith.constant 0 : i32
          %dma_wait3A_124 = arith.constant 0 : i32
          %dma_wait3A_125 = tpu.memref_slice %arg13[%dma_wait3A_123, %dma_wait3A_124] : memref<10240x128xf32, #tpu.memory_space<vmem_shared>> -> memref<128x128xf32, #tpu.memory_space<vmem_shared>>
          %dma_wait3A_126 = arith.constant 0 : i32
          %dma_wait3A_127 = arith.constant 0 : i32
          %dma_wait3A_128 = tpu.memref_slice %arg13[%dma_wait3A_126, %dma_wait3A_127] : memref<10240x128xf32, #tpu.memory_space<vmem_shared>> -> memref<128x128xf32, #tpu.memory_space<vmem_shared>>
          tpu.wait_dma2 semaphore(%arg16 : memref<!tpu.dma_semaphore, #tpu.memory_space<semaphore_mem>>) src(%arg11 : memref<128x128xf32, #tpu.memory_space<vmem>>) dst(%dma_wait3A_128 : memref<128x128xf32, #tpu.memory_space<vmem_shared>>)
          %add3A_129 = arith.constant 2 : i32
          %add3A_130 = arith.addi %mul3A_80, %add3A_129 : i32
          %dma_start3A_131 = arith.constant 0 : i32
          %dma_start3A_132 = tpu.memref_slice %arg9[%add3A_130, %dma_start3A_131] : memref<40x128xi32, #tpu.memory_space<vmem>> -> memref<1x128xi32, #tpu.memory_space<vmem>>
          %dma_start3A_133 = tpu.memref_squeeze %dma_start3A_132 : memref<1x128xi32, #tpu.memory_space<vmem>> -> memref<128xi32, #tpu.memory_space<vmem>>
          %dma_start3A_134 = arith.constant 0 : i32
          %dma_start3A_135 = arith.constant 0 : i32
          %dma_start3A_136 = tpu.memref_slice %arg3[%dma_start3A_134, %dma_start3A_135] : memref<10240x128xf32, #tpu.memory_space<hbm>> -> memref<10240x128xf32, #tpu.memory_space<hbm>>
          tpu.enqueue_indirect_dma source(%dma_start3A_136 : memref<10240x128xf32, #tpu.memory_space<hbm>>) target(%arg11 : memref<128x128xf32, #tpu.memory_space<vmem>>) offsets(%dma_start3A_133 : memref<128xi32, #tpu.memory_space<vmem>>) semaphore(%arg14 : memref<!tpu.dma_semaphore, #tpu.memory_space<semaphore_mem>>)
        } else {
        }
        %dma_wait3A_108 = arith.constant 0 : i32
        %dma_wait3A_109 = arith.constant 0 : i32
        %dma_wait3A_110 = tpu.memref_slice %arg7[%dma_wait3A_108, %dma_wait3A_109] : memref<640x128xf32, #tpu.memory_space<hbm>> -> memref<128x128xf32, #tpu.memory_space<hbm>>
        %dma_wait3A_111 = arith.constant 0 : i32
        %dma_wait3A_112 = arith.constant 0 : i32
        %dma_wait3A_113 = tpu.memref_slice %arg7[%dma_wait3A_111, %dma_wait3A_112] : memref<640x128xf32, #tpu.memory_space<hbm>> -> memref<128x128xf32, #tpu.memory_space<hbm>>
        tpu.wait_dma2 semaphore(%arg15 : memref<!tpu.dma_semaphore, #tpu.memory_space<semaphore_mem>>) src(%dma_wait3A_113 : memref<128x128xf32, #tpu.memory_space<hbm>>) dst(%arg12 : memref<128x128xf32, #tpu.memory_space<vmem>>)
        %add3A_114 = arith.constant 1 : i32
        %add3A_115 = arith.addi %mul3A_80, %add3A_114 : i32
        %dma_start3A_116 = arith.constant 0 : i32
        %dma_start3A_117 = tpu.memref_slice %arg10[%add3A_115, %dma_start3A_116] : memref<40x128xi32, #tpu.memory_space<vmem>> -> memref<1x128xi32, #tpu.memory_space<vmem>>
        %dma_start3A_118 = tpu.memref_squeeze %dma_start3A_117 : memref<1x128xi32, #tpu.memory_space<vmem>> -> memref<128xi32, #tpu.memory_space<vmem>>
        %dma_start3A_119 = arith.constant 0 : i32
        %dma_start3A_120 = arith.constant 0 : i32
        %dma_start3A_121 = tpu.memref_slice %arg13[%dma_start3A_119, %dma_start3A_120] : memref<10240x128xf32, #tpu.memory_space<vmem_shared>> -> memref<10240x128xf32, #tpu.memory_space<vmem_shared>>
        tpu.enqueue_indirect_dma source(%arg12 : memref<128x128xf32, #tpu.memory_space<vmem>>) target(%dma_start3A_121 : memref<10240x128xf32, #tpu.memory_space<vmem_shared>>) offsets(%dma_start3A_118 : memref<128xi32, #tpu.memory_space<vmem>>) semaphore(%arg17 : memref<!tpu.dma_semaphore, #tpu.memory_space<semaphore_mem>>) {add = true}
        %scan3A_122 = arith.constant 0 : i32
        scf.yield %scan3A_122 : i32
      }
      %scan3A_57 = arith.constant 20 : i32
      %dma_wait3A_58 = arith.constant 0 : i32
      %dma_wait3A_59 = arith.constant 0 : i32
      %dma_wait3A_60 = tpu.memref_slice %arg13[%dma_wait3A_58, %dma_wait3A_59] : memref<10240x128xf32, #tpu.memory_space<vmem_shared>> -> memref<128x128xf32, #tpu.memory_space<vmem_shared>>
      %dma_wait3A_61 = arith.constant 0 : i32
      %dma_wait3A_62 = arith.constant 0 : i32
      %dma_wait3A_63 = tpu.memref_slice %arg13[%dma_wait3A_61, %dma_wait3A_62] : memref<10240x128xf32, #tpu.memory_space<vmem_shared>> -> memref<128x128xf32, #tpu.memory_space<vmem_shared>>
      tpu.wait_dma2 semaphore(%arg16 : memref<!tpu.dma_semaphore, #tpu.memory_space<semaphore_mem>>) src(%arg11 : memref<128x128xf32, #tpu.memory_space<vmem>>) dst(%dma_wait3A_63 : memref<128x128xf32, #tpu.memory_space<vmem_shared>>)
      %dma_wait3A_64 = arith.constant 0 : i32
      %dma_wait3A_65 = arith.constant 0 : i32
      %dma_wait3A_66 = tpu.memref_slice %arg13[%dma_wait3A_64, %dma_wait3A_65] : memref<10240x128xf32, #tpu.memory_space<vmem_shared>> -> memref<128x128xf32, #tpu.memory_space<vmem_shared>>
      %dma_wait3A_67 = arith.constant 0 : i32
      %dma_wait3A_68 = arith.constant 0 : i32
      %dma_wait3A_69 = tpu.memref_slice %arg13[%dma_wait3A_67, %dma_wait3A_68] : memref<10240x128xf32, #tpu.memory_space<vmem_shared>> -> memref<128x128xf32, #tpu.memory_space<vmem_shared>>
      tpu.wait_dma2 semaphore(%arg17 : memref<!tpu.dma_semaphore, #tpu.memory_space<semaphore_mem>>) src(%arg12 : memref<128x128xf32, #tpu.memory_space<vmem>>) dst(%dma_wait3A_69 : memref<128x128xf32, #tpu.memory_space<vmem_shared>>)
      %barrier3A_70 = arith.constant 0 : index
      tpu.barrier barrier_id(%barrier3A_70)
      %mul3A_71 = arith.constant 640 : i32
      %mul3A_72 = arith.muli %arg1, %mul3A_71 : i32
      %mul3A_73 = arith.constant 640 : i32
      %mul3A_74 = arith.muli %arg1, %mul3A_73 : i32
      %run_scoped3A_75 = arith.constant 1 : i32
      "tpu.region"() ({
        %run_scoped3A_77 = tpu.sem_alloc : memref<!tpu.dma_semaphore, #tpu.memory_space<semaphore_mem>>
        %dma_start3A_78 = arith.constant 0 : i32
        %dma_start3A_79 = tpu.memref_slice %arg8[%run_scoped3A_75, %mul3A_74, %dma_start3A_78] : memref<4x10240x128xf32, #tpu.memory_space<hbm>> -> memref<1x640x128xf32, #tpu.memory_space<hbm>>
        %dma_start3A_80 = tpu.memref_squeeze %dma_start3A_79 : memref<1x640x128xf32, #tpu.memory_space<hbm>> -> memref<640x128xf32, #tpu.memory_space<hbm>>
        %dma_start3A_81 = arith.constant 0 : i32
        %dma_start3A_82 = tpu.memref_slice %arg13[%mul3A_72, %dma_start3A_81] : memref<10240x128xf32, #tpu.memory_space<vmem_shared>> -> memref<640x128xf32, #tpu.memory_space<vmem_shared>>
        tpu.enqueue_dma source(%dma_start3A_82 : memref<640x128xf32, #tpu.memory_space<vmem_shared>>) target(%dma_start3A_80 : memref<640x128xf32, #tpu.memory_space<hbm>>) target_semaphore(%run_scoped3A_77 : memref<!tpu.dma_semaphore, #tpu.memory_space<semaphore_mem>>)
        %dma_wait3A_83 = arith.constant 0 : i32
        %dma_wait3A_84 = tpu.memref_slice %arg8[%run_scoped3A_75, %mul3A_74, %dma_wait3A_83] : memref<4x10240x128xf32, #tpu.memory_space<hbm>> -> memref<1x640x128xf32, #tpu.memory_space<hbm>>
        %dma_wait3A_85 = tpu.memref_squeeze %dma_wait3A_84 : memref<1x640x128xf32, #tpu.memory_space<hbm>> -> memref<640x128xf32, #tpu.memory_space<hbm>>
        %dma_wait3A_86 = arith.constant 0 : i32
        %dma_wait3A_87 = tpu.memref_slice %arg13[%mul3A_72, %dma_wait3A_86] : memref<10240x128xf32, #tpu.memory_space<vmem_shared>> -> memref<640x128xf32, #tpu.memory_space<vmem_shared>>
        tpu.wait_dma2 semaphore(%run_scoped3A_77 : memref<!tpu.dma_semaphore, #tpu.memory_space<semaphore_mem>>) src(%dma_wait3A_87 : memref<640x128xf32, #tpu.memory_space<vmem_shared>>) dst(%dma_wait3A_85 : memref<640x128xf32, #tpu.memory_space<hbm>>)
        tpu.yield
      }) : () -> ()
      %barrier3A_76 = arith.constant 0 : index
      tpu.barrier barrier_id(%barrier3A_76)
    } else {
    }
    %eq3A_7 = arith.constant 0 : i32
    %eq3A_8 = arith.cmpi eq, %arg0, %eq3A_7 : i32
    %convert_element_type3A_9 = arith.extui %eq3A_8 : i1 to i32
    %cond3A_10 = arith.constant 0 : i32
    %cond3A_11 = arith.cmpi ne, %convert_element_type3A_9, %cond3A_10 : i32
    scf.if %cond3A_11 {
      %mul3A = arith.constant 640 : i32
      %mul3A_17 = arith.muli %arg1, %mul3A : i32
      "tpu.region"() ({
        %run_scoped3A_77 = tpu.sem_alloc : memref<!tpu.dma_semaphore, #tpu.memory_space<semaphore_mem>>
        %dma_start3A_78 = arith.constant 0 : i32
        %dma_start3A_79 = tpu.memref_slice %arg13[%mul3A_17, %dma_start3A_78] : memref<10240x128xf32, #tpu.memory_space<vmem_shared>> -> memref<640x128xf32, #tpu.memory_space<vmem_shared>>
        tpu.enqueue_dma source(%arg7 : memref<640x128xf32, #tpu.memory_space<hbm>>) target(%dma_start3A_79 : memref<640x128xf32, #tpu.memory_space<vmem_shared>>) target_semaphore(%run_scoped3A_77 : memref<!tpu.dma_semaphore, #tpu.memory_space<semaphore_mem>>)
        %dma_wait3A_80 = arith.constant 0 : i32
        %dma_wait3A_81 = tpu.memref_slice %arg13[%mul3A_17, %dma_wait3A_80] : memref<10240x128xf32, #tpu.memory_space<vmem_shared>> -> memref<640x128xf32, #tpu.memory_space<vmem_shared>>
        tpu.wait_dma2 semaphore(%run_scoped3A_77 : memref<!tpu.dma_semaphore, #tpu.memory_space<semaphore_mem>>) src(%arg7 : memref<640x128xf32, #tpu.memory_space<hbm>>) dst(%dma_wait3A_81 : memref<640x128xf32, #tpu.memory_space<vmem_shared>>)
        tpu.yield
      }) : () -> ()
      %barrier3A = arith.constant 0 : index
      tpu.barrier barrier_id(%barrier3A)
      %run_scoped3A = arith.constant 0 : i32
      "tpu.region"() ({
        %run_scoped3A_77 = tpu.sem_alloc : memref<!tpu.dma_semaphore, #tpu.memory_space<semaphore_mem>>
        %dma_start3A_78 = arith.constant 0 : i32
        %dma_start3A_79 = arith.constant 0 : i32
        %dma_start3A_80 = tpu.memref_slice %arg6[%run_scoped3A, %arg1, %dma_start3A_78, %dma_start3A_79] : memref<2x16x80x128xi32, #tpu.memory_space<hbm>> -> memref<1x1x40x128xi32, #tpu.memory_space<hbm>>
        %dma_start3A_81 = tpu.memref_squeeze %dma_start3A_80 : memref<1x1x40x128xi32, #tpu.memory_space<hbm>> -> memref<40x128xi32, #tpu.memory_space<hbm>>
        %dma_start3A_82 = arith.constant 0 : i32
        %dma_start3A_83 = arith.constant 0 : i32
        %dma_start3A_84 = tpu.memref_slice %arg6[%run_scoped3A, %arg1, %dma_start3A_82, %dma_start3A_83] : memref<2x16x80x128xi32, #tpu.memory_space<hbm>> -> memref<1x1x40x128xi32, #tpu.memory_space<hbm>>
        %dma_start3A_85 = tpu.memref_squeeze %dma_start3A_84 : memref<1x1x40x128xi32, #tpu.memory_space<hbm>> -> memref<40x128xi32, #tpu.memory_space<hbm>>
        tpu.enqueue_dma source(%dma_start3A_85 : memref<40x128xi32, #tpu.memory_space<hbm>>) target(%arg9 : memref<40x128xi32, #tpu.memory_space<vmem>>) target_semaphore(%run_scoped3A_77 : memref<!tpu.dma_semaphore, #tpu.memory_space<semaphore_mem>>)
        %dma_wait3A_86 = arith.constant 0 : i32
        %dma_wait3A_87 = arith.constant 0 : i32
        %dma_wait3A_88 = tpu.memref_slice %arg6[%run_scoped3A, %arg1, %dma_wait3A_86, %dma_wait3A_87] : memref<2x16x80x128xi32, #tpu.memory_space<hbm>> -> memref<1x1x40x128xi32, #tpu.memory_space<hbm>>
        %dma_wait3A_89 = tpu.memref_squeeze %dma_wait3A_88 : memref<1x1x40x128xi32, #tpu.memory_space<hbm>> -> memref<40x128xi32, #tpu.memory_space<hbm>>
        %dma_wait3A_90 = arith.constant 0 : i32
        %dma_wait3A_91 = arith.constant 0 : i32
        %dma_wait3A_92 = tpu.memref_slice %arg6[%run_scoped3A, %arg1, %dma_wait3A_90, %dma_wait3A_91] : memref<2x16x80x128xi32, #tpu.memory_space<hbm>> -> memref<1x1x40x128xi32, #tpu.memory_space<hbm>>
        %dma_wait3A_93 = tpu.memref_squeeze %dma_wait3A_92 : memref<1x1x40x128xi32, #tpu.memory_space<hbm>> -> memref<40x128xi32, #tpu.memory_space<hbm>>
        tpu.wait_dma2 semaphore(%run_scoped3A_77 : memref<!tpu.dma_semaphore, #tpu.memory_space<semaphore_mem>>) src(%dma_wait3A_93 : memref<40x128xi32, #tpu.memory_space<hbm>>) dst(%arg9 : memref<40x128xi32, #tpu.memory_space<vmem>>)
        tpu.yield
      }) : () -> ()
      %run_scoped3A_18 = arith.constant 1 : i32
      "tpu.region"() ({
        %run_scoped3A_77 = tpu.sem_alloc : memref<!tpu.dma_semaphore, #tpu.memory_space<semaphore_mem>>
        %dma_start3A_78 = arith.constant 0 : i32
        %dma_start3A_79 = arith.constant 0 : i32
        %dma_start3A_80 = tpu.memref_slice %arg6[%run_scoped3A_18, %arg1, %dma_start3A_78, %dma_start3A_79] : memref<2x16x80x128xi32, #tpu.memory_space<hbm>> -> memref<1x1x40x128xi32, #tpu.memory_space<hbm>>
        %dma_start3A_81 = tpu.memref_squeeze %dma_start3A_80 : memref<1x1x40x128xi32, #tpu.memory_space<hbm>> -> memref<40x128xi32, #tpu.memory_space<hbm>>
        %dma_start3A_82 = arith.constant 0 : i32
        %dma_start3A_83 = arith.constant 0 : i32
        %dma_start3A_84 = tpu.memref_slice %arg6[%run_scoped3A_18, %arg1, %dma_start3A_82, %dma_start3A_83] : memref<2x16x80x128xi32, #tpu.memory_space<hbm>> -> memref<1x1x40x128xi32, #tpu.memory_space<hbm>>
        %dma_start3A_85 = tpu.memref_squeeze %dma_start3A_84 : memref<1x1x40x128xi32, #tpu.memory_space<hbm>> -> memref<40x128xi32, #tpu.memory_space<hbm>>
        tpu.enqueue_dma source(%dma_start3A_85 : memref<40x128xi32, #tpu.memory_space<hbm>>) target(%arg10 : memref<40x128xi32, #tpu.memory_space<vmem>>) target_semaphore(%run_scoped3A_77 : memref<!tpu.dma_semaphore, #tpu.memory_space<semaphore_mem>>)
        %dma_wait3A_86 = arith.constant 0 : i32
        %dma_wait3A_87 = arith.constant 0 : i32
        %dma_wait3A_88 = tpu.memref_slice %arg6[%run_scoped3A_18, %arg1, %dma_wait3A_86, %dma_wait3A_87] : memref<2x16x80x128xi32, #tpu.memory_space<hbm>> -> memref<1x1x40x128xi32, #tpu.memory_space<hbm>>
        %dma_wait3A_89 = tpu.memref_squeeze %dma_wait3A_88 : memref<1x1x40x128xi32, #tpu.memory_space<hbm>> -> memref<40x128xi32, #tpu.memory_space<hbm>>
        %dma_wait3A_90 = arith.constant 0 : i32
        %dma_wait3A_91 = arith.constant 0 : i32
        %dma_wait3A_92 = tpu.memref_slice %arg6[%run_scoped3A_18, %arg1, %dma_wait3A_90, %dma_wait3A_91] : memref<2x16x80x128xi32, #tpu.memory_space<hbm>> -> memref<1x1x40x128xi32, #tpu.memory_space<hbm>>
        %dma_wait3A_93 = tpu.memref_squeeze %dma_wait3A_92 : memref<1x1x40x128xi32, #tpu.memory_space<hbm>> -> memref<40x128xi32, #tpu.memory_space<hbm>>
        tpu.wait_dma2 semaphore(%run_scoped3A_77 : memref<!tpu.dma_semaphore, #tpu.memory_space<semaphore_mem>>) src(%dma_wait3A_93 : memref<40x128xi32, #tpu.memory_space<hbm>>) dst(%arg10 : memref<40x128xi32, #tpu.memory_space<vmem>>)
        tpu.yield
      }) : () -> ()
      %dma_start3A = arith.constant 0 : i32
      %dma_start3A_19 = arith.constant 0 : i32
      %dma_start3A_20 = tpu.memref_slice %arg9[%dma_start3A, %dma_start3A_19] : memref<40x128xi32, #tpu.memory_space<vmem>> -> memref<1x128xi32, #tpu.memory_space<vmem>>
      %dma_start3A_21 = tpu.memref_squeeze %dma_start3A_20 : memref<1x128xi32, #tpu.memory_space<vmem>> -> memref<128xi32, #tpu.memory_space<vmem>>
      %dma_start3A_22 = arith.constant 0 : i32
      %dma_start3A_23 = arith.constant 0 : i32
      %dma_start3A_24 = tpu.memref_slice %arg4[%dma_start3A_22, %dma_start3A_23] : memref<10240x128xf32, #tpu.memory_space<hbm>> -> memref<10240x128xf32, #tpu.memory_space<hbm>>
      tpu.enqueue_indirect_dma source(%dma_start3A_24 : memref<10240x128xf32, #tpu.memory_space<hbm>>) target(%arg11 : memref<128x128xf32, #tpu.memory_space<vmem>>) offsets(%dma_start3A_21 : memref<128xi32, #tpu.memory_space<vmem>>) semaphore(%arg14 : memref<!tpu.dma_semaphore, #tpu.memory_space<semaphore_mem>>)
      %scan3A = arith.constant 0 : i32
      %scan3A_25 = arith.constant 0 : i32
      %scan3A_26 = arith.constant 20 : i32
      %scan3A_27 = arith.addi %scan3A_25, %scan3A_26 : i32
      %scan3A_28 = arith.constant 1 : i32
      %scan3A_29 = scf.for %scan3A_77 = %scan3A_25 to %scan3A_27 step %scan3A_28 iter_args(%scan3A_78 = %scan3A) -> (i32)  : i32 {
        %mul3A_79 = arith.constant 2 : i32
        %mul3A_80 = arith.muli %mul3A_79, %scan3A_77 : i32
        %ge3A = arith.constant 1 : i32
        %ge3A_81 = arith.cmpi sge, %scan3A_77, %ge3A : i32
        %convert_element_type3A_82 = arith.extui %ge3A_81 : i1 to i32
        %cond3A_83 = arith.constant 0 : i32
        %cond3A_84 = arith.cmpi ne, %convert_element_type3A_82, %cond3A_83 : i32
        scf.if %cond3A_84 {
          %dma_wait3A_123 = arith.constant 0 : i32
          %dma_wait3A_124 = arith.constant 0 : i32
          %dma_wait3A_125 = tpu.memref_slice %arg13[%dma_wait3A_123, %dma_wait3A_124] : memref<10240x128xf32, #tpu.memory_space<vmem_shared>> -> memref<128x128xf32, #tpu.memory_space<vmem_shared>>
          %dma_wait3A_126 = arith.constant 0 : i32
          %dma_wait3A_127 = arith.constant 0 : i32
          %dma_wait3A_128 = tpu.memref_slice %arg13[%dma_wait3A_126, %dma_wait3A_127] : memref<10240x128xf32, #tpu.memory_space<vmem_shared>> -> memref<128x128xf32, #tpu.memory_space<vmem_shared>>
          tpu.wait_dma2 semaphore(%arg17 : memref<!tpu.dma_semaphore, #tpu.memory_space<semaphore_mem>>) src(%arg12 : memref<128x128xf32, #tpu.memory_space<vmem>>) dst(%dma_wait3A_128 : memref<128x128xf32, #tpu.memory_space<vmem_shared>>)
        } else {
        }
        %add3A = arith.constant 1 : i32
        %add3A_85 = arith.addi %mul3A_80, %add3A : i32
        %dma_start3A_86 = arith.constant 0 : i32
        %dma_start3A_87 = tpu.memref_slice %arg9[%add3A_85, %dma_start3A_86] : memref<40x128xi32, #tpu.memory_space<vmem>> -> memref<1x128xi32, #tpu.memory_space<vmem>>
        %dma_start3A_88 = tpu.memref_squeeze %dma_start3A_87 : memref<1x128xi32, #tpu.memory_space<vmem>> -> memref<128xi32, #tpu.memory_space<vmem>>
        %dma_start3A_89 = arith.constant 0 : i32
        %dma_start3A_90 = arith.constant 0 : i32
        %dma_start3A_91 = tpu.memref_slice %arg4[%dma_start3A_89, %dma_start3A_90] : memref<10240x128xf32, #tpu.memory_space<hbm>> -> memref<10240x128xf32, #tpu.memory_space<hbm>>
        tpu.enqueue_indirect_dma source(%dma_start3A_91 : memref<10240x128xf32, #tpu.memory_space<hbm>>) target(%arg12 : memref<128x128xf32, #tpu.memory_space<vmem>>) offsets(%dma_start3A_88 : memref<128xi32, #tpu.memory_space<vmem>>) semaphore(%arg15 : memref<!tpu.dma_semaphore, #tpu.memory_space<semaphore_mem>>)
        %dma_wait3A_92 = arith.constant 0 : i32
        %dma_wait3A_93 = arith.constant 0 : i32
        %dma_wait3A_94 = tpu.memref_slice %arg7[%dma_wait3A_92, %dma_wait3A_93] : memref<640x128xf32, #tpu.memory_space<hbm>> -> memref<128x128xf32, #tpu.memory_space<hbm>>
        %dma_wait3A_95 = arith.constant 0 : i32
        %dma_wait3A_96 = arith.constant 0 : i32
        %dma_wait3A_97 = tpu.memref_slice %arg7[%dma_wait3A_95, %dma_wait3A_96] : memref<640x128xf32, #tpu.memory_space<hbm>> -> memref<128x128xf32, #tpu.memory_space<hbm>>
        tpu.wait_dma2 semaphore(%arg14 : memref<!tpu.dma_semaphore, #tpu.memory_space<semaphore_mem>>) src(%dma_wait3A_97 : memref<128x128xf32, #tpu.memory_space<hbm>>) dst(%arg11 : memref<128x128xf32, #tpu.memory_space<vmem>>)
        %dma_start3A_98 = arith.constant 0 : i32
        %dma_start3A_99 = tpu.memref_slice %arg10[%mul3A_80, %dma_start3A_98] : memref<40x128xi32, #tpu.memory_space<vmem>> -> memref<1x128xi32, #tpu.memory_space<vmem>>
        %dma_start3A_100 = tpu.memref_squeeze %dma_start3A_99 : memref<1x128xi32, #tpu.memory_space<vmem>> -> memref<128xi32, #tpu.memory_space<vmem>>
        %dma_start3A_101 = arith.constant 0 : i32
        %dma_start3A_102 = arith.constant 0 : i32
        %dma_start3A_103 = tpu.memref_slice %arg13[%dma_start3A_101, %dma_start3A_102] : memref<10240x128xf32, #tpu.memory_space<vmem_shared>> -> memref<10240x128xf32, #tpu.memory_space<vmem_shared>>
        tpu.enqueue_indirect_dma source(%arg11 : memref<128x128xf32, #tpu.memory_space<vmem>>) target(%dma_start3A_103 : memref<10240x128xf32, #tpu.memory_space<vmem_shared>>) offsets(%dma_start3A_100 : memref<128xi32, #tpu.memory_space<vmem>>) semaphore(%arg16 : memref<!tpu.dma_semaphore, #tpu.memory_space<semaphore_mem>>) {add = true}
        %lt3A = arith.constant 19 : i32
        %lt3A_104 = arith.cmpi slt, %scan3A_77, %lt3A : i32
        %convert_element_type3A_105 = arith.extui %lt3A_104 : i1 to i32
        %cond3A_106 = arith.constant 0 : i32
        %cond3A_107 = arith.cmpi ne, %convert_element_type3A_105, %cond3A_106 : i32
        scf.if %cond3A_107 {
          %dma_wait3A_123 = arith.constant 0 : i32
          %dma_wait3A_124 = arith.constant 0 : i32
          %dma_wait3A_125 = tpu.memref_slice %arg13[%dma_wait3A_123, %dma_wait3A_124] : memref<10240x128xf32, #tpu.memory_space<vmem_shared>> -> memref<128x128xf32, #tpu.memory_space<vmem_shared>>
          %dma_wait3A_126 = arith.constant 0 : i32
          %dma_wait3A_127 = arith.constant 0 : i32
          %dma_wait3A_128 = tpu.memref_slice %arg13[%dma_wait3A_126, %dma_wait3A_127] : memref<10240x128xf32, #tpu.memory_space<vmem_shared>> -> memref<128x128xf32, #tpu.memory_space<vmem_shared>>
          tpu.wait_dma2 semaphore(%arg16 : memref<!tpu.dma_semaphore, #tpu.memory_space<semaphore_mem>>) src(%arg11 : memref<128x128xf32, #tpu.memory_space<vmem>>) dst(%dma_wait3A_128 : memref<128x128xf32, #tpu.memory_space<vmem_shared>>)
          %add3A_129 = arith.constant 2 : i32
          %add3A_130 = arith.addi %mul3A_80, %add3A_129 : i32
          %dma_start3A_131 = arith.constant 0 : i32
          %dma_start3A_132 = tpu.memref_slice %arg9[%add3A_130, %dma_start3A_131] : memref<40x128xi32, #tpu.memory_space<vmem>> -> memref<1x128xi32, #tpu.memory_space<vmem>>
          %dma_start3A_133 = tpu.memref_squeeze %dma_start3A_132 : memref<1x128xi32, #tpu.memory_space<vmem>> -> memref<128xi32, #tpu.memory_space<vmem>>
          %dma_start3A_134 = arith.constant 0 : i32
          %dma_start3A_135 = arith.constant 0 : i32
          %dma_start3A_136 = tpu.memref_slice %arg4[%dma_start3A_134, %dma_start3A_135] : memref<10240x128xf32, #tpu.memory_space<hbm>> -> memref<10240x128xf32, #tpu.memory_space<hbm>>
          tpu.enqueue_indirect_dma source(%dma_start3A_136 : memref<10240x128xf32, #tpu.memory_space<hbm>>) target(%arg11 : memref<128x128xf32, #tpu.memory_space<vmem>>) offsets(%dma_start3A_133 : memref<128xi32, #tpu.memory_space<vmem>>) semaphore(%arg14 : memref<!tpu.dma_semaphore, #tpu.memory_space<semaphore_mem>>)
        } else {
        }
        %dma_wait3A_108 = arith.constant 0 : i32
        %dma_wait3A_109 = arith.constant 0 : i32
        %dma_wait3A_110 = tpu.memref_slice %arg7[%dma_wait3A_108, %dma_wait3A_109] : memref<640x128xf32, #tpu.memory_space<hbm>> -> memref<128x128xf32, #tpu.memory_space<hbm>>
        %dma_wait3A_111 = arith.constant 0 : i32
        %dma_wait3A_112 = arith.constant 0 : i32
        %dma_wait3A_113 = tpu.memref_slice %arg7[%dma_wait3A_111, %dma_wait3A_112] : memref<640x128xf32, #tpu.memory_space<hbm>> -> memref<128x128xf32, #tpu.memory_space<hbm>>
        tpu.wait_dma2 semaphore(%arg15 : memref<!tpu.dma_semaphore, #tpu.memory_space<semaphore_mem>>) src(%dma_wait3A_113 : memref<128x128xf32, #tpu.memory_space<hbm>>) dst(%arg12 : memref<128x128xf32, #tpu.memory_space<vmem>>)
        %add3A_114 = arith.constant 1 : i32
        %add3A_115 = arith.addi %mul3A_80, %add3A_114 : i32
        %dma_start3A_116 = arith.constant 0 : i32
        %dma_start3A_117 = tpu.memref_slice %arg10[%add3A_115, %dma_start3A_116] : memref<40x128xi32, #tpu.memory_space<vmem>> -> memref<1x128xi32, #tpu.memory_space<vmem>>
        %dma_start3A_118 = tpu.memref_squeeze %dma_start3A_117 : memref<1x128xi32, #tpu.memory_space<vmem>> -> memref<128xi32, #tpu.memory_space<vmem>>
        %dma_start3A_119 = arith.constant 0 : i32
        %dma_start3A_120 = arith.constant 0 : i32
        %dma_start3A_121 = tpu.memref_slice %arg13[%dma_start3A_119, %dma_start3A_120] : memref<10240x128xf32, #tpu.memory_space<vmem_shared>> -> memref<10240x128xf32, #tpu.memory_space<vmem_shared>>
        tpu.enqueue_indirect_dma source(%arg12 : memref<128x128xf32, #tpu.memory_space<vmem>>) target(%dma_start3A_121 : memref<10240x128xf32, #tpu.memory_space<vmem_shared>>) offsets(%dma_start3A_118 : memref<128xi32, #tpu.memory_space<vmem>>) semaphore(%arg17 : memref<!tpu.dma_semaphore, #tpu.memory_space<semaphore_mem>>) {add = true}
        %scan3A_122 = arith.constant 0 : i32
        scf.yield %scan3A_122 : i32
      }
      %scan3A_30 = arith.constant 20 : i32
      %dma_wait3A = arith.constant 0 : i32
      %dma_wait3A_31 = arith.constant 0 : i32
      %dma_wait3A_32 = tpu.memref_slice %arg13[%dma_wait3A, %dma_wait3A_31] : memref<10240x128xf32, #tpu.memory_space<vmem_shared>> -> memref<128x128xf32, #tpu.memory_space<vmem_shared>>
      %dma_wait3A_33 = arith.constant 0 : i32
      %dma_wait3A_34 = arith.constant 0 : i32
      %dma_wait3A_35 = tpu.memref_slice %arg13[%dma_wait3A_33, %dma_wait3A_34] : memref<10240x128xf32, #tpu.memory_space<vmem_shared>> -> memref<128x128xf32, #tpu.memory_space<vmem_shared>>
      tpu.wait_dma2 semaphore(%arg16 : memref<!tpu.dma_semaphore, #tpu.memory_space<semaphore_mem>>) src(%arg11 : memref<128x128xf32, #tpu.memory_space<vmem>>) dst(%dma_wait3A_35 : memref<128x128xf32, #tpu.memory_space<vmem_shared>>)
      %dma_wait3A_36 = arith.constant 0 : i32
      %dma_wait3A_37 = arith.constant 0 : i32
      %dma_wait3A_38 = tpu.memref_slice %arg13[%dma_wait3A_36, %dma_wait3A_37] : memref<10240x128xf32, #tpu.memory_space<vmem_shared>> -> memref<128x128xf32, #tpu.memory_space<vmem_shared>>
      %dma_wait3A_39 = arith.constant 0 : i32
      %dma_wait3A_40 = arith.constant 0 : i32
      %dma_wait3A_41 = tpu.memref_slice %arg13[%dma_wait3A_39, %dma_wait3A_40] : memref<10240x128xf32, #tpu.memory_space<vmem_shared>> -> memref<128x128xf32, #tpu.memory_space<vmem_shared>>
      tpu.wait_dma2 semaphore(%arg17 : memref<!tpu.dma_semaphore, #tpu.memory_space<semaphore_mem>>) src(%arg12 : memref<128x128xf32, #tpu.memory_space<vmem>>) dst(%dma_wait3A_41 : memref<128x128xf32, #tpu.memory_space<vmem_shared>>)
      %run_scoped3A_42 = arith.constant 0 : i32
      "tpu.region"() ({
        %run_scoped3A_77 = tpu.sem_alloc : memref<!tpu.dma_semaphore, #tpu.memory_space<semaphore_mem>>
        %dma_start3A_78 = arith.constant 40 : i32
        %dma_start3A_79 = arith.constant 0 : i32
        %dma_start3A_80 = tpu.memref_slice %arg6[%run_scoped3A_42, %arg1, %dma_start3A_78, %dma_start3A_79] : memref<2x16x80x128xi32, #tpu.memory_space<hbm>> -> memref<1x1x40x128xi32, #tpu.memory_space<hbm>>
        %dma_start3A_81 = tpu.memref_squeeze %dma_start3A_80 : memref<1x1x40x128xi32, #tpu.memory_space<hbm>> -> memref<40x128xi32, #tpu.memory_space<hbm>>
        %dma_start3A_82 = arith.constant 40 : i32
        %dma_start3A_83 = arith.constant 0 : i32
        %dma_start3A_84 = tpu.memref_slice %arg6[%run_scoped3A_42, %arg1, %dma_start3A_82, %dma_start3A_83] : memref<2x16x80x128xi32, #tpu.memory_space<hbm>> -> memref<1x1x40x128xi32, #tpu.memory_space<hbm>>
        %dma_start3A_85 = tpu.memref_squeeze %dma_start3A_84 : memref<1x1x40x128xi32, #tpu.memory_space<hbm>> -> memref<40x128xi32, #tpu.memory_space<hbm>>
        tpu.enqueue_dma source(%dma_start3A_85 : memref<40x128xi32, #tpu.memory_space<hbm>>) target(%arg9 : memref<40x128xi32, #tpu.memory_space<vmem>>) target_semaphore(%run_scoped3A_77 : memref<!tpu.dma_semaphore, #tpu.memory_space<semaphore_mem>>)
        %dma_wait3A_86 = arith.constant 40 : i32
        %dma_wait3A_87 = arith.constant 0 : i32
        %dma_wait3A_88 = tpu.memref_slice %arg6[%run_scoped3A_42, %arg1, %dma_wait3A_86, %dma_wait3A_87] : memref<2x16x80x128xi32, #tpu.memory_space<hbm>> -> memref<1x1x40x128xi32, #tpu.memory_space<hbm>>
        %dma_wait3A_89 = tpu.memref_squeeze %dma_wait3A_88 : memref<1x1x40x128xi32, #tpu.memory_space<hbm>> -> memref<40x128xi32, #tpu.memory_space<hbm>>
        %dma_wait3A_90 = arith.constant 40 : i32
        %dma_wait3A_91 = arith.constant 0 : i32
        %dma_wait3A_92 = tpu.memref_slice %arg6[%run_scoped3A_42, %arg1, %dma_wait3A_90, %dma_wait3A_91] : memref<2x16x80x128xi32, #tpu.memory_space<hbm>> -> memref<1x1x40x128xi32, #tpu.memory_space<hbm>>
        %dma_wait3A_93 = tpu.memref_squeeze %dma_wait3A_92 : memref<1x1x40x128xi32, #tpu.memory_space<hbm>> -> memref<40x128xi32, #tpu.memory_space<hbm>>
        tpu.wait_dma2 semaphore(%run_scoped3A_77 : memref<!tpu.dma_semaphore, #tpu.memory_space<semaphore_mem>>) src(%dma_wait3A_93 : memref<40x128xi32, #tpu.memory_space<hbm>>) dst(%arg9 : memref<40x128xi32, #tpu.memory_space<vmem>>)
        tpu.yield
      }) : () -> ()
      %run_scoped3A_43 = arith.constant 1 : i32
      "tpu.region"() ({
        %run_scoped3A_77 = tpu.sem_alloc : memref<!tpu.dma_semaphore, #tpu.memory_space<semaphore_mem>>
        %dma_start3A_78 = arith.constant 40 : i32
        %dma_start3A_79 = arith.constant 0 : i32
        %dma_start3A_80 = tpu.memref_slice %arg6[%run_scoped3A_43, %arg1, %dma_start3A_78, %dma_start3A_79] : memref<2x16x80x128xi32, #tpu.memory_space<hbm>> -> memref<1x1x40x128xi32, #tpu.memory_space<hbm>>
        %dma_start3A_81 = tpu.memref_squeeze %dma_start3A_80 : memref<1x1x40x128xi32, #tpu.memory_space<hbm>> -> memref<40x128xi32, #tpu.memory_space<hbm>>
        %dma_start3A_82 = arith.constant 40 : i32
        %dma_start3A_83 = arith.constant 0 : i32
        %dma_start3A_84 = tpu.memref_slice %arg6[%run_scoped3A_43, %arg1, %dma_start3A_82, %dma_start3A_83] : memref<2x16x80x128xi32, #tpu.memory_space<hbm>> -> memref<1x1x40x128xi32, #tpu.memory_space<hbm>>
        %dma_start3A_85 = tpu.memref_squeeze %dma_start3A_84 : memref<1x1x40x128xi32, #tpu.memory_space<hbm>> -> memref<40x128xi32, #tpu.memory_space<hbm>>
        tpu.enqueue_dma source(%dma_start3A_85 : memref<40x128xi32, #tpu.memory_space<hbm>>) target(%arg10 : memref<40x128xi32, #tpu.memory_space<vmem>>) target_semaphore(%run_scoped3A_77 : memref<!tpu.dma_semaphore, #tpu.memory_space<semaphore_mem>>)
        %dma_wait3A_86 = arith.constant 40 : i32
        %dma_wait3A_87 = arith.constant 0 : i32
        %dma_wait3A_88 = tpu.memref_slice %arg6[%run_scoped3A_43, %arg1, %dma_wait3A_86, %dma_wait3A_87] : memref<2x16x80x128xi32, #tpu.memory_space<hbm>> -> memref<1x1x40x128xi32, #tpu.memory_space<hbm>>
        %dma_wait3A_89 = tpu.memref_squeeze %dma_wait3A_88 : memref<1x1x40x128xi32, #tpu.memory_space<hbm>> -> memref<40x128xi32, #tpu.memory_space<hbm>>
        %dma_wait3A_90 = arith.constant 40 : i32
        %dma_wait3A_91 = arith.constant 0 : i32
        %dma_wait3A_92 = tpu.memref_slice %arg6[%run_scoped3A_43, %arg1, %dma_wait3A_90, %dma_wait3A_91] : memref<2x16x80x128xi32, #tpu.memory_space<hbm>> -> memref<1x1x40x128xi32, #tpu.memory_space<hbm>>
        %dma_wait3A_93 = tpu.memref_squeeze %dma_wait3A_92 : memref<1x1x40x128xi32, #tpu.memory_space<hbm>> -> memref<40x128xi32, #tpu.memory_space<hbm>>
        tpu.wait_dma2 semaphore(%run_scoped3A_77 : memref<!tpu.dma_semaphore, #tpu.memory_space<semaphore_mem>>) src(%dma_wait3A_93 : memref<40x128xi32, #tpu.memory_space<hbm>>) dst(%arg10 : memref<40x128xi32, #tpu.memory_space<vmem>>)
        tpu.yield
      }) : () -> ()
      %dma_start3A_44 = arith.constant 0 : i32
      %dma_start3A_45 = arith.constant 0 : i32
      %dma_start3A_46 = tpu.memref_slice %arg9[%dma_start3A_44, %dma_start3A_45] : memref<40x128xi32, #tpu.memory_space<vmem>> -> memref<1x128xi32, #tpu.memory_space<vmem>>
      %dma_start3A_47 = tpu.memref_squeeze %dma_start3A_46 : memref<1x128xi32, #tpu.memory_space<vmem>> -> memref<128xi32, #tpu.memory_space<vmem>>
      %dma_start3A_48 = arith.constant 0 : i32
      %dma_start3A_49 = arith.constant 0 : i32
      %dma_start3A_50 = tpu.memref_slice %arg4[%dma_start3A_48, %dma_start3A_49] : memref<10240x128xf32, #tpu.memory_space<hbm>> -> memref<10240x128xf32, #tpu.memory_space<hbm>>
      tpu.enqueue_indirect_dma source(%dma_start3A_50 : memref<10240x128xf32, #tpu.memory_space<hbm>>) target(%arg11 : memref<128x128xf32, #tpu.memory_space<vmem>>) offsets(%dma_start3A_47 : memref<128xi32, #tpu.memory_space<vmem>>) semaphore(%arg14 : memref<!tpu.dma_semaphore, #tpu.memory_space<semaphore_mem>>)
      %scan3A_51 = arith.constant 0 : i32
      %scan3A_52 = arith.constant 0 : i32
      %scan3A_53 = arith.constant 20 : i32
      %scan3A_54 = arith.addi %scan3A_52, %scan3A_53 : i32
      %scan3A_55 = arith.constant 1 : i32
      %scan3A_56 = scf.for %scan3A_77 = %scan3A_52 to %scan3A_54 step %scan3A_55 iter_args(%scan3A_78 = %scan3A_51) -> (i32)  : i32 {
        %mul3A_79 = arith.constant 2 : i32
        %mul3A_80 = arith.muli %mul3A_79, %scan3A_77 : i32
        %ge3A = arith.constant 1 : i32
        %ge3A_81 = arith.cmpi sge, %scan3A_77, %ge3A : i32
        %convert_element_type3A_82 = arith.extui %ge3A_81 : i1 to i32
        %cond3A_83 = arith.constant 0 : i32
        %cond3A_84 = arith.cmpi ne, %convert_element_type3A_82, %cond3A_83 : i32
        scf.if %cond3A_84 {
          %dma_wait3A_123 = arith.constant 0 : i32
          %dma_wait3A_124 = arith.constant 0 : i32
          %dma_wait3A_125 = tpu.memref_slice %arg13[%dma_wait3A_123, %dma_wait3A_124] : memref<10240x128xf32, #tpu.memory_space<vmem_shared>> -> memref<128x128xf32, #tpu.memory_space<vmem_shared>>
          %dma_wait3A_126 = arith.constant 0 : i32
          %dma_wait3A_127 = arith.constant 0 : i32
          %dma_wait3A_128 = tpu.memref_slice %arg13[%dma_wait3A_126, %dma_wait3A_127] : memref<10240x128xf32, #tpu.memory_space<vmem_shared>> -> memref<128x128xf32, #tpu.memory_space<vmem_shared>>
          tpu.wait_dma2 semaphore(%arg17 : memref<!tpu.dma_semaphore, #tpu.memory_space<semaphore_mem>>) src(%arg12 : memref<128x128xf32, #tpu.memory_space<vmem>>) dst(%dma_wait3A_128 : memref<128x128xf32, #tpu.memory_space<vmem_shared>>)
        } else {
        }
        %add3A = arith.constant 1 : i32
        %add3A_85 = arith.addi %mul3A_80, %add3A : i32
        %dma_start3A_86 = arith.constant 0 : i32
        %dma_start3A_87 = tpu.memref_slice %arg9[%add3A_85, %dma_start3A_86] : memref<40x128xi32, #tpu.memory_space<vmem>> -> memref<1x128xi32, #tpu.memory_space<vmem>>
        %dma_start3A_88 = tpu.memref_squeeze %dma_start3A_87 : memref<1x128xi32, #tpu.memory_space<vmem>> -> memref<128xi32, #tpu.memory_space<vmem>>
        %dma_start3A_89 = arith.constant 0 : i32
        %dma_start3A_90 = arith.constant 0 : i32
        %dma_start3A_91 = tpu.memref_slice %arg4[%dma_start3A_89, %dma_start3A_90] : memref<10240x128xf32, #tpu.memory_space<hbm>> -> memref<10240x128xf32, #tpu.memory_space<hbm>>
        tpu.enqueue_indirect_dma source(%dma_start3A_91 : memref<10240x128xf32, #tpu.memory_space<hbm>>) target(%arg12 : memref<128x128xf32, #tpu.memory_space<vmem>>) offsets(%dma_start3A_88 : memref<128xi32, #tpu.memory_space<vmem>>) semaphore(%arg15 : memref<!tpu.dma_semaphore, #tpu.memory_space<semaphore_mem>>)
        %dma_wait3A_92 = arith.constant 0 : i32
        %dma_wait3A_93 = arith.constant 0 : i32
        %dma_wait3A_94 = tpu.memref_slice %arg7[%dma_wait3A_92, %dma_wait3A_93] : memref<640x128xf32, #tpu.memory_space<hbm>> -> memref<128x128xf32, #tpu.memory_space<hbm>>
        %dma_wait3A_95 = arith.constant 0 : i32
        %dma_wait3A_96 = arith.constant 0 : i32
        %dma_wait3A_97 = tpu.memref_slice %arg7[%dma_wait3A_95, %dma_wait3A_96] : memref<640x128xf32, #tpu.memory_space<hbm>> -> memref<128x128xf32, #tpu.memory_space<hbm>>
        tpu.wait_dma2 semaphore(%arg14 : memref<!tpu.dma_semaphore, #tpu.memory_space<semaphore_mem>>) src(%dma_wait3A_97 : memref<128x128xf32, #tpu.memory_space<hbm>>) dst(%arg11 : memref<128x128xf32, #tpu.memory_space<vmem>>)
        %dma_start3A_98 = arith.constant 0 : i32
        %dma_start3A_99 = tpu.memref_slice %arg10[%mul3A_80, %dma_start3A_98] : memref<40x128xi32, #tpu.memory_space<vmem>> -> memref<1x128xi32, #tpu.memory_space<vmem>>
        %dma_start3A_100 = tpu.memref_squeeze %dma_start3A_99 : memref<1x128xi32, #tpu.memory_space<vmem>> -> memref<128xi32, #tpu.memory_space<vmem>>
        %dma_start3A_101 = arith.constant 0 : i32
        %dma_start3A_102 = arith.constant 0 : i32
        %dma_start3A_103 = tpu.memref_slice %arg13[%dma_start3A_101, %dma_start3A_102] : memref<10240x128xf32, #tpu.memory_space<vmem_shared>> -> memref<10240x128xf32, #tpu.memory_space<vmem_shared>>
        tpu.enqueue_indirect_dma source(%arg11 : memref<128x128xf32, #tpu.memory_space<vmem>>) target(%dma_start3A_103 : memref<10240x128xf32, #tpu.memory_space<vmem_shared>>) offsets(%dma_start3A_100 : memref<128xi32, #tpu.memory_space<vmem>>) semaphore(%arg16 : memref<!tpu.dma_semaphore, #tpu.memory_space<semaphore_mem>>) {add = true}
        %lt3A = arith.constant 19 : i32
        %lt3A_104 = arith.cmpi slt, %scan3A_77, %lt3A : i32
        %convert_element_type3A_105 = arith.extui %lt3A_104 : i1 to i32
        %cond3A_106 = arith.constant 0 : i32
        %cond3A_107 = arith.cmpi ne, %convert_element_type3A_105, %cond3A_106 : i32
        scf.if %cond3A_107 {
          %dma_wait3A_123 = arith.constant 0 : i32
          %dma_wait3A_124 = arith.constant 0 : i32
          %dma_wait3A_125 = tpu.memref_slice %arg13[%dma_wait3A_123, %dma_wait3A_124] : memref<10240x128xf32, #tpu.memory_space<vmem_shared>> -> memref<128x128xf32, #tpu.memory_space<vmem_shared>>
          %dma_wait3A_126 = arith.constant 0 : i32
          %dma_wait3A_127 = arith.constant 0 : i32
          %dma_wait3A_128 = tpu.memref_slice %arg13[%dma_wait3A_126, %dma_wait3A_127] : memref<10240x128xf32, #tpu.memory_space<vmem_shared>> -> memref<128x128xf32, #tpu.memory_space<vmem_shared>>
          tpu.wait_dma2 semaphore(%arg16 : memref<!tpu.dma_semaphore, #tpu.memory_space<semaphore_mem>>) src(%arg11 : memref<128x128xf32, #tpu.memory_space<vmem>>) dst(%dma_wait3A_128 : memref<128x128xf32, #tpu.memory_space<vmem_shared>>)
          %add3A_129 = arith.constant 2 : i32
          %add3A_130 = arith.addi %mul3A_80, %add3A_129 : i32
          %dma_start3A_131 = arith.constant 0 : i32
          %dma_start3A_132 = tpu.memref_slice %arg9[%add3A_130, %dma_start3A_131] : memref<40x128xi32, #tpu.memory_space<vmem>> -> memref<1x128xi32, #tpu.memory_space<vmem>>
          %dma_start3A_133 = tpu.memref_squeeze %dma_start3A_132 : memref<1x128xi32, #tpu.memory_space<vmem>> -> memref<128xi32, #tpu.memory_space<vmem>>
          %dma_start3A_134 = arith.constant 0 : i32
          %dma_start3A_135 = arith.constant 0 : i32
          %dma_start3A_136 = tpu.memref_slice %arg4[%dma_start3A_134, %dma_start3A_135] : memref<10240x128xf32, #tpu.memory_space<hbm>> -> memref<10240x128xf32, #tpu.memory_space<hbm>>
          tpu.enqueue_indirect_dma source(%dma_start3A_136 : memref<10240x128xf32, #tpu.memory_space<hbm>>) target(%arg11 : memref<128x128xf32, #tpu.memory_space<vmem>>) offsets(%dma_start3A_133 : memref<128xi32, #tpu.memory_space<vmem>>) semaphore(%arg14 : memref<!tpu.dma_semaphore, #tpu.memory_space<semaphore_mem>>)
        } else {
        }
        %dma_wait3A_108 = arith.constant 0 : i32
        %dma_wait3A_109 = arith.constant 0 : i32
        %dma_wait3A_110 = tpu.memref_slice %arg7[%dma_wait3A_108, %dma_wait3A_109] : memref<640x128xf32, #tpu.memory_space<hbm>> -> memref<128x128xf32, #tpu.memory_space<hbm>>
        %dma_wait3A_111 = arith.constant 0 : i32
        %dma_wait3A_112 = arith.constant 0 : i32
        %dma_wait3A_113 = tpu.memref_slice %arg7[%dma_wait3A_111, %dma_wait3A_112] : memref<640x128xf32, #tpu.memory_space<hbm>> -> memref<128x128xf32, #tpu.memory_space<hbm>>
        tpu.wait_dma2 semaphore(%arg15 : memref<!tpu.dma_semaphore, #tpu.memory_space<semaphore_mem>>) src(%dma_wait3A_113 : memref<128x128xf32, #tpu.memory_space<hbm>>) dst(%arg12 : memref<128x128xf32, #tpu.memory_space<vmem>>)
        %add3A_114 = arith.constant 1 : i32
        %add3A_115 = arith.addi %mul3A_80, %add3A_114 : i32
        %dma_start3A_116 = arith.constant 0 : i32
        %dma_start3A_117 = tpu.memref_slice %arg10[%add3A_115, %dma_start3A_116] : memref<40x128xi32, #tpu.memory_space<vmem>> -> memref<1x128xi32, #tpu.memory_space<vmem>>
        %dma_start3A_118 = tpu.memref_squeeze %dma_start3A_117 : memref<1x128xi32, #tpu.memory_space<vmem>> -> memref<128xi32, #tpu.memory_space<vmem>>
        %dma_start3A_119 = arith.constant 0 : i32
        %dma_start3A_120 = arith.constant 0 : i32
        %dma_start3A_121 = tpu.memref_slice %arg13[%dma_start3A_119, %dma_start3A_120] : memref<10240x128xf32, #tpu.memory_space<vmem_shared>> -> memref<10240x128xf32, #tpu.memory_space<vmem_shared>>
        tpu.enqueue_indirect_dma source(%arg12 : memref<128x128xf32, #tpu.memory_space<vmem>>) target(%dma_start3A_121 : memref<10240x128xf32, #tpu.memory_space<vmem_shared>>) offsets(%dma_start3A_118 : memref<128xi32, #tpu.memory_space<vmem>>) semaphore(%arg17 : memref<!tpu.dma_semaphore, #tpu.memory_space<semaphore_mem>>) {add = true}
        %scan3A_122 = arith.constant 0 : i32
        scf.yield %scan3A_122 : i32
      }
      %scan3A_57 = arith.constant 20 : i32
      %dma_wait3A_58 = arith.constant 0 : i32
      %dma_wait3A_59 = arith.constant 0 : i32
      %dma_wait3A_60 = tpu.memref_slice %arg13[%dma_wait3A_58, %dma_wait3A_59] : memref<10240x128xf32, #tpu.memory_space<vmem_shared>> -> memref<128x128xf32, #tpu.memory_space<vmem_shared>>
      %dma_wait3A_61 = arith.constant 0 : i32
      %dma_wait3A_62 = arith.constant 0 : i32
      %dma_wait3A_63 = tpu.memref_slice %arg13[%dma_wait3A_61, %dma_wait3A_62] : memref<10240x128xf32, #tpu.memory_space<vmem_shared>> -> memref<128x128xf32, #tpu.memory_space<vmem_shared>>
      tpu.wait_dma2 semaphore(%arg16 : memref<!tpu.dma_semaphore, #tpu.memory_space<semaphore_mem>>) src(%arg11 : memref<128x128xf32, #tpu.memory_space<vmem>>) dst(%dma_wait3A_63 : memref<128x128xf32, #tpu.memory_space<vmem_shared>>)
      %dma_wait3A_64 = arith.constant 0 : i32
      %dma_wait3A_65 = arith.constant 0 : i32
      %dma_wait3A_66 = tpu.memref_slice %arg13[%dma_wait3A_64, %dma_wait3A_65] : memref<10240x128xf32, #tpu.memory_space<vmem_shared>> -> memref<128x128xf32, #tpu.memory_space<vmem_shared>>
      %dma_wait3A_67 = arith.constant 0 : i32
      %dma_wait3A_68 = arith.constant 0 : i32
      %dma_wait3A_69 = tpu.memref_slice %arg13[%dma_wait3A_67, %dma_wait3A_68] : memref<10240x128xf32, #tpu.memory_space<vmem_shared>> -> memref<128x128xf32, #tpu.memory_space<vmem_shared>>
      tpu.wait_dma2 semaphore(%arg17 : memref<!tpu.dma_semaphore, #tpu.memory_space<semaphore_mem>>) src(%arg12 : memref<128x128xf32, #tpu.memory_space<vmem>>) dst(%dma_wait3A_69 : memref<128x128xf32, #tpu.memory_space<vmem_shared>>)
      %barrier3A_70 = arith.constant 0 : index
      tpu.barrier barrier_id(%barrier3A_70)
      %mul3A_71 = arith.constant 640 : i32
      %mul3A_72 = arith.muli %arg1, %mul3A_71 : i32
      %mul3A_73 = arith.constant 640 : i32
      %mul3A_74 = arith.muli %arg1, %mul3A_73 : i32
      %run_scoped3A_75 = arith.constant 2 : i32
      "tpu.region"() ({
        %run_scoped3A_77 = tpu.sem_alloc : memref<!tpu.dma_semaphore, #tpu.memory_space<semaphore_mem>>
        %dma_start3A_78 = arith.constant 0 : i32
        %dma_start3A_79 = tpu.memref_slice %arg8[%run_scoped3A_75, %mul3A_74, %dma_start3A_78] : memref<4x10240x128xf32, #tpu.memory_space<hbm>> -> memref<1x640x128xf32, #tpu.memory_space<hbm>>
        %dma_start3A_80 = tpu.memref_squeeze %dma_start3A_79 : memref<1x640x128xf32, #tpu.memory_space<hbm>> -> memref<640x128xf32, #tpu.memory_space<hbm>>
        %dma_start3A_81 = arith.constant 0 : i32
        %dma_start3A_82 = tpu.memref_slice %arg13[%mul3A_72, %dma_start3A_81] : memref<10240x128xf32, #tpu.memory_space<vmem_shared>> -> memref<640x128xf32, #tpu.memory_space<vmem_shared>>
        tpu.enqueue_dma source(%dma_start3A_82 : memref<640x128xf32, #tpu.memory_space<vmem_shared>>) target(%dma_start3A_80 : memref<640x128xf32, #tpu.memory_space<hbm>>) target_semaphore(%run_scoped3A_77 : memref<!tpu.dma_semaphore, #tpu.memory_space<semaphore_mem>>)
        %dma_wait3A_83 = arith.constant 0 : i32
        %dma_wait3A_84 = tpu.memref_slice %arg8[%run_scoped3A_75, %mul3A_74, %dma_wait3A_83] : memref<4x10240x128xf32, #tpu.memory_space<hbm>> -> memref<1x640x128xf32, #tpu.memory_space<hbm>>
        %dma_wait3A_85 = tpu.memref_squeeze %dma_wait3A_84 : memref<1x640x128xf32, #tpu.memory_space<hbm>> -> memref<640x128xf32, #tpu.memory_space<hbm>>
        %dma_wait3A_86 = arith.constant 0 : i32
        %dma_wait3A_87 = tpu.memref_slice %arg13[%mul3A_72, %dma_wait3A_86] : memref<10240x128xf32, #tpu.memory_space<vmem_shared>> -> memref<640x128xf32, #tpu.memory_space<vmem_shared>>
        tpu.wait_dma2 semaphore(%run_scoped3A_77 : memref<!tpu.dma_semaphore, #tpu.memory_space<semaphore_mem>>) src(%dma_wait3A_87 : memref<640x128xf32, #tpu.memory_space<vmem_shared>>) dst(%dma_wait3A_85 : memref<640x128xf32, #tpu.memory_space<hbm>>)
        tpu.yield
      }) : () -> ()
      %barrier3A_76 = arith.constant 0 : index
      tpu.barrier barrier_id(%barrier3A_76)
    } else {
    }
    %eq3A_12 = arith.constant 1 : i32
    %eq3A_13 = arith.cmpi eq, %arg0, %eq3A_12 : i32
    %convert_element_type3A_14 = arith.extui %eq3A_13 : i1 to i32
    %cond3A_15 = arith.constant 0 : i32
    %cond3A_16 = arith.cmpi ne, %convert_element_type3A_14, %cond3A_15 : i32
    scf.if %cond3A_16 {
      %mul3A = arith.constant 640 : i32
      %mul3A_17 = arith.muli %arg1, %mul3A : i32
      "tpu.region"() ({
        %run_scoped3A_77 = tpu.sem_alloc : memref<!tpu.dma_semaphore, #tpu.memory_space<semaphore_mem>>
        %dma_start3A_78 = arith.constant 0 : i32
        %dma_start3A_79 = tpu.memref_slice %arg13[%mul3A_17, %dma_start3A_78] : memref<10240x128xf32, #tpu.memory_space<vmem_shared>> -> memref<640x128xf32, #tpu.memory_space<vmem_shared>>
        tpu.enqueue_dma source(%arg7 : memref<640x128xf32, #tpu.memory_space<hbm>>) target(%dma_start3A_79 : memref<640x128xf32, #tpu.memory_space<vmem_shared>>) target_semaphore(%run_scoped3A_77 : memref<!tpu.dma_semaphore, #tpu.memory_space<semaphore_mem>>)
        %dma_wait3A_80 = arith.constant 0 : i32
        %dma_wait3A_81 = tpu.memref_slice %arg13[%mul3A_17, %dma_wait3A_80] : memref<10240x128xf32, #tpu.memory_space<vmem_shared>> -> memref<640x128xf32, #tpu.memory_space<vmem_shared>>
        tpu.wait_dma2 semaphore(%run_scoped3A_77 : memref<!tpu.dma_semaphore, #tpu.memory_space<semaphore_mem>>) src(%arg7 : memref<640x128xf32, #tpu.memory_space<hbm>>) dst(%dma_wait3A_81 : memref<640x128xf32, #tpu.memory_space<vmem_shared>>)
        tpu.yield
      }) : () -> ()
      %barrier3A = arith.constant 0 : index
      tpu.barrier barrier_id(%barrier3A)
      %run_scoped3A = arith.constant 0 : i32
      "tpu.region"() ({
        %run_scoped3A_77 = tpu.sem_alloc : memref<!tpu.dma_semaphore, #tpu.memory_space<semaphore_mem>>
        %dma_start3A_78 = arith.constant 0 : i32
        %dma_start3A_79 = arith.constant 0 : i32
        %dma_start3A_80 = tpu.memref_slice %arg6[%run_scoped3A, %arg1, %dma_start3A_78, %dma_start3A_79] : memref<2x16x80x128xi32, #tpu.memory_space<hbm>> -> memref<1x1x40x128xi32, #tpu.memory_space<hbm>>
        %dma_start3A_81 = tpu.memref_squeeze %dma_start3A_80 : memref<1x1x40x128xi32, #tpu.memory_space<hbm>> -> memref<40x128xi32, #tpu.memory_space<hbm>>
        %dma_start3A_82 = arith.constant 0 : i32
        %dma_start3A_83 = arith.constant 0 : i32
        %dma_start3A_84 = tpu.memref_slice %arg6[%run_scoped3A, %arg1, %dma_start3A_82, %dma_start3A_83] : memref<2x16x80x128xi32, #tpu.memory_space<hbm>> -> memref<1x1x40x128xi32, #tpu.memory_space<hbm>>
        %dma_start3A_85 = tpu.memref_squeeze %dma_start3A_84 : memref<1x1x40x128xi32, #tpu.memory_space<hbm>> -> memref<40x128xi32, #tpu.memory_space<hbm>>
        tpu.enqueue_dma source(%dma_start3A_85 : memref<40x128xi32, #tpu.memory_space<hbm>>) target(%arg9 : memref<40x128xi32, #tpu.memory_space<vmem>>) target_semaphore(%run_scoped3A_77 : memref<!tpu.dma_semaphore, #tpu.memory_space<semaphore_mem>>)
        %dma_wait3A_86 = arith.constant 0 : i32
        %dma_wait3A_87 = arith.constant 0 : i32
        %dma_wait3A_88 = tpu.memref_slice %arg6[%run_scoped3A, %arg1, %dma_wait3A_86, %dma_wait3A_87] : memref<2x16x80x128xi32, #tpu.memory_space<hbm>> -> memref<1x1x40x128xi32, #tpu.memory_space<hbm>>
        %dma_wait3A_89 = tpu.memref_squeeze %dma_wait3A_88 : memref<1x1x40x128xi32, #tpu.memory_space<hbm>> -> memref<40x128xi32, #tpu.memory_space<hbm>>
        %dma_wait3A_90 = arith.constant 0 : i32
        %dma_wait3A_91 = arith.constant 0 : i32
        %dma_wait3A_92 = tpu.memref_slice %arg6[%run_scoped3A, %arg1, %dma_wait3A_90, %dma_wait3A_91] : memref<2x16x80x128xi32, #tpu.memory_space<hbm>> -> memref<1x1x40x128xi32, #tpu.memory_space<hbm>>
        %dma_wait3A_93 = tpu.memref_squeeze %dma_wait3A_92 : memref<1x1x40x128xi32, #tpu.memory_space<hbm>> -> memref<40x128xi32, #tpu.memory_space<hbm>>
        tpu.wait_dma2 semaphore(%run_scoped3A_77 : memref<!tpu.dma_semaphore, #tpu.memory_space<semaphore_mem>>) src(%dma_wait3A_93 : memref<40x128xi32, #tpu.memory_space<hbm>>) dst(%arg9 : memref<40x128xi32, #tpu.memory_space<vmem>>)
        tpu.yield
      }) : () -> ()
      %run_scoped3A_18 = arith.constant 1 : i32
      "tpu.region"() ({
        %run_scoped3A_77 = tpu.sem_alloc : memref<!tpu.dma_semaphore, #tpu.memory_space<semaphore_mem>>
        %dma_start3A_78 = arith.constant 0 : i32
        %dma_start3A_79 = arith.constant 0 : i32
        %dma_start3A_80 = tpu.memref_slice %arg6[%run_scoped3A_18, %arg1, %dma_start3A_78, %dma_start3A_79] : memref<2x16x80x128xi32, #tpu.memory_space<hbm>> -> memref<1x1x40x128xi32, #tpu.memory_space<hbm>>
        %dma_start3A_81 = tpu.memref_squeeze %dma_start3A_80 : memref<1x1x40x128xi32, #tpu.memory_space<hbm>> -> memref<40x128xi32, #tpu.memory_space<hbm>>
        %dma_start3A_82 = arith.constant 0 : i32
        %dma_start3A_83 = arith.constant 0 : i32
        %dma_start3A_84 = tpu.memref_slice %arg6[%run_scoped3A_18, %arg1, %dma_start3A_82, %dma_start3A_83] : memref<2x16x80x128xi32, #tpu.memory_space<hbm>> -> memref<1x1x40x128xi32, #tpu.memory_space<hbm>>
        %dma_start3A_85 = tpu.memref_squeeze %dma_start3A_84 : memref<1x1x40x128xi32, #tpu.memory_space<hbm>> -> memref<40x128xi32, #tpu.memory_space<hbm>>
        tpu.enqueue_dma source(%dma_start3A_85 : memref<40x128xi32, #tpu.memory_space<hbm>>) target(%arg10 : memref<40x128xi32, #tpu.memory_space<vmem>>) target_semaphore(%run_scoped3A_77 : memref<!tpu.dma_semaphore, #tpu.memory_space<semaphore_mem>>)
        %dma_wait3A_86 = arith.constant 0 : i32
        %dma_wait3A_87 = arith.constant 0 : i32
        %dma_wait3A_88 = tpu.memref_slice %arg6[%run_scoped3A_18, %arg1, %dma_wait3A_86, %dma_wait3A_87] : memref<2x16x80x128xi32, #tpu.memory_space<hbm>> -> memref<1x1x40x128xi32, #tpu.memory_space<hbm>>
        %dma_wait3A_89 = tpu.memref_squeeze %dma_wait3A_88 : memref<1x1x40x128xi32, #tpu.memory_space<hbm>> -> memref<40x128xi32, #tpu.memory_space<hbm>>
        %dma_wait3A_90 = arith.constant 0 : i32
        %dma_wait3A_91 = arith.constant 0 : i32
        %dma_wait3A_92 = tpu.memref_slice %arg6[%run_scoped3A_18, %arg1, %dma_wait3A_90, %dma_wait3A_91] : memref<2x16x80x128xi32, #tpu.memory_space<hbm>> -> memref<1x1x40x128xi32, #tpu.memory_space<hbm>>
        %dma_wait3A_93 = tpu.memref_squeeze %dma_wait3A_92 : memref<1x1x40x128xi32, #tpu.memory_space<hbm>> -> memref<40x128xi32, #tpu.memory_space<hbm>>
        tpu.wait_dma2 semaphore(%run_scoped3A_77 : memref<!tpu.dma_semaphore, #tpu.memory_space<semaphore_mem>>) src(%dma_wait3A_93 : memref<40x128xi32, #tpu.memory_space<hbm>>) dst(%arg10 : memref<40x128xi32, #tpu.memory_space<vmem>>)
        tpu.yield
      }) : () -> ()
      %dma_start3A = arith.constant 0 : i32
      %dma_start3A_19 = arith.constant 0 : i32
      %dma_start3A_20 = tpu.memref_slice %arg9[%dma_start3A, %dma_start3A_19] : memref<40x128xi32, #tpu.memory_space<vmem>> -> memref<1x128xi32, #tpu.memory_space<vmem>>
      %dma_start3A_21 = tpu.memref_squeeze %dma_start3A_20 : memref<1x128xi32, #tpu.memory_space<vmem>> -> memref<128xi32, #tpu.memory_space<vmem>>
      %dma_start3A_22 = arith.constant 0 : i32
      %dma_start3A_23 = arith.constant 0 : i32
      %dma_start3A_24 = tpu.memref_slice %arg5[%dma_start3A_22, %dma_start3A_23] : memref<10240x128xf32, #tpu.memory_space<hbm>> -> memref<10240x128xf32, #tpu.memory_space<hbm>>
      tpu.enqueue_indirect_dma source(%dma_start3A_24 : memref<10240x128xf32, #tpu.memory_space<hbm>>) target(%arg11 : memref<128x128xf32, #tpu.memory_space<vmem>>) offsets(%dma_start3A_21 : memref<128xi32, #tpu.memory_space<vmem>>) semaphore(%arg14 : memref<!tpu.dma_semaphore, #tpu.memory_space<semaphore_mem>>)
      %scan3A = arith.constant 0 : i32
      %scan3A_25 = arith.constant 0 : i32
      %scan3A_26 = arith.constant 20 : i32
      %scan3A_27 = arith.addi %scan3A_25, %scan3A_26 : i32
      %scan3A_28 = arith.constant 1 : i32
      %scan3A_29 = scf.for %scan3A_77 = %scan3A_25 to %scan3A_27 step %scan3A_28 iter_args(%scan3A_78 = %scan3A) -> (i32)  : i32 {
        %mul3A_79 = arith.constant 2 : i32
        %mul3A_80 = arith.muli %mul3A_79, %scan3A_77 : i32
        %ge3A = arith.constant 1 : i32
        %ge3A_81 = arith.cmpi sge, %scan3A_77, %ge3A : i32
        %convert_element_type3A_82 = arith.extui %ge3A_81 : i1 to i32
        %cond3A_83 = arith.constant 0 : i32
        %cond3A_84 = arith.cmpi ne, %convert_element_type3A_82, %cond3A_83 : i32
        scf.if %cond3A_84 {
          %dma_wait3A_123 = arith.constant 0 : i32
          %dma_wait3A_124 = arith.constant 0 : i32
          %dma_wait3A_125 = tpu.memref_slice %arg13[%dma_wait3A_123, %dma_wait3A_124] : memref<10240x128xf32, #tpu.memory_space<vmem_shared>> -> memref<128x128xf32, #tpu.memory_space<vmem_shared>>
          %dma_wait3A_126 = arith.constant 0 : i32
          %dma_wait3A_127 = arith.constant 0 : i32
          %dma_wait3A_128 = tpu.memref_slice %arg13[%dma_wait3A_126, %dma_wait3A_127] : memref<10240x128xf32, #tpu.memory_space<vmem_shared>> -> memref<128x128xf32, #tpu.memory_space<vmem_shared>>
          tpu.wait_dma2 semaphore(%arg17 : memref<!tpu.dma_semaphore, #tpu.memory_space<semaphore_mem>>) src(%arg12 : memref<128x128xf32, #tpu.memory_space<vmem>>) dst(%dma_wait3A_128 : memref<128x128xf32, #tpu.memory_space<vmem_shared>>)
        } else {
        }
        %add3A = arith.constant 1 : i32
        %add3A_85 = arith.addi %mul3A_80, %add3A : i32
        %dma_start3A_86 = arith.constant 0 : i32
        %dma_start3A_87 = tpu.memref_slice %arg9[%add3A_85, %dma_start3A_86] : memref<40x128xi32, #tpu.memory_space<vmem>> -> memref<1x128xi32, #tpu.memory_space<vmem>>
        %dma_start3A_88 = tpu.memref_squeeze %dma_start3A_87 : memref<1x128xi32, #tpu.memory_space<vmem>> -> memref<128xi32, #tpu.memory_space<vmem>>
        %dma_start3A_89 = arith.constant 0 : i32
        %dma_start3A_90 = arith.constant 0 : i32
        %dma_start3A_91 = tpu.memref_slice %arg5[%dma_start3A_89, %dma_start3A_90] : memref<10240x128xf32, #tpu.memory_space<hbm>> -> memref<10240x128xf32, #tpu.memory_space<hbm>>
        tpu.enqueue_indirect_dma source(%dma_start3A_91 : memref<10240x128xf32, #tpu.memory_space<hbm>>) target(%arg12 : memref<128x128xf32, #tpu.memory_space<vmem>>) offsets(%dma_start3A_88 : memref<128xi32, #tpu.memory_space<vmem>>) semaphore(%arg15 : memref<!tpu.dma_semaphore, #tpu.memory_space<semaphore_mem>>)
        %dma_wait3A_92 = arith.constant 0 : i32
        %dma_wait3A_93 = arith.constant 0 : i32
        %dma_wait3A_94 = tpu.memref_slice %arg7[%dma_wait3A_92, %dma_wait3A_93] : memref<640x128xf32, #tpu.memory_space<hbm>> -> memref<128x128xf32, #tpu.memory_space<hbm>>
        %dma_wait3A_95 = arith.constant 0 : i32
        %dma_wait3A_96 = arith.constant 0 : i32
        %dma_wait3A_97 = tpu.memref_slice %arg7[%dma_wait3A_95, %dma_wait3A_96] : memref<640x128xf32, #tpu.memory_space<hbm>> -> memref<128x128xf32, #tpu.memory_space<hbm>>
        tpu.wait_dma2 semaphore(%arg14 : memref<!tpu.dma_semaphore, #tpu.memory_space<semaphore_mem>>) src(%dma_wait3A_97 : memref<128x128xf32, #tpu.memory_space<hbm>>) dst(%arg11 : memref<128x128xf32, #tpu.memory_space<vmem>>)
        %dma_start3A_98 = arith.constant 0 : i32
        %dma_start3A_99 = tpu.memref_slice %arg10[%mul3A_80, %dma_start3A_98] : memref<40x128xi32, #tpu.memory_space<vmem>> -> memref<1x128xi32, #tpu.memory_space<vmem>>
        %dma_start3A_100 = tpu.memref_squeeze %dma_start3A_99 : memref<1x128xi32, #tpu.memory_space<vmem>> -> memref<128xi32, #tpu.memory_space<vmem>>
        %dma_start3A_101 = arith.constant 0 : i32
        %dma_start3A_102 = arith.constant 0 : i32
        %dma_start3A_103 = tpu.memref_slice %arg13[%dma_start3A_101, %dma_start3A_102] : memref<10240x128xf32, #tpu.memory_space<vmem_shared>> -> memref<10240x128xf32, #tpu.memory_space<vmem_shared>>
        tpu.enqueue_indirect_dma source(%arg11 : memref<128x128xf32, #tpu.memory_space<vmem>>) target(%dma_start3A_103 : memref<10240x128xf32, #tpu.memory_space<vmem_shared>>) offsets(%dma_start3A_100 : memref<128xi32, #tpu.memory_space<vmem>>) semaphore(%arg16 : memref<!tpu.dma_semaphore, #tpu.memory_space<semaphore_mem>>) {add = true}
        %lt3A = arith.constant 19 : i32
        %lt3A_104 = arith.cmpi slt, %scan3A_77, %lt3A : i32
        %convert_element_type3A_105 = arith.extui %lt3A_104 : i1 to i32
        %cond3A_106 = arith.constant 0 : i32
        %cond3A_107 = arith.cmpi ne, %convert_element_type3A_105, %cond3A_106 : i32
        scf.if %cond3A_107 {
          %dma_wait3A_123 = arith.constant 0 : i32
          %dma_wait3A_124 = arith.constant 0 : i32
          %dma_wait3A_125 = tpu.memref_slice %arg13[%dma_wait3A_123, %dma_wait3A_124] : memref<10240x128xf32, #tpu.memory_space<vmem_shared>> -> memref<128x128xf32, #tpu.memory_space<vmem_shared>>
          %dma_wait3A_126 = arith.constant 0 : i32
          %dma_wait3A_127 = arith.constant 0 : i32
          %dma_wait3A_128 = tpu.memref_slice %arg13[%dma_wait3A_126, %dma_wait3A_127] : memref<10240x128xf32, #tpu.memory_space<vmem_shared>> -> memref<128x128xf32, #tpu.memory_space<vmem_shared>>
          tpu.wait_dma2 semaphore(%arg16 : memref<!tpu.dma_semaphore, #tpu.memory_space<semaphore_mem>>) src(%arg11 : memref<128x128xf32, #tpu.memory_space<vmem>>) dst(%dma_wait3A_128 : memref<128x128xf32, #tpu.memory_space<vmem_shared>>)
          %add3A_129 = arith.constant 2 : i32
          %add3A_130 = arith.addi %mul3A_80, %add3A_129 : i32
          %dma_start3A_131 = arith.constant 0 : i32
          %dma_start3A_132 = tpu.memref_slice %arg9[%add3A_130, %dma_start3A_131] : memref<40x128xi32, #tpu.memory_space<vmem>> -> memref<1x128xi32, #tpu.memory_space<vmem>>
          %dma_start3A_133 = tpu.memref_squeeze %dma_start3A_132 : memref<1x128xi32, #tpu.memory_space<vmem>> -> memref<128xi32, #tpu.memory_space<vmem>>
          %dma_start3A_134 = arith.constant 0 : i32
          %dma_start3A_135 = arith.constant 0 : i32
          %dma_start3A_136 = tpu.memref_slice %arg5[%dma_start3A_134, %dma_start3A_135] : memref<10240x128xf32, #tpu.memory_space<hbm>> -> memref<10240x128xf32, #tpu.memory_space<hbm>>
          tpu.enqueue_indirect_dma source(%dma_start3A_136 : memref<10240x128xf32, #tpu.memory_space<hbm>>) target(%arg11 : memref<128x128xf32, #tpu.memory_space<vmem>>) offsets(%dma_start3A_133 : memref<128xi32, #tpu.memory_space<vmem>>) semaphore(%arg14 : memref<!tpu.dma_semaphore, #tpu.memory_space<semaphore_mem>>)
        } else {
        }
        %dma_wait3A_108 = arith.constant 0 : i32
        %dma_wait3A_109 = arith.constant 0 : i32
        %dma_wait3A_110 = tpu.memref_slice %arg7[%dma_wait3A_108, %dma_wait3A_109] : memref<640x128xf32, #tpu.memory_space<hbm>> -> memref<128x128xf32, #tpu.memory_space<hbm>>
        %dma_wait3A_111 = arith.constant 0 : i32
        %dma_wait3A_112 = arith.constant 0 : i32
        %dma_wait3A_113 = tpu.memref_slice %arg7[%dma_wait3A_111, %dma_wait3A_112] : memref<640x128xf32, #tpu.memory_space<hbm>> -> memref<128x128xf32, #tpu.memory_space<hbm>>
        tpu.wait_dma2 semaphore(%arg15 : memref<!tpu.dma_semaphore, #tpu.memory_space<semaphore_mem>>) src(%dma_wait3A_113 : memref<128x128xf32, #tpu.memory_space<hbm>>) dst(%arg12 : memref<128x128xf32, #tpu.memory_space<vmem>>)
        %add3A_114 = arith.constant 1 : i32
        %add3A_115 = arith.addi %mul3A_80, %add3A_114 : i32
        %dma_start3A_116 = arith.constant 0 : i32
        %dma_start3A_117 = tpu.memref_slice %arg10[%add3A_115, %dma_start3A_116] : memref<40x128xi32, #tpu.memory_space<vmem>> -> memref<1x128xi32, #tpu.memory_space<vmem>>
        %dma_start3A_118 = tpu.memref_squeeze %dma_start3A_117 : memref<1x128xi32, #tpu.memory_space<vmem>> -> memref<128xi32, #tpu.memory_space<vmem>>
        %dma_start3A_119 = arith.constant 0 : i32
        %dma_start3A_120 = arith.constant 0 : i32
        %dma_start3A_121 = tpu.memref_slice %arg13[%dma_start3A_119, %dma_start3A_120] : memref<10240x128xf32, #tpu.memory_space<vmem_shared>> -> memref<10240x128xf32, #tpu.memory_space<vmem_shared>>
        tpu.enqueue_indirect_dma source(%arg12 : memref<128x128xf32, #tpu.memory_space<vmem>>) target(%dma_start3A_121 : memref<10240x128xf32, #tpu.memory_space<vmem_shared>>) offsets(%dma_start3A_118 : memref<128xi32, #tpu.memory_space<vmem>>) semaphore(%arg17 : memref<!tpu.dma_semaphore, #tpu.memory_space<semaphore_mem>>) {add = true}
        %scan3A_122 = arith.constant 0 : i32
        scf.yield %scan3A_122 : i32
      }
      %scan3A_30 = arith.constant 20 : i32
      %dma_wait3A = arith.constant 0 : i32
      %dma_wait3A_31 = arith.constant 0 : i32
      %dma_wait3A_32 = tpu.memref_slice %arg13[%dma_wait3A, %dma_wait3A_31] : memref<10240x128xf32, #tpu.memory_space<vmem_shared>> -> memref<128x128xf32, #tpu.memory_space<vmem_shared>>
      %dma_wait3A_33 = arith.constant 0 : i32
      %dma_wait3A_34 = arith.constant 0 : i32
      %dma_wait3A_35 = tpu.memref_slice %arg13[%dma_wait3A_33, %dma_wait3A_34] : memref<10240x128xf32, #tpu.memory_space<vmem_shared>> -> memref<128x128xf32, #tpu.memory_space<vmem_shared>>
      tpu.wait_dma2 semaphore(%arg16 : memref<!tpu.dma_semaphore, #tpu.memory_space<semaphore_mem>>) src(%arg11 : memref<128x128xf32, #tpu.memory_space<vmem>>) dst(%dma_wait3A_35 : memref<128x128xf32, #tpu.memory_space<vmem_shared>>)
      %dma_wait3A_36 = arith.constant 0 : i32
      %dma_wait3A_37 = arith.constant 0 : i32
      %dma_wait3A_38 = tpu.memref_slice %arg13[%dma_wait3A_36, %dma_wait3A_37] : memref<10240x128xf32, #tpu.memory_space<vmem_shared>> -> memref<128x128xf32, #tpu.memory_space<vmem_shared>>
      %dma_wait3A_39 = arith.constant 0 : i32
      %dma_wait3A_40 = arith.constant 0 : i32
      %dma_wait3A_41 = tpu.memref_slice %arg13[%dma_wait3A_39, %dma_wait3A_40] : memref<10240x128xf32, #tpu.memory_space<vmem_shared>> -> memref<128x128xf32, #tpu.memory_space<vmem_shared>>
      tpu.wait_dma2 semaphore(%arg17 : memref<!tpu.dma_semaphore, #tpu.memory_space<semaphore_mem>>) src(%arg12 : memref<128x128xf32, #tpu.memory_space<vmem>>) dst(%dma_wait3A_41 : memref<128x128xf32, #tpu.memory_space<vmem_shared>>)
      %run_scoped3A_42 = arith.constant 0 : i32
      "tpu.region"() ({
        %run_scoped3A_77 = tpu.sem_alloc : memref<!tpu.dma_semaphore, #tpu.memory_space<semaphore_mem>>
        %dma_start3A_78 = arith.constant 40 : i32
        %dma_start3A_79 = arith.constant 0 : i32
        %dma_start3A_80 = tpu.memref_slice %arg6[%run_scoped3A_42, %arg1, %dma_start3A_78, %dma_start3A_79] : memref<2x16x80x128xi32, #tpu.memory_space<hbm>> -> memref<1x1x40x128xi32, #tpu.memory_space<hbm>>
        %dma_start3A_81 = tpu.memref_squeeze %dma_start3A_80 : memref<1x1x40x128xi32, #tpu.memory_space<hbm>> -> memref<40x128xi32, #tpu.memory_space<hbm>>
        %dma_start3A_82 = arith.constant 40 : i32
        %dma_start3A_83 = arith.constant 0 : i32
        %dma_start3A_84 = tpu.memref_slice %arg6[%run_scoped3A_42, %arg1, %dma_start3A_82, %dma_start3A_83] : memref<2x16x80x128xi32, #tpu.memory_space<hbm>> -> memref<1x1x40x128xi32, #tpu.memory_space<hbm>>
        %dma_start3A_85 = tpu.memref_squeeze %dma_start3A_84 : memref<1x1x40x128xi32, #tpu.memory_space<hbm>> -> memref<40x128xi32, #tpu.memory_space<hbm>>
        tpu.enqueue_dma source(%dma_start3A_85 : memref<40x128xi32, #tpu.memory_space<hbm>>) target(%arg9 : memref<40x128xi32, #tpu.memory_space<vmem>>) target_semaphore(%run_scoped3A_77 : memref<!tpu.dma_semaphore, #tpu.memory_space<semaphore_mem>>)
        %dma_wait3A_86 = arith.constant 40 : i32
        %dma_wait3A_87 = arith.constant 0 : i32
        %dma_wait3A_88 = tpu.memref_slice %arg6[%run_scoped3A_42, %arg1, %dma_wait3A_86, %dma_wait3A_87] : memref<2x16x80x128xi32, #tpu.memory_space<hbm>> -> memref<1x1x40x128xi32, #tpu.memory_space<hbm>>
        %dma_wait3A_89 = tpu.memref_squeeze %dma_wait3A_88 : memref<1x1x40x128xi32, #tpu.memory_space<hbm>> -> memref<40x128xi32, #tpu.memory_space<hbm>>
        %dma_wait3A_90 = arith.constant 40 : i32
        %dma_wait3A_91 = arith.constant 0 : i32
        %dma_wait3A_92 = tpu.memref_slice %arg6[%run_scoped3A_42, %arg1, %dma_wait3A_90, %dma_wait3A_91] : memref<2x16x80x128xi32, #tpu.memory_space<hbm>> -> memref<1x1x40x128xi32, #tpu.memory_space<hbm>>
        %dma_wait3A_93 = tpu.memref_squeeze %dma_wait3A_92 : memref<1x1x40x128xi32, #tpu.memory_space<hbm>> -> memref<40x128xi32, #tpu.memory_space<hbm>>
        tpu.wait_dma2 semaphore(%run_scoped3A_77 : memref<!tpu.dma_semaphore, #tpu.memory_space<semaphore_mem>>) src(%dma_wait3A_93 : memref<40x128xi32, #tpu.memory_space<hbm>>) dst(%arg9 : memref<40x128xi32, #tpu.memory_space<vmem>>)
        tpu.yield
      }) : () -> ()
      %run_scoped3A_43 = arith.constant 1 : i32
      "tpu.region"() ({
        %run_scoped3A_77 = tpu.sem_alloc : memref<!tpu.dma_semaphore, #tpu.memory_space<semaphore_mem>>
        %dma_start3A_78 = arith.constant 40 : i32
        %dma_start3A_79 = arith.constant 0 : i32
        %dma_start3A_80 = tpu.memref_slice %arg6[%run_scoped3A_43, %arg1, %dma_start3A_78, %dma_start3A_79] : memref<2x16x80x128xi32, #tpu.memory_space<hbm>> -> memref<1x1x40x128xi32, #tpu.memory_space<hbm>>
        %dma_start3A_81 = tpu.memref_squeeze %dma_start3A_80 : memref<1x1x40x128xi32, #tpu.memory_space<hbm>> -> memref<40x128xi32, #tpu.memory_space<hbm>>
        %dma_start3A_82 = arith.constant 40 : i32
        %dma_start3A_83 = arith.constant 0 : i32
        %dma_start3A_84 = tpu.memref_slice %arg6[%run_scoped3A_43, %arg1, %dma_start3A_82, %dma_start3A_83] : memref<2x16x80x128xi32, #tpu.memory_space<hbm>> -> memref<1x1x40x128xi32, #tpu.memory_space<hbm>>
        %dma_start3A_85 = tpu.memref_squeeze %dma_start3A_84 : memref<1x1x40x128xi32, #tpu.memory_space<hbm>> -> memref<40x128xi32, #tpu.memory_space<hbm>>
        tpu.enqueue_dma source(%dma_start3A_85 : memref<40x128xi32, #tpu.memory_space<hbm>>) target(%arg10 : memref<40x128xi32, #tpu.memory_space<vmem>>) target_semaphore(%run_scoped3A_77 : memref<!tpu.dma_semaphore, #tpu.memory_space<semaphore_mem>>)
        %dma_wait3A_86 = arith.constant 40 : i32
        %dma_wait3A_87 = arith.constant 0 : i32
        %dma_wait3A_88 = tpu.memref_slice %arg6[%run_scoped3A_43, %arg1, %dma_wait3A_86, %dma_wait3A_87] : memref<2x16x80x128xi32, #tpu.memory_space<hbm>> -> memref<1x1x40x128xi32, #tpu.memory_space<hbm>>
        %dma_wait3A_89 = tpu.memref_squeeze %dma_wait3A_88 : memref<1x1x40x128xi32, #tpu.memory_space<hbm>> -> memref<40x128xi32, #tpu.memory_space<hbm>>
        %dma_wait3A_90 = arith.constant 40 : i32
        %dma_wait3A_91 = arith.constant 0 : i32
        %dma_wait3A_92 = tpu.memref_slice %arg6[%run_scoped3A_43, %arg1, %dma_wait3A_90, %dma_wait3A_91] : memref<2x16x80x128xi32, #tpu.memory_space<hbm>> -> memref<1x1x40x128xi32, #tpu.memory_space<hbm>>
        %dma_wait3A_93 = tpu.memref_squeeze %dma_wait3A_92 : memref<1x1x40x128xi32, #tpu.memory_space<hbm>> -> memref<40x128xi32, #tpu.memory_space<hbm>>
        tpu.wait_dma2 semaphore(%run_scoped3A_77 : memref<!tpu.dma_semaphore, #tpu.memory_space<semaphore_mem>>) src(%dma_wait3A_93 : memref<40x128xi32, #tpu.memory_space<hbm>>) dst(%arg10 : memref<40x128xi32, #tpu.memory_space<vmem>>)
        tpu.yield
      }) : () -> ()
      %dma_start3A_44 = arith.constant 0 : i32
      %dma_start3A_45 = arith.constant 0 : i32
      %dma_start3A_46 = tpu.memref_slice %arg9[%dma_start3A_44, %dma_start3A_45] : memref<40x128xi32, #tpu.memory_space<vmem>> -> memref<1x128xi32, #tpu.memory_space<vmem>>
      %dma_start3A_47 = tpu.memref_squeeze %dma_start3A_46 : memref<1x128xi32, #tpu.memory_space<vmem>> -> memref<128xi32, #tpu.memory_space<vmem>>
      %dma_start3A_48 = arith.constant 0 : i32
      %dma_start3A_49 = arith.constant 0 : i32
      %dma_start3A_50 = tpu.memref_slice %arg5[%dma_start3A_48, %dma_start3A_49] : memref<10240x128xf32, #tpu.memory_space<hbm>> -> memref<10240x128xf32, #tpu.memory_space<hbm>>
      tpu.enqueue_indirect_dma source(%dma_start3A_50 : memref<10240x128xf32, #tpu.memory_space<hbm>>) target(%arg11 : memref<128x128xf32, #tpu.memory_space<vmem>>) offsets(%dma_start3A_47 : memref<128xi32, #tpu.memory_space<vmem>>) semaphore(%arg14 : memref<!tpu.dma_semaphore, #tpu.memory_space<semaphore_mem>>)
      %scan3A_51 = arith.constant 0 : i32
      %scan3A_52 = arith.constant 0 : i32
      %scan3A_53 = arith.constant 20 : i32
      %scan3A_54 = arith.addi %scan3A_52, %scan3A_53 : i32
      %scan3A_55 = arith.constant 1 : i32
      %scan3A_56 = scf.for %scan3A_77 = %scan3A_52 to %scan3A_54 step %scan3A_55 iter_args(%scan3A_78 = %scan3A_51) -> (i32)  : i32 {
        %mul3A_79 = arith.constant 2 : i32
        %mul3A_80 = arith.muli %mul3A_79, %scan3A_77 : i32
        %ge3A = arith.constant 1 : i32
        %ge3A_81 = arith.cmpi sge, %scan3A_77, %ge3A : i32
        %convert_element_type3A_82 = arith.extui %ge3A_81 : i1 to i32
        %cond3A_83 = arith.constant 0 : i32
        %cond3A_84 = arith.cmpi ne, %convert_element_type3A_82, %cond3A_83 : i32
        scf.if %cond3A_84 {
          %dma_wait3A_123 = arith.constant 0 : i32
          %dma_wait3A_124 = arith.constant 0 : i32
          %dma_wait3A_125 = tpu.memref_slice %arg13[%dma_wait3A_123, %dma_wait3A_124] : memref<10240x128xf32, #tpu.memory_space<vmem_shared>> -> memref<128x128xf32, #tpu.memory_space<vmem_shared>>
          %dma_wait3A_126 = arith.constant 0 : i32
          %dma_wait3A_127 = arith.constant 0 : i32
          %dma_wait3A_128 = tpu.memref_slice %arg13[%dma_wait3A_126, %dma_wait3A_127] : memref<10240x128xf32, #tpu.memory_space<vmem_shared>> -> memref<128x128xf32, #tpu.memory_space<vmem_shared>>
          tpu.wait_dma2 semaphore(%arg17 : memref<!tpu.dma_semaphore, #tpu.memory_space<semaphore_mem>>) src(%arg12 : memref<128x128xf32, #tpu.memory_space<vmem>>) dst(%dma_wait3A_128 : memref<128x128xf32, #tpu.memory_space<vmem_shared>>)
        } else {
        }
        %add3A = arith.constant 1 : i32
        %add3A_85 = arith.addi %mul3A_80, %add3A : i32
        %dma_start3A_86 = arith.constant 0 : i32
        %dma_start3A_87 = tpu.memref_slice %arg9[%add3A_85, %dma_start3A_86] : memref<40x128xi32, #tpu.memory_space<vmem>> -> memref<1x128xi32, #tpu.memory_space<vmem>>
        %dma_start3A_88 = tpu.memref_squeeze %dma_start3A_87 : memref<1x128xi32, #tpu.memory_space<vmem>> -> memref<128xi32, #tpu.memory_space<vmem>>
        %dma_start3A_89 = arith.constant 0 : i32
        %dma_start3A_90 = arith.constant 0 : i32
        %dma_start3A_91 = tpu.memref_slice %arg5[%dma_start3A_89, %dma_start3A_90] : memref<10240x128xf32, #tpu.memory_space<hbm>> -> memref<10240x128xf32, #tpu.memory_space<hbm>>
        tpu.enqueue_indirect_dma source(%dma_start3A_91 : memref<10240x128xf32, #tpu.memory_space<hbm>>) target(%arg12 : memref<128x128xf32, #tpu.memory_space<vmem>>) offsets(%dma_start3A_88 : memref<128xi32, #tpu.memory_space<vmem>>) semaphore(%arg15 : memref<!tpu.dma_semaphore, #tpu.memory_space<semaphore_mem>>)
        %dma_wait3A_92 = arith.constant 0 : i32
        %dma_wait3A_93 = arith.constant 0 : i32
        %dma_wait3A_94 = tpu.memref_slice %arg7[%dma_wait3A_92, %dma_wait3A_93] : memref<640x128xf32, #tpu.memory_space<hbm>> -> memref<128x128xf32, #tpu.memory_space<hbm>>
        %dma_wait3A_95 = arith.constant 0 : i32
        %dma_wait3A_96 = arith.constant 0 : i32
        %dma_wait3A_97 = tpu.memref_slice %arg7[%dma_wait3A_95, %dma_wait3A_96] : memref<640x128xf32, #tpu.memory_space<hbm>> -> memref<128x128xf32, #tpu.memory_space<hbm>>
        tpu.wait_dma2 semaphore(%arg14 : memref<!tpu.dma_semaphore, #tpu.memory_space<semaphore_mem>>) src(%dma_wait3A_97 : memref<128x128xf32, #tpu.memory_space<hbm>>) dst(%arg11 : memref<128x128xf32, #tpu.memory_space<vmem>>)
        %dma_start3A_98 = arith.constant 0 : i32
        %dma_start3A_99 = tpu.memref_slice %arg10[%mul3A_80, %dma_start3A_98] : memref<40x128xi32, #tpu.memory_space<vmem>> -> memref<1x128xi32, #tpu.memory_space<vmem>>
        %dma_start3A_100 = tpu.memref_squeeze %dma_start3A_99 : memref<1x128xi32, #tpu.memory_space<vmem>> -> memref<128xi32, #tpu.memory_space<vmem>>
        %dma_start3A_101 = arith.constant 0 : i32
        %dma_start3A_102 = arith.constant 0 : i32
        %dma_start3A_103 = tpu.memref_slice %arg13[%dma_start3A_101, %dma_start3A_102] : memref<10240x128xf32, #tpu.memory_space<vmem_shared>> -> memref<10240x128xf32, #tpu.memory_space<vmem_shared>>
        tpu.enqueue_indirect_dma source(%arg11 : memref<128x128xf32, #tpu.memory_space<vmem>>) target(%dma_start3A_103 : memref<10240x128xf32, #tpu.memory_space<vmem_shared>>) offsets(%dma_start3A_100 : memref<128xi32, #tpu.memory_space<vmem>>) semaphore(%arg16 : memref<!tpu.dma_semaphore, #tpu.memory_space<semaphore_mem>>) {add = true}
        %lt3A = arith.constant 19 : i32
        %lt3A_104 = arith.cmpi slt, %scan3A_77, %lt3A : i32
        %convert_element_type3A_105 = arith.extui %lt3A_104 : i1 to i32
        %cond3A_106 = arith.constant 0 : i32
        %cond3A_107 = arith.cmpi ne, %convert_element_type3A_105, %cond3A_106 : i32
        scf.if %cond3A_107 {
          %dma_wait3A_123 = arith.constant 0 : i32
          %dma_wait3A_124 = arith.constant 0 : i32
          %dma_wait3A_125 = tpu.memref_slice %arg13[%dma_wait3A_123, %dma_wait3A_124] : memref<10240x128xf32, #tpu.memory_space<vmem_shared>> -> memref<128x128xf32, #tpu.memory_space<vmem_shared>>
          %dma_wait3A_126 = arith.constant 0 : i32
          %dma_wait3A_127 = arith.constant 0 : i32
          %dma_wait3A_128 = tpu.memref_slice %arg13[%dma_wait3A_126, %dma_wait3A_127] : memref<10240x128xf32, #tpu.memory_space<vmem_shared>> -> memref<128x128xf32, #tpu.memory_space<vmem_shared>>
          tpu.wait_dma2 semaphore(%arg16 : memref<!tpu.dma_semaphore, #tpu.memory_space<semaphore_mem>>) src(%arg11 : memref<128x128xf32, #tpu.memory_space<vmem>>) dst(%dma_wait3A_128 : memref<128x128xf32, #tpu.memory_space<vmem_shared>>)
          %add3A_129 = arith.constant 2 : i32
          %add3A_130 = arith.addi %mul3A_80, %add3A_129 : i32
          %dma_start3A_131 = arith.constant 0 : i32
          %dma_start3A_132 = tpu.memref_slice %arg9[%add3A_130, %dma_start3A_131] : memref<40x128xi32, #tpu.memory_space<vmem>> -> memref<1x128xi32, #tpu.memory_space<vmem>>
          %dma_start3A_133 = tpu.memref_squeeze %dma_start3A_132 : memref<1x128xi32, #tpu.memory_space<vmem>> -> memref<128xi32, #tpu.memory_space<vmem>>
          %dma_start3A_134 = arith.constant 0 : i32
          %dma_start3A_135 = arith.constant 0 : i32
          %dma_start3A_136 = tpu.memref_slice %arg5[%dma_start3A_134, %dma_start3A_135] : memref<10240x128xf32, #tpu.memory_space<hbm>> -> memref<10240x128xf32, #tpu.memory_space<hbm>>
          tpu.enqueue_indirect_dma source(%dma_start3A_136 : memref<10240x128xf32, #tpu.memory_space<hbm>>) target(%arg11 : memref<128x128xf32, #tpu.memory_space<vmem>>) offsets(%dma_start3A_133 : memref<128xi32, #tpu.memory_space<vmem>>) semaphore(%arg14 : memref<!tpu.dma_semaphore, #tpu.memory_space<semaphore_mem>>)
        } else {
        }
        %dma_wait3A_108 = arith.constant 0 : i32
        %dma_wait3A_109 = arith.constant 0 : i32
        %dma_wait3A_110 = tpu.memref_slice %arg7[%dma_wait3A_108, %dma_wait3A_109] : memref<640x128xf32, #tpu.memory_space<hbm>> -> memref<128x128xf32, #tpu.memory_space<hbm>>
        %dma_wait3A_111 = arith.constant 0 : i32
        %dma_wait3A_112 = arith.constant 0 : i32
        %dma_wait3A_113 = tpu.memref_slice %arg7[%dma_wait3A_111, %dma_wait3A_112] : memref<640x128xf32, #tpu.memory_space<hbm>> -> memref<128x128xf32, #tpu.memory_space<hbm>>
        tpu.wait_dma2 semaphore(%arg15 : memref<!tpu.dma_semaphore, #tpu.memory_space<semaphore_mem>>) src(%dma_wait3A_113 : memref<128x128xf32, #tpu.memory_space<hbm>>) dst(%arg12 : memref<128x128xf32, #tpu.memory_space<vmem>>)
        %add3A_114 = arith.constant 1 : i32
        %add3A_115 = arith.addi %mul3A_80, %add3A_114 : i32
        %dma_start3A_116 = arith.constant 0 : i32
        %dma_start3A_117 = tpu.memref_slice %arg10[%add3A_115, %dma_start3A_116] : memref<40x128xi32, #tpu.memory_space<vmem>> -> memref<1x128xi32, #tpu.memory_space<vmem>>
        %dma_start3A_118 = tpu.memref_squeeze %dma_start3A_117 : memref<1x128xi32, #tpu.memory_space<vmem>> -> memref<128xi32, #tpu.memory_space<vmem>>
        %dma_start3A_119 = arith.constant 0 : i32
        %dma_start3A_120 = arith.constant 0 : i32
        %dma_start3A_121 = tpu.memref_slice %arg13[%dma_start3A_119, %dma_start3A_120] : memref<10240x128xf32, #tpu.memory_space<vmem_shared>> -> memref<10240x128xf32, #tpu.memory_space<vmem_shared>>
        tpu.enqueue_indirect_dma source(%arg12 : memref<128x128xf32, #tpu.memory_space<vmem>>) target(%dma_start3A_121 : memref<10240x128xf32, #tpu.memory_space<vmem_shared>>) offsets(%dma_start3A_118 : memref<128xi32, #tpu.memory_space<vmem>>) semaphore(%arg17 : memref<!tpu.dma_semaphore, #tpu.memory_space<semaphore_mem>>) {add = true}
        %scan3A_122 = arith.constant 0 : i32
        scf.yield %scan3A_122 : i32
      }
      %scan3A_57 = arith.constant 20 : i32
      %dma_wait3A_58 = arith.constant 0 : i32
      %dma_wait3A_59 = arith.constant 0 : i32
      %dma_wait3A_60 = tpu.memref_slice %arg13[%dma_wait3A_58, %dma_wait3A_59] : memref<10240x128xf32, #tpu.memory_space<vmem_shared>> -> memref<128x128xf32, #tpu.memory_space<vmem_shared>>
      %dma_wait3A_61 = arith.constant 0 : i32
      %dma_wait3A_62 = arith.constant 0 : i32
      %dma_wait3A_63 = tpu.memref_slice %arg13[%dma_wait3A_61, %dma_wait3A_62] : memref<10240x128xf32, #tpu.memory_space<vmem_shared>> -> memref<128x128xf32, #tpu.memory_space<vmem_shared>>
      tpu.wait_dma2 semaphore(%arg16 : memref<!tpu.dma_semaphore, #tpu.memory_space<semaphore_mem>>) src(%arg11 : memref<128x128xf32, #tpu.memory_space<vmem>>) dst(%dma_wait3A_63 : memref<128x128xf32, #tpu.memory_space<vmem_shared>>)
      %dma_wait3A_64 = arith.constant 0 : i32
      %dma_wait3A_65 = arith.constant 0 : i32
      %dma_wait3A_66 = tpu.memref_slice %arg13[%dma_wait3A_64, %dma_wait3A_65] : memref<10240x128xf32, #tpu.memory_space<vmem_shared>> -> memref<128x128xf32, #tpu.memory_space<vmem_shared>>
      %dma_wait3A_67 = arith.constant 0 : i32
      %dma_wait3A_68 = arith.constant 0 : i32
      %dma_wait3A_69 = tpu.memref_slice %arg13[%dma_wait3A_67, %dma_wait3A_68] : memref<10240x128xf32, #tpu.memory_space<vmem_shared>> -> memref<128x128xf32, #tpu.memory_space<vmem_shared>>
      tpu.wait_dma2 semaphore(%arg17 : memref<!tpu.dma_semaphore, #tpu.memory_space<semaphore_mem>>) src(%arg12 : memref<128x128xf32, #tpu.memory_space<vmem>>) dst(%dma_wait3A_69 : memref<128x128xf32, #tpu.memory_space<vmem_shared>>)
      %barrier3A_70 = arith.constant 0 : index
      tpu.barrier barrier_id(%barrier3A_70)
      %mul3A_71 = arith.constant 640 : i32
      %mul3A_72 = arith.muli %arg1, %mul3A_71 : i32
      %mul3A_73 = arith.constant 640 : i32
      %mul3A_74 = arith.muli %arg1, %mul3A_73 : i32
      %run_scoped3A_75 = arith.constant 3 : i32
      "tpu.region"() ({
        %run_scoped3A_77 = tpu.sem_alloc : memref<!tpu.dma_semaphore, #tpu.memory_space<semaphore_mem>>
        %dma_start3A_78 = arith.constant 0 : i32
        %dma_start3A_79 = tpu.memref_slice %arg8[%run_scoped3A_75, %mul3A_74, %dma_start3A_78] : memref<4x10240x128xf32, #tpu.memory_space<hbm>> -> memref<1x640x128xf32, #tpu.memory_space<hbm>>
        %dma_start3A_80 = tpu.memref_squeeze %dma_start3A_79 : memref<1x640x128xf32, #tpu.memory_space<hbm>> -> memref<640x128xf32, #tpu.memory_space<hbm>>
        %dma_start3A_81 = arith.constant 0 : i32
        %dma_start3A_82 = tpu.memref_slice %arg13[%mul3A_72, %dma_start3A_81] : memref<10240x128xf32, #tpu.memory_space<vmem_shared>> -> memref<640x128xf32, #tpu.memory_space<vmem_shared>>
        tpu.enqueue_dma source(%dma_start3A_82 : memref<640x128xf32, #tpu.memory_space<vmem_shared>>) target(%dma_start3A_80 : memref<640x128xf32, #tpu.memory_space<hbm>>) target_semaphore(%run_scoped3A_77 : memref<!tpu.dma_semaphore, #tpu.memory_space<semaphore_mem>>)
        %dma_wait3A_83 = arith.constant 0 : i32
        %dma_wait3A_84 = tpu.memref_slice %arg8[%run_scoped3A_75, %mul3A_74, %dma_wait3A_83] : memref<4x10240x128xf32, #tpu.memory_space<hbm>> -> memref<1x640x128xf32, #tpu.memory_space<hbm>>
        %dma_wait3A_85 = tpu.memref_squeeze %dma_wait3A_84 : memref<1x640x128xf32, #tpu.memory_space<hbm>> -> memref<640x128xf32, #tpu.memory_space<hbm>>
        %dma_wait3A_86 = arith.constant 0 : i32
        %dma_wait3A_87 = tpu.memref_slice %arg13[%mul3A_72, %dma_wait3A_86] : memref<10240x128xf32, #tpu.memory_space<vmem_shared>> -> memref<640x128xf32, #tpu.memory_space<vmem_shared>>
        tpu.wait_dma2 semaphore(%run_scoped3A_77 : memref<!tpu.dma_semaphore, #tpu.memory_space<semaphore_mem>>) src(%dma_wait3A_87 : memref<640x128xf32, #tpu.memory_space<vmem_shared>>) dst(%dma_wait3A_85 : memref<640x128xf32, #tpu.memory_space<hbm>>)
        tpu.yield
      }) : () -> ()
      %barrier3A_76 = arith.constant 0 : index
      tpu.barrier barrier_id(%barrier3A_76)
    } else {
    }
    return
  }
}

module attributes {stable_mosaic.version = 14 : i64} {
  func.func @_prep_body(%arg0: i32, %arg1: memref<2x1024x32xf32, #tpu.memory_space<vmem>>, %arg2: memref<1024x256xf32, #tpu.memory_space<vmem>>, %arg3: memref<1024x1xf32, #tpu.memory_space<vmem>>, %arg4: memref<1024x1xf32, #tpu.memory_space<vmem>>, %arg5: memref<2x1024x128xf32, #tpu.memory_space<vmem>>) attributes {dimension_semantics = [#tpu.dimension_semantics<arbitrary>], iteration_bounds = array<i64: 10>, scalar_prefetch = 0 : i64, scratch_operands = 0 : i64, tpu.core_type = #tpu.core_type<tc>, window_params = [{transform_indices = @transform_0, window_bounds = array<i64: 2, 1024, 32>}, {transform_indices = @transform_1, window_bounds = array<i64: 1024, 256>}, {transform_indices = @transform_2, window_bounds = array<i64: 1024, 1>}, {transform_indices = @transform_3, window_bounds = array<i64: 1024, 1>}, {transform_indices = @transform_4, window_bounds = array<i64: 2, 1024, 128>}]} {
    %get3A = arith.constant 0 : index
    %get3A_0 = arith.constant 0 : index
    %get3A_1 = arith.constant 0 : index
    %get3A_2 = vector.load %arg1[%get3A, %get3A_0, %get3A_1] : memref<2x1024x32xf32, #tpu.memory_space<vmem>>, vector<1x1024x32xf32>
    %get3A_3 = vector.shape_cast %get3A_2 : vector<1x1024x32xf32> to vector<1024x32xf32>
    %reduce_sum3A = arith.constant dense<0.000000e+00> : vector<1024xf32>
    %reduce_sum3A_4 = vector.multi_reduction <add>, %get3A_3, %reduce_sum3A [1] : vector<1024x32xf32> to vector<1024xf32>
    %broadcast_in_dim3A = vector.shape_cast %reduce_sum3A_4 : vector<1024xf32> to vector<1024x1xf32>
    %get3A_5 = arith.constant 1 : index
    %get3A_6 = arith.constant 0 : index
    %get3A_7 = arith.constant 0 : index
    %get3A_8 = vector.load %arg1[%get3A_5, %get3A_6, %get3A_7] : memref<2x1024x32xf32, #tpu.memory_space<vmem>>, vector<1x1024x32xf32>
    %get3A_9 = vector.shape_cast %get3A_8 : vector<1x1024x32xf32> to vector<1024x32xf32>
    %reduce_sum3A_10 = arith.constant dense<0.000000e+00> : vector<1024xf32>
    %reduce_sum3A_11 = vector.multi_reduction <add>, %get3A_9, %reduce_sum3A_10 [1] : vector<1024x32xf32> to vector<1024xf32>
    %broadcast_in_dim3A_12 = vector.shape_cast %reduce_sum3A_11 : vector<1024xf32> to vector<1024x1xf32>
    %gt3A = arith.constant 0.000000e+00 : f32
    %gt3A_13 = vector.broadcast %gt3A : f32 to vector<1024x1xf32>
    %gt3A_14 = arith.cmpf ogt, %broadcast_in_dim3A, %gt3A_13 : vector<1024x1xf32>
    %jit3A = arith.constant 1.000000e+00 : f32
    %broadcast_in_dim3A_15 = vector.broadcast %jit3A : f32 to vector<1024x1xf32>
    %select_n3A = arith.select %gt3A_14, %broadcast_in_dim3A, %broadcast_in_dim3A_15 : vector<1024x1xi1>, vector<1024x1xf32>
    %rsqrt3A = math.rsqrt %select_n3A : vector<1024x1xf32>
    %gt3A_16 = arith.constant 0.000000e+00 : f32
    %gt3A_17 = vector.broadcast %gt3A_16 : f32 to vector<1024x1xf32>
    %gt3A_18 = arith.cmpf ogt, %broadcast_in_dim3A_12, %gt3A_17 : vector<1024x1xf32>
    %jit3A_19 = arith.constant 1.000000e+00 : f32
    %broadcast_in_dim3A_20 = vector.broadcast %jit3A_19 : f32 to vector<1024x1xf32>
    %select_n3A_21 = arith.select %gt3A_18, %broadcast_in_dim3A_12, %broadcast_in_dim3A_20 : vector<1024x1xi1>, vector<1024x1xf32>
    %rsqrt3A_22 = math.rsqrt %select_n3A_21 : vector<1024x1xf32>
    %swap3A = arith.constant 0 : index
    %swap3A_23 = arith.constant 0 : index
    %swap3A_24 = vector.load %arg3[%swap3A, %swap3A_23] : memref<1024x1xf32, #tpu.memory_space<vmem>>, vector<1024x1xf32>
    tpu.vector_store %arg3[%swap3A, %swap3A_23], %rsqrt3A {strides = array<i32>} : memref<1024x1xf32, #tpu.memory_space<vmem>>, vector<1024x1xf32>,
    %swap3A_25 = arith.constant 0 : index
    %swap3A_26 = arith.constant 0 : index
    %swap3A_27 = vector.load %arg4[%swap3A_25, %swap3A_26] : memref<1024x1xf32, #tpu.memory_space<vmem>>, vector<1024x1xf32>
    tpu.vector_store %arg4[%swap3A_25, %swap3A_26], %rsqrt3A_22 {strides = array<i32>} : memref<1024x1xf32, #tpu.memory_space<vmem>>, vector<1024x1xf32>,
    %get3A_28 = arith.constant 0 : index
    %get3A_29 = arith.constant 0 : index
    %get3A_30 = vector.load %arg2[%get3A_28, %get3A_29] : memref<1024x256xf32, #tpu.memory_space<vmem>>, vector<1024x256xf32>
    %mul3A = vector.broadcast %rsqrt3A : vector<1024x1xf32> to vector<1024x256xf32>
    %mul3A_31 = arith.mulf %get3A_30, %mul3A : vector<1024x256xf32>
    %slice3A = vector.extract_strided_slice %mul3A_31 {offsets = [0, 0], sizes = [1024, 128], strides = [1, 1]} : vector<1024x256xf32> to vector<1024x128xf32>
    %swap3A_32 = arith.constant 0 : index
    %swap3A_33 = arith.constant 0 : index
    %swap3A_34 = arith.constant 0 : index
    %swap3A_35 = vector.load %arg5[%swap3A_32, %swap3A_33, %swap3A_34] : memref<2x1024x128xf32, #tpu.memory_space<vmem>>, vector<1x1024x128xf32>
    %swap3A_36 = vector.shape_cast %swap3A_35 : vector<1x1024x128xf32> to vector<1024x128xf32>
    %swap3A_37 = vector.shape_cast %slice3A : vector<1024x128xf32> to vector<1x1024x128xf32>
    tpu.vector_store %arg5[%swap3A_32, %swap3A_33, %swap3A_34], %swap3A_37 {strides = array<i32>} : memref<2x1024x128xf32, #tpu.memory_space<vmem>>, vector<1x1024x128xf32>,
    %slice3A_38 = vector.extract_strided_slice %mul3A_31 {offsets = [0, 128], sizes = [1024, 128], strides = [1, 1]} : vector<1024x256xf32> to vector<1024x128xf32>
    %swap3A_39 = arith.constant 1 : index
    %swap3A_40 = arith.constant 0 : index
    %swap3A_41 = arith.constant 0 : index
    %swap3A_42 = vector.load %arg5[%swap3A_39, %swap3A_40, %swap3A_41] : memref<2x1024x128xf32, #tpu.memory_space<vmem>>, vector<1x1024x128xf32>
    %swap3A_43 = vector.shape_cast %swap3A_42 : vector<1x1024x128xf32> to vector<1024x128xf32>
    %swap3A_44 = vector.shape_cast %slice3A_38 : vector<1024x128xf32> to vector<1x1024x128xf32>
    tpu.vector_store %arg5[%swap3A_39, %swap3A_40, %swap3A_41], %swap3A_44 {strides = array<i32>} : memref<2x1024x128xf32, #tpu.memory_space<vmem>>, vector<1x1024x128xf32>,
    return
  }
  func.func @transform_0(%arg0: i32) -> (i32, i32, i32) {
    %c0_i32 = arith.constant 0 : i32
    %c0_i32_0 = arith.constant 0 : i32
    %c0_i32_1 = arith.constant 0 : i32
    return %c0_i32, %arg0, %c0_i32_0 : i32, i32, i32
  }
  func.func @transform_1(%arg0: i32) -> (i32, i32) {
    %c0_i32 = arith.constant 0 : i32
    %c0_i32_0 = arith.constant 0 : i32
    return %arg0, %c0_i32 : i32, i32
  }
  func.func @transform_2(%arg0: i32) -> (i32, i32) {
    %c0_i32 = arith.constant 0 : i32
    %c0_i32_0 = arith.constant 0 : i32
    return %arg0, %c0_i32 : i32, i32
  }
  func.func @transform_3(%arg0: i32) -> (i32, i32) {
    %c0_i32 = arith.constant 0 : i32
    %c0_i32_0 = arith.constant 0 : i32
    return %arg0, %c0_i32 : i32, i32
  }
  func.func @transform_4(%arg0: i32) -> (i32, i32, i32) {
    %c0_i32 = arith.constant 0 : i32
    %c0_i32_0 = arith.constant 0 : i32
    %c0_i32_1 = arith.constant 0 : i32
    return %c0_i32, %arg0, %c0_i32_0 : i32, i32, i32
  }
}

module attributes {stable_mosaic.version = 14 : i64} {
  func.func @_conv_body(%arg0: i32, %arg1: memref<2x1024x128xf32, #tpu.memory_space<vmem>>, %arg2: memref<1024x1xf32, #tpu.memory_space<vmem>>, %arg3: memref<1024x1xf32, #tpu.memory_space<vmem>>, %arg4: memref<256x512xf32, #tpu.memory_space<vmem>>, %arg5: memref<1x512xf32, #tpu.memory_space<vmem>>, %arg6: memref<4x1024x128xf32, #tpu.memory_space<vmem>>) attributes {dimension_semantics = [#tpu.dimension_semantics<arbitrary>], iteration_bounds = array<i64: 10>, scalar_prefetch = 0 : i64, scratch_operands = 0 : i64, tpu.core_type = #tpu.core_type<tc>, window_params = [{transform_indices = @transform_0, window_bounds = array<i64: 2, 1024, 128>}, {transform_indices = @transform_1, window_bounds = array<i64: 1024, 1>}, {transform_indices = @transform_2, window_bounds = array<i64: 1024, 1>}, {pipeline_mode = #tpu.pipeline_mode<synchronous>, transform_indices = @transform_3, window_bounds = array<i64: 256, 512>}, {pipeline_mode = #tpu.pipeline_mode<synchronous>, transform_indices = @transform_4, window_bounds = array<i64: 1, 512>}, {transform_indices = @transform_5, window_bounds = array<i64: 4, 1024, 128>}]} {
    %get3A = arith.constant 0 : index
    %get3A_0 = arith.constant 0 : index
    %get3A_1 = arith.constant 0 : index
    %get3A_2 = vector.load %arg1[%get3A, %get3A_0, %get3A_1] : memref<2x1024x128xf32, #tpu.memory_space<vmem>>, vector<1x1024x128xf32>
    %get3A_3 = vector.shape_cast %get3A_2 : vector<1x1024x128xf32> to vector<1024x128xf32>
    %get3A_4 = arith.constant 1 : index
    %get3A_5 = arith.constant 0 : index
    %get3A_6 = arith.constant 0 : index
    %get3A_7 = vector.load %arg1[%get3A_4, %get3A_5, %get3A_6] : memref<2x1024x128xf32, #tpu.memory_space<vmem>>, vector<1x1024x128xf32>
    %get3A_8 = vector.shape_cast %get3A_7 : vector<1x1024x128xf32> to vector<1024x128xf32>
    %concatenate3A = tpu.concatenate %get3A_3, %get3A_8 in 1 : vector<1024x128xf32>, vector<1024x128xf32> -> vector<1024x256xf32>
    %get3A_9 = arith.constant 0 : index
    %get3A_10 = arith.constant 0 : index
    %get3A_11 = vector.load %arg2[%get3A_9, %get3A_10] : memref<1024x1xf32, #tpu.memory_space<vmem>>, vector<1024x1xf32>
    %mul3A = vector.broadcast %get3A_11 : vector<1024x1xf32> to vector<1024x256xf32>
    %mul3A_12 = arith.mulf %concatenate3A, %mul3A : vector<1024x256xf32>
    %convert_element_type3A = arith.truncf %mul3A_12 : vector<1024x256xf32> to vector<1024x256xbf16>
    %get3A_13 = arith.constant 0 : index
    %get3A_14 = arith.constant 0 : index
    %get3A_15 = vector.load %arg4[%get3A_13, %get3A_14] : memref<256x512xf32, #tpu.memory_space<vmem>>, vector<256x512xf32>
    %convert_element_type3A_16 = arith.truncf %get3A_15 : vector<256x512xf32> to vector<256x512xbf16>
    %dot_general3A = arith.constant dense<0.000000e+00> : vector<1024x512xf32>
    %dot_general3A_17 = tpu.matmul %convert_element_type3A, %convert_element_type3A_16, %dot_general3A {dimension_numbers = #tpu.dot_dimension_numbers<[1], [0], [0], [1], [0, 0, 1, 1], [], []>, transpose_lhs_hint = false} : vector<1024x256xbf16>, vector<256x512xbf16>, vector<1024x512xf32> -> vector<1024x512xf32>
    %get3A_18 = arith.constant 0 : index
    %get3A_19 = arith.constant 0 : index
    %get3A_20 = vector.load %arg5[%get3A_18, %get3A_19] : memref<1x512xf32, #tpu.memory_space<vmem>>, vector<1x512xf32>
    %add3A = vector.broadcast %get3A_20 : vector<1x512xf32> to vector<1024x512xf32>
    %add3A_21 = arith.addf %dot_general3A_17, %add3A : vector<1024x512xf32>
    %max3A = arith.constant 0.000000e+00 : f32
    %max3A_22 = vector.broadcast %max3A : f32 to vector<1024x512xf32>
    %max3A_23 = arith.maximumf %add3A_21, %max3A_22 : vector<1024x512xf32>
    %get3A_24 = arith.constant 0 : index
    %get3A_25 = arith.constant 0 : index
    %get3A_26 = vector.load %arg3[%get3A_24, %get3A_25] : memref<1024x1xf32, #tpu.memory_space<vmem>>, vector<1024x1xf32>
    %mul3A_27 = vector.broadcast %get3A_26 : vector<1024x1xf32> to vector<1024x512xf32>
    %mul3A_28 = arith.mulf %max3A_23, %mul3A_27 : vector<1024x512xf32>
    %slice3A = vector.extract_strided_slice %mul3A_28 {offsets = [0, 0], sizes = [1024, 128], strides = [1, 1]} : vector<1024x512xf32> to vector<1024x128xf32>
    %swap3A = arith.constant 0 : index
    %swap3A_29 = arith.constant 0 : index
    %swap3A_30 = arith.constant 0 : index
    %swap3A_31 = vector.load %arg6[%swap3A, %swap3A_29, %swap3A_30] : memref<4x1024x128xf32, #tpu.memory_space<vmem>>, vector<1x1024x128xf32>
    %swap3A_32 = vector.shape_cast %swap3A_31 : vector<1x1024x128xf32> to vector<1024x128xf32>
    %swap3A_33 = vector.shape_cast %slice3A : vector<1024x128xf32> to vector<1x1024x128xf32>
    tpu.vector_store %arg6[%swap3A, %swap3A_29, %swap3A_30], %swap3A_33 {strides = array<i32>} : memref<4x1024x128xf32, #tpu.memory_space<vmem>>, vector<1x1024x128xf32>,
    %slice3A_34 = vector.extract_strided_slice %mul3A_28 {offsets = [0, 128], sizes = [1024, 128], strides = [1, 1]} : vector<1024x512xf32> to vector<1024x128xf32>
    %swap3A_35 = arith.constant 1 : index
    %swap3A_36 = arith.constant 0 : index
    %swap3A_37 = arith.constant 0 : index
    %swap3A_38 = vector.load %arg6[%swap3A_35, %swap3A_36, %swap3A_37] : memref<4x1024x128xf32, #tpu.memory_space<vmem>>, vector<1x1024x128xf32>
    %swap3A_39 = vector.shape_cast %swap3A_38 : vector<1x1024x128xf32> to vector<1024x128xf32>
    %swap3A_40 = vector.shape_cast %slice3A_34 : vector<1024x128xf32> to vector<1x1024x128xf32>
    tpu.vector_store %arg6[%swap3A_35, %swap3A_36, %swap3A_37], %swap3A_40 {strides = array<i32>} : memref<4x1024x128xf32, #tpu.memory_space<vmem>>, vector<1x1024x128xf32>,
    %slice3A_41 = vector.extract_strided_slice %mul3A_28 {offsets = [0, 256], sizes = [1024, 128], strides = [1, 1]} : vector<1024x512xf32> to vector<1024x128xf32>
    %swap3A_42 = arith.constant 2 : index
    %swap3A_43 = arith.constant 0 : index
    %swap3A_44 = arith.constant 0 : index
    %swap3A_45 = vector.load %arg6[%swap3A_42, %swap3A_43, %swap3A_44] : memref<4x1024x128xf32, #tpu.memory_space<vmem>>, vector<1x1024x128xf32>
    %swap3A_46 = vector.shape_cast %swap3A_45 : vector<1x1024x128xf32> to vector<1024x128xf32>
    %swap3A_47 = vector.shape_cast %slice3A_41 : vector<1024x128xf32> to vector<1x1024x128xf32>
    tpu.vector_store %arg6[%swap3A_42, %swap3A_43, %swap3A_44], %swap3A_47 {strides = array<i32>} : memref<4x1024x128xf32, #tpu.memory_space<vmem>>, vector<1x1024x128xf32>,
    %slice3A_48 = vector.extract_strided_slice %mul3A_28 {offsets = [0, 384], sizes = [1024, 128], strides = [1, 1]} : vector<1024x512xf32> to vector<1024x128xf32>
    %swap3A_49 = arith.constant 3 : index
    %swap3A_50 = arith.constant 0 : index
    %swap3A_51 = arith.constant 0 : index
    %swap3A_52 = vector.load %arg6[%swap3A_49, %swap3A_50, %swap3A_51] : memref<4x1024x128xf32, #tpu.memory_space<vmem>>, vector<1x1024x128xf32>
    %swap3A_53 = vector.shape_cast %swap3A_52 : vector<1x1024x128xf32> to vector<1024x128xf32>
    %swap3A_54 = vector.shape_cast %slice3A_48 : vector<1024x128xf32> to vector<1x1024x128xf32>
    tpu.vector_store %arg6[%swap3A_49, %swap3A_50, %swap3A_51], %swap3A_54 {strides = array<i32>} : memref<4x1024x128xf32, #tpu.memory_space<vmem>>, vector<1x1024x128xf32>,
    return
  }
  func.func @transform_0(%arg0: i32) -> (i32, i32, i32) {
    %c0_i32 = arith.constant 0 : i32
    %c0_i32_0 = arith.constant 0 : i32
    %c0_i32_1 = arith.constant 0 : i32
    return %c0_i32, %arg0, %c0_i32_0 : i32, i32, i32
  }
  func.func @transform_1(%arg0: i32) -> (i32, i32) {
    %c0_i32 = arith.constant 0 : i32
    %c0_i32_0 = arith.constant 0 : i32
    return %arg0, %c0_i32 : i32, i32
  }
  func.func @transform_2(%arg0: i32) -> (i32, i32) {
    %c0_i32 = arith.constant 0 : i32
    %c0_i32_0 = arith.constant 0 : i32
    return %arg0, %c0_i32 : i32, i32
  }
  func.func @transform_3(%arg0: i32) -> (i32, i32) {
    %c0_i32 = arith.constant 0 : i32
    %c0_i32_0 = arith.constant 0 : i32
    %c0_i32_1 = arith.constant 0 : i32
    return %c0_i32, %c0_i32_0 : i32, i32
  }
  func.func @transform_4(%arg0: i32) -> (i32, i32) {
    %c0_i32 = arith.constant 0 : i32
    %c0_i32_0 = arith.constant 0 : i32
    %c0_i32_1 = arith.constant 0 : i32
    return %c0_i32, %c0_i32_0 : i32, i32
  }
  func.func @transform_5(%arg0: i32) -> (i32, i32, i32) {
    %c0_i32 = arith.constant 0 : i32
    %c0_i32_0 = arith.constant 0 : i32
    %c0_i32_1 = arith.constant 0 : i32
    return %c0_i32, %arg0, %c0_i32_0 : i32, i32, i32
  }
}

module attributes {stable_mosaic.version = 14 : i64} {
  func.func @_pool_head_body(%arg0: i32, %arg1: memref<4x1024x128xf32, #tpu.memory_space<vmem>>, %arg2: memref<1024x1xf32, #tpu.memory_space<vmem>>, %arg3: memref<512x512xf32, #tpu.memory_space<vmem>>, %arg4: memref<1x512xf32, #tpu.memory_space<vmem>>, %arg5: memref<512x512xf32, #tpu.memory_space<vmem>>, %arg6: memref<1x512xf32, #tpu.memory_space<vmem>>, %arg7: memref<512x10xf32, #tpu.memory_space<vmem>>, %arg8: memref<1x10xf32, #tpu.memory_space<vmem>>, %arg9: memref<10x5xf32, #tpu.memory_space<vmem>>, %arg10: memref<1x5xf32, #tpu.memory_space<vmem>>, %arg11: memref<1x5xf32, #tpu.memory_space<vmem>>, %arg12: memref<1x512xf32, #tpu.memory_space<vmem>>) attributes {dimension_semantics = [#tpu.dimension_semantics<arbitrary>], iteration_bounds = array<i64: 10>, scalar_prefetch = 0 : i64, scratch_operands = 1 : i64, tpu.core_type = #tpu.core_type<tc>, window_params = [{transform_indices = @transform_0, window_bounds = array<i64: 4, 1024, 128>}, {transform_indices = @transform_1, window_bounds = array<i64: 1024, 1>}, {pipeline_mode = #tpu.pipeline_mode<synchronous>, transform_indices = @transform_2, window_bounds = array<i64: 512, 512>}, {pipeline_mode = #tpu.pipeline_mode<synchronous>, transform_indices = @transform_3, window_bounds = array<i64: 1, 512>}, {pipeline_mode = #tpu.pipeline_mode<synchronous>, transform_indices = @transform_4, window_bounds = array<i64: 512, 512>}, {pipeline_mode = #tpu.pipeline_mode<synchronous>, transform_indices = @transform_5, window_bounds = array<i64: 1, 512>}, {pipeline_mode = #tpu.pipeline_mode<synchronous>, transform_indices = @transform_6, window_bounds = array<i64: 512, 10>}, {pipeline_mode = #tpu.pipeline_mode<synchronous>, transform_indices = @transform_7, window_bounds = array<i64: 1, 10>}, {pipeline_mode = #tpu.pipeline_mode<synchronous>, transform_indices = @transform_8, window_bounds = array<i64: 10, 5>}, {pipeline_mode = #tpu.pipeline_mode<synchronous>, transform_indices = @transform_9, window_bounds = array<i64: 1, 5>}, {pipeline_mode = #tpu.pipeline_mode<synchronous>, transform_indices = @transform_10, window_bounds = array<i64: 1, 5>}]} {
    %get3A = arith.constant 0 : index
    %get3A_0 = arith.constant 0 : index
    %get3A_1 = arith.constant 0 : index
    %get3A_2 = vector.load %arg1[%get3A, %get3A_0, %get3A_1] : memref<4x1024x128xf32, #tpu.memory_space<vmem>>, vector<1x1024x128xf32>
    %get3A_3 = vector.shape_cast %get3A_2 : vector<1x1024x128xf32> to vector<1024x128xf32>
    %get3A_4 = arith.constant 1 : index
    %get3A_5 = arith.constant 0 : index
    %get3A_6 = arith.constant 0 : index
    %get3A_7 = vector.load %arg1[%get3A_4, %get3A_5, %get3A_6] : memref<4x1024x128xf32, #tpu.memory_space<vmem>>, vector<1x1024x128xf32>
    %get3A_8 = vector.shape_cast %get3A_7 : vector<1x1024x128xf32> to vector<1024x128xf32>
    %get3A_9 = arith.constant 2 : index
    %get3A_10 = arith.constant 0 : index
    %get3A_11 = arith.constant 0 : index
    %get3A_12 = vector.load %arg1[%get3A_9, %get3A_10, %get3A_11] : memref<4x1024x128xf32, #tpu.memory_space<vmem>>, vector<1x1024x128xf32>
    %get3A_13 = vector.shape_cast %get3A_12 : vector<1x1024x128xf32> to vector<1024x128xf32>
    %get3A_14 = arith.constant 3 : index
    %get3A_15 = arith.constant 0 : index
    %get3A_16 = arith.constant 0 : index
    %get3A_17 = vector.load %arg1[%get3A_14, %get3A_15, %get3A_16] : memref<4x1024x128xf32, #tpu.memory_space<vmem>>, vector<1x1024x128xf32>
    %get3A_18 = vector.shape_cast %get3A_17 : vector<1x1024x128xf32> to vector<1024x128xf32>
    %concatenate3A = tpu.concatenate %get3A_3, %get3A_8, %get3A_13, %get3A_18 in 1 : vector<1024x128xf32>, vector<1024x128xf32>, vector<1024x128xf32>, vector<1024x128xf32> -> vector<1024x512xf32>
    %get3A_19 = arith.constant 0 : index
    %get3A_20 = arith.constant 0 : index
    %get3A_21 = vector.load %arg2[%get3A_19, %get3A_20] : memref<1024x1xf32, #tpu.memory_space<vmem>>, vector<1024x1xf32>
    %mul3A = vector.broadcast %get3A_21 : vector<1024x1xf32> to vector<1024x512xf32>
    %mul3A_22 = arith.mulf %concatenate3A, %mul3A : vector<1024x512xf32>
    %convert_element_type3A = arith.truncf %mul3A_22 : vector<1024x512xf32> to vector<1024x512xbf16>
    %get3A_23 = arith.constant 0 : index
    %get3A_24 = arith.constant 0 : index
    %get3A_25 = vector.load %arg3[%get3A_23, %get3A_24] : memref<512x512xf32, #tpu.memory_space<vmem>>, vector<512x512xf32>
    %convert_element_type3A_26 = arith.truncf %get3A_25 : vector<512x512xf32> to vector<512x512xbf16>
    %dot_general3A = arith.constant dense<0.000000e+00> : vector<1024x512xf32>
    %dot_general3A_27 = tpu.matmul %convert_element_type3A, %convert_element_type3A_26, %dot_general3A {dimension_numbers = #tpu.dot_dimension_numbers<[1], [0], [0], [1], [0, 0, 1, 1], [], []>, transpose_lhs_hint = false} : vector<1024x512xbf16>, vector<512x512xbf16>, vector<1024x512xf32> -> vector<1024x512xf32>
    %get3A_28 = arith.constant 0 : index
    %get3A_29 = arith.constant 0 : index
    %get3A_30 = vector.load %arg4[%get3A_28, %get3A_29] : memref<1x512xf32, #tpu.memory_space<vmem>>, vector<1x512xf32>
    %add3A = vector.broadcast %get3A_30 : vector<1x512xf32> to vector<1024x512xf32>
    %add3A_31 = arith.addf %dot_general3A_27, %add3A : vector<1024x512xf32>
    %max3A = arith.constant 0.000000e+00 : f32
    %max3A_32 = vector.broadcast %max3A : f32 to vector<1024x512xf32>
    %max3A_33 = arith.maximumf %add3A_31, %max3A_32 : vector<1024x512xf32>
    %iota3A = tpu.iota {dimensions = array<i32: 0>} : vector<1024x1xi32>
    %mul3A_34 = arith.constant 1024 : i32
    %mul3A_35 = arith.muli %arg0, %mul3A_34 : i32
    %add3A_36 = vector.broadcast %mul3A_35 : i32 to vector<1024x1xi32>
    %add3A_37 = arith.addi %iota3A, %add3A_36 : vector<1024x1xi32>
    %lt3A = arith.constant 10000 : i32
    %lt3A_38 = vector.broadcast %lt3A : i32 to vector<1024x1xi32>
    %lt3A_39 = arith.cmpi slt, %add3A_37, %lt3A_38 : vector<1024x1xi32>
    %jit3A = arith.constant 0.000000e+00 : f32
    %broadcast_in_dim3A = vector.shape_cast %lt3A_39 : vector<1024x1xi1> to vector<1024x1xi1>
    %broadcast_in_dim3A_40 = vector.broadcast %broadcast_in_dim3A : vector<1024x1xi1> to vector<1024x512xi1>
    %broadcast_in_dim3A_41 = vector.broadcast %jit3A : f32 to vector<1024x512xf32>
    %select_n3A = arith.select %broadcast_in_dim3A_40, %max3A_33, %broadcast_in_dim3A_41 : vector<1024x512xi1>, vector<1024x512xf32>
    %reduce_sum3A = arith.constant dense<0.000000e+00> : vector<512xf32>
    %reduce_sum3A_42 = vector.multi_reduction <add>, %select_n3A, %reduce_sum3A [0] : vector<1024x512xf32> to vector<512xf32>
    %broadcast_in_dim3A_43 = vector.shape_cast %reduce_sum3A_42 : vector<512xf32> to vector<1x512xf32>
    %eq3A = arith.constant 0 : i32
    %eq3A_44 = arith.cmpi eq, %arg0, %eq3A : i32
    %convert_element_type3A_45 = arith.extui %eq3A_44 : i1 to i32
    %cond3A = arith.constant 0 : i32
    %cond3A_46 = arith.cmpi ne, %convert_element_type3A_45, %cond3A : i32
    scf.if %cond3A_46 {
      %swap3A = arith.constant 0 : index
      %swap3A_56 = arith.constant 0 : index
      %swap3A_57 = vector.load %arg12[%swap3A, %swap3A_56] : memref<1x512xf32, #tpu.memory_space<vmem>>, vector<1x512xf32>
      tpu.vector_store %arg12[%swap3A, %swap3A_56], %broadcast_in_dim3A_43 {strides = array<i32>} : memref<1x512xf32, #tpu.memory_space<vmem>>, vector<1x512xf32>,
    } else {
    }
    %ne3A = arith.constant 0 : i32
    %ne3A_47 = arith.cmpi ne, %arg0, %ne3A : i32
    %convert_element_type3A_48 = arith.extui %ne3A_47 : i1 to i32
    %cond3A_49 = arith.constant 0 : i32
    %cond3A_50 = arith.cmpi ne, %convert_element_type3A_48, %cond3A_49 : i32
    scf.if %cond3A_50 {
      %get3A_56 = arith.constant 0 : index
      %get3A_57 = arith.constant 0 : index
      %get3A_58 = vector.load %arg12[%get3A_56, %get3A_57] : memref<1x512xf32, #tpu.memory_space<vmem>>, vector<1x512xf32>
      %add3A_59 = arith.addf %get3A_58, %broadcast_in_dim3A_43 : vector<1x512xf32>
      %swap3A = arith.constant 0 : index
      %swap3A_60 = arith.constant 0 : index
      %swap3A_61 = vector.load %arg12[%swap3A, %swap3A_60] : memref<1x512xf32, #tpu.memory_space<vmem>>, vector<1x512xf32>
      tpu.vector_store %arg12[%swap3A, %swap3A_60], %add3A_59 {strides = array<i32>} : memref<1x512xf32, #tpu.memory_space<vmem>>, vector<1x512xf32>,
    } else {
    }
    %eq3A_51 = arith.constant 9 : i32
    %eq3A_52 = arith.cmpi eq, %arg0, %eq3A_51 : i32
    %convert_element_type3A_53 = arith.extui %eq3A_52 : i1 to i32
    %cond3A_54 = arith.constant 0 : i32
    %cond3A_55 = arith.cmpi ne, %convert_element_type3A_53, %cond3A_54 : i32
    scf.if %cond3A_55 {
      %get3A_56 = arith.constant 0 : index
      %get3A_57 = arith.constant 0 : index
      %get3A_58 = vector.load %arg12[%get3A_56, %get3A_57] : memref<1x512xf32, #tpu.memory_space<vmem>>, vector<1x512xf32>
      %mul3A_59 = arith.constant 9.99999974E-5 : f32
      %mul3A_60 = vector.broadcast %mul3A_59 : f32 to vector<1x512xf32>
      %mul3A_61 = arith.mulf %get3A_58, %mul3A_60 : vector<1x512xf32>
      %get3A_62 = arith.constant 0 : index
      %get3A_63 = arith.constant 0 : index
      %get3A_64 = vector.load %arg5[%get3A_62, %get3A_63] : memref<512x512xf32, #tpu.memory_space<vmem>>, vector<512x512xf32>
      %dot_general3A_65 = arith.constant dense<0.000000e+00> : vector<1x512xf32>
      %dot_general3A_66 = tpu.matmul %mul3A_61, %get3A_64, %dot_general3A_65 {dimension_numbers = #tpu.dot_dimension_numbers<[1], [0], [0], [1], [0, 0, 1, 1], [], []>, transpose_lhs_hint = false} : vector<1x512xf32>, vector<512x512xf32>, vector<1x512xf32> -> vector<1x512xf32>
      %get3A_67 = arith.constant 0 : index
      %get3A_68 = arith.constant 0 : index
      %get3A_69 = vector.load %arg6[%get3A_67, %get3A_68] : memref<1x512xf32, #tpu.memory_space<vmem>>, vector<1x512xf32>
      %add3A_70 = arith.addf %dot_general3A_66, %get3A_69 : vector<1x512xf32>
      %max3A_71 = arith.constant 0.000000e+00 : f32
      %max3A_72 = vector.broadcast %max3A_71 : f32 to vector<1x512xf32>
      %max3A_73 = arith.maximumf %add3A_70, %max3A_72 : vector<1x512xf32>
      %get3A_74 = arith.constant 0 : index
      %get3A_75 = arith.constant 0 : index
      %get3A_76 = vector.load %arg7[%get3A_74, %get3A_75] : memref<512x10xf32, #tpu.memory_space<vmem>>, vector<512x10xf32>
      %dot_general3A_77 = arith.constant dense<0.000000e+00> : vector<1x10xf32>
      %dot_general3A_78 = tpu.matmul %max3A_73, %get3A_76, %dot_general3A_77 {dimension_numbers = #tpu.dot_dimension_numbers<[1], [0], [0], [1], [0, 0, 1, 1], [], []>, transpose_lhs_hint = false} : vector<1x512xf32>, vector<512x10xf32>, vector<1x10xf32> -> vector<1x10xf32>
      %get3A_79 = arith.constant 0 : index
      %get3A_80 = arith.constant 0 : index
      %get3A_81 = vector.load %arg8[%get3A_79, %get3A_80] : memref<1x10xf32, #tpu.memory_space<vmem>>, vector<1x10xf32>
      %add3A_82 = arith.addf %dot_general3A_78, %get3A_81 : vector<1x10xf32>
      %max3A_83 = arith.constant 0.000000e+00 : f32
      %max3A_84 = vector.broadcast %max3A_83 : f32 to vector<1x10xf32>
      %max3A_85 = arith.maximumf %add3A_82, %max3A_84 : vector<1x10xf32>
      %get3A_86 = arith.constant 0 : index
      %get3A_87 = arith.constant 0 : index
      %get3A_88 = vector.load %arg9[%get3A_86, %get3A_87] : memref<10x5xf32, #tpu.memory_space<vmem>>, vector<10x5xf32>
      %dot_general3A_89 = arith.constant dense<0.000000e+00> : vector<1x5xf32>
      %dot_general3A_90 = tpu.matmul %max3A_85, %get3A_88, %dot_general3A_89 {dimension_numbers = #tpu.dot_dimension_numbers<[1], [0], [0], [1], [0, 0, 1, 1], [], []>, transpose_lhs_hint = false} : vector<1x10xf32>, vector<10x5xf32>, vector<1x5xf32> -> vector<1x5xf32>
      %get3A_91 = arith.constant 0 : index
      %get3A_92 = arith.constant 0 : index
      %get3A_93 = vector.load %arg10[%get3A_91, %get3A_92] : memref<1x5xf32, #tpu.memory_space<vmem>>, vector<1x5xf32>
      %add3A_94 = arith.addf %dot_general3A_90, %get3A_93 : vector<1x5xf32>
      %logistic3A = arith.negf %add3A_94 : vector<1x5xf32>
      %logistic3A_95 = math.exp %logistic3A : vector<1x5xf32>
      %logistic3A_96 = arith.constant 1.000000e+00 : f32
      %logistic3A_97 = vector.broadcast %logistic3A_96 : f32 to vector<1x5xf32>
      %logistic3A_98 = arith.addf %logistic3A_97, %logistic3A_95 : vector<1x5xf32>
      %logistic3A_99 = arith.divf %logistic3A_97, %logistic3A_98 : vector<1x5xf32>
      %swap3A = arith.constant 0 : index
      %swap3A_100 = arith.constant 0 : index
      %swap3A_101 = vector.load %arg11[%swap3A, %swap3A_100] : memref<1x5xf32, #tpu.memory_space<vmem>>, vector<1x5xf32>
      tpu.vector_store %arg11[%swap3A, %swap3A_100], %logistic3A_99 {strides = array<i32>} : memref<1x5xf32, #tpu.memory_space<vmem>>, vector<1x5xf32>,
    } else {
    }
    return
  }
  func.func @transform_0(%arg0: i32) -> (i32, i32, i32) {
    %c0_i32 = arith.constant 0 : i32
    %c0_i32_0 = arith.constant 0 : i32
    %c0_i32_1 = arith.constant 0 : i32
    return %c0_i32, %arg0, %c0_i32_0 : i32, i32, i32
  }
  func.func @transform_1(%arg0: i32) -> (i32, i32) {
    %c0_i32 = arith.constant 0 : i32
    %c0_i32_0 = arith.constant 0 : i32
    return %arg0, %c0_i32 : i32, i32
  }
  func.func @transform_2(%arg0: i32) -> (i32, i32) {
    %c0_i32 = arith.constant 0 : i32
    %c0_i32_0 = arith.constant 0 : i32
    %c0_i32_1 = arith.constant 0 : i32
    return %c0_i32, %c0_i32_0 : i32, i32
  }
  func.func @transform_3(%arg0: i32) -> (i32, i32) {
    %c0_i32 = arith.constant 0 : i32
    %c0_i32_0 = arith.constant 0 : i32
    %c0_i32_1 = arith.constant 0 : i32
    return %c0_i32, %c0_i32_0 : i32, i32
  }
  func.func @transform_4(%arg0: i32) -> (i32, i32) {
    %c0_i32 = arith.constant 0 : i32
    %c0_i32_0 = arith.constant 0 : i32
    %c0_i32_1 = arith.constant 0 : i32
    return %c0_i32, %c0_i32_0 : i32, i32
  }
  func.func @transform_5(%arg0: i32) -> (i32, i32) {
    %c0_i32 = arith.constant 0 : i32
    %c0_i32_0 = arith.constant 0 : i32
    %c0_i32_1 = arith.constant 0 : i32
    return %c0_i32, %c0_i32_0 : i32, i32
  }
  func.func @transform_6(%arg0: i32) -> (i32, i32) {
    %c0_i32 = arith.constant 0 : i32
    %c0_i32_0 = arith.constant 0 : i32
    %c0_i32_1 = arith.constant 0 : i32
    return %c0_i32, %c0_i32_0 : i32, i32
  }
  func.func @transform_7(%arg0: i32) -> (i32, i32) {
    %c0_i32 = arith.constant 0 : i32
    %c0_i32_0 = arith.constant 0 : i32
    %c0_i32_1 = arith.constant 0 : i32
    return %c0_i32, %c0_i32_0 : i32, i32
  }
  func.func @transform_8(%arg0: i32) -> (i32, i32) {
    %c0_i32 = arith.constant 0 : i32
    %c0_i32_0 = arith.constant 0 : i32
    %c0_i32_1 = arith.constant 0 : i32
    return %c0_i32, %c0_i32_0 : i32, i32
  }
  func.func @transform_9(%arg0: i32) -> (i32, i32) {
    %c0_i32 = arith.constant 0 : i32
    %c0_i32_0 = arith.constant 0 : i32
    %c0_i32_1 = arith.constant 0 : i32
    return %c0_i32, %c0_i32_0 : i32, i32
  }
  func.func @transform_10(%arg0: i32) -> (i32, i32) {
    %c0_i32 = arith.constant 0 : i32
    %c0_i32_0 = arith.constant 0 : i32
    %c0_i32_1 = arith.constant 0 : i32
    return %c0_i32, %c0_i32_0 : i32, i32
  }
}

</mosaic_0001>

<sc_bundles>
// kernel: kernel.11.cloned.1.call-start
scs
__scs_entry_jumppad:
0x0: {  	(pc) =	sbr.rel $0x88, $3  }
0x1: {  	(tag) =	ssettag $0x0;
	lr =	simm.s32 $0x1  }
0x2: {  	[smem:$0x3F95] =	sst lr;
	_ =	strace $0xD0000000  }
0x3: {  	_ = 	snop  }
0x4: {  	_ = 	snop  }
0x5: {  	_ = 	snop  }
0x6: {  	_ = 	snop  }
0x7: {  	_ = 	snop  }
__scs_overlays_trampoline_lowered:
0x8: {  	[smem:$0x3FA4] =	sst s0  }
0x9: {  	[smem:$0x3FA5] =	sst s1  }
0xa: {  	[smem:$0x3FA6] =	sst s2  }
0xb: {  	[smem:$0x3FA7] =	sst s3  }
0xc: {  	[smem:$0x3FA8] =	sst s4  }
0xd: {  	[smem:$0x3FA9] =	sst s5  }
0xe: {  	[smem:$0x3FAA] =	sst s6  }
0xf: {  	[smem:$0x3FAB] =	sst s7  }
0x10: {  	[smem:$0x3FAC] =	sst s8  }
0x11: {  	[smem:$0x3FAD] =	sst s9;
	s0 =	simm.s32 @!p0 $0x0  }
0x12: {  	s1 =	sld [smem:$0x3F93];
	s0 =	simm.s32 @p0 $0x1  }
0x13: {  	[smem:$0x3FAE] =	sst s0;
	s0 =	simm.s32 @!p1 $0x0  }
0x14: {  	s2 =	sld [smem:$0x3F92];
	s0 =	simm.s32 @p1 $0x1  }
0x15: {  	[smem:$0x3FAF] =	sst s0;
	s0 =	simm.s32 @!p2 $0x0  }
0x16: {  	s3 =	sld [smem:$0x3FDB];
	s0 =	simm.s32 @p2 $0x1  }
0x17: {  	s4 =	simm.s32 $0x1BF5;
	[smem:$0x3FB1] =	sst s0  }
0x18: {  	s0 =	sld [smem:$0x3F94];
	_ =	swait.ge [sflag:s4], $0x0  }
0x19: {  	s7 =	sld [smem:$0x3F95]  }
0x1a: {  	s8 =	sadd.s32 $0xFFFFE003, lr  }
0x1b: {  	s9 =	sadd.s32 $0xFFFFFEF7, lr;
	s5 =	simm.s32 $0xFFFFFFFF;
	p2 =	slt.u32 s8, $0xFFFFF086  }
0x1c: {  	p1 =	slt.u32 s9, $0xF7A;
	s5 =	simm.s32 @!p2 $0x0  }
0x1d: {  	s5 =	simm.s32 @p1 $0x1;
	p0 =	seq.s32 s7, s2  }
0x1e: {  	s7 =	smul.u32 @!p0 $0xF7A, s2;
	p2 =	seq.s32 @!p0 s5, $0x0  }
0x1f: {  	s9 =	smul.u32 $0xF7A, s1;
	s8 =	simm.s32 @!p0 $0x1BF5;
	p2 =	por !p2, p0  }
0x20: {  	[sflag:s8] =	ssyncset.s32 @!p0 $0xFFFFF086;
	s6 =	sadd.s32 @!p0 s3, s7;
	s7 =	simm.s32 @!p0 $0x108  }
0x21: {  	s3 =	sadd.s32 s3, s9;
	s6 =	sadd.s32 @!p0 $0x88, s6;
	s7 =	simm.s32 @p2 $0x1082  }
0x22: {  	[simem:s7], [sflag:s8] =	dma.local @!p0 [hbm:s6], $0xF7A  }
0x23: {  	s9 =	sor.u32 $0xD0000000, s2;
	s6 =	simm.s32 $0x108;
	_ =	swait.ge @!p0 [sflag:s8], $0x0  }
0x24: {  	s3 =	sadd.s32 $0x88, s3;
	s6 =	simm.s32 @!p1 $0x1082;
	[sflag:s4] =	ssyncset.s32 $0xFFFFF086  }
0x25: {  	[simem:s6], [sflag:s4] =	dma.local [hbm:s3], $0xF7A  }
0x26: {  	[smem:$0x3F95] =	sst s1;
	(tag) =	ssettag s2;
	_ =	strace s9  }
0x27: {  	s1 =	sld [smem:$0x3FA5]  }
0x28: {  	s2 =	sld [smem:$0x3FA6]  }
0x29: {  	s4 =	sld [smem:$0x3FA8]  }
0x2a: {  	p0 =	seq.s32 s5, $0x0;
	s5 =	sld [smem:$0x3FA9]  }
0x2b: {  	s6 =	sld [smem:$0x3FAA]  }
0x2c: {  	s7 =	sld [smem:$0x3FAB]  }
0x2d: {  	s3 =	simm.s32 $0x108;
	s8 =	sld [smem:$0x3FAC]  }
0x2e: {  	s3 =	simm.s32 @!p0 $0x1082;
	s9 =	sld [smem:$0x3FAD]  }
0x2f: {  	lr =	sadd.s32 s0, s3;
	s0 =	sld [smem:$0x3FA4]  }
0x30: {  	s3 =	sld [smem:$0x3FA7]  }
0x31: {  	[smem:$0x3FB0] =	sst s10  }
0x32: {  	s10 =	sld [smem:$0x3FAE];
	_ =	sdelay $0x3  }
0x33: {  	p0 =	seq.s32 s10, $0x1;
	s10 =	sld [smem:$0x3FB0];
	_ =	sdelay $0x3  }
0x34: {  	[smem:$0x3FB0] =	sst s10  }
0x35: {  	s10 =	sld [smem:$0x3FAF];
	_ =	sdelay $0x3  }
0x36: {  	p1 =	seq.s32 s10, $0x1;
	s10 =	sld [smem:$0x3FB0];
	_ =	sdelay $0x3  }
0x37: {  	[smem:$0x3FB0] =	sst s10  }
0x38: {  	s10 =	sld [smem:$0x3FB1]  }
0x39: {  	_ = 	snop;
	(pc) =	sbr.ind lr, $3  }
0x3a: {  	_ = 	snop  }
0x3b: {  	_ = 	snop  }
0x3c: {  	p2 =	seq.s32 s10, $0x1;
	s10 =	sld [smem:$0x3FB0]  }
0x3d: {  	_ =	shalt  }
0x3e: {  	_ =	shalt  }
0x3f: {  	_ =	shalt  }
0x40: {  	_ =	shalt  }
0x41: {  	_ =	shalt  }
0x42: {  	_ =	shalt  }
0x43: {  	_ =	shalt  }
0x44: {  	_ =	shalt  }
0x45: {  	_ =	shalt  }
0x46: {  	_ =	shalt  }
0x47: {  	_ =	shalt  }
0x48: {  	_ =	shalt  }
0x49: {  	_ =	shalt  }
0x4a: {  	_ =	shalt  }
0x4b: {  	_ =	shalt  }
0x4c: {  	_ =	shalt  }
0x4d: {  	_ =	shalt  }
0x4e: {  	_ =	shalt  }
0x4f: {  	_ =	shalt  }
0x50: {  	_ =	shalt  }
0x51: {  	_ =	shalt  }
0x52: {  	_ =	shalt  }
0x53: {  	_ =	shalt  }
0x54: {  	_ =	shalt  }
0x55: {  	_ =	shalt  }
0x56: {  	_ =	shalt  }
0x57: {  	_ =	shalt  }
0x58: {  	_ =	shalt  }
0x59: {  	_ =	shalt  }
0x5a: {  	_ =	shalt  }
0x5b: {  	_ =	shalt  }
0x5c: {  	_ =	shalt  }
0x5d: {  	_ =	shalt  }
0x5e: {  	_ =	shalt  }
0x5f: {  	_ =	shalt  }
0x60: {  	_ =	shalt  }
0x61: {  	_ =	shalt  }
0x62: {  	_ =	shalt  }
0x63: {  	_ =	shalt  }
0x64: {  	_ =	shalt  }
0x65: {  	_ =	shalt  }
0x66: {  	_ =	shalt  }
0x67: {  	_ =	shalt  }
0x68: {  	_ =	shalt  }
0x69: {  	_ =	shalt  }
0x6a: {  	_ =	shalt  }
0x6b: {  	_ =	shalt  }
0x6c: {  	_ =	shalt  }
0x6d: {  	_ =	shalt  }
0x6e: {  	_ =	shalt  }
0x6f: {  	_ =	shalt  }
0x70: {  	_ =	shalt  }
0x71: {  	_ =	shalt  }
0x72: {  	_ =	shalt  }
0x73: {  	_ =	shalt  }
0x74: {  	_ =	shalt  }
0x75: {  	_ =	shalt  }
0x76: {  	_ =	shalt  }
0x77: {  	_ =	shalt  }
0x78: {  	_ =	shalt  }
0x79: {  	_ =	shalt  }
0x7a: {  	_ =	shalt  }
0x7b: {  	_ =	shalt  }
0x7c: {  	_ =	shalt  }
0x7d: {  	_ =	shalt  }
0x7e: {  	_ =	shalt  }
0x7f: {  	_ =	shalt  }
0x80: {  	_ =	shalt  }
0x81: {  	_ =	shalt  }
0x82: {  	_ =	shalt  }
0x83: {  	_ =	shalt  }
0x84: {  	_ =	shalt  }
0x85: {  	_ =	shalt  }
0x86: {  	_ =	shalt  }
0x87: {  	_ =	shalt  }
.Lfunc_end0:
.L_simem_size_0:
called_computation.1_lowered:
.L_overlay_start_0:
0x88: {  	s2 =	sld [smem:$0x3FD9]  }
0x89: {  	s3 =	sld [smem:$0x3FFE];
	_ =	sdelay $0x1  }
0x8a: {  	s1 =	srdreg.scid  }
0x8b: {  	s0 =	sand.u32 $0x1, s1  }
0x8c: {  	s16 =	sshll.u32 s0, $0xA;
	s2 =	sadd.s32 s3, s2  }
0x8d: {  	s2 =	sadd.s32 s2, s16  }
0x8e: {  	[smem:$0x3FBC] =	sst s2  }
0x8f: {  	_ = 	snop  }
0x90: {  	(tm) =	ssettm $0x1  }
0x91: {  	s17 =	sld [smem:$0x3FFB];
	_ =	sdelay $0x3  }
0x92: {  	_ =	strace s17  }
0x93: {  	s2 =	sld [smem:$0x3FFC];
	_ =	sdelay $0x3  }
0x94: {  	_ =	strace s2  }
0x95: {  	s2 =	sld [smem:$0x3FFD];
	_ =	sdelay $0x3  }
0x96: {  	_ =	strace s2  }
0x97: {  	_ =	strace $0x8FFFFFFF  }
0x98: {  	s18 =	sld [smem:$0x3FDB];
	_ =	sdelay $0x1  }
0x99: {  	s19 =	simm.s32 $_scs_section_size  }
0x9a: {  	s4 =	simm.s32 $_size__tile_overlayer_lowered;
	s5 =	simm.s32 $_tile_overlayer_lowered  }
0x9b: {  	s22 =	simm.s32 $0x1BFF;
	s21 =	sshll.u32 s5, $0x1;
	s2 =	sadd.s32 s19, s18  }
0x9c: {  	s6 =	simm.s32 $0x0;
	s20 =	sshll.u32 s4, $0x1;
	s4 =	sadd.s32 s21, s2  }
0x9d: {  	[timem:s6], [sflag:s22] =	dma.local [hbm:s4], s20  }
0x9e: {  	_ =	swait.ge [sflag:s22], s20  }
0x9f: {  	s3 =	ssub.s32 $0x0, s20;
	[sflag:s22] =	ssyncset.done $0x0  }
0xa0: {  	[sflag:s22] =	ssyncadd.s32 s3;
	_ =	sdelay $0x1  }
0xa1: {  	s23 =	simm.s32 $0x1B8B  }
0xa2: {  	_ =	swait.ge [sflag:s23], $0x1  }
0xa3: {  	[sflag:s23] =	ssyncset.done $0x0  }
0xa4: {  	s25 =	simm.s32 $0x1B8E;
	s24 =	sld [smem:$0x3FFE];
	[sflag:s23] =	ssyncadd.s32 $0xFFFFFFFF  }
0xa5: {  	s26 =	simm.s32 $execute0_lowered;
	[smem:$0x3FD2] =	sst s25  }
0xa6: {  	s4 =	sshll.u32 s26, $0x1;
	_ =	strace $0x80000049;
	[dreg:$0x1] =	wrdreg $0xFFFFFFFF  }
0xa7: {  	s28 =	simm.s32 $_size_execute0_lowered;
	s2 =	sadd.s32 s2, s4;
	[dreg:$0x0] =	wrdreg $0x0  }
0xa8: {  	s4 =	sshll.u32 s28, $0x1;
	[dreg:$0x2] =	wrdreg s2  }
0xa9: {  	[dreg:$0x3] =	wrdreg s4  }
0xaa: {  	[dreg:$0x4] =	wrdreg $0xC0  }
0xab: {  	_ =	task [dreg:s6], $0x5FFFF  }
0xac: {  	[dreg:$0x1] =	wrdreg $0xFFFFFFFF  }
0xad: {  	[dreg:$0x0] =	wrdreg $0x60  }
0xae: {  	[dreg:$0x2] =	wrdreg s24  }
0xaf: {  	[dreg:$0x3] =	wrdreg $0xA8000  }
0xb0: {  	[dreg:$0x4] =	wrdreg $0x9  }
0xb1: {  	_ =	task.clear_ibuf [dreg:s6], $0x5FFFF;
	_ =	strace $0x90000049  }
0xb2: {  	s29 =	simm.s32 $0x9;
	_ =	strace $0x8000004B  }
0xb3: {  	_ =	swait.ge [sflag:s29], $0x1  }
0xb4: {  	[sflag:s29] =	ssyncadd.s32 $0xFFFFFFFF  }
0xb5: {  	_ =	strace $0x9000004B  }
0xb6: {  	_ =	sfence  }
0xb7: {  	s30 =	sld [smem:$0x0];
	_ =	sdelay $0x2  }
0xb8: {  	s31 =	sshll.u32 s1, $0xD;
	s1 =	sshrl.u32 s1, $0x2  }
0xb9: {  	s3 =	sand.u32 $0x4000, s31;
	s1 =	sadd.s32 s1, s30  }
0xba: {  	s0 =	sor.u32 s3, s0;
	s1 =	sshll.u32 s1, $0x11  }
0xbb: {  	s0 =	sor.u32 s1, s0  }
0xbc: {  	s0 =	sadd.s32 $0x8F2B, s0  }
0xbd: {  	[sflag:s0] =	ssyncadd.remote.s32 $0x1  }
0xbe: {  	_ =	sfence.sel $0xFFFF  }
0xbf: {  	[dreg:$0x0] =	wrdreg $0xFFFFFFFF;
	(pc) =	sbr.abs _section_cstart, $3  }
0xc0: {  	[dreg:$0x1] =	wrdreg $0xFFFFFFFF  }
0xc1: {  	_ =	task.clear_ibuf [dreg:s6], $0x2FFFF;
	_ =	strace $0x9FFFFFFF  }
0xc2: {  	(tm) =	ssettm $0x7FFFFFFF  }
0xc3: {  	_ =	shalt  }
tec
execute0_lowered:
.L_overlay_start_1:
0x0: {  	(tag) =	ssettag $0x1  }
0x1: {  	s0 =	rddreg [dreg:$0x0]  }
0x2: {  	s2 =	rddreg [dreg:$0x1];
	s3 =	simm.s32 $0x0  }
0x3: {  	s4 =	stileid.u32;
	s1 =	srdreg.scid;
	s17 =	simm.s32 $0x5  }
0x4: {  	s18 =	simm.s32 $0x1400;
	s19 =	simm.s32 $0x80;
	s20 =	simm.s32 $0x2800  }
0x5: {  	s21 =	simm.s32 $0x6800;
	s22 =	simm.s32 $0x1;
	s28 =	simm.s32 $0x4  }
0x6: {  	s29 =	simm.s32 $0x1380;
	s30 =	simm.s32 $0x2700;
	s31 =	simm.s32 $0x2780  }
0x7: {  	[smem:$0x7FF] =	sst s3;
	s7 =	smul.u32 $0x2800, s4;
	s5 =	sadd.s32 $0x53600, s0  }
0x8: {  	s6 =	sadd.s32 $0x2B600, s0;
	s1 =	sand.u32 $0x1, s1;
	s10 =	smul.u32 $0x50000, s4  }
0x9: {  	s8 =	sadd.s32 $0x7B600, s0;
	s13 =	smul.u32 $0x14000, s4;
	s26 =	sshll.u32 s4, $0x6  }
0xa: {  	_ =	strace $0x8000004A;
	s9 =	ssub.s32 $0x2, s1;
	p0 =	seq.s32 s1, $0x1  }
0xb: {  	s15 =	sor.u32 $0x1C05, s26;
	s26 =	simm.s32 $0x1480;
	[dreg:$0x3] =	wrdreg s7  }
0xc: {  	s7 =	sshrl.u32 s7, $0x3;
	s23 =	sshrl.u32 s9, $0x1;
	s24 =	sshrl.u32 s10, $0x2  }
0xd: {  	s13 =	sshrl.u32 s13, $0x3;
	s12 =	sadd.s32 s7, s0;
	s7 =	sadd.s32 $0x3600, s0  }
.Ltmp0:
0xe: {  	s0 =	ssub.s32 s9, s23;
	s25 =	sadd.s32 s24, s2;
	(pc) =	sbr.rel .LBB2_1-.Ltmp0, $4  }
0xf: {  	s13 =	sadd.s32 $0x28000, s13;
	s23 =	simm.s32 $0x3;
	s24 =	simm.s32 $0x100  }
0x10: {  	s9 =	sadd.s32 $0x21600, s12;
	s10 =	sadd.s32 $0x26600, s12;
	s11 =	sadd.s32 $0x21880, s12  }
0x11: {  	s12 =	sadd.s32 $0x26880, s12;
	[dreg:$0x4] =	wrdreg s13;
	s14 =	smax.u32 s0, $0x1  }
0x12: {  	s16 =	sshrl.u32 s25, $0x3;
	s25 =	simm.s32 $0x2;
	s0 =	simm.s32 $0x0  }
.LBB2_11:
0x13: {  	[spmem:s2] =	stream.indirect.scatter.add.f32 [tilespmem:s21], [sflag:$0x4], $0x80, s13, s19, $0xb8;
	[tilespmem:$0x1E800] =	vst v63  }
0x14: {  	_ =	swait.ge [sflag:s28], $0x4000  }
0x15: {  	[sflag:s28] =	ssyncset.done $0x0  }
0x16: {  	[sflag:s28] =	ssyncadd.s32 $0xFFFFC000  }
0x17: {  	[tilespmem:s21], [sflag:$0x2] =	stream.indirect.gather [hbm4b:s6+s19], $0x80, s29, s19, $0xb8;
	[tilespmem:$0x1E800] =	vst v63  }
0x18: {  	_ =	swait.ge [sflag:s22], $0x4000  }
0x19: {  	[sflag:s22] =	ssyncset.done $0x0  }
0x1a: {  	[sflag:s22] =	ssyncadd.s32 $0xFFFFC000  }
0x1b: {  	[spmem:s2] =	stream.indirect.scatter.add.f32 [tilespmem:s20], [sflag:$0x3], $0x80, s30, s19, $0xb8;
	[tilespmem:$0x1E800] =	vst v63  }
0x1c: {  	_ =	swait.ge [sflag:s25], $0x4000  }
0x1d: {  	[sflag:s25] =	ssyncset.done $0x0  }
0x1e: {  	s1 =	rddreg [dreg:$0x4];
	[sflag:s25] =	ssyncadd.s32 $0xFFFFC000  }
0x1f: {  	[spmem:s2] =	stream.indirect.scatter.add.f32 [tilespmem:s21], [sflag:$0x4], $0x80, s31, s19, $0xb8;
	[tilespmem:$0x1E800] =	vst v63  }
.LBB2_12:
0x20: {  	_ =	swait.ge [sflag:s23], $0x4000  }
0x21: {  	[sflag:s23] =	ssyncset.done $0x0  }
0x22: {  	[sflag:s23] =	ssyncadd.s32 $0xFFFFC000  }
0x23: {  	_ =	swait.ge [sflag:s28], $0x4000  }
0x24: {  	[sflag:s28] =	ssyncset.done $0x0  }
0x25: {  	s0 =	sadd.s32 $0x1, s0;
	[sflag:s28] =	ssyncadd.s32 $0xFFFFC000  }
0x26: {  	s1 =	sadd.s32 s8, s1;
	p1 =	sne.s32 s0, s14;
	[bflag:$0x0] =	sbarrier.arrive $0xFFFF  }
0x27: {  	[hbm:s1], [sflag:s15] =	dma.local [spmem:s16], $0x2800  }
.Ltmp1:
0x28: {  	_ =	swait.ge [sflag:s17], $0x2800;
	(pc) =	sbr.rel @!p1 .LBB2_13-.Ltmp1, $3  }
0x29: {  	[sflag:s17] =	ssyncset.done $0x0  }
0x2a: {  	[sflag:s17] =	ssyncadd.s32 $0xFFFFD800  }
0x2b: {  	[bflag:$0x0] =	sbarrier.arrive $0xFFFF;
	_ =	sdelay $0x1  }
.LBB2_1:
0x2c: {  	[spmem:s16], [sflag:s15] =	dma.local [hbm:s7], $0x2800  }
0x2d: {  	_ =	swait.ge [sflag:s17], $0x2800  }
0x2e: {  	[sflag:s17] =	ssyncset.done $0x0  }
0x2f: {  	[sflag:s17] =	ssyncadd.s32 $0xFFFFD800  }
0x30: {  	[bflag:$0x0] =	sbarrier.arrive $0xFFFF  }
0x31: {  	[tilespmem:s3], [sflag:$0x5] =	stream.linear.gather [hbm4b:s9+s3], $0x1400, $0x38;
	[tilespmem:$0x1E800] =	vst v63  }
0x32: {  	_ =	swait.ge [sflag:s17], $0x1400  }
0x33: {  	[sflag:s17] =	ssyncset.done $0x0  }
.Ltmp2:
0x34: {  	[sflag:s17] =	ssyncadd.s32 $0xFFFFEC00;
	(pc) =	sbr.rel @!p0 .LBB2_2-.Ltmp2, $4  }
0x35: {  	[tilespmem:s18], [sflag:$0x5] =	stream.linear.gather [hbm4b:s10+s3], $0x1400, $0x38;
	[tilespmem:$0x1E800] =	vst v63  }
0x36: {  	_ =	swait.ge [sflag:s17], $0x1400  }
0x37: {  	[sflag:s17] =	ssyncset.done $0x0  }
0x38: {  	[sflag:s17] =	ssyncadd.s32 $0xFFFFEC00  }
0x39: {  	[tilespmem:s20], [sflag:$0x1] =	stream.indirect.gather [hbm4b:s6+s19], $0x80, s3, s19, $0xb8;
	[tilespmem:$0x1E800] =	vst v63  }
0x3a: {  	_ = 	snop  }
0x3b: {  	[tilespmem:s21], [sflag:$0x2] =	stream.indirect.gather [hbm4b:s6+s19], $0x80, s19, s19, $0xb8;
	[tilespmem:$0x1E800] =	vst v63  }
0x3c: {  	_ =	swait.ge [sflag:s22], $0x4000  }
0x3d: {  	[sflag:s22] =	ssyncset.done $0x0  }
0x3e: {  	[sflag:s22] =	ssyncadd.s32 $0xFFFFC000  }
0x3f: {  	[spmem:s2] =	stream.indirect.scatter.add.f32 [tilespmem:s20], [sflag:$0x3], $0x80, s18, s19, $0xb8;
	[tilespmem:$0x1E800] =	vst v63  }
0x40: {  	_ =	swait.ge [sflag:s23], $0x4000  }
0x41: {  	[sflag:s23] =	ssyncset.done $0x0  }
0x42: {  	[sflag:s23] =	ssyncadd.s32 $0xFFFFC000  }
0x43: {  	[tilespmem:s20], [sflag:$0x1] =	stream.indirect.gather [hbm4b:s6+s19], $0x80, s24, s19, $0xb8;
	[tilespmem:$0x1E800] =	vst v63  }
0x44: {  	_ =	swait.ge [sflag:s25], $0x4000  }
0x45: {  	[sflag:s25] =	ssyncset.done $0x0  }
0x46: {  	[sflag:s25] =	ssyncadd.s32 $0xFFFFC000  }
0x47: {  	[spmem:s2] =	stream.indirect.scatter.add.f32 [tilespmem:s21], [sflag:$0x4], $0x80, s26, s19, $0xb8;
	[tilespmem:$0x1E800] =	vst v63  }
0x48: {  	_ =	swait.ge [sflag:s28], $0x4000  }
0x49: {  	[sflag:s28] =	ssyncset.done $0x0  }
0x4a: {  	s1 =	simm.s32 $0x180;
	[sflag:s28] =	ssyncadd.s32 $0xFFFFC000  }
0x4b: {  	[tilespmem:s21], [sflag:$0x2] =	stream.indirect.gather [hbm4b:s6+s19], $0x80, s1, s19, $0xb8;
	[tilespmem:$0x1E800] =	vst v63  }
0x4c: {  	_ =	swait.ge [sflag:s22], $0x4000  }
0x4d: {  	[sflag:s22] =	ssyncset.done $0x0  }
0x4e: {  	s4 =	simm.s32 $0x1500;
	[sflag:s22] =	ssyncadd.s32 $0xFFFFC000  }
0x4f: {  	[spmem:s2] =	stream.indirect.scatter.add.f32 [tilespmem:s20], [sflag:$0x3], $0x80, s4, s19, $0xb8;
	[tilespmem:$0x1E800] =	vst v63  }
0x50: {  	_ =	swait.ge [sflag:s23], $0x4000  }
0x51: {  	[sflag:s23] =	ssyncset.done $0x0  }
0x52: {  	s13 =	simm.s32 $0x200;
	[sflag:s23] =	ssyncadd.s32 $0xFFFFC000  }
0x53: {  	[tilespmem:s20], [sflag:$0x1] =	stream.indirect.gather [hbm4b:s6+s19], $0x80, s13, s19, $0xb8;
	[tilespmem:$0x1E800] =	vst v63  }
0x54: {  	_ =	swait.ge [sflag:s25], $0x4000  }
0x55: {  	[sflag:s25] =	ssyncset.done $0x0  }
0x56: {  	s1 =	simm.s32 $0xFFFFBC00;
	s13 =	simm.s32 $0x1580;
	[sflag:s25] =	ssyncadd.s32 $0xFFFFC000  }
.LBB2_8:
0x57: {  	[spmem:s2] =	stream.indirect.scatter.add.f32 [tilespmem:s21], [sflag:$0x4], $0x80, s13, s19, $0xb8;
	[tilespmem:$0x1E800] =	vst v63  }
0x58: {  	s4 =	smov.u32 s1  }
0x59: {  	p1 =	sne.s32 s1, $0xFFFFFC00;
	s1 =	sadd.s32 $0x400, s1;
	_ =	swait.ge [sflag:s28], $0x4000  }
0x5a: {  	s4 =	sshra.s32 s4, $0x2;
	[sflag:s28] =	ssyncset.done $0x0  }
0x5b: {  	s13 =	sadd.s32 $0x1380, s4;
	[sflag:s28] =	ssyncadd.s32 $0xFFFFC000  }
0x5c: {  	[tilespmem:s21], [sflag:$0x2] =	stream.indirect.gather [hbm4b:s6+s19], $0x80, s13, s19, $0xb8;
	[tilespmem:$0x1E800] =	vst v63  }
0x5d: {  	_ =	swait.ge [sflag:s22], $0x4000  }
0x5e: {  	[sflag:s22] =	ssyncset.done $0x0  }
0x5f: {  	s13 =	sadd.s32 $0x2700, s4;
	[sflag:s22] =	ssyncadd.s32 $0xFFFFC000  }
0x60: {  	[spmem:s2] =	stream.indirect.scatter.add.f32 [tilespmem:s20], [sflag:$0x3], $0x80, s13, s19, $0xb8;
	[tilespmem:$0x1E800] =	vst v63  }
0x61: {  	_ =	swait.ge [sflag:s23], $0x4000  }
0x62: {  	[sflag:s23] =	ssyncset.done $0x0  }
.Ltmp3:
0x63: {  	s13 =	sadd.s32 $0x1400, s4;
	[sflag:s23] =	ssyncadd.s32 $0xFFFFC000;
	(pc) =	sbr.rel @p1 .LBB2_8-.Ltmp3, $4  }
0x64: {  	[tilespmem:s20], [sflag:$0x1] =	stream.indirect.gather [hbm4b:s6+s19], $0x80, s13, s19, $0xb8;
	[tilespmem:$0x1E800] =	vst v63  }
0x65: {  	_ =	swait.ge [sflag:s25], $0x4000  }
0x66: {  	[sflag:s25] =	ssyncset.done $0x0  }
0x67: {  	s13 =	sadd.s32 $0x2780, s4;
	[sflag:s25] =	ssyncadd.s32 $0xFFFFC000  }
0x68: {  	[spmem:s2] =	stream.indirect.scatter.add.f32 [tilespmem:s21], [sflag:$0x4], $0x80, s13, s19, $0xb8;
	[tilespmem:$0x1E800] =	vst v63  }
0x69: {  	_ =	swait.ge [sflag:s28], $0x4000  }
0x6a: {  	[sflag:s28] =	ssyncset.done $0x0  }
0x6b: {  	[sflag:s28] =	ssyncadd.s32 $0xFFFFC000  }
0x6c: {  	[tilespmem:s21], [sflag:$0x2] =	stream.indirect.gather [hbm4b:s6+s19], $0x80, s29, s19, $0xb8;
	[tilespmem:$0x1E800] =	vst v63  }
0x6d: {  	_ =	swait.ge [sflag:s22], $0x4000  }
0x6e: {  	[sflag:s22] =	ssyncset.done $0x0  }
0x6f: {  	[sflag:s22] =	ssyncadd.s32 $0xFFFFC000  }
0x70: {  	[spmem:s2] =	stream.indirect.scatter.add.f32 [tilespmem:s20], [sflag:$0x3], $0x80, s30, s19, $0xb8;
	[tilespmem:$0x1E800] =	vst v63  }
0x71: {  	_ =	swait.ge [sflag:s25], $0x4000  }
0x72: {  	[sflag:s25] =	ssyncset.done $0x0  }
0x73: {  	[sflag:s25] =	ssyncadd.s32 $0xFFFFC000  }
0x74: {  	[spmem:s2] =	stream.indirect.scatter.add.f32 [tilespmem:s21], [sflag:$0x4], $0x80, s31, s19, $0xb8;
	[tilespmem:$0x1E800] =	vst v63  }
0x75: {  	_ =	swait.ge [sflag:s23], $0x4000  }
0x76: {  	[sflag:s23] =	ssyncset.done $0x0  }
0x77: {  	[sflag:s23] =	ssyncadd.s32 $0xFFFFC000  }
0x78: {  	_ =	swait.ge [sflag:s28], $0x4000  }
0x79: {  	[sflag:s28] =	ssyncset.done $0x0  }
0x7a: {  	[sflag:s28] =	ssyncadd.s32 $0xFFFFC000  }
0x7b: {  	[tilespmem:s3], [sflag:$0x5] =	stream.linear.gather [hbm4b:s11+s3], $0x1400, $0x38;
	[tilespmem:$0x1E800] =	vst v63  }
0x7c: {  	_ =	swait.ge [sflag:s17], $0x1400  }
0x7d: {  	[sflag:s17] =	ssyncset.done $0x0  }
0x7e: {  	[sflag:s17] =	ssyncadd.s32 $0xFFFFEC00  }
0x7f: {  	[tilespmem:s18], [sflag:$0x5] =	stream.linear.gather [hbm4b:s12+s3], $0x1400, $0x38;
	[tilespmem:$0x1E800] =	vst v63  }
0x80: {  	_ =	swait.ge [sflag:s17], $0x1400  }
0x81: {  	[sflag:s17] =	ssyncset.done $0x0  }
0x82: {  	[sflag:s17] =	ssyncadd.s32 $0xFFFFEC00  }
0x83: {  	[tilespmem:s20], [sflag:$0x1] =	stream.indirect.gather [hbm4b:s6+s19], $0x80, s3, s19, $0xb8;
	[tilespmem:$0x1E800] =	vst v63  }
0x84: {  	_ = 	snop  }
0x85: {  	[tilespmem:s21], [sflag:$0x2] =	stream.indirect.gather [hbm4b:s6+s19], $0x80, s19, s19, $0xb8;
	[tilespmem:$0x1E800] =	vst v63  }
0x86: {  	_ =	swait.ge [sflag:s22], $0x4000  }
0x87: {  	[sflag:s22] =	ssyncset.done $0x0  }
0x88: {  	[sflag:s22] =	ssyncadd.s32 $0xFFFFC000  }
0x89: {  	[spmem:s2] =	stream.indirect.scatter.add.f32 [tilespmem:s20], [sflag:$0x3], $0x80, s18, s19, $0xb8;
	[tilespmem:$0x1E800] =	vst v63  }
0x8a: {  	_ =	swait.ge [sflag:s23], $0x4000  }
0x8b: {  	[sflag:s23] =	ssyncset.done $0x0  }
0x8c: {  	[sflag:s23] =	ssyncadd.s32 $0xFFFFC000  }
0x8d: {  	[tilespmem:s20], [sflag:$0x1] =	stream.indirect.gather [hbm4b:s6+s19], $0x80, s24, s19, $0xb8;
	[tilespmem:$0x1E800] =	vst v63  }
0x8e: {  	_ =	swait.ge [sflag:s25], $0x4000  }
0x8f: {  	[sflag:s25] =	ssyncset.done $0x0  }
0x90: {  	[sflag:s25] =	ssyncadd.s32 $0xFFFFC000  }
0x91: {  	[spmem:s2] =	stream.indirect.scatter.add.f32 [tilespmem:s21], [sflag:$0x4], $0x80, s26, s19, $0xb8;
	[tilespmem:$0x1E800] =	vst v63  }
0x92: {  	_ =	swait.ge [sflag:s28], $0x4000  }
0x93: {  	[sflag:s28] =	ssyncset.done $0x0  }
0x94: {  	s1 =	simm.s32 $0x180;
	[sflag:s28] =	ssyncadd.s32 $0xFFFFC000  }
0x95: {  	[tilespmem:s21], [sflag:$0x2] =	stream.indirect.gather [hbm4b:s6+s19], $0x80, s1, s19, $0xb8;
	[tilespmem:$0x1E800] =	vst v63  }
0x96: {  	_ =	swait.ge [sflag:s22], $0x4000  }
0x97: {  	[sflag:s22] =	ssyncset.done $0x0  }
0x98: {  	s4 =	simm.s32 $0x1500;
	[sflag:s22] =	ssyncadd.s32 $0xFFFFC000  }
0x99: {  	[spmem:s2] =	stream.indirect.scatter.add.f32 [tilespmem:s20], [sflag:$0x3], $0x80, s4, s19, $0xb8;
	[tilespmem:$0x1E800] =	vst v63  }
0x9a: {  	_ =	swait.ge [sflag:s23], $0x4000  }
0x9b: {  	[sflag:s23] =	ssyncset.done $0x0  }
0x9c: {  	s13 =	simm.s32 $0x200;
	[sflag:s23] =	ssyncadd.s32 $0xFFFFC000  }
0x9d: {  	[tilespmem:s20], [sflag:$0x1] =	stream.indirect.gather [hbm4b:s6+s19], $0x80, s13, s19, $0xb8;
	[tilespmem:$0x1E800] =	vst v63  }
0x9e: {  	_ =	swait.ge [sflag:s25], $0x4000  }
0x9f: {  	[sflag:s25] =	ssyncset.done $0x0  }
0xa0: {  	s1 =	simm.s32 $0xFFFFBC00;
	s13 =	simm.s32 $0x1580;
	[sflag:s25] =	ssyncadd.s32 $0xFFFFC000  }
.LBB2_10:
0xa1: {  	[spmem:s2] =	stream.indirect.scatter.add.f32 [tilespmem:s21], [sflag:$0x4], $0x80, s13, s19, $0xb8;
	[tilespmem:$0x1E800] =	vst v63  }
0xa2: {  	s4 =	smov.u32 s1  }
0xa3: {  	p1 =	sne.s32 s1, $0xFFFFFC00;
	s1 =	sadd.s32 $0x400, s1;
	_ =	swait.ge [sflag:s28], $0x4000  }
0xa4: {  	s4 =	sshra.s32 s4, $0x2;
	[sflag:s28] =	ssyncset.done $0x0  }
0xa5: {  	s13 =	sadd.s32 $0x1380, s4;
	[sflag:s28] =	ssyncadd.s32 $0xFFFFC000  }
0xa6: {  	[tilespmem:s21], [sflag:$0x2] =	stream.indirect.gather [hbm4b:s6+s19], $0x80, s13, s19, $0xb8;
	[tilespmem:$0x1E800] =	vst v63  }
0xa7: {  	_ =	swait.ge [sflag:s22], $0x4000  }
0xa8: {  	[sflag:s22] =	ssyncset.done $0x0  }
0xa9: {  	s13 =	sadd.s32 $0x2700, s4;
	[sflag:s22] =	ssyncadd.s32 $0xFFFFC000  }
0xaa: {  	[spmem:s2] =	stream.indirect.scatter.add.f32 [tilespmem:s20], [sflag:$0x3], $0x80, s13, s19, $0xb8;
	[tilespmem:$0x1E800] =	vst v63  }
0xab: {  	_ =	swait.ge [sflag:s23], $0x4000  }
0xac: {  	[sflag:s23] =	ssyncset.done $0x0  }
.Ltmp4:
0xad: {  	s13 =	sadd.s32 $0x1400, s4;
	[sflag:s23] =	ssyncadd.s32 $0xFFFFC000;
	(pc) =	sbr.rel @p1 .LBB2_10-.Ltmp4, $4  }
0xae: {  	[tilespmem:s20], [sflag:$0x1] =	stream.indirect.gather [hbm4b:s6+s19], $0x80, s13, s19, $0xb8;
	[tilespmem:$0x1E800] =	vst v63  }
0xaf: {  	_ =	swait.ge [sflag:s25], $0x4000  }
0xb0: {  	[sflag:s25] =	ssyncset.done $0x0  }
0xb1: {  	s13 =	sadd.s32 $0x2780, s4;
	[sflag:s25] =	ssyncadd.s32 $0xFFFFC000  }
.Ltmp5:
0xb2: {  	_ = 	snop;
	(pc) =	sbr.rel .LBB2_11-.Ltmp5, $1  }
0xb3: {  	_ =	sdelay $0x3  }
.LBB2_2:
0xb4: {  	[tilespmem:s20], [sflag:$0x1] =	stream.indirect.gather [hbm4b:s5+s19], $0x80, s3, s19, $0xb8;
	[tilespmem:$0x1E800] =	vst v63  }
0xb5: {  	_ = 	snop  }
0xb6: {  	[tilespmem:s21], [sflag:$0x2] =	stream.indirect.gather [hbm4b:s5+s19], $0x80, s19, s19, $0xb8;
	[tilespmem:$0x1E800] =	vst v63  }
0xb7: {  	_ =	swait.ge [sflag:s22], $0x4000  }
0xb8: {  	[sflag:s22] =	ssyncset.done $0x0  }
0xb9: {  	[sflag:s22] =	ssyncadd.s32 $0xFFFFC000  }
0xba: {  	[spmem:s2] =	stream.indirect.scatter.add.f32 [tilespmem:s20], [sflag:$0x3], $0x80, s18, s19, $0xb8;
	[tilespmem:$0x1E800] =	vst v63  }
0xbb: {  	_ =	swait.ge [sflag:s23], $0x4000  }
0xbc: {  	[sflag:s23] =	ssyncset.done $0x0  }
0xbd: {  	[sflag:s23] =	ssyncadd.s32 $0xFFFFC000  }
0xbe: {  	[tilespmem:s20], [sflag:$0x1] =	stream.indirect.gather [hbm4b:s5+s19], $0x80, s24, s19, $0xb8;
	[tilespmem:$0x1E800] =	vst v63  }
0xbf: {  	_ =	swait.ge [sflag:s25], $0x4000  }
0xc0: {  	[sflag:s25] =	ssyncset.done $0x0  }
0xc1: {  	[sflag:s25] =	ssyncadd.s32 $0xFFFFC000  }
0xc2: {  	[spmem:s2] =	stream.indirect.scatter.add.f32 [tilespmem:s21], [sflag:$0x4], $0x80, s26, s19, $0xb8;
	[tilespmem:$0x1E800] =	vst v63  }
0xc3: {  	_ =	swait.ge [sflag:s28], $0x4000  }
0xc4: {  	[sflag:s28] =	ssyncset.done $0x0  }
0xc5: {  	s1 =	simm.s32 $0x180;
	[sflag:s28] =	ssyncadd.s32 $0xFFFFC000  }
0xc6: {  	[tilespmem:s21], [sflag:$0x2] =	stream.indirect.gather [hbm4b:s5+s19], $0x80, s1, s19, $0xb8;
	[tilespmem:$0x1E800] =	vst v63  }
0xc7: {  	_ =	swait.ge [sflag:s22], $0x4000  }
0xc8: {  	[sflag:s22] =	ssyncset.done $0x0  }
0xc9: {  	s4 =	simm.s32 $0x1500;
	[sflag:s22] =	ssyncadd.s32 $0xFFFFC000  }
0xca: {  	[spmem:s2] =	stream.indirect.scatter.add.f32 [tilespmem:s20], [sflag:$0x3], $0x80, s4, s19, $0xb8;
	[tilespmem:$0x1E800] =	vst v63  }
0xcb: {  	_ =	swait.ge [sflag:s23], $0x4000  }
0xcc: {  	[sflag:s23] =	ssyncset.done $0x0  }
0xcd: {  	s13 =	simm.s32 $0x200;
	[sflag:s23] =	ssyncadd.s32 $0xFFFFC000  }
0xce: {  	[tilespmem:s20], [sflag:$0x1] =	stream.indirect.gather [hbm4b:s5+s19], $0x80, s13, s19, $0xb8;
	[tilespmem:$0x1E800] =	vst v63  }
0xcf: {  	_ =	swait.ge [sflag:s25], $0x4000  }
0xd0: {  	[sflag:s25] =	ssyncset.done $0x0  }
0xd1: {  	s1 =	simm.s32 $0xFFFFBC00;
	s13 =	simm.s32 $0x1580;
	[sflag:s25] =	ssyncadd.s32 $0xFFFFC000  }
.LBB2_3:
0xd2: {  	[spmem:s2] =	stream.indirect.scatter.add.f32 [tilespmem:s21], [sflag:$0x4], $0x80, s13, s19, $0xb8;
	[tilespmem:$0x1E800] =	vst v63  }
0xd3: {  	s13 =	smov.u32 s1  }
0xd4: {  	p1 =	sne.s32 s1, $0xFFFFFC00;
	s1 =	sadd.s32 $0x400, s1;
	_ =	swait.ge [sflag:s28], $0x4000  }
0xd5: {  	s13 =	sshra.s32 s13, $0x2;
	[sflag:s28] =	ssyncset.done $0x0  }
0xd6: {  	s4 =	sadd.s32 $0x1380, s13;
	[sflag:s28] =	ssyncadd.s32 $0xFFFFC000  }
0xd7: {  	[tilespmem:s21], [sflag:$0x2] =	stream.indirect.gather [hbm4b:s5+s19], $0x80, s4, s19, $0xb8;
	[tilespmem:$0x1E800] =	vst v63  }
0xd8: {  	_ =	swait.ge [sflag:s22], $0x4000  }
0xd9: {  	[sflag:s22] =	ssyncset.done $0x0  }
0xda: {  	s4 =	sadd.s32 $0x2700, s13;
	[sflag:s22] =	ssyncadd.s32 $0xFFFFC000  }
0xdb: {  	[spmem:s2] =	stream.indirect.scatter.add.f32 [tilespmem:s20], [sflag:$0x3], $0x80, s4, s19, $0xb8;
	[tilespmem:$0x1E800] =	vst v63  }
0xdc: {  	_ =	swait.ge [sflag:s23], $0x4000  }
0xdd: {  	[sflag:s23] =	ssyncset.done $0x0  }
.Ltmp6:
0xde: {  	s4 =	sadd.s32 $0x1400, s13;
	[sflag:s23] =	ssyncadd.s32 $0xFFFFC000;
	(pc) =	sbr.rel @p1 .LBB2_3-.Ltmp6, $4  }
0xdf: {  	[tilespmem:s20], [sflag:$0x1] =	stream.indirect.gather [hbm4b:s5+s19], $0x80, s4, s19, $0xb8;
	[tilespmem:$0x1E800] =	vst v63  }
0xe0: {  	_ =	swait.ge [sflag:s25], $0x4000  }
0xe1: {  	[sflag:s25] =	ssyncset.done $0x0  }
0xe2: {  	s13 =	sadd.s32 $0x2780, s13;
	[sflag:s25] =	ssyncadd.s32 $0xFFFFC000  }
0xe3: {  	[spmem:s2] =	stream.indirect.scatter.add.f32 [tilespmem:s21], [sflag:$0x4], $0x80, s13, s19, $0xb8;
	[tilespmem:$0x1E800] =	vst v63  }
0xe4: {  	_ =	swait.ge [sflag:s28], $0x4000  }
0xe5: {  	[sflag:s28] =	ssyncset.done $0x0  }
0xe6: {  	[sflag:s28] =	ssyncadd.s32 $0xFFFFC000  }
0xe7: {  	[tilespmem:s21], [sflag:$0x2] =	stream.indirect.gather [hbm4b:s5+s19], $0x80, s29, s19, $0xb8;
	[tilespmem:$0x1E800] =	vst v63  }
0xe8: {  	_ =	swait.ge [sflag:s22], $0x4000  }
0xe9: {  	[sflag:s22] =	ssyncset.done $0x0  }
0xea: {  	[sflag:s22] =	ssyncadd.s32 $0xFFFFC000  }
0xeb: {  	[spmem:s2] =	stream.indirect.scatter.add.f32 [tilespmem:s20], [sflag:$0x3], $0x80, s30, s19, $0xb8;
	[tilespmem:$0x1E800] =	vst v63  }
0xec: {  	_ =	swait.ge [sflag:s25], $0x4000  }
0xed: {  	[sflag:s25] =	ssyncset.done $0x0  }
0xee: {  	[sflag:s25] =	ssyncadd.s32 $0xFFFFC000  }
0xef: {  	[spmem:s2] =	stream.indirect.scatter.add.f32 [tilespmem:s21], [sflag:$0x4], $0x80, s31, s19, $0xb8;
	[tilespmem:$0x1E800] =	vst v63  }
0xf0: {  	_ =	swait.ge [sflag:s23], $0x4000  }
0xf1: {  	[sflag:s23] =	ssyncset.done $0x0  }
0xf2: {  	[sflag:s23] =	ssyncadd.s32 $0xFFFFC000  }
0xf3: {  	_ =	swait.ge [sflag:s28], $0x4000  }
0xf4: {  	[sflag:s28] =	ssyncset.done $0x0  }
0xf5: {  	[sflag:s28] =	ssyncadd.s32 $0xFFFFC000  }
0xf6: {  	[tilespmem:s3], [sflag:$0x5] =	stream.linear.gather [hbm4b:s11+s3], $0x1400, $0x38;
	[tilespmem:$0x1E800] =	vst v63  }
0xf7: {  	_ =	swait.ge [sflag:s17], $0x1400  }
0xf8: {  	[sflag:s17] =	ssyncset.done $0x0  }
0xf9: {  	[sflag:s17] =	ssyncadd.s32 $0xFFFFEC00  }
0xfa: {  	[tilespmem:s18], [sflag:$0x5] =	stream.linear.gather [hbm4b:s12+s3], $0x1400, $0x38;
	[tilespmem:$0x1E800] =	vst v63  }
0xfb: {  	_ =	swait.ge [sflag:s17], $0x1400  }
0xfc: {  	[sflag:s17] =	ssyncset.done $0x0  }
0xfd: {  	[sflag:s17] =	ssyncadd.s32 $0xFFFFEC00  }
0xfe: {  	[tilespmem:s20], [sflag:$0x1] =	stream.indirect.gather [hbm4b:s5+s19], $0x80, s3, s19, $0xb8;
	[tilespmem:$0x1E800] =	vst v63  }
0xff: {  	_ = 	snop  }
0x100: {  	[tilespmem:s21], [sflag:$0x2] =	stream.indirect.gather [hbm4b:s5+s19], $0x80, s19, s19, $0xb8;
	[tilespmem:$0x1E800] =	vst v63  }
0x101: {  	_ =	swait.ge [sflag:s22], $0x4000  }
0x102: {  	[sflag:s22] =	ssyncset.done $0x0  }
0x103: {  	[sflag:s22] =	ssyncadd.s32 $0xFFFFC000  }
0x104: {  	[spmem:s2] =	stream.indirect.scatter.add.f32 [tilespmem:s20], [sflag:$0x3], $0x80, s18, s19, $0xb8;
	[tilespmem:$0x1E800] =	vst v63  }
0x105: {  	_ =	swait.ge [sflag:s23], $0x4000  }
0x106: {  	[sflag:s23] =	ssyncset.done $0x0  }
0x107: {  	[sflag:s23] =	ssyncadd.s32 $0xFFFFC000  }
0x108: {  	[tilespmem:s20], [sflag:$0x1] =	stream.indirect.gather [hbm4b:s5+s19], $0x80, s24, s19, $0xb8;
	[tilespmem:$0x1E800] =	vst v63  }
0x109: {  	_ =	swait.ge [sflag:s25], $0x4000  }
0x10a: {  	[sflag:s25] =	ssyncset.done $0x0  }
0x10b: {  	[sflag:s25] =	ssyncadd.s32 $0xFFFFC000  }
0x10c: {  	[spmem:s2] =	stream.indirect.scatter.add.f32 [tilespmem:s21], [sflag:$0x4], $0x80, s26, s19, $0xb8;
	[tilespmem:$0x1E800] =	vst v63  }
0x10d: {  	_ =	swait.ge [sflag:s28], $0x4000  }
0x10e: {  	[sflag:s28] =	ssyncset.done $0x0  }
0x10f: {  	s1 =	simm.s32 $0x180;
	[sflag:s28] =	ssyncadd.s32 $0xFFFFC000  }
0x110: {  	[tilespmem:s21], [sflag:$0x2] =	stream.indirect.gather [hbm4b:s5+s19], $0x80, s1, s19, $0xb8;
	[tilespmem:$0x1E800] =	vst v63  }
0x111: {  	_ =	swait.ge [sflag:s22], $0x4000  }
0x112: {  	[sflag:s22] =	ssyncset.done $0x0  }
0x113: {  	s4 =	simm.s32 $0x1500;
	[sflag:s22] =	ssyncadd.s32 $0xFFFFC000  }
0x114: {  	[spmem:s2] =	stream.indirect.scatter.add.f32 [tilespmem:s20], [sflag:$0x3], $0x80, s4, s19, $0xb8;
	[tilespmem:$0x1E800] =	vst v63  }
0x115: {  	_ =	swait.ge [sflag:s23], $0x4000  }
0x116: {  	[sflag:s23] =	ssyncset.done $0x0  }
0x117: {  	s13 =	simm.s32 $0x200;
	[sflag:s23] =	ssyncadd.s32 $0xFFFFC000  }
0x118: {  	[tilespmem:s20], [sflag:$0x1] =	stream.indirect.gather [hbm4b:s5+s19], $0x80, s13, s19, $0xb8;
	[tilespmem:$0x1E800] =	vst v63  }
0x119: {  	_ =	swait.ge [sflag:s25], $0x4000  }
0x11a: {  	[sflag:s25] =	ssyncset.done $0x0  }
0x11b: {  	s1 =	simm.s32 $0xFFFFBC00;
	s13 =	simm.s32 $0x1580;
	[sflag:s25] =	ssyncadd.s32 $0xFFFFC000  }
.LBB2_5:
0x11c: {  	[spmem:s2] =	stream.indirect.scatter.add.f32 [tilespmem:s21], [sflag:$0x4], $0x80, s13, s19, $0xb8;
	[tilespmem:$0x1E800] =	vst v63  }
0x11d: {  	s4 =	smov.u32 s1  }
0x11e: {  	p1 =	seq.s32 s1, $0xFFFFFC00;
	s1 =	sadd.s32 $0x400, s1;
	_ =	swait.ge [sflag:s28], $0x4000  }
0x11f: {  	s4 =	sshra.s32 s4, $0x2;
	[sflag:s28] =	ssyncset.done $0x0  }
0x120: {  	s13 =	sadd.s32 $0x1380, s4;
	[sflag:s28] =	ssyncadd.s32 $0xFFFFC000  }
0x121: {  	[tilespmem:s21], [sflag:$0x2] =	stream.indirect.gather [hbm4b:s5+s19], $0x80, s13, s19, $0xb8;
	[tilespmem:$0x1E800] =	vst v63  }
0x122: {  	_ =	swait.ge [sflag:s22], $0x4000  }
0x123: {  	[sflag:s22] =	ssyncset.done $0x0  }
0x124: {  	s13 =	sadd.s32 $0x2700, s4;
	[sflag:s22] =	ssyncadd.s32 $0xFFFFC000  }
0x125: {  	[spmem:s2] =	stream.indirect.scatter.add.f32 [tilespmem:s20], [sflag:$0x3], $0x80, s13, s19, $0xb8;
	[tilespmem:$0x1E800] =	vst v63  }
0x126: {  	_ =	swait.ge [sflag:s23], $0x4000  }
0x127: {  	[sflag:s23] =	ssyncset.done $0x0  }
.Ltmp7:
0x128: {  	s13 =	sadd.s32 $0x1400, s4;
	[sflag:s23] =	ssyncadd.s32 $0xFFFFC000;
	(pc) =	sbr.rel @!p1 .LBB2_5-.Ltmp7, $4  }
0x129: {  	[tilespmem:s20], [sflag:$0x1] =	stream.indirect.gather [hbm4b:s5+s19], $0x80, s13, s19, $0xb8;
	[tilespmem:$0x1E800] =	vst v63  }
0x12a: {  	_ =	swait.ge [sflag:s25], $0x4000  }
0x12b: {  	[sflag:s25] =	ssyncset.done $0x0  }
0x12c: {  	s13 =	sadd.s32 $0x2780, s4;
	[sflag:s25] =	ssyncadd.s32 $0xFFFFC000  }
0x12d: {  	[spmem:s2] =	stream.indirect.scatter.add.f32 [tilespmem:s21], [sflag:$0x4], $0x80, s13, s19, $0xb8;
	[tilespmem:$0x1E800] =	vst v63  }
0x12e: {  	_ =	swait.ge [sflag:s28], $0x4000  }
0x12f: {  	[sflag:s28] =	ssyncset.done $0x0  }
0x130: {  	[sflag:s28] =	ssyncadd.s32 $0xFFFFC000  }
0x131: {  	[tilespmem:s21], [sflag:$0x2] =	stream.indirect.gather [hbm4b:s5+s19], $0x80, s29, s19, $0xb8;
	[tilespmem:$0x1E800] =	vst v63  }
0x132: {  	_ =	swait.ge [sflag:s22], $0x4000  }
0x133: {  	[sflag:s22] =	ssyncset.done $0x0  }
0x134: {  	[sflag:s22] =	ssyncadd.s32 $0xFFFFC000  }
0x135: {  	[spmem:s2] =	stream.indirect.scatter.add.f32 [tilespmem:s20], [sflag:$0x3], $0x80, s30, s19, $0xb8;
	[tilespmem:$0x1E800] =	vst v63  }
.Ltmp8:
0x136: {  	_ = 	snop;
	(pc) =	sbr.rel .LBB2_12-.Ltmp8, $4  }
0x137: {  	_ =	swait.ge [sflag:s25], $0x4000  }
0x138: {  	[sflag:s25] =	ssyncset.done $0x0  }
0x139: {  	s1 =	rddreg [dreg:$0x3];
	[sflag:s25] =	ssyncadd.s32 $0xFFFFC000  }
0x13a: {  	[spmem:s2] =	stream.indirect.scatter.add.f32 [tilespmem:s21], [sflag:$0x4], $0x80, s31, s19, $0xb8;
	[tilespmem:$0x1E800] =	vst v63  }
.LBB2_13:
0x13b: {  	_ =	sfence.sel $0x180000  }
0x13c: {  	[bflag:$0x0] =	sbarrier.arrive $0xFFFF  }
0x13d: {  	_ =	strace $0x9000004A  }
0x13e: {  	s0 =	stileid.u32;
	[bflag:$0x2] =	sbarrier.arrive $0xFFFF  }
0x13f: {  	p0 =	sne.s32 s0, $0x0;
	s0 =	rddreg [dreg:$0x2]  }
0x140: {  	s0 =	sadd.s32 @!p0 $0x100000, s0  }
0x141: {  	[sflag:s0] =	ssyncadd.tile.s32 @!p0 $0x1;
	_ =	shalt  }
.Lfunc_end2:
_tile_overlayer_lowered:
.L_overlay_start_2:
0x142: {  	(tag) =	ssettag $0x2  }
0x143: {  	s0 =	rddreg [dreg:$0x0];
	s2 =	stileid.u32  }
0x144: {  	s1 =	rddreg [dreg:$0x1];
	p0 =	sne.s32 s2, $0x0  }
0x145: {  	s3 =	rddreg [dreg:$0x2];
	[bflag:$0x3] =	sbarrier.arrive $0xFFFF;
	s2 =	simm.s32 @!p0 $0x1C05  }
0x146: {  	[timem:s3], [sflag:s2] =	dma.local @!p0 [hbm:s0], s1  }
0x147: {  	s0 =	simm.s32 @!p0 $0x5  }
0x148: {  	_ =	swait.ge @!p0 [sflag:s0], s1  }
0x149: {  	s1 =	ssub.s32 @!p0 $0x0, s1;
	[sflag:s0] =	ssyncset.done @!p0 $0x0  }
0x14a: {  	[sflag:s0] =	ssyncadd.s32 @!p0 s1  }
0x14b: {  	[bflag:$0x3] =	sbarrier.arrive $0xFFFF  }
0x14c: {  	_ =	shalt  }

// kernel: kernel.14.cloned.1.call-start
scs
__scs_entry_jumppad:
0x0: {  	(pc) =	sbr.rel $0x88, $3  }
0x1: {  	(tag) =	ssettag $0x0;
	lr =	simm.s32 $0x1  }
0x2: {  	[smem:$0x3F95] =	sst lr;
	_ =	strace $0xD0000000  }
0x3: {  	_ = 	snop  }
0x4: {  	_ = 	snop  }
0x5: {  	_ = 	snop  }
0x6: {  	_ = 	snop  }
0x7: {  	_ = 	snop  }
__scs_overlays_trampoline_lowered:
0x8: {  	[smem:$0x3FA4] =	sst s0  }
0x9: {  	[smem:$0x3FA5] =	sst s1  }
0xa: {  	[smem:$0x3FA6] =	sst s2  }
0xb: {  	[smem:$0x3FA7] =	sst s3  }
0xc: {  	[smem:$0x3FA8] =	sst s4  }
0xd: {  	[smem:$0x3FA9] =	sst s5  }
0xe: {  	[smem:$0x3FAA] =	sst s6  }
0xf: {  	[smem:$0x3FAB] =	sst s7  }
0x10: {  	[smem:$0x3FAC] =	sst s8  }
0x11: {  	[smem:$0x3FAD] =	sst s9;
	s0 =	simm.s32 @!p0 $0x0  }
0x12: {  	s1 =	sld [smem:$0x3F93];
	s0 =	simm.s32 @p0 $0x1  }
0x13: {  	[smem:$0x3FAE] =	sst s0;
	s0 =	simm.s32 @!p1 $0x0  }
0x14: {  	s2 =	sld [smem:$0x3F92];
	s0 =	simm.s32 @p1 $0x1  }
0x15: {  	[smem:$0x3FAF] =	sst s0;
	s0 =	simm.s32 @!p2 $0x0  }
0x16: {  	s3 =	sld [smem:$0x3FDB];
	s0 =	simm.s32 @p2 $0x1  }
0x17: {  	s4 =	simm.s32 $0x1BF5;
	[smem:$0x3FB1] =	sst s0  }
0x18: {  	s0 =	sld [smem:$0x3F94];
	_ =	swait.ge [sflag:s4], $0x0  }
0x19: {  	s7 =	sld [smem:$0x3F95]  }
0x1a: {  	s8 =	sadd.s32 $0xFFFFE003, lr  }
0x1b: {  	s9 =	sadd.s32 $0xFFFFFEF7, lr;
	s5 =	simm.s32 $0xFFFFFFFF;
	p2 =	slt.u32 s8, $0xFFFFF086  }
0x1c: {  	p1 =	slt.u32 s9, $0xF7A;
	s5 =	simm.s32 @!p2 $0x0  }
0x1d: {  	s5 =	simm.s32 @p1 $0x1;
	p0 =	seq.s32 s7, s2  }
0x1e: {  	s7 =	smul.u32 @!p0 $0xF7A, s2;
	p2 =	seq.s32 @!p0 s5, $0x0  }
0x1f: {  	s9 =	smul.u32 $0xF7A, s1;
	s8 =	simm.s32 @!p0 $0x1BF5;
	p2 =	por !p2, p0  }
0x20: {  	[sflag:s8] =	ssyncset.s32 @!p0 $0xFFFFF086;
	s6 =	sadd.s32 @!p0 s3, s7;
	s7 =	simm.s32 @!p0 $0x108  }
0x21: {  	s3 =	sadd.s32 s3, s9;
	s6 =	sadd.s32 @!p0 $0x88, s6;
	s7 =	simm.s32 @p2 $0x1082  }
0x22: {  	[simem:s7], [sflag:s8] =	dma.local @!p0 [hbm:s6], $0xF7A  }
0x23: {  	s9 =	sor.u32 $0xD0000000, s2;
	s6 =	simm.s32 $0x108;
	_ =	swait.ge @!p0 [sflag:s8], $0x0  }
0x24: {  	s3 =	sadd.s32 $0x88, s3;
	s6 =	simm.s32 @!p1 $0x1082;
	[sflag:s4] =	ssyncset.s32 $0xFFFFF086  }
0x25: {  	[simem:s6], [sflag:s4] =	dma.local [hbm:s3], $0xF7A  }
0x26: {  	[smem:$0x3F95] =	sst s1;
	(tag) =	ssettag s2;
	_ =	strace s9  }
0x27: {  	s1 =	sld [smem:$0x3FA5]  }
0x28: {  	s2 =	sld [smem:$0x3FA6]  }
0x29: {  	s4 =	sld [smem:$0x3FA8]  }
0x2a: {  	p0 =	seq.s32 s5, $0x0;
	s5 =	sld [smem:$0x3FA9]  }
0x2b: {  	s6 =	sld [smem:$0x3FAA]  }
0x2c: {  	s7 =	sld [smem:$0x3FAB]  }
0x2d: {  	s3 =	simm.s32 $0x108;
	s8 =	sld [smem:$0x3FAC]  }
0x2e: {  	s3 =	simm.s32 @!p0 $0x1082;
	s9 =	sld [smem:$0x3FAD]  }
0x2f: {  	lr =	sadd.s32 s0, s3;
	s0 =	sld [smem:$0x3FA4]  }
0x30: {  	s3 =	sld [smem:$0x3FA7]  }
0x31: {  	[smem:$0x3FB0] =	sst s10  }
0x32: {  	s10 =	sld [smem:$0x3FAE];
	_ =	sdelay $0x3  }
0x33: {  	p0 =	seq.s32 s10, $0x1;
	s10 =	sld [smem:$0x3FB0];
	_ =	sdelay $0x3  }
0x34: {  	[smem:$0x3FB0] =	sst s10  }
0x35: {  	s10 =	sld [smem:$0x3FAF];
	_ =	sdelay $0x3  }
0x36: {  	p1 =	seq.s32 s10, $0x1;
	s10 =	sld [smem:$0x3FB0];
	_ =	sdelay $0x3  }
0x37: {  	[smem:$0x3FB0] =	sst s10  }
0x38: {  	s10 =	sld [smem:$0x3FB1]  }
0x39: {  	_ = 	snop;
	(pc) =	sbr.ind lr, $3  }
0x3a: {  	_ = 	snop  }
0x3b: {  	_ = 	snop  }
0x3c: {  	p2 =	seq.s32 s10, $0x1;
	s10 =	sld [smem:$0x3FB0]  }
0x3d: {  	_ =	shalt  }
0x3e: {  	_ =	shalt  }
0x3f: {  	_ =	shalt  }
0x40: {  	_ =	shalt  }
0x41: {  	_ =	shalt  }
0x42: {  	_ =	shalt  }
0x43: {  	_ =	shalt  }
0x44: {  	_ =	shalt  }
0x45: {  	_ =	shalt  }
0x46: {  	_ =	shalt  }
0x47: {  	_ =	shalt  }
0x48: {  	_ =	shalt  }
0x49: {  	_ =	shalt  }
0x4a: {  	_ =	shalt  }
0x4b: {  	_ =	shalt  }
0x4c: {  	_ =	shalt  }
0x4d: {  	_ =	shalt  }
0x4e: {  	_ =	shalt  }
0x4f: {  	_ =	shalt  }
0x50: {  	_ =	shalt  }
0x51: {  	_ =	shalt  }
0x52: {  	_ =	shalt  }
0x53: {  	_ =	shalt  }
0x54: {  	_ =	shalt  }
0x55: {  	_ =	shalt  }
0x56: {  	_ =	shalt  }
0x57: {  	_ =	shalt  }
0x58: {  	_ =	shalt  }
0x59: {  	_ =	shalt  }
0x5a: {  	_ =	shalt  }
0x5b: {  	_ =	shalt  }
0x5c: {  	_ =	shalt  }
0x5d: {  	_ =	shalt  }
0x5e: {  	_ =	shalt  }
0x5f: {  	_ =	shalt  }
0x60: {  	_ =	shalt  }
0x61: {  	_ =	shalt  }
0x62: {  	_ =	shalt  }
0x63: {  	_ =	shalt  }
0x64: {  	_ =	shalt  }
0x65: {  	_ =	shalt  }
0x66: {  	_ =	shalt  }
0x67: {  	_ =	shalt  }
0x68: {  	_ =	shalt  }
0x69: {  	_ =	shalt  }
0x6a: {  	_ =	shalt  }
0x6b: {  	_ =	shalt  }
0x6c: {  	_ =	shalt  }
0x6d: {  	_ =	shalt  }
0x6e: {  	_ =	shalt  }
0x6f: {  	_ =	shalt  }
0x70: {  	_ =	shalt  }
0x71: {  	_ =	shalt  }
0x72: {  	_ =	shalt  }
0x73: {  	_ =	shalt  }
0x74: {  	_ =	shalt  }
0x75: {  	_ =	shalt  }
0x76: {  	_ =	shalt  }
0x77: {  	_ =	shalt  }
0x78: {  	_ =	shalt  }
0x79: {  	_ =	shalt  }
0x7a: {  	_ =	shalt  }
0x7b: {  	_ =	shalt  }
0x7c: {  	_ =	shalt  }
0x7d: {  	_ =	shalt  }
0x7e: {  	_ =	shalt  }
0x7f: {  	_ =	shalt  }
0x80: {  	_ =	shalt  }
0x81: {  	_ =	shalt  }
0x82: {  	_ =	shalt  }
0x83: {  	_ =	shalt  }
0x84: {  	_ =	shalt  }
0x85: {  	_ =	shalt  }
0x86: {  	_ =	shalt  }
0x87: {  	_ =	shalt  }
.Lfunc_end0:
.L_simem_size_0:
called_computation.2_lowered:
.L_overlay_start_0:
0x88: {  	s2 =	sld [smem:$0x3FD9]  }
0x89: {  	s3 =	sld [smem:$0x3FFE];
	_ =	sdelay $0x1  }
0x8a: {  	s1 =	srdreg.scid  }
0x8b: {  	s0 =	sand.u32 $0x1, s1  }
0x8c: {  	s16 =	sshll.u32 s0, $0xA;
	s2 =	sadd.s32 s3, s2  }
0x8d: {  	s2 =	sadd.s32 s2, s16  }
0x8e: {  	[smem:$0x3FBC] =	sst s2  }
0x8f: {  	_ = 	snop  }
0x90: {  	(tm) =	ssettm $0x1  }
0x91: {  	s17 =	sld [smem:$0x3FFB];
	_ =	sdelay $0x3  }
0x92: {  	_ =	strace s17  }
0x93: {  	s2 =	sld [smem:$0x3FFC];
	_ =	sdelay $0x3  }
0x94: {  	_ =	strace s2  }
0x95: {  	s2 =	sld [smem:$0x3FFD];
	_ =	sdelay $0x3  }
0x96: {  	_ =	strace s2  }
0x97: {  	_ =	strace $0x8FFFFFFF  }
0x98: {  	s18 =	sld [smem:$0x3FDB];
	_ =	sdelay $0x1  }
0x99: {  	s19 =	simm.s32 $_scs_section_size  }
0x9a: {  	s4 =	simm.s32 $_size__tile_overlayer_lowered;
	s5 =	simm.s32 $_tile_overlayer_lowered  }
0x9b: {  	s22 =	simm.s32 $0x1BFF;
	s21 =	sshll.u32 s5, $0x1;
	s2 =	sadd.s32 s19, s18  }
0x9c: {  	s6 =	simm.s32 $0x0;
	s20 =	sshll.u32 s4, $0x1;
	s4 =	sadd.s32 s21, s2  }
0x9d: {  	[timem:s6], [sflag:s22] =	dma.local [hbm:s4], s20  }
0x9e: {  	_ =	swait.ge [sflag:s22], s20  }
0x9f: {  	s3 =	ssub.s32 $0x0, s20;
	[sflag:s22] =	ssyncset.done $0x0  }
0xa0: {  	[sflag:s22] =	ssyncadd.s32 s3;
	_ =	sdelay $0x1  }
0xa1: {  	s23 =	simm.s32 $0x1B8B  }
0xa2: {  	_ =	swait.ge [sflag:s23], $0x1  }
0xa3: {  	[sflag:s23] =	ssyncset.done $0x0  }
0xa4: {  	s25 =	simm.s32 $0x1B8E;
	s24 =	sld [smem:$0x3FFE];
	[sflag:s23] =	ssyncadd.s32 $0xFFFFFFFF  }
0xa5: {  	s26 =	simm.s32 $execute0_lowered;
	[smem:$0x3FD2] =	sst s25  }
0xa6: {  	s4 =	sshll.u32 s26, $0x1;
	_ =	strace $0x8000004C;
	[dreg:$0x1] =	wrdreg $0xFFFFFFFF  }
0xa7: {  	s28 =	simm.s32 $_size_execute0_lowered;
	s2 =	sadd.s32 s2, s4;
	[dreg:$0x0] =	wrdreg $0x0  }
0xa8: {  	s4 =	sshll.u32 s28, $0x1;
	[dreg:$0x2] =	wrdreg s2  }
0xa9: {  	[dreg:$0x3] =	wrdreg s4  }
0xaa: {  	[dreg:$0x4] =	wrdreg $0xC0  }
0xab: {  	_ =	task [dreg:s6], $0x5FFFF  }
0xac: {  	[dreg:$0x1] =	wrdreg $0xFFFFFFFF  }
0xad: {  	[dreg:$0x0] =	wrdreg $0x60  }
0xae: {  	[dreg:$0x2] =	wrdreg s24  }
0xaf: {  	[dreg:$0x3] =	wrdreg $0xA8000  }
0xb0: {  	[dreg:$0x4] =	wrdreg $0x9  }
0xb1: {  	_ =	task.clear_ibuf [dreg:s6], $0x5FFFF;
	_ =	strace $0x9000004C  }
0xb2: {  	s29 =	simm.s32 $0x9;
	_ =	strace $0x8000004E  }
0xb3: {  	_ =	swait.ge [sflag:s29], $0x1  }
0xb4: {  	[sflag:s29] =	ssyncadd.s32 $0xFFFFFFFF  }
0xb5: {  	_ =	strace $0x9000004E  }
0xb6: {  	_ =	sfence  }
0xb7: {  	s30 =	sld [smem:$0x0];
	_ =	sdelay $0x2  }
0xb8: {  	s31 =	sshll.u32 s1, $0xD;
	s1 =	sshrl.u32 s1, $0x2  }
0xb9: {  	s3 =	sand.u32 $0x4000, s31;
	s1 =	sadd.s32 s1, s30  }
0xba: {  	s0 =	sor.u32 s3, s0;
	s1 =	sshll.u32 s1, $0x11  }
0xbb: {  	s0 =	sor.u32 s1, s0  }
0xbc: {  	s0 =	sadd.s32 $0x8F2B, s0  }
0xbd: {  	[sflag:s0] =	ssyncadd.remote.s32 $0x1  }
0xbe: {  	_ =	sfence.sel $0xFFFF  }
0xbf: {  	[dreg:$0x0] =	wrdreg $0xFFFFFFFF;
	(pc) =	sbr.abs _section_cstart, $3  }
0xc0: {  	[dreg:$0x1] =	wrdreg $0xFFFFFFFF  }
0xc1: {  	_ =	task.clear_ibuf [dreg:s6], $0x2FFFF;
	_ =	strace $0x9FFFFFFF  }
0xc2: {  	(tm) =	ssettm $0x7FFFFFFF  }
0xc3: {  	_ =	shalt  }
tec
execute0_lowered:
.L_overlay_start_1:
0x0: {  	(tag) =	ssettag $0x1  }
0x1: {  	s0 =	rddreg [dreg:$0x0]  }
0x2: {  	s1 =	rddreg [dreg:$0x1];
	s3 =	simm.s32 $0x0;
	s18 =	stileid.u32  }
0x3: {  	s8 =	srdreg.scid;
	s21 =	simm.s32 $0x5;
	s28 =	simm.s32 $0x3  }
0x4: {  	s29 =	simm.s32 $0x100;
	s31 =	simm.s32 $0x1480;
	[smem:$0x7FF] =	sst s3  }
0x5: {  	s30 =	simm.s32 $0x2;
	s4 =	sadd.s32 $0x143600, s0;
	s5 =	sadd.s32 $0x11B600, s0  }
0x6: {  	s2 =	smul.u32 $0x2800, s18;
	s6 =	sadd.s32 $0xF3600, s0;
	s7 =	sadd.s32 $0xCB600, s0  }
0x7: {  	s14 =	sand.u32 $0x1, s8;
	s10 =	smul.u32 $0x50000, s18;
	s8 =	sadd.s32 $0x3600, s0  }
0x8: {  	s15 =	smul.u32 $0x14000, s18;
	s22 =	sadd.s32 $0x2B600, s0;
	s26 =	sshll.u32 s18, $0x6  }
0x9: {  	_ =	strace $0x8000004D;
	s11 =	ssub.s32 $0x2, s14;
	[dreg:$0x3] =	wrdreg s22  }
0xa: {  	s19 =	sor.u32 $0x1C05, s26;
	p0 =	sne.s32 s14, $0x0;
	s26 =	simm.s32 $0x1  }
0xb: {  	s14 =	simm.s32 $0x2700;
	s9 =	sshrl.u32 s2, $0x3;
	s12 =	sshrl.u32 s11, $0x1  }
0xc: {  	s10 =	sshrl.u32 s10, $0x2;
	s17 =	sshrl.u32 s15, $0x3;
	s2 =	sadd.s32 s22, s2  }
0xd: {  	s24 =	sadd.s32 $0x280000, s15;
	s25 =	sadd.s32 $0x3C0000, s15;
	s15 =	simm.s32 $0x2780  }
0xe: {  	s13 =	sadd.s32 s9, s0;
	s23 =	ssub.s32 s11, s12;
	[dreg:$0x5] =	wrdreg s2  }
0xf: {  	s16 =	sadd.s32 s10, s1;
	s17 =	sadd.s32 s22, s17;
	[dreg:$0x6] =	wrdreg s24  }
0x10: {  	[dreg:$0x7] =	wrdreg s25;
	s22 =	simm.s32 $0x1400;
	s24 =	simm.s32 $0x2800  }
.Ltmp0:
0x11: {  	s25 =	simm.s32 $0x6800;
	s2 =	simm.s32 $0x1380;
	(pc) =	sbr.rel .LBB2_1-.Ltmp0, $4  }
0x12: {  	s10 =	sadd.s32 $0x21600, s13;
	s11 =	sadd.s32 $0x26600, s13;
	s12 =	sadd.s32 $0x21880, s13  }
0x13: {  	s13 =	sadd.s32 $0x26880, s13;
	s17 =	sadd.s32 $0x28000, s17;
	s0 =	smax.u32 s23, $0x1  }
0x14: {  	s20 =	sshrl.u32 s16, $0x3;
	s23 =	simm.s32 $0x80;
	[dreg:$0x4] =	wrdreg s17  }
0x15: {  	s16 =	simm.s32 $0x0;
	[dreg:$0x8] =	wrdreg s0;
	s0 =	simm.s32 $0x4  }
.LBB2_19:
0x16: {  	[spmem:s1] =	stream.indirect.scatter.add.f32 [tilespmem:s25], [sflag:$0x4], $0x80, s18, s23, $0xb8;
	[tilespmem:$0x1E800] =	vst v63  }
0x17: {  	_ =	swait.ge [sflag:s0], $0x4000  }
0x18: {  	[sflag:s0] =	ssyncset.done $0x0  }
0x19: {  	[sflag:s0] =	ssyncadd.s32 $0xFFFFC000  }
0x1a: {  	[tilespmem:s25], [sflag:$0x2] =	stream.indirect.gather [hbm4b:s7+s23], $0x80, s2, s23, $0xb8;
	[tilespmem:$0x1E800] =	vst v63  }
0x1b: {  	_ =	swait.ge [sflag:s26], $0x4000  }
0x1c: {  	[sflag:s26] =	ssyncset.done $0x0  }
0x1d: {  	[sflag:s26] =	ssyncadd.s32 $0xFFFFC000  }
0x1e: {  	[spmem:s1] =	stream.indirect.scatter.add.f32 [tilespmem:s24], [sflag:$0x3], $0x80, s14, s23, $0xb8;
	[tilespmem:$0x1E800] =	vst v63  }
0x1f: {  	_ =	swait.ge [sflag:s30], $0x4000  }
0x20: {  	[sflag:s30] =	ssyncset.done $0x0  }
0x21: {  	s17 =	rddreg [dreg:$0x7];
	[sflag:s30] =	ssyncadd.s32 $0xFFFFC000  }
0x22: {  	[spmem:s1] =	stream.indirect.scatter.add.f32 [tilespmem:s25], [sflag:$0x4], $0x80, s15, s23, $0xb8;
	[tilespmem:$0x1E800] =	vst v63  }
.LBB2_20:
0x23: {  	_ =	swait.ge [sflag:s28], $0x4000  }
0x24: {  	[sflag:s28] =	ssyncset.done $0x0  }
0x25: {  	[sflag:s28] =	ssyncadd.s32 $0xFFFFC000  }
0x26: {  	_ =	swait.ge [sflag:s0], $0x4000  }
0x27: {  	[sflag:s0] =	ssyncset.done $0x0  }
0x28: {  	s9 =	sshrl.u32 s17, $0x3;
	s18 =	rddreg [dreg:$0x3];
	[sflag:s0] =	ssyncadd.s32 $0xFFFFC000  }
0x29: {  	s9 =	sadd.s32 s18, s9;
	[bflag:$0x0] =	sbarrier.arrive $0xFFFF  }
0x2a: {  	[hbm:s9], [sflag:s19] =	dma.local [spmem:s20], $0x2800  }
0x2b: {  	_ =	swait.ge [sflag:s21], $0x2800  }
0x2c: {  	s16 =	sadd.s32 $0x1, s16;
	s18 =	rddreg [dreg:$0x8]  }
0x2d: {  	p1 =	sne.s32 s16, s18  }
.Ltmp1:
0x2e: {  	_ = 	snop;
	(pc) =	sbr.rel @!p1 .LBB2_21-.Ltmp1, $3  }
0x2f: {  	[sflag:s21] =	ssyncset.done $0x0  }
0x30: {  	[sflag:s21] =	ssyncadd.s32 $0xFFFFD800  }
0x31: {  	[bflag:$0x0] =	sbarrier.arrive $0xFFFF;
	_ =	sdelay $0x1  }
.LBB2_1:
0x32: {  	[spmem:s20], [sflag:s19] =	dma.local [hbm:s8], $0x2800  }
0x33: {  	_ =	swait.ge [sflag:s21], $0x2800  }
0x34: {  	[sflag:s21] =	ssyncset.done $0x0  }
0x35: {  	[sflag:s21] =	ssyncadd.s32 $0xFFFFD800  }
0x36: {  	[bflag:$0x0] =	sbarrier.arrive $0xFFFF  }
0x37: {  	[tilespmem:s3], [sflag:$0x5] =	stream.linear.gather [hbm4b:s10+s3], $0x1400, $0x38;
	[tilespmem:$0x1E800] =	vst v63  }
0x38: {  	_ =	swait.ge [sflag:s21], $0x1400  }
0x39: {  	[sflag:s21] =	ssyncset.done $0x0  }
.Ltmp2:
0x3a: {  	[sflag:s21] =	ssyncadd.s32 $0xFFFFEC00;
	(pc) =	sbr.rel @p0 .LBB2_11-.Ltmp2, $4  }
0x3b: {  	[tilespmem:s22], [sflag:$0x5] =	stream.linear.gather [hbm4b:s11+s3], $0x1400, $0x38;
	[tilespmem:$0x1E800] =	vst v63  }
0x3c: {  	_ =	swait.ge [sflag:s21], $0x1400  }
0x3d: {  	[sflag:s21] =	ssyncset.done $0x0  }
0x3e: {  	[sflag:s21] =	ssyncadd.s32 $0xFFFFEC00  }
0x3f: {  	[tilespmem:s24], [sflag:$0x1] =	stream.indirect.gather [hbm4b:s4+s23], $0x80, s3, s23, $0xb8;
	[tilespmem:$0x1E800] =	vst v63  }
0x40: {  	_ = 	snop  }
0x41: {  	[tilespmem:s25], [sflag:$0x2] =	stream.indirect.gather [hbm4b:s4+s23], $0x80, s23, s23, $0xb8;
	[tilespmem:$0x1E800] =	vst v63  }
0x42: {  	_ =	swait.ge [sflag:s26], $0x4000  }
0x43: {  	[sflag:s26] =	ssyncset.done $0x0  }
0x44: {  	[sflag:s26] =	ssyncadd.s32 $0xFFFFC000  }
0x45: {  	[spmem:s1] =	stream.indirect.scatter.add.f32 [tilespmem:s24], [sflag:$0x3], $0x80, s22, s23, $0xb8;
	[tilespmem:$0x1E800] =	vst v63  }
0x46: {  	_ =	swait.ge [sflag:s28], $0x4000  }
0x47: {  	[sflag:s28] =	ssyncset.done $0x0  }
0x48: {  	[sflag:s28] =	ssyncadd.s32 $0xFFFFC000  }
0x49: {  	[tilespmem:s24], [sflag:$0x1] =	stream.indirect.gather [hbm4b:s4+s23], $0x80, s29, s23, $0xb8;
	[tilespmem:$0x1E800] =	vst v63  }
0x4a: {  	_ =	swait.ge [sflag:s30], $0x4000  }
0x4b: {  	[sflag:s30] =	ssyncset.done $0x0  }
0x4c: {  	[sflag:s30] =	ssyncadd.s32 $0xFFFFC000  }
0x4d: {  	[spmem:s1] =	stream.indirect.scatter.add.f32 [tilespmem:s25], [sflag:$0x4], $0x80, s31, s23, $0xb8;
	[tilespmem:$0x1E800] =	vst v63  }
0x4e: {  	_ =	swait.ge [sflag:s0], $0x4000  }
0x4f: {  	[sflag:s0] =	ssyncset.done $0x0  }
0x50: {  	s17 =	simm.s32 $0x180;
	[sflag:s0] =	ssyncadd.s32 $0xFFFFC000  }
0x51: {  	[tilespmem:s25], [sflag:$0x2] =	stream.indirect.gather [hbm4b:s4+s23], $0x80, s17, s23, $0xb8;
	[tilespmem:$0x1E800] =	vst v63  }
0x52: {  	_ =	swait.ge [sflag:s26], $0x4000  }
0x53: {  	[sflag:s26] =	ssyncset.done $0x0  }
0x54: {  	s9 =	simm.s32 $0x1500;
	[sflag:s26] =	ssyncadd.s32 $0xFFFFC000  }
0x55: {  	[spmem:s1] =	stream.indirect.scatter.add.f32 [tilespmem:s24], [sflag:$0x3], $0x80, s9, s23, $0xb8;
	[tilespmem:$0x1E800] =	vst v63  }
0x56: {  	_ =	swait.ge [sflag:s28], $0x4000  }
0x57: {  	[sflag:s28] =	ssyncset.done $0x0  }
0x58: {  	s18 =	simm.s32 $0x200;
	[sflag:s28] =	ssyncadd.s32 $0xFFFFC000  }
0x59: {  	[tilespmem:s24], [sflag:$0x1] =	stream.indirect.gather [hbm4b:s4+s23], $0x80, s18, s23, $0xb8;
	[tilespmem:$0x1E800] =	vst v63  }
0x5a: {  	_ =	swait.ge [sflag:s30], $0x4000  }
0x5b: {  	[sflag:s30] =	ssyncset.done $0x0  }
0x5c: {  	s17 =	simm.s32 $0xFFFFBC00;
	s18 =	simm.s32 $0x1580;
	[sflag:s30] =	ssyncadd.s32 $0xFFFFC000  }
.LBB2_3:
0x5d: {  	[spmem:s1] =	stream.indirect.scatter.add.f32 [tilespmem:s25], [sflag:$0x4], $0x80, s18, s23, $0xb8;
	[tilespmem:$0x1E800] =	vst v63  }
0x5e: {  	s18 =	smov.u32 s17  }
0x5f: {  	p1 =	sne.s32 s17, $0xFFFFFC00;
	s17 =	sadd.s32 $0x400, s17;
	_ =	swait.ge [sflag:s0], $0x4000  }
0x60: {  	s18 =	sshra.s32 s18, $0x2;
	[sflag:s0] =	ssyncset.done $0x0  }
0x61: {  	s9 =	sadd.s32 $0x1380, s18;
	[sflag:s0] =	ssyncadd.s32 $0xFFFFC000  }
0x62: {  	[tilespmem:s25], [sflag:$0x2] =	stream.indirect.gather [hbm4b:s4+s23], $0x80, s9, s23, $0xb8;
	[tilespmem:$0x1E800] =	vst v63  }
0x63: {  	_ =	swait.ge [sflag:s26], $0x4000  }
0x64: {  	[sflag:s26] =	ssyncset.done $0x0  }
0x65: {  	s9 =	sadd.s32 $0x2700, s18;
	[sflag:s26] =	ssyncadd.s32 $0xFFFFC000  }
0x66: {  	[spmem:s1] =	stream.indirect.scatter.add.f32 [tilespmem:s24], [sflag:$0x3], $0x80, s9, s23, $0xb8;
	[tilespmem:$0x1E800] =	vst v63  }
0x67: {  	_ =	swait.ge [sflag:s28], $0x4000  }
0x68: {  	[sflag:s28] =	ssyncset.done $0x0  }
.Ltmp3:
0x69: {  	s9 =	sadd.s32 $0x1400, s18;
	[sflag:s28] =	ssyncadd.s32 $0xFFFFC000;
	(pc) =	sbr.rel @p1 .LBB2_3-.Ltmp3, $4  }
0x6a: {  	[tilespmem:s24], [sflag:$0x1] =	stream.indirect.gather [hbm4b:s4+s23], $0x80, s9, s23, $0xb8;
	[tilespmem:$0x1E800] =	vst v63  }
0x6b: {  	_ =	swait.ge [sflag:s30], $0x4000  }
0x6c: {  	[sflag:s30] =	ssyncset.done $0x0  }
0x6d: {  	s18 =	sadd.s32 $0x2780, s18;
	[sflag:s30] =	ssyncadd.s32 $0xFFFFC000  }
0x6e: {  	[spmem:s1] =	stream.indirect.scatter.add.f32 [tilespmem:s25], [sflag:$0x4], $0x80, s18, s23, $0xb8;
	[tilespmem:$0x1E800] =	vst v63  }
0x6f: {  	_ =	swait.ge [sflag:s0], $0x4000  }
0x70: {  	[sflag:s0] =	ssyncset.done $0x0  }
0x71: {  	[sflag:s0] =	ssyncadd.s32 $0xFFFFC000  }
0x72: {  	[tilespmem:s25], [sflag:$0x2] =	stream.indirect.gather [hbm4b:s4+s23], $0x80, s2, s23, $0xb8;
	[tilespmem:$0x1E800] =	vst v63  }
0x73: {  	_ =	swait.ge [sflag:s26], $0x4000  }
0x74: {  	[sflag:s26] =	ssyncset.done $0x0  }
0x75: {  	[sflag:s26] =	ssyncadd.s32 $0xFFFFC000  }
0x76: {  	[spmem:s1] =	stream.indirect.scatter.add.f32 [tilespmem:s24], [sflag:$0x3], $0x80, s14, s23, $0xb8;
	[tilespmem:$0x1E800] =	vst v63  }
0x77: {  	_ =	swait.ge [sflag:s30], $0x4000  }
0x78: {  	[sflag:s30] =	ssyncset.done $0x0  }
0x79: {  	[sflag:s30] =	ssyncadd.s32 $0xFFFFC000  }
0x7a: {  	[spmem:s1] =	stream.indirect.scatter.add.f32 [tilespmem:s25], [sflag:$0x4], $0x80, s15, s23, $0xb8;
	[tilespmem:$0x1E800] =	vst v63  }
0x7b: {  	_ =	swait.ge [sflag:s28], $0x4000  }
0x7c: {  	[sflag:s28] =	ssyncset.done $0x0  }
0x7d: {  	[sflag:s28] =	ssyncadd.s32 $0xFFFFC000  }
0x7e: {  	_ =	swait.ge [sflag:s0], $0x4000  }
0x7f: {  	[sflag:s0] =	ssyncset.done $0x0  }
0x80: {  	[sflag:s0] =	ssyncadd.s32 $0xFFFFC000  }
0x81: {  	[tilespmem:s3], [sflag:$0x5] =	stream.linear.gather [hbm4b:s12+s3], $0x1400, $0x38;
	[tilespmem:$0x1E800] =	vst v63  }
0x82: {  	_ =	swait.ge [sflag:s21], $0x1400  }
0x83: {  	[sflag:s21] =	ssyncset.done $0x0  }
0x84: {  	[sflag:s21] =	ssyncadd.s32 $0xFFFFEC00  }
0x85: {  	[tilespmem:s22], [sflag:$0x5] =	stream.linear.gather [hbm4b:s13+s3], $0x1400, $0x38;
	[tilespmem:$0x1E800] =	vst v63  }
0x86: {  	_ =	swait.ge [sflag:s21], $0x1400  }
0x87: {  	[sflag:s21] =	ssyncset.done $0x0  }
0x88: {  	[sflag:s21] =	ssyncadd.s32 $0xFFFFEC00  }
0x89: {  	[tilespmem:s24], [sflag:$0x1] =	stream.indirect.gather [hbm4b:s4+s23], $0x80, s3, s23, $0xb8;
	[tilespmem:$0x1E800] =	vst v63  }
0x8a: {  	_ = 	snop  }
0x8b: {  	[tilespmem:s25], [sflag:$0x2] =	stream.indirect.gather [hbm4b:s4+s23], $0x80, s23, s23, $0xb8;
	[tilespmem:$0x1E800] =	vst v63  }
0x8c: {  	_ =	swait.ge [sflag:s26], $0x4000  }
0x8d: {  	[sflag:s26] =	ssyncset.done $0x0  }
0x8e: {  	[sflag:s26] =	ssyncadd.s32 $0xFFFFC000  }
0x8f: {  	[spmem:s1] =	stream.indirect.scatter.add.f32 [tilespmem:s24], [sflag:$0x3], $0x80, s22, s23, $0xb8;
	[tilespmem:$0x1E800] =	vst v63  }
0x90: {  	_ =	swait.ge [sflag:s28], $0x4000  }
0x91: {  	[sflag:s28] =	ssyncset.done $0x0  }
0x92: {  	[sflag:s28] =	ssyncadd.s32 $0xFFFFC000  }
0x93: {  	[tilespmem:s24], [sflag:$0x1] =	stream.indirect.gather [hbm4b:s4+s23], $0x80, s29, s23, $0xb8;
	[tilespmem:$0x1E800] =	vst v63  }
0x94: {  	_ =	swait.ge [sflag:s30], $0x4000  }
0x95: {  	[sflag:s30] =	ssyncset.done $0x0  }
0x96: {  	[sflag:s30] =	ssyncadd.s32 $0xFFFFC000  }
0x97: {  	[spmem:s1] =	stream.indirect.scatter.add.f32 [tilespmem:s25], [sflag:$0x4], $0x80, s31, s23, $0xb8;
	[tilespmem:$0x1E800] =	vst v63  }
0x98: {  	_ =	swait.ge [sflag:s0], $0x4000  }
0x99: {  	[sflag:s0] =	ssyncset.done $0x0  }
0x9a: {  	s9 =	simm.s32 $0x180;
	[sflag:s0] =	ssyncadd.s32 $0xFFFFC000  }
0x9b: {  	[tilespmem:s25], [sflag:$0x2] =	stream.indirect.gather [hbm4b:s4+s23], $0x80, s9, s23, $0xb8;
	[tilespmem:$0x1E800] =	vst v63  }
0x9c: {  	_ =	swait.ge [sflag:s26], $0x4000  }
0x9d: {  	[sflag:s26] =	ssyncset.done $0x0  }
0x9e: {  	s17 =	simm.s32 $0x1500;
	[sflag:s26] =	ssyncadd.s32 $0xFFFFC000  }
0x9f: {  	[spmem:s1] =	stream.indirect.scatter.add.f32 [tilespmem:s24], [sflag:$0x3], $0x80, s17, s23, $0xb8;
	[tilespmem:$0x1E800] =	vst v63  }
0xa0: {  	_ =	swait.ge [sflag:s28], $0x4000  }
0xa1: {  	[sflag:s28] =	ssyncset.done $0x0  }
0xa2: {  	s18 =	simm.s32 $0x200;
	[sflag:s28] =	ssyncadd.s32 $0xFFFFC000  }
0xa3: {  	[tilespmem:s24], [sflag:$0x1] =	stream.indirect.gather [hbm4b:s4+s23], $0x80, s18, s23, $0xb8;
	[tilespmem:$0x1E800] =	vst v63  }
0xa4: {  	_ =	swait.ge [sflag:s30], $0x4000  }
0xa5: {  	[sflag:s30] =	ssyncset.done $0x0  }
0xa6: {  	s17 =	simm.s32 $0xFFFFBC00;
	s18 =	simm.s32 $0x1580;
	[sflag:s30] =	ssyncadd.s32 $0xFFFFC000  }
.LBB2_5:
0xa7: {  	[spmem:s1] =	stream.indirect.scatter.add.f32 [tilespmem:s25], [sflag:$0x4], $0x80, s18, s23, $0xb8;
	[tilespmem:$0x1E800] =	vst v63  }
0xa8: {  	s9 =	smov.u32 s17  }
0xa9: {  	p1 =	sne.s32 s17, $0xFFFFFC00;
	s17 =	sadd.s32 $0x400, s17;
	_ =	swait.ge [sflag:s0], $0x4000  }
0xaa: {  	s9 =	sshra.s32 s9, $0x2;
	[sflag:s0] =	ssyncset.done $0x0  }
0xab: {  	s18 =	sadd.s32 $0x1380, s9;
	[sflag:s0] =	ssyncadd.s32 $0xFFFFC000  }
0xac: {  	[tilespmem:s25], [sflag:$0x2] =	stream.indirect.gather [hbm4b:s4+s23], $0x80, s18, s23, $0xb8;
	[tilespmem:$0x1E800] =	vst v63  }
0xad: {  	_ =	swait.ge [sflag:s26], $0x4000  }
0xae: {  	[sflag:s26] =	ssyncset.done $0x0  }
0xaf: {  	s18 =	sadd.s32 $0x2700, s9;
	[sflag:s26] =	ssyncadd.s32 $0xFFFFC000  }
0xb0: {  	[spmem:s1] =	stream.indirect.scatter.add.f32 [tilespmem:s24], [sflag:$0x3], $0x80, s18, s23, $0xb8;
	[tilespmem:$0x1E800] =	vst v63  }
0xb1: {  	_ =	swait.ge [sflag:s28], $0x4000  }
0xb2: {  	[sflag:s28] =	ssyncset.done $0x0  }
.Ltmp4:
0xb3: {  	s18 =	sadd.s32 $0x1400, s9;
	[sflag:s28] =	ssyncadd.s32 $0xFFFFC000;
	(pc) =	sbr.rel @p1 .LBB2_5-.Ltmp4, $4  }
0xb4: {  	[tilespmem:s24], [sflag:$0x1] =	stream.indirect.gather [hbm4b:s4+s23], $0x80, s18, s23, $0xb8;
	[tilespmem:$0x1E800] =	vst v63  }
0xb5: {  	_ =	swait.ge [sflag:s30], $0x4000  }
0xb6: {  	[sflag:s30] =	ssyncset.done $0x0  }
0xb7: {  	s18 =	sadd.s32 $0x2780, s9;
	[sflag:s30] =	ssyncadd.s32 $0xFFFFC000  }
0xb8: {  	[spmem:s1] =	stream.indirect.scatter.add.f32 [tilespmem:s25], [sflag:$0x4], $0x80, s18, s23, $0xb8;
	[tilespmem:$0x1E800] =	vst v63  }
0xb9: {  	_ =	swait.ge [sflag:s0], $0x4000  }
0xba: {  	[sflag:s0] =	ssyncset.done $0x0  }
0xbb: {  	[sflag:s0] =	ssyncadd.s32 $0xFFFFC000  }
0xbc: {  	[tilespmem:s25], [sflag:$0x2] =	stream.indirect.gather [hbm4b:s4+s23], $0x80, s2, s23, $0xb8;
	[tilespmem:$0x1E800] =	vst v63  }
0xbd: {  	_ =	swait.ge [sflag:s26], $0x4000  }
0xbe: {  	[sflag:s26] =	ssyncset.done $0x0  }
0xbf: {  	[sflag:s26] =	ssyncadd.s32 $0xFFFFC000  }
0xc0: {  	[spmem:s1] =	stream.indirect.scatter.add.f32 [tilespmem:s24], [sflag:$0x3], $0x80, s14, s23, $0xb8;
	[tilespmem:$0x1E800] =	vst v63  }
0xc1: {  	_ =	swait.ge [sflag:s30], $0x4000  }
0xc2: {  	[sflag:s30] =	ssyncset.done $0x0  }
0xc3: {  	[sflag:s30] =	ssyncadd.s32 $0xFFFFC000  }
0xc4: {  	[spmem:s1] =	stream.indirect.scatter.add.f32 [tilespmem:s25], [sflag:$0x4], $0x80, s15, s23, $0xb8;
	[tilespmem:$0x1E800] =	vst v63  }
0xc5: {  	_ =	swait.ge [sflag:s28], $0x4000  }
0xc6: {  	[sflag:s28] =	ssyncset.done $0x0  }
0xc7: {  	[sflag:s28] =	ssyncadd.s32 $0xFFFFC000  }
0xc8: {  	_ =	swait.ge [sflag:s0], $0x4000  }
0xc9: {  	[sflag:s0] =	ssyncset.done $0x0  }
0xca: {  	[sflag:s0] =	ssyncadd.s32 $0xFFFFC000  }
0xcb: {  	[bflag:$0x0] =	sbarrier.arrive $0xFFFF  }
0xcc: {  	s9 =	rddreg [dreg:$0x5]  }
0xcd: {  	[hbm:s9], [sflag:s19] =	dma.local [spmem:s20], $0x2800  }
0xce: {  	_ =	swait.ge [sflag:s21], $0x2800  }
0xcf: {  	[sflag:s21] =	ssyncset.done $0x0  }
0xd0: {  	[sflag:s21] =	ssyncadd.s32 $0xFFFFD800  }
0xd1: {  	[bflag:$0x0] =	sbarrier.arrive $0xFFFF  }
0xd2: {  	[spmem:s20], [sflag:s19] =	dma.local [hbm:s8], $0x2800  }
0xd3: {  	_ =	swait.ge [sflag:s21], $0x2800  }
0xd4: {  	[sflag:s21] =	ssyncset.done $0x0  }
0xd5: {  	[sflag:s21] =	ssyncadd.s32 $0xFFFFD800  }
0xd6: {  	[bflag:$0x0] =	sbarrier.arrive $0xFFFF  }
0xd7: {  	[tilespmem:s3], [sflag:$0x5] =	stream.linear.gather [hbm4b:s10+s3], $0x1400, $0x38;
	[tilespmem:$0x1E800] =	vst v63  }
0xd8: {  	_ =	swait.ge [sflag:s21], $0x1400  }
0xd9: {  	[sflag:s21] =	ssyncset.done $0x0  }
0xda: {  	[sflag:s21] =	ssyncadd.s32 $0xFFFFEC00  }
0xdb: {  	[tilespmem:s22], [sflag:$0x5] =	stream.linear.gather [hbm4b:s11+s3], $0x1400, $0x38;
	[tilespmem:$0x1E800] =	vst v63  }
0xdc: {  	_ =	swait.ge [sflag:s21], $0x1400  }
0xdd: {  	[sflag:s21] =	ssyncset.done $0x0  }
0xde: {  	[sflag:s21] =	ssyncadd.s32 $0xFFFFEC00  }
0xdf: {  	[tilespmem:s24], [sflag:$0x1] =	stream.indirect.gather [hbm4b:s6+s23], $0x80, s3, s23, $0xb8;
	[tilespmem:$0x1E800] =	vst v63  }
0xe0: {  	_ = 	snop  }
0xe1: {  	[tilespmem:s25], [sflag:$0x2] =	stream.indirect.gather [hbm4b:s6+s23], $0x80, s23, s23, $0xb8;
	[tilespmem:$0x1E800] =	vst v63  }
0xe2: {  	_ =	swait.ge [sflag:s26], $0x4000  }
0xe3: {  	[sflag:s26] =	ssyncset.done $0x0  }
0xe4: {  	[sflag:s26] =	ssyncadd.s32 $0xFFFFC000  }
0xe5: {  	[spmem:s1] =	stream.indirect.scatter.add.f32 [tilespmem:s24], [sflag:$0x3], $0x80, s22, s23, $0xb8;
	[tilespmem:$0x1E800] =	vst v63  }
0xe6: {  	_ =	swait.ge [sflag:s28], $0x4000  }
0xe7: {  	[sflag:s28] =	ssyncset.done $0x0  }
0xe8: {  	[sflag:s28] =	ssyncadd.s32 $0xFFFFC000  }
0xe9: {  	[tilespmem:s24], [sflag:$0x1] =	stream.indirect.gather [hbm4b:s6+s23], $0x80, s29, s23, $0xb8;
	[tilespmem:$0x1E800] =	vst v63  }
0xea: {  	_ =	swait.ge [sflag:s30], $0x4000  }
0xeb: {  	[sflag:s30] =	ssyncset.done $0x0  }
0xec: {  	[sflag:s30] =	ssyncadd.s32 $0xFFFFC000  }
0xed: {  	[spmem:s1] =	stream.indirect.scatter.add.f32 [tilespmem:s25], [sflag:$0x4], $0x80, s31, s23, $0xb8;
	[tilespmem:$0x1E800] =	vst v63  }
0xee: {  	_ =	swait.ge [sflag:s0], $0x4000  }
0xef: {  	[sflag:s0] =	ssyncset.done $0x0  }
0xf0: {  	s18 =	simm.s32 $0x180;
	[sflag:s0] =	ssyncadd.s32 $0xFFFFC000  }
0xf1: {  	[tilespmem:s25], [sflag:$0x2] =	stream.indirect.gather [hbm4b:s6+s23], $0x80, s18, s23, $0xb8;
	[tilespmem:$0x1E800] =	vst v63  }
0xf2: {  	_ =	swait.ge [sflag:s26], $0x4000  }
0xf3: {  	[sflag:s26] =	ssyncset.done $0x0  }
0xf4: {  	s17 =	simm.s32 $0x1500;
	[sflag:s26] =	ssyncadd.s32 $0xFFFFC000  }
0xf5: {  	[spmem:s1] =	stream.indirect.scatter.add.f32 [tilespmem:s24], [sflag:$0x3], $0x80, s17, s23, $0xb8;
	[tilespmem:$0x1E800] =	vst v63  }
0xf6: {  	_ =	swait.ge [sflag:s28], $0x4000  }
0xf7: {  	[sflag:s28] =	ssyncset.done $0x0  }
0xf8: {  	s18 =	simm.s32 $0x200;
	[sflag:s28] =	ssyncadd.s32 $0xFFFFC000  }
0xf9: {  	[tilespmem:s24], [sflag:$0x1] =	stream.indirect.gather [hbm4b:s6+s23], $0x80, s18, s23, $0xb8;
	[tilespmem:$0x1E800] =	vst v63  }
0xfa: {  	_ =	swait.ge [sflag:s30], $0x4000  }
0xfb: {  	[sflag:s30] =	ssyncset.done $0x0  }
0xfc: {  	s17 =	simm.s32 $0xFFFFBC00;
	s18 =	simm.s32 $0x1580;
	[sflag:s30] =	ssyncadd.s32 $0xFFFFC000  }
.LBB2_7:
0xfd: {  	[spmem:s1] =	stream.indirect.scatter.add.f32 [tilespmem:s25], [sflag:$0x4], $0x80, s18, s23, $0xb8;
	[tilespmem:$0x1E800] =	vst v63  }
0xfe: {  	s9 =	smov.u32 s17  }
0xff: {  	p1 =	sne.s32 s17, $0xFFFFFC00;
	s17 =	sadd.s32 $0x400, s17;
	_ =	swait.ge [sflag:s0], $0x4000  }
0x100: {  	s9 =	sshra.s32 s9, $0x2;
	[sflag:s0] =	ssyncset.done $0x0  }
0x101: {  	s18 =	sadd.s32 $0x1380, s9;
	[sflag:s0] =	ssyncadd.s32 $0xFFFFC000  }
0x102: {  	[tilespmem:s25], [sflag:$0x2] =	stream.indirect.gather [hbm4b:s6+s23], $0x80, s18, s23, $0xb8;
	[tilespmem:$0x1E800] =	vst v63  }
0x103: {  	_ =	swait.ge [sflag:s26], $0x4000  }
0x104: {  	[sflag:s26] =	ssyncset.done $0x0  }
0x105: {  	s18 =	sadd.s32 $0x2700, s9;
	[sflag:s26] =	ssyncadd.s32 $0xFFFFC000  }
0x106: {  	[spmem:s1] =	stream.indirect.scatter.add.f32 [tilespmem:s24], [sflag:$0x3], $0x80, s18, s23, $0xb8;
	[tilespmem:$0x1E800] =	vst v63  }
0x107: {  	_ =	swait.ge [sflag:s28], $0x4000  }
0x108: {  	[sflag:s28] =	ssyncset.done $0x0  }
.Ltmp5:
0x109: {  	s18 =	sadd.s32 $0x1400, s9;
	[sflag:s28] =	ssyncadd.s32 $0xFFFFC000;
	(pc) =	sbr.rel @p1 .LBB2_7-.Ltmp5, $4  }
0x10a: {  	[tilespmem:s24], [sflag:$0x1] =	stream.indirect.gather [hbm4b:s6+s23], $0x80, s18, s23, $0xb8;
	[tilespmem:$0x1E800] =	vst v63  }
0x10b: {  	_ =	swait.ge [sflag:s30], $0x4000  }
0x10c: {  	[sflag:s30] =	ssyncset.done $0x0  }
0x10d: {  	s18 =	sadd.s32 $0x2780, s9;
	[sflag:s30] =	ssyncadd.s32 $0xFFFFC000  }
0x10e: {  	[spmem:s1] =	stream.indirect.scatter.add.f32 [tilespmem:s25], [sflag:$0x4], $0x80, s18, s23, $0xb8;
	[tilespmem:$0x1E800] =	vst v63  }
0x10f: {  	_ =	swait.ge [sflag:s0], $0x4000  }
0x110: {  	[sflag:s0] =	ssyncset.done $0x0  }
0x111: {  	[sflag:s0] =	ssyncadd.s32 $0xFFFFC000  }
0x112: {  	[tilespmem:s25], [sflag:$0x2] =	stream.indirect.gather [hbm4b:s6+s23], $0x80, s2, s23, $0xb8;
	[tilespmem:$0x1E800] =	vst v63  }
0x113: {  	_ =	swait.ge [sflag:s26], $0x4000  }
0x114: {  	[sflag:s26] =	ssyncset.done $0x0  }
0x115: {  	[sflag:s26] =	ssyncadd.s32 $0xFFFFC000  }
0x116: {  	[spmem:s1] =	stream.indirect.scatter.add.f32 [tilespmem:s24], [sflag:$0x3], $0x80, s14, s23, $0xb8;
	[tilespmem:$0x1E800] =	vst v63  }
0x117: {  	_ =	swait.ge [sflag:s30], $0x4000  }
0x118: {  	[sflag:s30] =	ssyncset.done $0x0  }
0x119: {  	[sflag:s30] =	ssyncadd.s32 $0xFFFFC000  }
0x11a: {  	[spmem:s1] =	stream.indirect.scatter.add.f32 [tilespmem:s25], [sflag:$0x4], $0x80, s15, s23, $0xb8;
	[tilespmem:$0x1E800] =	vst v63  }
0x11b: {  	_ =	swait.ge [sflag:s28], $0x4000  }
0x11c: {  	[sflag:s28] =	ssyncset.done $0x0  }
0x11d: {  	[sflag:s28] =	ssyncadd.s32 $0xFFFFC000  }
0x11e: {  	_ =	swait.ge [sflag:s0], $0x4000  }
0x11f: {  	[sflag:s0] =	ssyncset.done $0x0  }
0x120: {  	[sflag:s0] =	ssyncadd.s32 $0xFFFFC000  }
0x121: {  	[tilespmem:s3], [sflag:$0x5] =	stream.linear.gather [hbm4b:s12+s3], $0x1400, $0x38;
	[tilespmem:$0x1E800] =	vst v63  }
0x122: {  	_ =	swait.ge [sflag:s21], $0x1400  }
0x123: {  	[sflag:s21] =	ssyncset.done $0x0  }
0x124: {  	[sflag:s21] =	ssyncadd.s32 $0xFFFFEC00  }
0x125: {  	[tilespmem:s22], [sflag:$0x5] =	stream.linear.gather [hbm4b:s13+s3], $0x1400, $0x38;
	[tilespmem:$0x1E800] =	vst v63  }
0x126: {  	_ =	swait.ge [sflag:s21], $0x1400  }
0x127: {  	[sflag:s21] =	ssyncset.done $0x0  }
0x128: {  	[sflag:s21] =	ssyncadd.s32 $0xFFFFEC00  }
0x129: {  	[tilespmem:s24], [sflag:$0x1] =	stream.indirect.gather [hbm4b:s6+s23], $0x80, s3, s23, $0xb8;
	[tilespmem:$0x1E800] =	vst v63  }
0x12a: {  	_ = 	snop  }
0x12b: {  	[tilespmem:s25], [sflag:$0x2] =	stream.indirect.gather [hbm4b:s6+s23], $0x80, s23, s23, $0xb8;
	[tilespmem:$0x1E800] =	vst v63  }
0x12c: {  	_ =	swait.ge [sflag:s26], $0x4000  }
0x12d: {  	[sflag:s26] =	ssyncset.done $0x0  }
0x12e: {  	[sflag:s26] =	ssyncadd.s32 $0xFFFFC000  }
0x12f: {  	[spmem:s1] =	stream.indirect.scatter.add.f32 [tilespmem:s24], [sflag:$0x3], $0x80, s22, s23, $0xb8;
	[tilespmem:$0x1E800] =	vst v63  }
0x130: {  	_ =	swait.ge [sflag:s28], $0x4000  }
0x131: {  	[sflag:s28] =	ssyncset.done $0x0  }
0x132: {  	[sflag:s28] =	ssyncadd.s32 $0xFFFFC000  }
0x133: {  	[tilespmem:s24], [sflag:$0x1] =	stream.indirect.gather [hbm4b:s6+s23], $0x80, s29, s23, $0xb8;
	[tilespmem:$0x1E800] =	vst v63  }
0x134: {  	_ =	swait.ge [sflag:s30], $0x4000  }
0x135: {  	[sflag:s30] =	ssyncset.done $0x0  }
0x136: {  	[sflag:s30] =	ssyncadd.s32 $0xFFFFC000  }
0x137: {  	[spmem:s1] =	stream.indirect.scatter.add.f32 [tilespmem:s25], [sflag:$0x4], $0x80, s31, s23, $0xb8;
	[tilespmem:$0x1E800] =	vst v63  }
0x138: {  	_ =	swait.ge [sflag:s0], $0x4000  }
0x139: {  	[sflag:s0] =	ssyncset.done $0x0  }
0x13a: {  	s9 =	simm.s32 $0x180;
	[sflag:s0] =	ssyncadd.s32 $0xFFFFC000  }
0x13b: {  	[tilespmem:s25], [sflag:$0x2] =	stream.indirect.gather [hbm4b:s6+s23], $0x80, s9, s23, $0xb8;
	[tilespmem:$0x1E800] =	vst v63  }
0x13c: {  	_ =	swait.ge [sflag:s26], $0x4000  }
0x13d: {  	[sflag:s26] =	ssyncset.done $0x0  }
0x13e: {  	s17 =	simm.s32 $0x1500;
	[sflag:s26] =	ssyncadd.s32 $0xFFFFC000  }
0x13f: {  	[spmem:s1] =	stream.indirect.scatter.add.f32 [tilespmem:s24], [sflag:$0x3], $0x80, s17, s23, $0xb8;
	[tilespmem:$0x1E800] =	vst v63  }
0x140: {  	_ =	swait.ge [sflag:s28], $0x4000  }
0x141: {  	[sflag:s28] =	ssyncset.done $0x0  }
0x142: {  	s18 =	simm.s32 $0x200;
	[sflag:s28] =	ssyncadd.s32 $0xFFFFC000  }
0x143: {  	[tilespmem:s24], [sflag:$0x1] =	stream.indirect.gather [hbm4b:s6+s23], $0x80, s18, s23, $0xb8;
	[tilespmem:$0x1E800] =	vst v63  }
0x144: {  	_ =	swait.ge [sflag:s30], $0x4000  }
0x145: {  	[sflag:s30] =	ssyncset.done $0x0  }
0x146: {  	s17 =	simm.s32 $0xFFFFBC00;
	s18 =	simm.s32 $0x1580;
	[sflag:s30] =	ssyncadd.s32 $0xFFFFC000  }
.LBB2_9:
0x147: {  	[spmem:s1] =	stream.indirect.scatter.add.f32 [tilespmem:s25], [sflag:$0x4], $0x80, s18, s23, $0xb8;
	[tilespmem:$0x1E800] =	vst v63  }
0x148: {  	s9 =	smov.u32 s17  }
0x149: {  	p1 =	seq.s32 s17, $0xFFFFFC00;
	s17 =	sadd.s32 $0x400, s17;
	_ =	swait.ge [sflag:s0], $0x4000  }
0x14a: {  	s9 =	sshra.s32 s9, $0x2;
	[sflag:s0] =	ssyncset.done $0x0  }
0x14b: {  	s18 =	sadd.s32 $0x1380, s9;
	[sflag:s0] =	ssyncadd.s32 $0xFFFFC000  }
0x14c: {  	[tilespmem:s25], [sflag:$0x2] =	stream.indirect.gather [hbm4b:s6+s23], $0x80, s18, s23, $0xb8;
	[tilespmem:$0x1E800] =	vst v63  }
0x14d: {  	_ =	swait.ge [sflag:s26], $0x4000  }
0x14e: {  	[sflag:s26] =	ssyncset.done $0x0  }
0x14f: {  	s18 =	sadd.s32 $0x2700, s9;
	[sflag:s26] =	ssyncadd.s32 $0xFFFFC000  }
0x150: {  	[spmem:s1] =	stream.indirect.scatter.add.f32 [tilespmem:s24], [sflag:$0x3], $0x80, s18, s23, $0xb8;
	[tilespmem:$0x1E800] =	vst v63  }
0x151: {  	_ =	swait.ge [sflag:s28], $0x4000  }
0x152: {  	[sflag:s28] =	ssyncset.done $0x0  }
.Ltmp6:
0x153: {  	s18 =	sadd.s32 $0x1400, s9;
	[sflag:s28] =	ssyncadd.s32 $0xFFFFC000;
	(pc) =	sbr.rel @!p1 .LBB2_9-.Ltmp6, $4  }
0x154: {  	[tilespmem:s24], [sflag:$0x1] =	stream.indirect.gather [hbm4b:s6+s23], $0x80, s18, s23, $0xb8;
	[tilespmem:$0x1E800] =	vst v63  }
0x155: {  	_ =	swait.ge [sflag:s30], $0x4000  }
0x156: {  	[sflag:s30] =	ssyncset.done $0x0  }
0x157: {  	s18 =	sadd.s32 $0x2780, s9;
	[sflag:s30] =	ssyncadd.s32 $0xFFFFC000  }
0x158: {  	[spmem:s1] =	stream.indirect.scatter.add.f32 [tilespmem:s25], [sflag:$0x4], $0x80, s18, s23, $0xb8;
	[tilespmem:$0x1E800] =	vst v63  }
0x159: {  	_ =	swait.ge [sflag:s0], $0x4000  }
0x15a: {  	[sflag:s0] =	ssyncset.done $0x0  }
0x15b: {  	[sflag:s0] =	ssyncadd.s32 $0xFFFFC000  }
0x15c: {  	[tilespmem:s25], [sflag:$0x2] =	stream.indirect.gather [hbm4b:s6+s23], $0x80, s2, s23, $0xb8;
	[tilespmem:$0x1E800] =	vst v63  }
0x15d: {  	_ =	swait.ge [sflag:s26], $0x4000  }
0x15e: {  	[sflag:s26] =	ssyncset.done $0x0  }
0x15f: {  	[sflag:s26] =	ssyncadd.s32 $0xFFFFC000  }
0x160: {  	[spmem:s1] =	stream.indirect.scatter.add.f32 [tilespmem:s24], [sflag:$0x3], $0x80, s14, s23, $0xb8;
	[tilespmem:$0x1E800] =	vst v63  }
.Ltmp7:
0x161: {  	_ = 	snop;
	(pc) =	sbr.rel .LBB2_20-.Ltmp7, $4  }
0x162: {  	_ =	swait.ge [sflag:s30], $0x4000  }
0x163: {  	[sflag:s30] =	ssyncset.done $0x0  }
0x164: {  	s17 =	rddreg [dreg:$0x6];
	[sflag:s30] =	ssyncadd.s32 $0xFFFFC000  }
0x165: {  	[spmem:s1] =	stream.indirect.scatter.add.f32 [tilespmem:s25], [sflag:$0x4], $0x80, s15, s23, $0xb8;
	[tilespmem:$0x1E800] =	vst v63  }
.LBB2_11:
0x166: {  	[tilespmem:s24], [sflag:$0x1] =	stream.indirect.gather [hbm4b:s5+s23], $0x80, s3, s23, $0xb8;
	[tilespmem:$0x1E800] =	vst v63  }
0x167: {  	_ = 	snop  }
0x168: {  	[tilespmem:s25], [sflag:$0x2] =	stream.indirect.gather [hbm4b:s5+s23], $0x80, s23, s23, $0xb8;
	[tilespmem:$0x1E800] =	vst v63  }
0x169: {  	_ =	swait.ge [sflag:s26], $0x4000  }
0x16a: {  	[sflag:s26] =	ssyncset.done $0x0  }
0x16b: {  	[sflag:s26] =	ssyncadd.s32 $0xFFFFC000  }
0x16c: {  	[spmem:s1] =	stream.indirect.scatter.add.f32 [tilespmem:s24], [sflag:$0x3], $0x80, s22, s23, $0xb8;
	[tilespmem:$0x1E800] =	vst v63  }
0x16d: {  	_ =	swait.ge [sflag:s28], $0x4000  }
0x16e: {  	[sflag:s28] =	ssyncset.done $0x0  }
0x16f: {  	[sflag:s28] =	ssyncadd.s32 $0xFFFFC000  }
0x170: {  	[tilespmem:s24], [sflag:$0x1] =	stream.indirect.gather [hbm4b:s5+s23], $0x80, s29, s23, $0xb8;
	[tilespmem:$0x1E800] =	vst v63  }
0x171: {  	_ =	swait.ge [sflag:s30], $0x4000  }
0x172: {  	[sflag:s30] =	ssyncset.done $0x0  }
0x173: {  	[sflag:s30] =	ssyncadd.s32 $0xFFFFC000  }
0x174: {  	[spmem:s1] =	stream.indirect.scatter.add.f32 [tilespmem:s25], [sflag:$0x4], $0x80, s31, s23, $0xb8;
	[tilespmem:$0x1E800] =	vst v63  }
0x175: {  	_ =	swait.ge [sflag:s0], $0x4000  }
0x176: {  	[sflag:s0] =	ssyncset.done $0x0  }
0x177: {  	s9 =	simm.s32 $0x180;
	[sflag:s0] =	ssyncadd.s32 $0xFFFFC000  }
0x178: {  	[tilespmem:s25], [sflag:$0x2] =	stream.indirect.gather [hbm4b:s5+s23], $0x80, s9, s23, $0xb8;
	[tilespmem:$0x1E800] =	vst v63  }
0x179: {  	_ =	swait.ge [sflag:s26], $0x4000  }
0x17a: {  	[sflag:s26] =	ssyncset.done $0x0  }
0x17b: {  	s17 =	simm.s32 $0x1500;
	[sflag:s26] =	ssyncadd.s32 $0xFFFFC000  }
0x17c: {  	[spmem:s1] =	stream.indirect.scatter.add.f32 [tilespmem:s24], [sflag:$0x3], $0x80, s17, s23, $0xb8;
	[tilespmem:$0x1E800] =	vst v63  }
0x17d: {  	_ =	swait.ge [sflag:s28], $0x4000  }
0x17e: {  	[sflag:s28] =	ssyncset.done $0x0  }
0x17f: {  	s18 =	simm.s32 $0x200;
	[sflag:s28] =	ssyncadd.s32 $0xFFFFC000  }
0x180: {  	[tilespmem:s24], [sflag:$0x1] =	stream.indirect.gather [hbm4b:s5+s23], $0x80, s18, s23, $0xb8;
	[tilespmem:$0x1E800] =	vst v63  }
0x181: {  	_ =	swait.ge [sflag:s30], $0x4000  }
0x182: {  	[sflag:s30] =	ssyncset.done $0x0  }
0x183: {  	s17 =	simm.s32 $0xFFFFBC00;
	s18 =	simm.s32 $0x1580;
	[sflag:s30] =	ssyncadd.s32 $0xFFFFC000  }
.LBB2_12:
0x184: {  	[spmem:s1] =	stream.indirect.scatter.add.f32 [tilespmem:s25], [sflag:$0x4], $0x80, s18, s23, $0xb8;
	[tilespmem:$0x1E800] =	vst v63  }
0x185: {  	s9 =	smov.u32 s17  }
0x186: {  	p1 =	sne.s32 s17, $0xFFFFFC00;
	s17 =	sadd.s32 $0x400, s17;
	_ =	swait.ge [sflag:s0], $0x4000  }
0x187: {  	s9 =	sshra.s32 s9, $0x2;
	[sflag:s0] =	ssyncset.done $0x0  }
0x188: {  	s18 =	sadd.s32 $0x1380, s9;
	[sflag:s0] =	ssyncadd.s32 $0xFFFFC000  }
0x189: {  	[tilespmem:s25], [sflag:$0x2] =	stream.indirect.gather [hbm4b:s5+s23], $0x80, s18, s23, $0xb8;
	[tilespmem:$0x1E800] =	vst v63  }
0x18a: {  	_ =	swait.ge [sflag:s26], $0x4000  }
0x18b: {  	[sflag:s26] =	ssyncset.done $0x0  }
0x18c: {  	s18 =	sadd.s32 $0x2700, s9;
	[sflag:s26] =	ssyncadd.s32 $0xFFFFC000  }
0x18d: {  	[spmem:s1] =	stream.indirect.scatter.add.f32 [tilespmem:s24], [sflag:$0x3], $0x80, s18, s23, $0xb8;
	[tilespmem:$0x1E800] =	vst v63  }
0x18e: {  	_ =	swait.ge [sflag:s28], $0x4000  }
0x18f: {  	[sflag:s28] =	ssyncset.done $0x0  }
.Ltmp8:
0x190: {  	s18 =	sadd.s32 $0x1400, s9;
	[sflag:s28] =	ssyncadd.s32 $0xFFFFC000;
	(pc) =	sbr.rel @p1 .LBB2_12-.Ltmp8, $4  }
0x191: {  	[tilespmem:s24], [sflag:$0x1] =	stream.indirect.gather [hbm4b:s5+s23], $0x80, s18, s23, $0xb8;
	[tilespmem:$0x1E800] =	vst v63  }
0x192: {  	_ =	swait.ge [sflag:s30], $0x4000  }
0x193: {  	[sflag:s30] =	ssyncset.done $0x0  }
0x194: {  	s18 =	sadd.s32 $0x2780, s9;
	[sflag:s30] =	ssyncadd.s32 $0xFFFFC000  }
0x195: {  	[spmem:s1] =	stream.indirect.scatter.add.f32 [tilespmem:s25], [sflag:$0x4], $0x80, s18, s23, $0xb8;
	[tilespmem:$0x1E800] =	vst v63  }
0x196: {  	_ =	swait.ge [sflag:s0], $0x4000  }
0x197: {  	[sflag:s0] =	ssyncset.done $0x0  }
0x198: {  	[sflag:s0] =	ssyncadd.s32 $0xFFFFC000  }
0x199: {  	[tilespmem:s25], [sflag:$0x2] =	stream.indirect.gather [hbm4b:s5+s23], $0x80, s2, s23, $0xb8;
	[tilespmem:$0x1E800] =	vst v63  }
0x19a: {  	_ =	swait.ge [sflag:s26], $0x4000  }
0x19b: {  	[sflag:s26] =	ssyncset.done $0x0  }
0x19c: {  	[sflag:s26] =	ssyncadd.s32 $0xFFFFC000  }
0x19d: {  	[spmem:s1] =	stream.indirect.scatter.add.f32 [tilespmem:s24], [sflag:$0x3], $0x80, s14, s23, $0xb8;
	[tilespmem:$0x1E800] =	vst v63  }
0x19e: {  	_ =	swait.ge [sflag:s30], $0x4000  }
0x19f: {  	[sflag:s30] =	ssyncset.done $0x0  }
0x1a0: {  	[sflag:s30] =	ssyncadd.s32 $0xFFFFC000  }
0x1a1: {  	[spmem:s1] =	stream.indirect.scatter.add.f32 [tilespmem:s25], [sflag:$0x4], $0x80, s15, s23, $0xb8;
	[tilespmem:$0x1E800] =	vst v63  }
0x1a2: {  	_ =	swait.ge [sflag:s28], $0x4000  }
0x1a3: {  	[sflag:s28] =	ssyncset.done $0x0  }
0x1a4: {  	[sflag:s28] =	ssyncadd.s32 $0xFFFFC000  }
0x1a5: {  	_ =	swait.ge [sflag:s0], $0x4000  }
0x1a6: {  	[sflag:s0] =	ssyncset.done $0x0  }
0x1a7: {  	[sflag:s0] =	ssyncadd.s32 $0xFFFFC000  }
0x1a8: {  	[tilespmem:s3], [sflag:$0x5] =	stream.linear.gather [hbm4b:s12+s3], $0x1400, $0x38;
	[tilespmem:$0x1E800] =	vst v63  }
0x1a9: {  	_ =	swait.ge [sflag:s21], $0x1400  }
0x1aa: {  	[sflag:s21] =	ssyncset.done $0x0  }
0x1ab: {  	[sflag:s21] =	ssyncadd.s32 $0xFFFFEC00  }
0x1ac: {  	[tilespmem:s22], [sflag:$0x5] =	stream.linear.gather [hbm4b:s13+s3], $0x1400, $0x38;
	[tilespmem:$0x1E800] =	vst v63  }
0x1ad: {  	_ =	swait.ge [sflag:s21], $0x1400  }
0x1ae: {  	[sflag:s21] =	ssyncset.done $0x0  }
0x1af: {  	[sflag:s21] =	ssyncadd.s32 $0xFFFFEC00  }
0x1b0: {  	[tilespmem:s24], [sflag:$0x1] =	stream.indirect.gather [hbm4b:s5+s23], $0x80, s3, s23, $0xb8;
	[tilespmem:$0x1E800] =	vst v63  }
0x1b1: {  	_ = 	snop  }
0x1b2: {  	[tilespmem:s25], [sflag:$0x2] =	stream.indirect.gather [hbm4b:s5+s23], $0x80, s23, s23, $0xb8;
	[tilespmem:$0x1E800] =	vst v63  }
0x1b3: {  	_ =	swait.ge [sflag:s26], $0x4000  }
0x1b4: {  	[sflag:s26] =	ssyncset.done $0x0  }
0x1b5: {  	[sflag:s26] =	ssyncadd.s32 $0xFFFFC000  }
0x1b6: {  	[spmem:s1] =	stream.indirect.scatter.add.f32 [tilespmem:s24], [sflag:$0x3], $0x80, s22, s23, $0xb8;
	[tilespmem:$0x1E800] =	vst v63  }
0x1b7: {  	_ =	swait.ge [sflag:s28], $0x4000  }
0x1b8: {  	[sflag:s28] =	ssyncset.done $0x0  }
0x1b9: {  	[sflag:s28] =	ssyncadd.s32 $0xFFFFC000  }
0x1ba: {  	[tilespmem:s24], [sflag:$0x1] =	stream.indirect.gather [hbm4b:s5+s23], $0x80, s29, s23, $0xb8;
	[tilespmem:$0x1E800] =	vst v63  }
0x1bb: {  	_ =	swait.ge [sflag:s30], $0x4000  }
0x1bc: {  	[sflag:s30] =	ssyncset.done $0x0  }
0x1bd: {  	[sflag:s30] =	ssyncadd.s32 $0xFFFFC000  }
0x1be: {  	[spmem:s1] =	stream.indirect.scatter.add.f32 [tilespmem:s25], [sflag:$0x4], $0x80, s31, s23, $0xb8;
	[tilespmem:$0x1E800] =	vst v63  }
0x1bf: {  	_ =	swait.ge [sflag:s0], $0x4000  }
0x1c0: {  	[sflag:s0] =	ssyncset.done $0x0  }
0x1c1: {  	s9 =	simm.s32 $0x180;
	[sflag:s0] =	ssyncadd.s32 $0xFFFFC000  }
0x1c2: {  	[tilespmem:s25], [sflag:$0x2] =	stream.indirect.gather [hbm4b:s5+s23], $0x80, s9, s23, $0xb8;
	[tilespmem:$0x1E800] =	vst v63  }
0x1c3: {  	_ =	swait.ge [sflag:s26], $0x4000  }
0x1c4: {  	[sflag:s26] =	ssyncset.done $0x0  }
0x1c5: {  	s17 =	simm.s32 $0x1500;
	[sflag:s26] =	ssyncadd.s32 $0xFFFFC000  }
0x1c6: {  	[spmem:s1] =	stream.indirect.scatter.add.f32 [tilespmem:s24], [sflag:$0x3], $0x80, s17, s23, $0xb8;
	[tilespmem:$0x1E800] =	vst v63  }
0x1c7: {  	_ =	swait.ge [sflag:s28], $0x4000  }
0x1c8: {  	[sflag:s28] =	ssyncset.done $0x0  }
0x1c9: {  	s18 =	simm.s32 $0x200;
	[sflag:s28] =	ssyncadd.s32 $0xFFFFC000  }
0x1ca: {  	[tilespmem:s24], [sflag:$0x1] =	stream.indirect.gather [hbm4b:s5+s23], $0x80, s18, s23, $0xb8;
	[tilespmem:$0x1E800] =	vst v63  }
0x1cb: {  	_ =	swait.ge [sflag:s30], $0x4000  }
0x1cc: {  	[sflag:s30] =	ssyncset.done $0x0  }
0x1cd: {  	s17 =	simm.s32 $0xFFFFBC00;
	s18 =	simm.s32 $0x1580;
	[sflag:s30] =	ssyncadd.s32 $0xFFFFC000  }
.LBB2_14:
0x1ce: {  	[spmem:s1] =	stream.indirect.scatter.add.f32 [tilespmem:s25], [sflag:$0x4], $0x80, s18, s23, $0xb8;
	[tilespmem:$0x1E800] =	vst v63  }
0x1cf: {  	s9 =	smov.u32 s17  }
0x1d0: {  	p1 =	seq.s32 s17, $0xFFFFFC00;
	s17 =	sadd.s32 $0x400, s17;
	_ =	swait.ge [sflag:s0], $0x4000  }
0x1d1: {  	s9 =	sshra.s32 s9, $0x2;
	[sflag:s0] =	ssyncset.done $0x0  }
0x1d2: {  	s18 =	sadd.s32 $0x1380, s9;
	[sflag:s0] =	ssyncadd.s32 $0xFFFFC000  }
0x1d3: {  	[tilespmem:s25], [sflag:$0x2] =	stream.indirect.gather [hbm4b:s5+s23], $0x80, s18, s23, $0xb8;
	[tilespmem:$0x1E800] =	vst v63  }
0x1d4: {  	_ =	swait.ge [sflag:s26], $0x4000  }
0x1d5: {  	[sflag:s26] =	ssyncset.done $0x0  }
0x1d6: {  	s18 =	sadd.s32 $0x2700, s9;
	[sflag:s26] =	ssyncadd.s32 $0xFFFFC000  }
0x1d7: {  	[spmem:s1] =	stream.indirect.scatter.add.f32 [tilespmem:s24], [sflag:$0x3], $0x80, s18, s23, $0xb8;
	[tilespmem:$0x1E800] =	vst v63  }
0x1d8: {  	_ =	swait.ge [sflag:s28], $0x4000  }
0x1d9: {  	[sflag:s28] =	ssyncset.done $0x0  }
.Ltmp9:
0x1da: {  	s18 =	sadd.s32 $0x1400, s9;
	[sflag:s28] =	ssyncadd.s32 $0xFFFFC000;
	(pc) =	sbr.rel @!p1 .LBB2_14-.Ltmp9, $4  }
0x1db: {  	[tilespmem:s24], [sflag:$0x1] =	stream.indirect.gather [hbm4b:s5+s23], $0x80, s18, s23, $0xb8;
	[tilespmem:$0x1E800] =	vst v63  }
0x1dc: {  	_ =	swait.ge [sflag:s30], $0x4000  }
0x1dd: {  	[sflag:s30] =	ssyncset.done $0x0  }
0x1de: {  	s18 =	sadd.s32 $0x2780, s9;
	[sflag:s30] =	ssyncadd.s32 $0xFFFFC000  }
0x1df: {  	[spmem:s1] =	stream.indirect.scatter.add.f32 [tilespmem:s25], [sflag:$0x4], $0x80, s18, s23, $0xb8;
	[tilespmem:$0x1E800] =	vst v63  }
0x1e0: {  	_ =	swait.ge [sflag:s0], $0x4000  }
0x1e1: {  	[sflag:s0] =	ssyncset.done $0x0  }
0x1e2: {  	[sflag:s0] =	ssyncadd.s32 $0xFFFFC000  }
0x1e3: {  	[tilespmem:s25], [sflag:$0x2] =	stream.indirect.gather [hbm4b:s5+s23], $0x80, s2, s23, $0xb8;
	[tilespmem:$0x1E800] =	vst v63  }
0x1e4: {  	_ =	swait.ge [sflag:s26], $0x4000  }
0x1e5: {  	[sflag:s26] =	ssyncset.done $0x0  }
0x1e6: {  	[sflag:s26] =	ssyncadd.s32 $0xFFFFC000  }
0x1e7: {  	[spmem:s1] =	stream.indirect.scatter.add.f32 [tilespmem:s24], [sflag:$0x3], $0x80, s14, s23, $0xb8;
	[tilespmem:$0x1E800] =	vst v63  }
0x1e8: {  	_ =	swait.ge [sflag:s30], $0x4000  }
0x1e9: {  	[sflag:s30] =	ssyncset.done $0x0  }
0x1ea: {  	[sflag:s30] =	ssyncadd.s32 $0xFFFFC000  }
0x1eb: {  	[spmem:s1] =	stream.indirect.scatter.add.f32 [tilespmem:s25], [sflag:$0x4], $0x80, s15, s23, $0xb8;
	[tilespmem:$0x1E800] =	vst v63  }
0x1ec: {  	_ =	swait.ge [sflag:s28], $0x4000  }
0x1ed: {  	[sflag:s28] =	ssyncset.done $0x0  }
0x1ee: {  	[sflag:s28] =	ssyncadd.s32 $0xFFFFC000  }
0x1ef: {  	_ =	swait.ge [sflag:s0], $0x4000  }
0x1f0: {  	[sflag:s0] =	ssyncset.done $0x0  }
0x1f1: {  	[sflag:s0] =	ssyncadd.s32 $0xFFFFC000  }
0x1f2: {  	[bflag:$0x0] =	sbarrier.arrive $0xFFFF  }
0x1f3: {  	s9 =	rddreg [dreg:$0x4]  }
0x1f4: {  	[hbm:s9], [sflag:s19] =	dma.local [spmem:s20], $0x2800  }
0x1f5: {  	_ =	swait.ge [sflag:s21], $0x2800  }
0x1f6: {  	[sflag:s21] =	ssyncset.done $0x0  }
0x1f7: {  	[sflag:s21] =	ssyncadd.s32 $0xFFFFD800  }
0x1f8: {  	[bflag:$0x0] =	sbarrier.arrive $0xFFFF  }
0x1f9: {  	[spmem:s20], [sflag:s19] =	dma.local [hbm:s8], $0x2800  }
0x1fa: {  	_ =	swait.ge [sflag:s21], $0x2800  }
0x1fb: {  	[sflag:s21] =	ssyncset.done $0x0  }
0x1fc: {  	[sflag:s21] =	ssyncadd.s32 $0xFFFFD800  }
0x1fd: {  	[bflag:$0x0] =	sbarrier.arrive $0xFFFF  }
0x1fe: {  	[tilespmem:s3], [sflag:$0x5] =	stream.linear.gather [hbm4b:s10+s3], $0x1400, $0x38;
	[tilespmem:$0x1E800] =	vst v63  }
0x1ff: {  	_ =	swait.ge [sflag:s21], $0x1400  }
0x200: {  	[sflag:s21] =	ssyncset.done $0x0  }
0x201: {  	[sflag:s21] =	ssyncadd.s32 $0xFFFFEC00  }
0x202: {  	[tilespmem:s22], [sflag:$0x5] =	stream.linear.gather [hbm4b:s11+s3], $0x1400, $0x38;
	[tilespmem:$0x1E800] =	vst v63  }
0x203: {  	_ =	swait.ge [sflag:s21], $0x1400  }
0x204: {  	[sflag:s21] =	ssyncset.done $0x0  }
0x205: {  	[sflag:s21] =	ssyncadd.s32 $0xFFFFEC00  }
0x206: {  	[tilespmem:s24], [sflag:$0x1] =	stream.indirect.gather [hbm4b:s7+s23], $0x80, s3, s23, $0xb8;
	[tilespmem:$0x1E800] =	vst v63  }
0x207: {  	_ = 	snop  }
0x208: {  	[tilespmem:s25], [sflag:$0x2] =	stream.indirect.gather [hbm4b:s7+s23], $0x80, s23, s23, $0xb8;
	[tilespmem:$0x1E800] =	vst v63  }
0x209: {  	_ =	swait.ge [sflag:s26], $0x4000  }
0x20a: {  	[sflag:s26] =	ssyncset.done $0x0  }
0x20b: {  	[sflag:s26] =	ssyncadd.s32 $0xFFFFC000  }
0x20c: {  	[spmem:s1] =	stream.indirect.scatter.add.f32 [tilespmem:s24], [sflag:$0x3], $0x80, s22, s23, $0xb8;
	[tilespmem:$0x1E800] =	vst v63  }
0x20d: {  	_ =	swait.ge [sflag:s28], $0x4000  }
0x20e: {  	[sflag:s28] =	ssyncset.done $0x0  }
0x20f: {  	[sflag:s28] =	ssyncadd.s32 $0xFFFFC000  }
0x210: {  	[tilespmem:s24], [sflag:$0x1] =	stream.indirect.gather [hbm4b:s7+s23], $0x80, s29, s23, $0xb8;
	[tilespmem:$0x1E800] =	vst v63  }
0x211: {  	_ =	swait.ge [sflag:s30], $0x4000  }
0x212: {  	[sflag:s30] =	ssyncset.done $0x0  }
0x213: {  	[sflag:s30] =	ssyncadd.s32 $0xFFFFC000  }
0x214: {  	[spmem:s1] =	stream.indirect.scatter.add.f32 [tilespmem:s25], [sflag:$0x4], $0x80, s31, s23, $0xb8;
	[tilespmem:$0x1E800] =	vst v63  }
0x215: {  	_ =	swait.ge [sflag:s0], $0x4000  }
0x216: {  	[sflag:s0] =	ssyncset.done $0x0  }
0x217: {  	s18 =	simm.s32 $0x180;
	[sflag:s0] =	ssyncadd.s32 $0xFFFFC000  }
0x218: {  	[tilespmem:s25], [sflag:$0x2] =	stream.indirect.gather [hbm4b:s7+s23], $0x80, s18, s23, $0xb8;
	[tilespmem:$0x1E800] =	vst v63  }
0x219: {  	_ =	swait.ge [sflag:s26], $0x4000  }
0x21a: {  	[sflag:s26] =	ssyncset.done $0x0  }
0x21b: {  	s17 =	simm.s32 $0x1500;
	[sflag:s26] =	ssyncadd.s32 $0xFFFFC000  }
0x21c: {  	[spmem:s1] =	stream.indirect.scatter.add.f32 [tilespmem:s24], [sflag:$0x3], $0x80, s17, s23, $0xb8;
	[tilespmem:$0x1E800] =	vst v63  }
0x21d: {  	_ =	swait.ge [sflag:s28], $0x4000  }
0x21e: {  	[sflag:s28] =	ssyncset.done $0x0  }
0x21f: {  	s18 =	simm.s32 $0x200;
	[sflag:s28] =	ssyncadd.s32 $0xFFFFC000  }
0x220: {  	[tilespmem:s24], [sflag:$0x1] =	stream.indirect.gather [hbm4b:s7+s23], $0x80, s18, s23, $0xb8;
	[tilespmem:$0x1E800] =	vst v63  }
0x221: {  	_ =	swait.ge [sflag:s30], $0x4000  }
0x222: {  	[sflag:s30] =	ssyncset.done $0x0  }
0x223: {  	s17 =	simm.s32 $0xFFFFBC00;
	s18 =	simm.s32 $0x1580;
	[sflag:s30] =	ssyncadd.s32 $0xFFFFC000  }
.LBB2_16:
0x224: {  	[spmem:s1] =	stream.indirect.scatter.add.f32 [tilespmem:s25], [sflag:$0x4], $0x80, s18, s23, $0xb8;
	[tilespmem:$0x1E800] =	vst v63  }
0x225: {  	s9 =	smov.u32 s17  }
0x226: {  	p1 =	sne.s32 s17, $0xFFFFFC00;
	s17 =	sadd.s32 $0x400, s17;
	_ =	swait.ge [sflag:s0], $0x4000  }
0x227: {  	s9 =	sshra.s32 s9, $0x2;
	[sflag:s0] =	ssyncset.done $0x0  }
0x228: {  	s18 =	sadd.s32 $0x1380, s9;
	[sflag:s0] =	ssyncadd.s32 $0xFFFFC000  }
0x229: {  	[tilespmem:s25], [sflag:$0x2] =	stream.indirect.gather [hbm4b:s7+s23], $0x80, s18, s23, $0xb8;
	[tilespmem:$0x1E800] =	vst v63  }
0x22a: {  	_ =	swait.ge [sflag:s26], $0x4000  }
0x22b: {  	[sflag:s26] =	ssyncset.done $0x0  }
0x22c: {  	s18 =	sadd.s32 $0x2700, s9;
	[sflag:s26] =	ssyncadd.s32 $0xFFFFC000  }
0x22d: {  	[spmem:s1] =	stream.indirect.scatter.add.f32 [tilespmem:s24], [sflag:$0x3], $0x80, s18, s23, $0xb8;
	[tilespmem:$0x1E800] =	vst v63  }
0x22e: {  	_ =	swait.ge [sflag:s28], $0x4000  }
0x22f: {  	[sflag:s28] =	ssyncset.done $0x0  }
.Ltmp10:
0x230: {  	s18 =	sadd.s32 $0x1400, s9;
	[sflag:s28] =	ssyncadd.s32 $0xFFFFC000;
	(pc) =	sbr.rel @p1 .LBB2_16-.Ltmp10, $4  }
0x231: {  	[tilespmem:s24], [sflag:$0x1] =	stream.indirect.gather [hbm4b:s7+s23], $0x80, s18, s23, $0xb8;
	[tilespmem:$0x1E800] =	vst v63  }
0x232: {  	_ =	swait.ge [sflag:s30], $0x4000  }
0x233: {  	[sflag:s30] =	ssyncset.done $0x0  }
0x234: {  	s18 =	sadd.s32 $0x2780, s9;
	[sflag:s30] =	ssyncadd.s32 $0xFFFFC000  }
0x235: {  	[spmem:s1] =	stream.indirect.scatter.add.f32 [tilespmem:s25], [sflag:$0x4], $0x80, s18, s23, $0xb8;
	[tilespmem:$0x1E800] =	vst v63  }
0x236: {  	_ =	swait.ge [sflag:s0], $0x4000  }
0x237: {  	[sflag:s0] =	ssyncset.done $0x0  }
0x238: {  	[sflag:s0] =	ssyncadd.s32 $0xFFFFC000  }
0x239: {  	[tilespmem:s25], [sflag:$0x2] =	stream.indirect.gather [hbm4b:s7+s23], $0x80, s2, s23, $0xb8;
	[tilespmem:$0x1E800] =	vst v63  }
0x23a: {  	_ =	swait.ge [sflag:s26], $0x4000  }
0x23b: {  	[sflag:s26] =	ssyncset.done $0x0  }
0x23c: {  	[sflag:s26] =	ssyncadd.s32 $0xFFFFC000  }
0x23d: {  	[spmem:s1] =	stream.indirect.scatter.add.f32 [tilespmem:s24], [sflag:$0x3], $0x80, s14, s23, $0xb8;
	[tilespmem:$0x1E800] =	vst v63  }
0x23e: {  	_ =	swait.ge [sflag:s30], $0x4000  }
0x23f: {  	[sflag:s30] =	ssyncset.done $0x0  }
0x240: {  	[sflag:s30] =	ssyncadd.s32 $0xFFFFC000  }
0x241: {  	[spmem:s1] =	stream.indirect.scatter.add.f32 [tilespmem:s25], [sflag:$0x4], $0x80, s15, s23, $0xb8;
	[tilespmem:$0x1E800] =	vst v63  }
0x242: {  	_ =	swait.ge [sflag:s28], $0x4000  }
0x243: {  	[sflag:s28] =	ssyncset.done $0x0  }
0x244: {  	[sflag:s28] =	ssyncadd.s32 $0xFFFFC000  }
0x245: {  	_ =	swait.ge [sflag:s0], $0x4000  }
0x246: {  	[sflag:s0] =	ssyncset.done $0x0  }
0x247: {  	[sflag:s0] =	ssyncadd.s32 $0xFFFFC000  }
0x248: {  	[tilespmem:s3], [sflag:$0x5] =	stream.linear.gather [hbm4b:s12+s3], $0x1400, $0x38;
	[tilespmem:$0x1E800] =	vst v63  }
0x249: {  	_ =	swait.ge [sflag:s21], $0x1400  }
0x24a: {  	[sflag:s21] =	ssyncset.done $0x0  }
0x24b: {  	[sflag:s21] =	ssyncadd.s32 $0xFFFFEC00  }
0x24c: {  	[tilespmem:s22], [sflag:$0x5] =	stream.linear.gather [hbm4b:s13+s3], $0x1400, $0x38;
	[tilespmem:$0x1E800] =	vst v63  }
0x24d: {  	_ =	swait.ge [sflag:s21], $0x1400  }
0x24e: {  	[sflag:s21] =	ssyncset.done $0x0  }
0x24f: {  	[sflag:s21] =	ssyncadd.s32 $0xFFFFEC00  }
0x250: {  	[tilespmem:s24], [sflag:$0x1] =	stream.indirect.gather [hbm4b:s7+s23], $0x80, s3, s23, $0xb8;
	[tilespmem:$0x1E800] =	vst v63  }
0x251: {  	_ = 	snop  }
0x252: {  	[tilespmem:s25], [sflag:$0x2] =	stream.indirect.gather [hbm4b:s7+s23], $0x80, s23, s23, $0xb8;
	[tilespmem:$0x1E800] =	vst v63  }
0x253: {  	_ =	swait.ge [sflag:s26], $0x4000  }
0x254: {  	[sflag:s26] =	ssyncset.done $0x0  }
0x255: {  	[sflag:s26] =	ssyncadd.s32 $0xFFFFC000  }
0x256: {  	[spmem:s1] =	stream.indirect.scatter.add.f32 [tilespmem:s24], [sflag:$0x3], $0x80, s22, s23, $0xb8;
	[tilespmem:$0x1E800] =	vst v63  }
0x257: {  	_ =	swait.ge [sflag:s28], $0x4000  }
0x258: {  	[sflag:s28] =	ssyncset.done $0x0  }
0x259: {  	[sflag:s28] =	ssyncadd.s32 $0xFFFFC000  }
0x25a: {  	[tilespmem:s24], [sflag:$0x1] =	stream.indirect.gather [hbm4b:s7+s23], $0x80, s29, s23, $0xb8;
	[tilespmem:$0x1E800] =	vst v63  }
0x25b: {  	_ =	swait.ge [sflag:s30], $0x4000  }
0x25c: {  	[sflag:s30] =	ssyncset.done $0x0  }
0x25d: {  	[sflag:s30] =	ssyncadd.s32 $0xFFFFC000  }
0x25e: {  	[spmem:s1] =	stream.indirect.scatter.add.f32 [tilespmem:s25], [sflag:$0x4], $0x80, s31, s23, $0xb8;
	[tilespmem:$0x1E800] =	vst v63  }
0x25f: {  	_ =	swait.ge [sflag:s0], $0x4000  }
0x260: {  	[sflag:s0] =	ssyncset.done $0x0  }
0x261: {  	s9 =	simm.s32 $0x180;
	[sflag:s0] =	ssyncadd.s32 $0xFFFFC000  }
0x262: {  	[tilespmem:s25], [sflag:$0x2] =	stream.indirect.gather [hbm4b:s7+s23], $0x80, s9, s23, $0xb8;
	[tilespmem:$0x1E800] =	vst v63  }
0x263: {  	_ =	swait.ge [sflag:s26], $0x4000  }
0x264: {  	[sflag:s26] =	ssyncset.done $0x0  }
0x265: {  	s17 =	simm.s32 $0x1500;
	[sflag:s26] =	ssyncadd.s32 $0xFFFFC000  }
0x266: {  	[spmem:s1] =	stream.indirect.scatter.add.f32 [tilespmem:s24], [sflag:$0x3], $0x80, s17, s23, $0xb8;
	[tilespmem:$0x1E800] =	vst v63  }
0x267: {  	_ =	swait.ge [sflag:s28], $0x4000  }
0x268: {  	[sflag:s28] =	ssyncset.done $0x0  }
0x269: {  	s18 =	simm.s32 $0x200;
	[sflag:s28] =	ssyncadd.s32 $0xFFFFC000  }
0x26a: {  	[tilespmem:s24], [sflag:$0x1] =	stream.indirect.gather [hbm4b:s7+s23], $0x80, s18, s23, $0xb8;
	[tilespmem:$0x1E800] =	vst v63  }
0x26b: {  	_ =	swait.ge [sflag:s30], $0x4000  }
0x26c: {  	[sflag:s30] =	ssyncset.done $0x0  }
0x26d: {  	s17 =	simm.s32 $0xFFFFBC00;
	s18 =	simm.s32 $0x1580;
	[sflag:s30] =	ssyncadd.s32 $0xFFFFC000  }
.LBB2_18:
0x26e: {  	[spmem:s1] =	stream.indirect.scatter.add.f32 [tilespmem:s25], [sflag:$0x4], $0x80, s18, s23, $0xb8;
	[tilespmem:$0x1E800] =	vst v63  }
0x26f: {  	s9 =	smov.u32 s17  }
0x270: {  	p1 =	seq.s32 s17, $0xFFFFFC00;
	s17 =	sadd.s32 $0x400, s17;
	_ =	swait.ge [sflag:s0], $0x4000  }
0x271: {  	s9 =	sshra.s32 s9, $0x2;
	[sflag:s0] =	ssyncset.done $0x0  }
0x272: {  	s18 =	sadd.s32 $0x1380, s9;
	[sflag:s0] =	ssyncadd.s32 $0xFFFFC000  }
0x273: {  	[tilespmem:s25], [sflag:$0x2] =	stream.indirect.gather [hbm4b:s7+s23], $0x80, s18, s23, $0xb8;
	[tilespmem:$0x1E800] =	vst v63  }
0x274: {  	_ =	swait.ge [sflag:s26], $0x4000  }
0x275: {  	[sflag:s26] =	ssyncset.done $0x0  }
0x276: {  	s18 =	sadd.s32 $0x2700, s9;
	[sflag:s26] =	ssyncadd.s32 $0xFFFFC000  }
0x277: {  	[spmem:s1] =	stream.indirect.scatter.add.f32 [tilespmem:s24], [sflag:$0x3], $0x80, s18, s23, $0xb8;
	[tilespmem:$0x1E800] =	vst v63  }
0x278: {  	_ =	swait.ge [sflag:s28], $0x4000  }
0x279: {  	[sflag:s28] =	ssyncset.done $0x0  }
.Ltmp11:
0x27a: {  	s18 =	sadd.s32 $0x1400, s9;
	[sflag:s28] =	ssyncadd.s32 $0xFFFFC000;
	(pc) =	sbr.rel @!p1 .LBB2_18-.Ltmp11, $4  }
0x27b: {  	[tilespmem:s24], [sflag:$0x1] =	stream.indirect.gather [hbm4b:s7+s23], $0x80, s18, s23, $0xb8;
	[tilespmem:$0x1E800] =	vst v63  }
0x27c: {  	_ =	swait.ge [sflag:s30], $0x4000  }
0x27d: {  	[sflag:s30] =	ssyncset.done $0x0  }
0x27e: {  	s18 =	sadd.s32 $0x2780, s9;
	[sflag:s30] =	ssyncadd.s32 $0xFFFFC000  }
.Ltmp12:
0x27f: {  	_ = 	snop;
	(pc) =	sbr.rel .LBB2_19-.Ltmp12, $1  }
0x280: {  	_ =	sdelay $0x3  }
.LBB2_21:
0x281: {  	_ =	sfence.sel $0x180000  }
0x282: {  	[bflag:$0x0] =	sbarrier.arrive $0xFFFF  }
0x283: {  	_ =	strace $0x9000004D  }
0x284: {  	s0 =	stileid.u32;
	[bflag:$0x2] =	sbarrier.arrive $0xFFFF  }
0x285: {  	p0 =	sne.s32 s0, $0x0;
	s0 =	rddreg [dreg:$0x2]  }
0x286: {  	s0 =	sadd.s32 @!p0 $0x100000, s0  }
0x287: {  	[sflag:s0] =	ssyncadd.tile.s32 @!p0 $0x1;
	_ =	shalt  }
.Lfunc_end2:
_tile_overlayer_lowered:
.L_overlay_start_2:
0x288: {  	(tag) =	ssettag $0x2  }
0x289: {  	s0 =	rddreg [dreg:$0x0];
	s2 =	stileid.u32  }
0x28a: {  	s1 =	rddreg [dreg:$0x1];
	p0 =	sne.s32 s2, $0x0  }
0x28b: {  	s3 =	rddreg [dreg:$0x2];
	[bflag:$0x3] =	sbarrier.arrive $0xFFFF;
	s2 =	simm.s32 @!p0 $0x1C05  }
0x28c: {  	[timem:s3], [sflag:s2] =	dma.local @!p0 [hbm:s0], s1  }
0x28d: {  	s0 =	simm.s32 @!p0 $0x5  }
0x28e: {  	_ =	swait.ge @!p0 [sflag:s0], s1  }
0x28f: {  	s1 =	ssub.s32 @!p0 $0x0, s1;
	[sflag:s0] =	ssyncset.done @!p0 $0x0  }
0x290: {  	[sflag:s0] =	ssyncadd.s32 @!p0 s1  }
0x291: {  	[bflag:$0x3] =	sbarrier.arrive $0xFFFF  }
0x292: {  	_ =	shalt  }

// kernel: kernel.8.cloned.1.call-start
scs
__scs_entry_jumppad:
0x0: {  	(pc) =	sbr.rel $0x88, $3  }
0x1: {  	(tag) =	ssettag $0x0;
	lr =	simm.s32 $0x1  }
0x2: {  	[smem:$0x3F95] =	sst lr;
	_ =	strace $0xD0000000  }
0x3: {  	_ = 	snop  }
0x4: {  	_ = 	snop  }
0x5: {  	_ = 	snop  }
0x6: {  	_ = 	snop  }
0x7: {  	_ = 	snop  }
__scs_overlays_trampoline_lowered:
0x8: {  	[smem:$0x3FA4] =	sst s0  }
0x9: {  	[smem:$0x3FA5] =	sst s1  }
0xa: {  	[smem:$0x3FA6] =	sst s2  }
0xb: {  	[smem:$0x3FA7] =	sst s3  }
0xc: {  	[smem:$0x3FA8] =	sst s4  }
0xd: {  	[smem:$0x3FA9] =	sst s5  }
0xe: {  	[smem:$0x3FAA] =	sst s6  }
0xf: {  	[smem:$0x3FAB] =	sst s7  }
0x10: {  	[smem:$0x3FAC] =	sst s8  }
0x11: {  	[smem:$0x3FAD] =	sst s9;
	s0 =	simm.s32 @!p0 $0x0  }
0x12: {  	s1 =	sld [smem:$0x3F93];
	s0 =	simm.s32 @p0 $0x1  }
0x13: {  	[smem:$0x3FAE] =	sst s0;
	s0 =	simm.s32 @!p1 $0x0  }
0x14: {  	s2 =	sld [smem:$0x3F92];
	s0 =	simm.s32 @p1 $0x1  }
0x15: {  	[smem:$0x3FAF] =	sst s0;
	s0 =	simm.s32 @!p2 $0x0  }
0x16: {  	s3 =	sld [smem:$0x3FDB];
	s0 =	simm.s32 @p2 $0x1  }
0x17: {  	s4 =	simm.s32 $0x1BF5;
	[smem:$0x3FB1] =	sst s0  }
0x18: {  	s0 =	sld [smem:$0x3F94];
	_ =	swait.ge [sflag:s4], $0x0  }
0x19: {  	s7 =	sld [smem:$0x3F95]  }
0x1a: {  	s8 =	sadd.s32 $0xFFFFE003, lr  }
0x1b: {  	s9 =	sadd.s32 $0xFFFFFEF7, lr;
	s5 =	simm.s32 $0xFFFFFFFF;
	p2 =	slt.u32 s8, $0xFFFFF086  }
0x1c: {  	p1 =	slt.u32 s9, $0xF7A;
	s5 =	simm.s32 @!p2 $0x0  }
0x1d: {  	s5 =	simm.s32 @p1 $0x1;
	p0 =	seq.s32 s7, s2  }
0x1e: {  	s7 =	smul.u32 @!p0 $0xF7A, s2;
	p2 =	seq.s32 @!p0 s5, $0x0  }
0x1f: {  	s9 =	smul.u32 $0xF7A, s1;
	s8 =	simm.s32 @!p0 $0x1BF5;
	p2 =	por !p2, p0  }
0x20: {  	[sflag:s8] =	ssyncset.s32 @!p0 $0xFFFFF086;
	s6 =	sadd.s32 @!p0 s3, s7;
	s7 =	simm.s32 @!p0 $0x108  }
0x21: {  	s3 =	sadd.s32 s3, s9;
	s6 =	sadd.s32 @!p0 $0x88, s6;
	s7 =	simm.s32 @p2 $0x1082  }
0x22: {  	[simem:s7], [sflag:s8] =	dma.local @!p0 [hbm:s6], $0xF7A  }
0x23: {  	s9 =	sor.u32 $0xD0000000, s2;
	s6 =	simm.s32 $0x108;
	_ =	swait.ge @!p0 [sflag:s8], $0x0  }
0x24: {  	s3 =	sadd.s32 $0x88, s3;
	s6 =	simm.s32 @!p1 $0x1082;
	[sflag:s4] =	ssyncset.s32 $0xFFFFF086  }
0x25: {  	[simem:s6], [sflag:s4] =	dma.local [hbm:s3], $0xF7A  }
0x26: {  	[smem:$0x3F95] =	sst s1;
	(tag) =	ssettag s2;
	_ =	strace s9  }
0x27: {  	s1 =	sld [smem:$0x3FA5]  }
0x28: {  	s2 =	sld [smem:$0x3FA6]  }
0x29: {  	s4 =	sld [smem:$0x3FA8]  }
0x2a: {  	p0 =	seq.s32 s5, $0x0;
	s5 =	sld [smem:$0x3FA9]  }
0x2b: {  	s6 =	sld [smem:$0x3FAA]  }
0x2c: {  	s7 =	sld [smem:$0x3FAB]  }
0x2d: {  	s3 =	simm.s32 $0x108;
	s8 =	sld [smem:$0x3FAC]  }
0x2e: {  	s3 =	simm.s32 @!p0 $0x1082;
	s9 =	sld [smem:$0x3FAD]  }
0x2f: {  	lr =	sadd.s32 s0, s3;
	s0 =	sld [smem:$0x3FA4]  }
0x30: {  	s3 =	sld [smem:$0x3FA7]  }
0x31: {  	[smem:$0x3FB0] =	sst s10  }
0x32: {  	s10 =	sld [smem:$0x3FAE];
	_ =	sdelay $0x3  }
0x33: {  	p0 =	seq.s32 s10, $0x1;
	s10 =	sld [smem:$0x3FB0];
	_ =	sdelay $0x3  }
0x34: {  	[smem:$0x3FB0] =	sst s10  }
0x35: {  	s10 =	sld [smem:$0x3FAF];
	_ =	sdelay $0x3  }
0x36: {  	p1 =	seq.s32 s10, $0x1;
	s10 =	sld [smem:$0x3FB0];
	_ =	sdelay $0x3  }
0x37: {  	[smem:$0x3FB0] =	sst s10  }
0x38: {  	s10 =	sld [smem:$0x3FB1]  }
0x39: {  	_ = 	snop;
	(pc) =	sbr.ind lr, $3  }
0x3a: {  	_ = 	snop  }
0x3b: {  	_ = 	snop  }
0x3c: {  	p2 =	seq.s32 s10, $0x1;
	s10 =	sld [smem:$0x3FB0]  }
0x3d: {  	_ =	shalt  }
0x3e: {  	_ =	shalt  }
0x3f: {  	_ =	shalt  }
0x40: {  	_ =	shalt  }
0x41: {  	_ =	shalt  }
0x42: {  	_ =	shalt  }
0x43: {  	_ =	shalt  }
0x44: {  	_ =	shalt  }
0x45: {  	_ =	shalt  }
0x46: {  	_ =	shalt  }
0x47: {  	_ =	shalt  }
0x48: {  	_ =	shalt  }
0x49: {  	_ =	shalt  }
0x4a: {  	_ =	shalt  }
0x4b: {  	_ =	shalt  }
0x4c: {  	_ =	shalt  }
0x4d: {  	_ =	shalt  }
0x4e: {  	_ =	shalt  }
0x4f: {  	_ =	shalt  }
0x50: {  	_ =	shalt  }
0x51: {  	_ =	shalt  }
0x52: {  	_ =	shalt  }
0x53: {  	_ =	shalt  }
0x54: {  	_ =	shalt  }
0x55: {  	_ =	shalt  }
0x56: {  	_ =	shalt  }
0x57: {  	_ =	shalt  }
0x58: {  	_ =	shalt  }
0x59: {  	_ =	shalt  }
0x5a: {  	_ =	shalt  }
0x5b: {  	_ =	shalt  }
0x5c: {  	_ =	shalt  }
0x5d: {  	_ =	shalt  }
0x5e: {  	_ =	shalt  }
0x5f: {  	_ =	shalt  }
0x60: {  	_ =	shalt  }
0x61: {  	_ =	shalt  }
0x62: {  	_ =	shalt  }
0x63: {  	_ =	shalt  }
0x64: {  	_ =	shalt  }
0x65: {  	_ =	shalt  }
0x66: {  	_ =	shalt  }
0x67: {  	_ =	shalt  }
0x68: {  	_ =	shalt  }
0x69: {  	_ =	shalt  }
0x6a: {  	_ =	shalt  }
0x6b: {  	_ =	shalt  }
0x6c: {  	_ =	shalt  }
0x6d: {  	_ =	shalt  }
0x6e: {  	_ =	shalt  }
0x6f: {  	_ =	shalt  }
0x70: {  	_ =	shalt  }
0x71: {  	_ =	shalt  }
0x72: {  	_ =	shalt  }
0x73: {  	_ =	shalt  }
0x74: {  	_ =	shalt  }
0x75: {  	_ =	shalt  }
0x76: {  	_ =	shalt  }
0x77: {  	_ =	shalt  }
0x78: {  	_ =	shalt  }
0x79: {  	_ =	shalt  }
0x7a: {  	_ =	shalt  }
0x7b: {  	_ =	shalt  }
0x7c: {  	_ =	shalt  }
0x7d: {  	_ =	shalt  }
0x7e: {  	_ =	shalt  }
0x7f: {  	_ =	shalt  }
0x80: {  	_ =	shalt  }
0x81: {  	_ =	shalt  }
0x82: {  	_ =	shalt  }
0x83: {  	_ =	shalt  }
0x84: {  	_ =	shalt  }
0x85: {  	_ =	shalt  }
0x86: {  	_ =	shalt  }
0x87: {  	_ =	shalt  }
.Lfunc_end0:
.L_simem_size_0:
called_computation_lowered:
.L_overlay_start_0:
0x88: {  	s2 =	sld [smem:$0x3FD9]  }
0x89: {  	s3 =	sld [smem:$0x3FFE];
	_ =	sdelay $0x1  }
0x8a: {  	s1 =	srdreg.scid  }
0x8b: {  	s0 =	sand.u32 $0x1, s1  }
0x8c: {  	s16 =	sshll.u32 s0, $0xA;
	s2 =	sadd.s32 s3, s2  }
0x8d: {  	s2 =	sadd.s32 s2, s16  }
0x8e: {  	[smem:$0x3FBC] =	sst s2  }
0x8f: {  	_ = 	snop  }
0x90: {  	(tm) =	ssettm $0x1  }
0x91: {  	s17 =	sld [smem:$0x3FFB];
	_ =	sdelay $0x3  }
0x92: {  	_ =	strace s17  }
0x93: {  	s2 =	sld [smem:$0x3FFC];
	_ =	sdelay $0x3  }
0x94: {  	_ =	strace s2  }
0x95: {  	s2 =	sld [smem:$0x3FFD];
	_ =	sdelay $0x3  }
0x96: {  	_ =	strace s2  }
0x97: {  	_ =	strace $0x8FFFFFFF  }
0x98: {  	s18 =	sld [smem:$0x3FDB];
	_ =	sdelay $0x1  }
0x99: {  	s19 =	simm.s32 $_scs_section_size  }
0x9a: {  	s4 =	simm.s32 $_size__tile_overlayer_lowered;
	s5 =	simm.s32 $_tile_overlayer_lowered  }
0x9b: {  	s22 =	simm.s32 $0x1BFF;
	s21 =	sshll.u32 s5, $0x1;
	s2 =	sadd.s32 s19, s18  }
0x9c: {  	s6 =	simm.s32 $0x0;
	s20 =	sshll.u32 s4, $0x1;
	s4 =	sadd.s32 s21, s2  }
0x9d: {  	[timem:s6], [sflag:s22] =	dma.local [hbm:s4], s20  }
0x9e: {  	_ =	swait.ge [sflag:s22], s20  }
0x9f: {  	s3 =	ssub.s32 $0x0, s20;
	[sflag:s22] =	ssyncset.done $0x0  }
0xa0: {  	[sflag:s22] =	ssyncadd.s32 s3;
	_ =	sdelay $0x1  }
0xa1: {  	s23 =	simm.s32 $0x1B8B  }
0xa2: {  	_ =	swait.ge [sflag:s23], $0x1  }
0xa3: {  	[sflag:s23] =	ssyncset.done $0x0  }
0xa4: {  	s25 =	simm.s32 $0x1B8E;
	s24 =	sld [smem:$0x3FFE];
	[sflag:s23] =	ssyncadd.s32 $0xFFFFFFFF  }
0xa5: {  	s26 =	simm.s32 $execute0_lowered;
	[smem:$0x3FD2] =	sst s25  }
0xa6: {  	s4 =	sshll.u32 s26, $0x1;
	_ =	strace $0x80000046;
	[dreg:$0x1] =	wrdreg $0xFFFFFFFF  }
0xa7: {  	s28 =	simm.s32 $_size_execute0_lowered;
	s2 =	sadd.s32 s2, s4;
	[dreg:$0x0] =	wrdreg $0x0  }
0xa8: {  	s4 =	sshll.u32 s28, $0x1;
	[dreg:$0x2] =	wrdreg s2  }
0xa9: {  	[dreg:$0x3] =	wrdreg s4  }
0xaa: {  	[dreg:$0x4] =	wrdreg $0xC0  }
0xab: {  	_ =	task [dreg:s6], $0x5FFFF  }
0xac: {  	[dreg:$0x1] =	wrdreg $0xFFFFFFFF  }
0xad: {  	[dreg:$0x0] =	wrdreg $0x60  }
0xae: {  	[dreg:$0x2] =	wrdreg s24  }
0xaf: {  	[dreg:$0x3] =	wrdreg $0x9  }
0xb0: {  	_ =	task.clear_ibuf [dreg:s6], $0x4FFFF;
	_ =	strace $0x90000046  }
0xb1: {  	s29 =	simm.s32 $0x9;
	_ =	strace $0x80000048  }
0xb2: {  	_ =	swait.ge [sflag:s29], $0x1  }
0xb3: {  	[sflag:s29] =	ssyncadd.s32 $0xFFFFFFFF  }
0xb4: {  	_ =	strace $0x90000048  }
0xb5: {  	_ =	sfence  }
0xb6: {  	s30 =	sld [smem:$0x0];
	_ =	sdelay $0x2  }
0xb7: {  	s31 =	sshll.u32 s1, $0xD;
	s1 =	sshrl.u32 s1, $0x2  }
0xb8: {  	s3 =	sand.u32 $0x4000, s31;
	s1 =	sadd.s32 s1, s30  }
0xb9: {  	s0 =	sor.u32 s3, s0;
	s1 =	sshll.u32 s1, $0x11  }
0xba: {  	s0 =	sor.u32 s1, s0  }
0xbb: {  	s0 =	sadd.s32 $0x8F2B, s0  }
0xbc: {  	[sflag:s0] =	ssyncadd.remote.s32 $0x1  }
0xbd: {  	_ =	sfence.sel $0xFFFF  }
0xbe: {  	[dreg:$0x0] =	wrdreg $0xFFFFFFFF;
	(pc) =	sbr.abs _section_cstart, $3  }
0xbf: {  	[dreg:$0x1] =	wrdreg $0xFFFFFFFF  }
0xc0: {  	_ =	task.clear_ibuf [dreg:s6], $0x2FFFF;
	_ =	strace $0x9FFFFFFF  }
0xc1: {  	(tm) =	ssettm $0x7FFFFFFF  }
tec
execute0_lowered:
.L_overlay_start_1:
0x0: {  	(tag) =	ssettag $0x1  }
0x1: {  	s0 =	srdreg.scid  }
0x2: {  	s4 =	rddreg [dreg:$0x0];
	s1 =	stileid.u32;
	s2 =	simm.s32 $0x0  }
0x3: {  	s11 =	simm.s32 $0x1400;
	s12 =	simm.s32 $0x2800;
	s3 =	sand.u32 $0x1, s0  }
0x4: {  	s13 =	simm.s32 $0x5000;
	s0 =	rddreg [dreg:$0x1];
	s5 =	sshll.u32 s3, $0x4  }
0x5: {  	s14 =	simm.s32 $0x0;
	[smem:$0x7FF] =	sst s2;
	s5 =	sor.u32 s1, s5  }
0x6: {  	s6 =	sshll.u32 s1, $0x7;
	s8 =	sadd.s32 $0x3600, s4;
	s5 =	sshrl.u32 s5, $0x3  }
0x7: {  	s10 =	sadd.s32 $0xD600, s4;
	s3 =	ssub.s32 $0x2, s3;
	s7 =	smul.u32 $0xA000, s5  }
0x8: {  	s6 =	sand.u32 $0x380, s6;
	s9 =	sshrl.u32 s3, $0x1;
	s5 =	smul.u32 $0x14000, s5  }
0x9: {  	_ =	strace $0x80000047;
	s9 =	ssub.s32 s3, s9;
	s7 =	sor.u32 s6, s7  }
0xa: {  	s5 =	sor.u32 s6, s5;
	s28 =	sshrl.u32 s7, $0x3;
	s29 =	sadd.s32 $0x28000, s7  }
0xb: {  	s6 =	sshrl.u32 s5, $0x3;
	s30 =	sadd.s32 $0x50000, s5;
	s7 =	smax.u32 s9, $0x1  }
0xc: {  	s9 =	simm.s32 $0x400;
	s3 =	sadd.s32 s8, s28;
	s4 =	sshrl.u32 s29, $0x3  }
0xd: {  	s5 =	sadd.s32 s10, s6;
	s31 =	sshrl.u32 s30, $0x3;
	s4 =	sadd.s32 s8, s4  }
0xe: {  	v0 =	vimm.f32 $0.0e+00;
	v1 =	vimm.f32 $1.000000000e+00;
	s6 =	sadd.s32 s10, s31;
	s8 =	simm.s32 $0x80;
	s10 =	simm.s32 $0x1  }
.LBB2_1:
0xf: {  	[tilespmem:s2], [sflag:$0x1] =	stream.strided.gather [hbm4b:s3+s8], $0x1400, s9, s8, $0x38;
	[tilespmem:$0x7800] =	vst v63  }
0x10: {  	_ =	swait.ge [sflag:s10], $0x1400  }
0x11: {  	[sflag:s10] =	ssyncset.done $0x0  }
0x12: {  	[sflag:s10] =	ssyncadd.s32 $0xFFFFEC00  }
0x13: {  	[tilespmem:s11], [sflag:$0x1] =	stream.strided.gather [hbm4b:s4+s8], $0x1400, s9, s8, $0x38;
	[tilespmem:$0x7800] =	vst v63  }
0x14: {  	_ =	swait.ge [sflag:s10], $0x1400  }
0x15: {  	[sflag:s10] =	ssyncset.done $0x0  }
0x16: {  	s15 =	simm.s32 $0x0;
	[sflag:s10] =	ssyncadd.s32 $0xFFFFEC00  }
.LBB2_2:
0x17: {  	p0 =	sne.s32 s15, $0x9FC0  }
.Ltmp0:
0x18: {  	_ = 	snop;
	(pc) =	sbr.rel @p0 .LBB2_2-.Ltmp0, $4  }
0x19: {  	_ = 	snop  }
0x1a: {  	s16 =	sshra.s32 s15, $0x2  }
0x1b: {  	[tilespmem:s16+$0x2800] =	vst v0  }
0x1c: {  	s15 =	sadd.s32 $0x40, s15;
	[tilespmem:s16+$0x5000] =	vst v0  }
0x1d: {  	s16 =	simm.s32 $0x0;
	s15 =	simm.s32 $0x40  }
.LBB2_4:
0x1e: {  	p0 =	sne.s32 s15, $0x4FC0;
	v2 =	vld [tilespmem:s16+$0x0];
	_ =	sdelay $0x7  }
0x1f: {  	[tilespmem:v2+s12+$0x0] =	vst.idx.add.f32.msk $0xffff, v1  }
0x20: {  	v2 =	vld [tilespmem:s16+$0x1400];
	_ =	sdelay $0x3  }
.Ltmp1:
0x21: {  	(pc) =	sbr.rel @p0 .LBB2_4-.Ltmp1, $2  }
0x22: {  	_ =	sdelay $0x2  }
0x23: {  	s16 =	sshra.s32 s15, $0x2;
	s15 =	sadd.s32 $0x40, s15;
	[tilespmem:v2+s13+$0x0] =	vst.idx.add.f32.msk $0xffff, v1  }
0x24: {  	v2 =	vld [tilespmem:s16+$0x0];
	_ =	sdelay $0x7  }
0x25: {  	[tilespmem:v2+s12+$0x0] =	vst.idx.add.f32.msk $0xffff, v1  }
0x26: {  	v2 =	vld [tilespmem:s16+$0x1400];
	_ =	sdelay $0x7  }
0x27: {  	[tilespmem:v2+s13+$0x0] =	vst.idx.add.f32.msk $0xffff, v1  }
0x28: {  	[hbm4b:s5+s8] =	stream.strided.scatter [tilespmem:s12], [sflag:$0x1], $0x2800, s9, s8, $0x38;
	[tilespmem:$0x7800] =	vst v63  }
0x29: {  	s14 =	sadd.s32 $0x1, s14;
	_ =	swait.ge [sflag:s10], $0x2800  }
0x2a: {  	p0 =	sne.s32 s14, s7;
	[sflag:s10] =	ssyncset.done $0x0  }
.Ltmp2:
0x2b: {  	[sflag:s10] =	ssyncadd.s32 $0xFFFFD800;
	(pc) =	sbr.rel @p0 .LBB2_1-.Ltmp2, $4  }
0x2c: {  	[hbm4b:s6+s8] =	stream.strided.scatter [tilespmem:s13], [sflag:$0x1], $0x2800, s9, s8, $0x38;
	[tilespmem:$0x7800] =	vst v63  }
0x2d: {  	_ =	swait.ge [sflag:s10], $0x2800  }
0x2e: {  	[sflag:s10] =	ssyncset.done $0x0  }
0x2f: {  	[sflag:s10] =	ssyncadd.s32 $0xFFFFD800  }
0x30: {  	_ =	sfence.sel $0x180000  }
0x31: {  	[bflag:$0x0] =	sbarrier.arrive $0xFFFF  }
0x32: {  	p0 =	sne.s32 s1, $0x0;
	_ =	strace $0x90000047  }
0x33: {  	s0 =	sadd.s32 @!p0 $0x100000, s0;
	[bflag:$0x2] =	sbarrier.arrive $0xFFFF  }
0x34: {  	[sflag:s0] =	ssyncadd.tile.s32 @!p0 $0x1;
	_ =	shalt  }
.Lfunc_end2:
_tile_overlayer_lowered:
.L_overlay_start_2:
0x35: {  	(tag) =	ssettag $0x2  }
0x36: {  	s0 =	rddreg [dreg:$0x0];
	s2 =	stileid.u32  }
0x37: {  	s1 =	rddreg [dreg:$0x1];
	p0 =	sne.s32 s2, $0x0  }
0x38: {  	s3 =	rddreg [dreg:$0x2];
	[bflag:$0x3] =	sbarrier.arrive $0xFFFF;
	s2 =	simm.s32 @!p0 $0x1C01  }
0x39: {  	[timem:s3], [sflag:s2] =	dma.local @!p0 [hbm:s0], s1  }
0x3a: {  	s0 =	simm.s32 @!p0 $0x1  }
0x3b: {  	_ =	swait.ge @!p0 [sflag:s0], s1  }
0x3c: {  	s1 =	ssub.s32 @!p0 $0x0, s1;
	[sflag:s0] =	ssyncset.done @!p0 $0x0  }
0x3d: {  	[sflag:s0] =	ssyncadd.s32 @!p0 s1  }
0x3e: {  	[bflag:$0x3] =	sbarrier.arrive $0xFFFF  }
0x3f: {  	_ =	shalt  }

</sc_bundles>
